<compile_context>
chip_gen: v7x
topology: tpu7x:2x2x1
jax: 0.10.2.dev20260603
libtpu: 0.0.44.dev20260713+nightly
codegen_flags: <defaults>
</compile_context>

<pallas_src>
import functools

import jax
import jax.numpy as jnp
import numpy as np
from jax import lax
from jax.experimental import pallas as pl
from jax.experimental.pallas import tpu as pltpu
from jax.experimental.pallas import tpu_sc as plsc

_B, _K, _D = 4096, 64, 128
_L = 16
_NC, _NS = 1, 16
_NW = _NC * _NS
_RPW = _B // _NW
_NG = _RPW // _L

_TINY = float(np.finfo(np.float32).tiny)
_NEG1 = float(np.nextafter(np.float32(-1.0), np.float32(0.0), dtype=np.float32))


def _tf2x32(k0, k1, x0, x1):
    ks2 = k0 ^ k1 ^ np.uint32(0x1BD11BDA)
    rot1 = (13, 15, 26, 6)
    rot2 = (17, 29, 16, 24)

    def rounds(x0, x1, rots):
        for r in rots:
            x0 = x0 + x1
            x1 = lax.shift_left(x1, np.uint32(r)) | lax.shift_right_logical(
                x1, np.uint32(32 - r))
            x1 = x0 ^ x1
        return x0, x1

    x0 = x0 + k0
    x1 = x1 + k1
    x0, x1 = rounds(x0, x1, rot1)
    x0 = x0 + k1
    x1 = x1 + (ks2 + np.uint32(1))
    x0, x1 = rounds(x0, x1, rot2)
    x0 = x0 + ks2
    x1 = x1 + (k0 + np.uint32(2))
    x0, x1 = rounds(x0, x1, rot1)
    x0 = x0 + k0
    x1 = x1 + (k1 + np.uint32(3))
    x0, x1 = rounds(x0, x1, rot2)
    x0 = x0 + k1
    x1 = x1 + (ks2 + np.uint32(4))
    x0, x1 = rounds(x0, x1, rot1)
    x0 = x0 + ks2
    x1 = x1 + (k0 + np.uint32(5))
    return x0, x1


def _uniform32(kd, n, minval, maxval):
    lo = lax.iota(jnp.uint32, n)
    hi = jnp.zeros((n,), jnp.uint32)
    b1, b2 = _tf2x32(kd[0], kd[1], hi, lo)
    bits = b1 ^ b2
    fb = lax.shift_right_logical(bits, np.uint32(9)) | np.uint32(0x3F800000)
    f = lax.bitcast_convert_type(fb, jnp.float32) - np.float32(1.0)
    return jnp.maximum(np.float32(minval),
                       f * np.float32(maxval - minval) + np.float32(minval))


def _sc_body(lg_hbm, mu_hbm, sigma_hbm, musel_hbm, sigsel_hbm,
             lg_v, mu_v, sig_v, sem_mu, sem_sig, sem_out):
    wid = lax.axis_index("s") * _NC + lax.axis_index("c")
    base = wid * _RPW

    pltpu.sync_copy(lg_hbm.at[wid], lg_v)

    for i in range(_NG):
        sl = pl.ds(i * _L, _L)
        run = lg_v[0, sl]
        arg = jnp.zeros((_L,), jnp.int32)

        def kstep(k, carry, sl=sl):
            run, arg = carry
            v = lg_v[k, sl]
            m = v > run
            return jnp.where(m, v, run), jnp.where(m, k, arg)

        _, arg = lax.fori_loop(1, _K, kstep, (run, arg), unroll=9)
        rows = base + i * _L + lax.iota(jnp.int32, _L)
        fidx = rows * _K + arg
        pltpu.async_copy(mu_hbm.at[fidx], mu_v.at[sl], sem_mu)
        pltpu.async_copy(sigma_hbm.at[fidx], sig_v.at[sl], sem_sig)

    pltpu.make_async_copy(mu_hbm.at[pl.ds(0, _RPW)], mu_v, sem_mu).wait()
    pltpu.make_async_copy(sigma_hbm.at[pl.ds(0, _RPW)], sig_v, sem_sig).wait()
    cp_o1 = pltpu.async_copy(mu_v, musel_hbm.at[pl.ds(base, _RPW)], sem_out)
    cp_o2 = pltpu.async_copy(sig_v, sigsel_hbm.at[pl.ds(base, _RPW)], sem_out)
    cp_o1.wait()
    cp_o2.wait()


_sc_select = functools.partial(
    pl.kernel,
    mesh=plsc.VectorSubcoreMesh(core_axis_name="c", subcore_axis_name="s", num_cores=1),
    out_type=(jax.ShapeDtypeStruct((_B, _D), jnp.float32),
              jax.ShapeDtypeStruct((_B, _D), jnp.float32)),
    scratch_types=[
        pltpu.VMEM((_K, _RPW), jnp.float32),
        pltpu.VMEM((_RPW, _D), jnp.float32),
        pltpu.VMEM((_RPW, _D), jnp.float32),
        pltpu.SemaphoreType.DMA,
        pltpu.SemaphoreType.DMA,
        pltpu.SemaphoreType.DMA,
    ],
)(_sc_body)


def _fma_body(mu_ref, sig_ref, eps_ref, o_ref):
    o_ref[...] = mu_ref[...] + sig_ref[...] * eps_ref[...]


_fma = pl.pallas_call(
    _fma_body,
    out_shape=jax.ShapeDtypeStruct((_B, _D), jnp.float32),
    grid=(8,),
    in_specs=[pl.BlockSpec((_B // 8, _D), lambda i: (i, 0))] * 3,
    out_specs=pl.BlockSpec((_B // 8, _D), lambda i: (i, 0)),
)


def kernel(pi, mu, sigma):
    key = jax.random.key(42)
    kcat, knorm = jax.random.split(key)
    g = jax.random.gumbel(kcat, (_B, _K), jnp.float32)
    eps = jax.random.normal(knorm, (_B, _D), jnp.float32)
    lg_w = (pi + g).reshape(_NW, _RPW, _K).transpose(0, 2, 1)
    mu_flat = mu.reshape(_B * _K, _D)
    sigma_flat = sigma.reshape(_B * _K, _D)
    mu_sel, sig_sel = _sc_select(lg_w, mu_flat, sigma_flat)
    return _fma(mu_sel, sig_sel, eps)

# --- scband reference (transcript-rebuilt; emitter-appended) ---
"""Pipeline reference for scband-sample-81518479278091 (READ-ONLY COPY).

The authoritative reference and input builder live on the scoring server;
editing this copy changes nothing except your own understanding.
"""

import jax, jax.numpy as jnp
import numpy as np


def setup_inputs(seed: int = 0) -> dict:
    key = jax.random.key(seed)
    k1, k2, k3 = jax.random.split(key, 3)
    B, K, D = 4096, 64, 128
    pi = jax.random.normal(k1, (B, K), dtype=jnp.float32)
    mu = jax.random.normal(k2, (B, K, D), dtype=jnp.float32)
    sigma = jax.random.uniform(k3, (B, K, D), dtype=jnp.float32)
    return {"pi": pi, "mu": mu, "sigma": sigma}


def reference(pi, mu, sigma):
    # torch.multinomial(torch.exp(pi), 1) == sampling a category with
    # probabilities proportional to exp(pi), i.e. categorical with logits pi.
    key = jax.random.key(42)
    kcat, knorm = jax.random.split(key)
    select_idx = jax.random.categorical(kcat, pi, axis=-1)  # [B]
    # mu[arange(B), idx, :] -> take_along_axis over the mixture axis
    mu_selected = jnp.take_along_axis(mu, select_idx[:, None, None], axis=1).squeeze(1)  # [B, D]
    sigma_selected = jnp.take_along_axis(sigma, select_idx[:, None, None], axis=1).squeeze(1)  # [B, D]
    # torch.normal(mean=mu_selected, std=sigma_selected)
    eps = jax.random.normal(knorm, mu_selected.shape, dtype=mu_selected.dtype)
    samples = mu_selected + sigma_selected * eps
    return samples

if __name__ == "__main__":
    import jax
    _d = setup_inputs()
    print(jax.jit(kernel)(*tuple(_d.values())))

</pallas_src>

<mosaic_0001>
#map = affine_map<(d0, d1) -> (0, 0, 0)>
#map1 = affine_map<(d0, d1) -> (0, 0)>
module attributes {stable_mosaic.version = 14 : i64} {
  func.func @_sc_body(%arg0: i32, %arg1: i32, %arg2: memref<16x64x256xf32, #tpu.memory_space<hbm>>, %arg3: memref<262144x128xf32, #tpu.memory_space<hbm>>, %arg4: memref<262144x128xf32, #tpu.memory_space<hbm>>, %arg5: memref<4096x128xf32, #tpu.memory_space<hbm>>, %arg6: memref<4096x128xf32, #tpu.memory_space<hbm>>, %arg7: memref<64x256xf32, #tpu.memory_space<vmem>>, %arg8: memref<256x128xf32, #tpu.memory_space<vmem>>, %arg9: memref<256x128xf32, #tpu.memory_space<vmem>>, %arg10: memref<!tpu.dma_semaphore, #tpu.memory_space<semaphore_mem>>, %arg11: memref<!tpu.dma_semaphore, #tpu.memory_space<semaphore_mem>>, %arg12: memref<!tpu.dma_semaphore, #tpu.memory_space<semaphore_mem>>) attributes {dimension_semantics = [#tpu.dimension_semantics<core_parallel>, #tpu.dimension_semantics<subcore_parallel>], iteration_bounds = array<i64: 1, 16>, scalar_prefetch = 0 : i64, scratch_operands = 6 : i64, tpu.core_type = #tpu.core_type<sc_vector_subcore>, window_params = [{transform_indices = #map}, {transform_indices = #map1}, {transform_indices = #map1}, {transform_indices = #map1}, {transform_indices = #map1}]} {
    %mul3A = arith.constant 1 : i32
    %mul3A_0 = arith.muli %arg1, %mul3A : i32
    %add3A = arith.addi %mul3A_0, %arg0 : i32
    %mul3A_1 = arith.constant 256 : i32
    %mul3A_2 = arith.muli %add3A, %mul3A_1 : i32
    "tpu.region"() ({
      %run_scoped3A = tpu.sem_alloc : memref<!tpu.dma_semaphore, #tpu.memory_space<semaphore_mem>>
      %dma_start3A_569 = arith.constant 0 : i32
      %dma_start3A_570 = arith.constant 0 : i32
      %dma_start3A_571 = tpu.memref_slice %arg2[%add3A, %dma_start3A_569, %dma_start3A_570] : memref<16x64x256xf32, #tpu.memory_space<hbm>> -> memref<1x64x256xf32, #tpu.memory_space<hbm>>
      %dma_start3A_572 = tpu.memref_squeeze %dma_start3A_571 : memref<1x64x256xf32, #tpu.memory_space<hbm>> -> memref<64x256xf32, #tpu.memory_space<hbm>>
      %dma_start3A_573 = arith.constant 0 : i32
      %dma_start3A_574 = arith.constant 0 : i32
      %dma_start3A_575 = tpu.memref_slice %arg2[%add3A, %dma_start3A_573, %dma_start3A_574] : memref<16x64x256xf32, #tpu.memory_space<hbm>> -> memref<1x64x256xf32, #tpu.memory_space<hbm>>
      %dma_start3A_576 = tpu.memref_squeeze %dma_start3A_575 : memref<1x64x256xf32, #tpu.memory_space<hbm>> -> memref<64x256xf32, #tpu.memory_space<hbm>>
      tpu.enqueue_dma source(%dma_start3A_576 : memref<64x256xf32, #tpu.memory_space<hbm>>) target(%arg7 : memref<64x256xf32, #tpu.memory_space<vmem>>) target_semaphore(%run_scoped3A : memref<!tpu.dma_semaphore, #tpu.memory_space<semaphore_mem>>)
      %dma_wait3A_577 = arith.constant 0 : i32
      %dma_wait3A_578 = arith.constant 0 : i32
      %dma_wait3A_579 = tpu.memref_slice %arg2[%add3A, %dma_wait3A_577, %dma_wait3A_578] : memref<16x64x256xf32, #tpu.memory_space<hbm>> -> memref<1x64x256xf32, #tpu.memory_space<hbm>>
      %dma_wait3A_580 = tpu.memref_squeeze %dma_wait3A_579 : memref<1x64x256xf32, #tpu.memory_space<hbm>> -> memref<64x256xf32, #tpu.memory_space<hbm>>
      %dma_wait3A_581 = arith.constant 0 : i32
      %dma_wait3A_582 = arith.constant 0 : i32
      %dma_wait3A_583 = tpu.memref_slice %arg2[%add3A, %dma_wait3A_581, %dma_wait3A_582] : memref<16x64x256xf32, #tpu.memory_space<hbm>> -> memref<1x64x256xf32, #tpu.memory_space<hbm>>
      %dma_wait3A_584 = tpu.memref_squeeze %dma_wait3A_583 : memref<1x64x256xf32, #tpu.memory_space<hbm>> -> memref<64x256xf32, #tpu.memory_space<hbm>>
      tpu.wait_dma2 semaphore(%run_scoped3A : memref<!tpu.dma_semaphore, #tpu.memory_space<semaphore_mem>>) src(%dma_wait3A_584 : memref<64x256xf32, #tpu.memory_space<hbm>>) dst(%arg7 : memref<64x256xf32, #tpu.memory_space<vmem>>)
      tpu.yield
    }) : () -> ()
    %get3A = arith.constant 0 : i32
    %get3A_3 = arith.index_cast %get3A : i32 to index
    %get3A_4 = arith.constant 0 : index
    %get3A_5 = tpu.vector_load %arg7[%get3A_3, %get3A_4] {strides = array<i32>} : memref<64x256xf32, #tpu.memory_space<vmem>>, vector<1x16xf32>,
    %get3A_6 = vector.shape_cast %get3A_5 : vector<1x16xf32> to vector<16xf32>
    %broadcast_in_dim3A = arith.constant 0 : i32
    %broadcast_in_dim3A_7 = vector.broadcast %broadcast_in_dim3A : i32 to vector<16xi32>
    %scan3A = arith.constant 1 : i32
    %scan3A_8 = arith.constant 63 : i32
    %scan3A_9 = arith.addi %scan3A, %scan3A_8 : i32
    %scan3A_10 = arith.constant 9 : i32
    %scan3A_11:2 = scf.for %scan3A_569 = %scan3A to %scan3A_9 step %scan3A_10 iter_args(%scan3A_570 = %get3A_6, %scan3A_571 = %broadcast_in_dim3A_7) -> (vector<16xf32>, vector<16xi32>)  : i32 {
      %get3A_572 = arith.index_cast %scan3A_569 : i32 to index
      %get3A_573 = arith.constant 0 : index
      %get3A_574 = tpu.vector_load %arg7[%get3A_572, %get3A_573] {strides = array<i32>} : memref<64x256xf32, #tpu.memory_space<vmem>>, vector<1x16xf32>,
      %get3A_575 = vector.shape_cast %get3A_574 : vector<1x16xf32> to vector<16xf32>
      %gt3A = arith.cmpf ogt, %get3A_575, %scan3A_570 : vector<16xf32>
      %select_n3A = arith.select %gt3A, %get3A_575, %scan3A_570 : vector<16xi1>, vector<16xf32>
      %broadcast_in_dim3A_576 = vector.broadcast %scan3A_569 : i32 to vector<16xi32>
      %select_n3A_577 = arith.select %gt3A, %broadcast_in_dim3A_576, %scan3A_571 : vector<16xi1>, vector<16xi32>
      %scan3A_578 = arith.constant 1 : i32
      %scan3A_579 = arith.addi %scan3A_569, %scan3A_578 : i32
      %get3A_580 = arith.index_cast %scan3A_579 : i32 to index
      %get3A_581 = arith.constant 0 : index
      %get3A_582 = tpu.vector_load %arg7[%get3A_580, %get3A_581] {strides = array<i32>} : memref<64x256xf32, #tpu.memory_space<vmem>>, vector<1x16xf32>,
      %get3A_583 = vector.shape_cast %get3A_582 : vector<1x16xf32> to vector<16xf32>
      %gt3A_584 = arith.cmpf ogt, %get3A_583, %select_n3A : vector<16xf32>
      %select_n3A_585 = arith.select %gt3A_584, %get3A_583, %select_n3A : vector<16xi1>, vector<16xf32>
      %broadcast_in_dim3A_586 = vector.broadcast %scan3A_579 : i32 to vector<16xi32>
      %select_n3A_587 = arith.select %gt3A_584, %broadcast_in_dim3A_586, %select_n3A_577 : vector<16xi1>, vector<16xi32>
      %scan3A_588 = arith.constant 2 : i32
      %scan3A_589 = arith.addi %scan3A_569, %scan3A_588 : i32
      %get3A_590 = arith.index_cast %scan3A_589 : i32 to index
      %get3A_591 = arith.constant 0 : index
      %get3A_592 = tpu.vector_load %arg7[%get3A_590, %get3A_591] {strides = array<i32>} : memref<64x256xf32, #tpu.memory_space<vmem>>, vector<1x16xf32>,
      %get3A_593 = vector.shape_cast %get3A_592 : vector<1x16xf32> to vector<16xf32>
      %gt3A_594 = arith.cmpf ogt, %get3A_593, %select_n3A_585 : vector<16xf32>
      %select_n3A_595 = arith.select %gt3A_594, %get3A_593, %select_n3A_585 : vector<16xi1>, vector<16xf32>
      %broadcast_in_dim3A_596 = vector.broadcast %scan3A_589 : i32 to vector<16xi32>
      %select_n3A_597 = arith.select %gt3A_594, %broadcast_in_dim3A_596, %select_n3A_587 : vector<16xi1>, vector<16xi32>
      %scan3A_598 = arith.constant 3 : i32
      %scan3A_599 = arith.addi %scan3A_569, %scan3A_598 : i32
      %get3A_600 = arith.index_cast %scan3A_599 : i32 to index
      %get3A_601 = arith.constant 0 : index
      %get3A_602 = tpu.vector_load %arg7[%get3A_600, %get3A_601] {strides = array<i32>} : memref<64x256xf32, #tpu.memory_space<vmem>>, vector<1x16xf32>,
      %get3A_603 = vector.shape_cast %get3A_602 : vector<1x16xf32> to vector<16xf32>
      %gt3A_604 = arith.cmpf ogt, %get3A_603, %select_n3A_595 : vector<16xf32>
      %select_n3A_605 = arith.select %gt3A_604, %get3A_603, %select_n3A_595 : vector<16xi1>, vector<16xf32>
      %broadcast_in_dim3A_606 = vector.broadcast %scan3A_599 : i32 to vector<16xi32>
      %select_n3A_607 = arith.select %gt3A_604, %broadcast_in_dim3A_606, %select_n3A_597 : vector<16xi1>, vector<16xi32>
      %scan3A_608 = arith.constant 4 : i32
      %scan3A_609 = arith.addi %scan3A_569, %scan3A_608 : i32
      %get3A_610 = arith.index_cast %scan3A_609 : i32 to index
      %get3A_611 = arith.constant 0 : index
      %get3A_612 = tpu.vector_load %arg7[%get3A_610, %get3A_611] {strides = array<i32>} : memref<64x256xf32, #tpu.memory_space<vmem>>, vector<1x16xf32>,
      %get3A_613 = vector.shape_cast %get3A_612 : vector<1x16xf32> to vector<16xf32>
      %gt3A_614 = arith.cmpf ogt, %get3A_613, %select_n3A_605 : vector<16xf32>
      %select_n3A_615 = arith.select %gt3A_614, %get3A_613, %select_n3A_605 : vector<16xi1>, vector<16xf32>
      %broadcast_in_dim3A_616 = vector.broadcast %scan3A_609 : i32 to vector<16xi32>
      %select_n3A_617 = arith.select %gt3A_614, %broadcast_in_dim3A_616, %select_n3A_607 : vector<16xi1>, vector<16xi32>
      %scan3A_618 = arith.constant 5 : i32
      %scan3A_619 = arith.addi %scan3A_569, %scan3A_618 : i32
      %get3A_620 = arith.index_cast %scan3A_619 : i32 to index
      %get3A_621 = arith.constant 0 : index
      %get3A_622 = tpu.vector_load %arg7[%get3A_620, %get3A_621] {strides = array<i32>} : memref<64x256xf32, #tpu.memory_space<vmem>>, vector<1x16xf32>,
      %get3A_623 = vector.shape_cast %get3A_622 : vector<1x16xf32> to vector<16xf32>
      %gt3A_624 = arith.cmpf ogt, %get3A_623, %select_n3A_615 : vector<16xf32>
      %select_n3A_625 = arith.select %gt3A_624, %get3A_623, %select_n3A_615 : vector<16xi1>, vector<16xf32>
      %broadcast_in_dim3A_626 = vector.broadcast %scan3A_619 : i32 to vector<16xi32>
      %select_n3A_627 = arith.select %gt3A_624, %broadcast_in_dim3A_626, %select_n3A_617 : vector<16xi1>, vector<16xi32>
      %scan3A_628 = arith.constant 6 : i32
      %scan3A_629 = arith.addi %scan3A_569, %scan3A_628 : i32
      %get3A_630 = arith.index_cast %scan3A_629 : i32 to index
      %get3A_631 = arith.constant 0 : index
      %get3A_632 = tpu.vector_load %arg7[%get3A_630, %get3A_631] {strides = array<i32>} : memref<64x256xf32, #tpu.memory_space<vmem>>, vector<1x16xf32>,
      %get3A_633 = vector.shape_cast %get3A_632 : vector<1x16xf32> to vector<16xf32>
      %gt3A_634 = arith.cmpf ogt, %get3A_633, %select_n3A_625 : vector<16xf32>
      %select_n3A_635 = arith.select %gt3A_634, %get3A_633, %select_n3A_625 : vector<16xi1>, vector<16xf32>
      %broadcast_in_dim3A_636 = vector.broadcast %scan3A_629 : i32 to vector<16xi32>
      %select_n3A_637 = arith.select %gt3A_634, %broadcast_in_dim3A_636, %select_n3A_627 : vector<16xi1>, vector<16xi32>
      %scan3A_638 = arith.constant 7 : i32
      %scan3A_639 = arith.addi %scan3A_569, %scan3A_638 : i32
      %get3A_640 = arith.index_cast %scan3A_639 : i32 to index
      %get3A_641 = arith.constant 0 : index
      %get3A_642 = tpu.vector_load %arg7[%get3A_640, %get3A_641] {strides = array<i32>} : memref<64x256xf32, #tpu.memory_space<vmem>>, vector<1x16xf32>,
      %get3A_643 = vector.shape_cast %get3A_642 : vector<1x16xf32> to vector<16xf32>
      %gt3A_644 = arith.cmpf ogt, %get3A_643, %select_n3A_635 : vector<16xf32>
      %select_n3A_645 = arith.select %gt3A_644, %get3A_643, %select_n3A_635 : vector<16xi1>, vector<16xf32>
      %broadcast_in_dim3A_646 = vector.broadcast %scan3A_639 : i32 to vector<16xi32>
      %select_n3A_647 = arith.select %gt3A_644, %broadcast_in_dim3A_646, %select_n3A_637 : vector<16xi1>, vector<16xi32>
      %scan3A_648 = arith.constant 8 : i32
      %scan3A_649 = arith.addi %scan3A_569, %scan3A_648 : i32
      %get3A_650 = arith.index_cast %scan3A_649 : i32 to index
      %get3A_651 = arith.constant 0 : index
      %get3A_652 = tpu.vector_load %arg7[%get3A_650, %get3A_651] {strides = array<i32>} : memref<64x256xf32, #tpu.memory_space<vmem>>, vector<1x16xf32>,
      %get3A_653 = vector.shape_cast %get3A_652 : vector<1x16xf32> to vector<16xf32>
      %gt3A_654 = arith.cmpf ogt, %get3A_653, %select_n3A_645 : vector<16xf32>
      %select_n3A_655 = arith.select %gt3A_654, %get3A_653, %select_n3A_645 : vector<16xi1>, vector<16xf32>
      %broadcast_in_dim3A_656 = vector.broadcast %scan3A_649 : i32 to vector<16xi32>
      %select_n3A_657 = arith.select %gt3A_654, %broadcast_in_dim3A_656, %select_n3A_647 : vector<16xi1>, vector<16xi32>
      scf.yield %select_n3A_655, %select_n3A_657 : vector<16xf32>, vector<16xi32>
    }
    %scan3A_12 = arith.constant 63 : i32
    %add3A_13 = arith.constant 0 : i32
    %add3A_14 = arith.addi %mul3A_2, %add3A_13 : i32
    %iota3A = tpu.iota {dimensions = array<i32: 0>} : vector<16xi32>
    %add3A_15 = vector.broadcast %add3A_14 : i32 to vector<16xi32>
    %add3A_16 = arith.addi %add3A_15, %iota3A : vector<16xi32>
    %mul3A_17 = arith.constant 64 : i32
    %mul3A_18 = vector.broadcast %mul3A_17 : i32 to vector<16xi32>
    %mul3A_19 = arith.muli %add3A_16, %mul3A_18 : vector<16xi32>
    %add3A_20 = arith.addi %mul3A_19, %scan3A_11#1 : vector<16xi32>
    %dma_start3A = arith.constant 0 : i32
    %dma_start3A_21 = arith.constant 0 : i32
    %dma_start3A_22 = tpu.memref_slice %arg8[%dma_start3A, %dma_start3A_21] : memref<256x128xf32, #tpu.memory_space<vmem>> -> memref<16x128xf32, #tpu.memory_space<vmem>>
    %dma_start3A_23 = arith.constant 0 : i32
    %dma_start3A_24 = arith.constant 0 : i32
    %dma_start3A_25 = tpu.memref_slice %arg3[%dma_start3A_23, %dma_start3A_24] : memref<262144x128xf32, #tpu.memory_space<hbm>> -> memref<262144x128xf32, #tpu.memory_space<hbm>>
    tpu.enqueue_indirect_dma source(%dma_start3A_25 : memref<262144x128xf32, #tpu.memory_space<hbm>>) target(%dma_start3A_22 : memref<16x128xf32, #tpu.memory_space<vmem>>) offsets(%add3A_20 : vector<16xi32>) semaphore(%arg10 : memref<!tpu.dma_semaphore, #tpu.memory_space<semaphore_mem>>)
    %dma_start3A_26 = arith.constant 0 : i32
    %dma_start3A_27 = arith.constant 0 : i32
    %dma_start3A_28 = tpu.memref_slice %arg9[%dma_start3A_26, %dma_start3A_27] : memref<256x128xf32, #tpu.memory_space<vmem>> -> memref<16x128xf32, #tpu.memory_space<vmem>>
    %dma_start3A_29 = arith.constant 0 : i32
    %dma_start3A_30 = arith.constant 0 : i32
    %dma_start3A_31 = tpu.memref_slice %arg4[%dma_start3A_29, %dma_start3A_30] : memref<262144x128xf32, #tpu.memory_space<hbm>> -> memref<262144x128xf32, #tpu.memory_space<hbm>>
    tpu.enqueue_indirect_dma source(%dma_start3A_31 : memref<262144x128xf32, #tpu.memory_space<hbm>>) target(%dma_start3A_28 : memref<16x128xf32, #tpu.memory_space<vmem>>) offsets(%add3A_20 : vector<16xi32>) semaphore(%arg11 : memref<!tpu.dma_semaphore, #tpu.memory_space<semaphore_mem>>)
    %get3A_32 = arith.constant 0 : i32
    %get3A_33 = arith.index_cast %get3A_32 : i32 to index
    %get3A_34 = arith.constant 16 : index
    %get3A_35 = tpu.vector_load %arg7[%get3A_33, %get3A_34] {strides = array<i32>} : memref<64x256xf32, #tpu.memory_space<vmem>>, vector<1x16xf32>,
    %get3A_36 = vector.shape_cast %get3A_35 : vector<1x16xf32> to vector<16xf32>
    %broadcast_in_dim3A_37 = arith.constant 0 : i32
    %broadcast_in_dim3A_38 = vector.broadcast %broadcast_in_dim3A_37 : i32 to vector<16xi32>
    %scan3A_39 = arith.constant 1 : i32
    %scan3A_40 = arith.constant 63 : i32
    %scan3A_41 = arith.addi %scan3A_39, %scan3A_40 : i32
    %scan3A_42 = arith.constant 9 : i32
    %scan3A_43:2 = scf.for %scan3A_569 = %scan3A_39 to %scan3A_41 step %scan3A_42 iter_args(%scan3A_570 = %get3A_36, %scan3A_571 = %broadcast_in_dim3A_38) -> (vector<16xf32>, vector<16xi32>)  : i32 {
      %get3A_572 = arith.index_cast %scan3A_569 : i32 to index
      %get3A_573 = arith.constant 16 : index
      %get3A_574 = tpu.vector_load %arg7[%get3A_572, %get3A_573] {strides = array<i32>} : memref<64x256xf32, #tpu.memory_space<vmem>>, vector<1x16xf32>,
      %get3A_575 = vector.shape_cast %get3A_574 : vector<1x16xf32> to vector<16xf32>
      %gt3A = arith.cmpf ogt, %get3A_575, %scan3A_570 : vector<16xf32>
      %select_n3A = arith.select %gt3A, %get3A_575, %scan3A_570 : vector<16xi1>, vector<16xf32>
      %broadcast_in_dim3A_576 = vector.broadcast %scan3A_569 : i32 to vector<16xi32>
      %select_n3A_577 = arith.select %gt3A, %broadcast_in_dim3A_576, %scan3A_571 : vector<16xi1>, vector<16xi32>
      %scan3A_578 = arith.constant 1 : i32
      %scan3A_579 = arith.addi %scan3A_569, %scan3A_578 : i32
      %get3A_580 = arith.index_cast %scan3A_579 : i32 to index
      %get3A_581 = arith.constant 16 : index
      %get3A_582 = tpu.vector_load %arg7[%get3A_580, %get3A_581] {strides = array<i32>} : memref<64x256xf32, #tpu.memory_space<vmem>>, vector<1x16xf32>,
      %get3A_583 = vector.shape_cast %get3A_582 : vector<1x16xf32> to vector<16xf32>
      %gt3A_584 = arith.cmpf ogt, %get3A_583, %select_n3A : vector<16xf32>
      %select_n3A_585 = arith.select %gt3A_584, %get3A_583, %select_n3A : vector<16xi1>, vector<16xf32>
      %broadcast_in_dim3A_586 = vector.broadcast %scan3A_579 : i32 to vector<16xi32>
      %select_n3A_587 = arith.select %gt3A_584, %broadcast_in_dim3A_586, %select_n3A_577 : vector<16xi1>, vector<16xi32>
      %scan3A_588 = arith.constant 2 : i32
      %scan3A_589 = arith.addi %scan3A_569, %scan3A_588 : i32
      %get3A_590 = arith.index_cast %scan3A_589 : i32 to index
      %get3A_591 = arith.constant 16 : index
      %get3A_592 = tpu.vector_load %arg7[%get3A_590, %get3A_591] {strides = array<i32>} : memref<64x256xf32, #tpu.memory_space<vmem>>, vector<1x16xf32>,
      %get3A_593 = vector.shape_cast %get3A_592 : vector<1x16xf32> to vector<16xf32>
      %gt3A_594 = arith.cmpf ogt, %get3A_593, %select_n3A_585 : vector<16xf32>
      %select_n3A_595 = arith.select %gt3A_594, %get3A_593, %select_n3A_585 : vector<16xi1>, vector<16xf32>
      %broadcast_in_dim3A_596 = vector.broadcast %scan3A_589 : i32 to vector<16xi32>
      %select_n3A_597 = arith.select %gt3A_594, %broadcast_in_dim3A_596, %select_n3A_587 : vector<16xi1>, vector<16xi32>
      %scan3A_598 = arith.constant 3 : i32
      %scan3A_599 = arith.addi %scan3A_569, %scan3A_598 : i32
      %get3A_600 = arith.index_cast %scan3A_599 : i32 to index
      %get3A_601 = arith.constant 16 : index
      %get3A_602 = tpu.vector_load %arg7[%get3A_600, %get3A_601] {strides = array<i32>} : memref<64x256xf32, #tpu.memory_space<vmem>>, vector<1x16xf32>,
      %get3A_603 = vector.shape_cast %get3A_602 : vector<1x16xf32> to vector<16xf32>
      %gt3A_604 = arith.cmpf ogt, %get3A_603, %select_n3A_595 : vector<16xf32>
      %select_n3A_605 = arith.select %gt3A_604, %get3A_603, %select_n3A_595 : vector<16xi1>, vector<16xf32>
      %broadcast_in_dim3A_606 = vector.broadcast %scan3A_599 : i32 to vector<16xi32>
      %select_n3A_607 = arith.select %gt3A_604, %broadcast_in_dim3A_606, %select_n3A_597 : vector<16xi1>, vector<16xi32>
      %scan3A_608 = arith.constant 4 : i32
      %scan3A_609 = arith.addi %scan3A_569, %scan3A_608 : i32
      %get3A_610 = arith.index_cast %scan3A_609 : i32 to index
      %get3A_611 = arith.constant 16 : index
      %get3A_612 = tpu.vector_load %arg7[%get3A_610, %get3A_611] {strides = array<i32>} : memref<64x256xf32, #tpu.memory_space<vmem>>, vector<1x16xf32>,
      %get3A_613 = vector.shape_cast %get3A_612 : vector<1x16xf32> to vector<16xf32>
      %gt3A_614 = arith.cmpf ogt, %get3A_613, %select_n3A_605 : vector<16xf32>
      %select_n3A_615 = arith.select %gt3A_614, %get3A_613, %select_n3A_605 : vector<16xi1>, vector<16xf32>
      %broadcast_in_dim3A_616 = vector.broadcast %scan3A_609 : i32 to vector<16xi32>
      %select_n3A_617 = arith.select %gt3A_614, %broadcast_in_dim3A_616, %select_n3A_607 : vector<16xi1>, vector<16xi32>
      %scan3A_618 = arith.constant 5 : i32
      %scan3A_619 = arith.addi %scan3A_569, %scan3A_618 : i32
      %get3A_620 = arith.index_cast %scan3A_619 : i32 to index
      %get3A_621 = arith.constant 16 : index
      %get3A_622 = tpu.vector_load %arg7[%get3A_620, %get3A_621] {strides = array<i32>} : memref<64x256xf32, #tpu.memory_space<vmem>>, vector<1x16xf32>,
      %get3A_623 = vector.shape_cast %get3A_622 : vector<1x16xf32> to vector<16xf32>
      %gt3A_624 = arith.cmpf ogt, %get3A_623, %select_n3A_615 : vector<16xf32>
      %select_n3A_625 = arith.select %gt3A_624, %get3A_623, %select_n3A_615 : vector<16xi1>, vector<16xf32>
      %broadcast_in_dim3A_626 = vector.broadcast %scan3A_619 : i32 to vector<16xi32>
      %select_n3A_627 = arith.select %gt3A_624, %broadcast_in_dim3A_626, %select_n3A_617 : vector<16xi1>, vector<16xi32>
      %scan3A_628 = arith.constant 6 : i32
      %scan3A_629 = arith.addi %scan3A_569, %scan3A_628 : i32
      %get3A_630 = arith.index_cast %scan3A_629 : i32 to index
      %get3A_631 = arith.constant 16 : index
      %get3A_632 = tpu.vector_load %arg7[%get3A_630, %get3A_631] {strides = array<i32>} : memref<64x256xf32, #tpu.memory_space<vmem>>, vector<1x16xf32>,
      %get3A_633 = vector.shape_cast %get3A_632 : vector<1x16xf32> to vector<16xf32>
      %gt3A_634 = arith.cmpf ogt, %get3A_633, %select_n3A_625 : vector<16xf32>
      %select_n3A_635 = arith.select %gt3A_634, %get3A_633, %select_n3A_625 : vector<16xi1>, vector<16xf32>
      %broadcast_in_dim3A_636 = vector.broadcast %scan3A_629 : i32 to vector<16xi32>
      %select_n3A_637 = arith.select %gt3A_634, %broadcast_in_dim3A_636, %select_n3A_627 : vector<16xi1>, vector<16xi32>
      %scan3A_638 = arith.constant 7 : i32
      %scan3A_639 = arith.addi %scan3A_569, %scan3A_638 : i32
      %get3A_640 = arith.index_cast %scan3A_639 : i32 to index
      %get3A_641 = arith.constant 16 : index
      %get3A_642 = tpu.vector_load %arg7[%get3A_640, %get3A_641] {strides = array<i32>} : memref<64x256xf32, #tpu.memory_space<vmem>>, vector<1x16xf32>,
      %get3A_643 = vector.shape_cast %get3A_642 : vector<1x16xf32> to vector<16xf32>
      %gt3A_644 = arith.cmpf ogt, %get3A_643, %select_n3A_635 : vector<16xf32>
      %select_n3A_645 = arith.select %gt3A_644, %get3A_643, %select_n3A_635 : vector<16xi1>, vector<16xf32>
      %broadcast_in_dim3A_646 = vector.broadcast %scan3A_639 : i32 to vector<16xi32>
      %select_n3A_647 = arith.select %gt3A_644, %broadcast_in_dim3A_646, %select_n3A_637 : vector<16xi1>, vector<16xi32>
      %scan3A_648 = arith.constant 8 : i32
      %scan3A_649 = arith.addi %scan3A_569, %scan3A_648 : i32
      %get3A_650 = arith.index_cast %scan3A_649 : i32 to index
      %get3A_651 = arith.constant 16 : index
      %get3A_652 = tpu.vector_load %arg7[%get3A_650, %get3A_651] {strides = array<i32>} : memref<64x256xf32, #tpu.memory_space<vmem>>, vector<1x16xf32>,
      %get3A_653 = vector.shape_cast %get3A_652 : vector<1x16xf32> to vector<16xf32>
      %gt3A_654 = arith.cmpf ogt, %get3A_653, %select_n3A_645 : vector<16xf32>
      %select_n3A_655 = arith.select %gt3A_654, %get3A_653, %select_n3A_645 : vector<16xi1>, vector<16xf32>
      %broadcast_in_dim3A_656 = vector.broadcast %scan3A_649 : i32 to vector<16xi32>
      %select_n3A_657 = arith.select %gt3A_654, %broadcast_in_dim3A_656, %select_n3A_647 : vector<16xi1>, vector<16xi32>
      scf.yield %select_n3A_655, %select_n3A_657 : vector<16xf32>, vector<16xi32>
    }
    %scan3A_44 = arith.constant 63 : i32
    %add3A_45 = arith.constant 16 : i32
    %add3A_46 = arith.addi %mul3A_2, %add3A_45 : i32
    %iota3A_47 = tpu.iota {dimensions = array<i32: 0>} : vector<16xi32>
    %add3A_48 = vector.broadcast %add3A_46 : i32 to vector<16xi32>
    %add3A_49 = arith.addi %add3A_48, %iota3A_47 : vector<16xi32>
    %mul3A_50 = arith.constant 64 : i32
    %mul3A_51 = vector.broadcast %mul3A_50 : i32 to vector<16xi32>
    %mul3A_52 = arith.muli %add3A_49, %mul3A_51 : vector<16xi32>
    %add3A_53 = arith.addi %mul3A_52, %scan3A_43#1 : vector<16xi32>
    %dma_start3A_54 = arith.constant 16 : i32
    %dma_start3A_55 = arith.constant 0 : i32
    %dma_start3A_56 = tpu.memref_slice %arg8[%dma_start3A_54, %dma_start3A_55] : memref<256x128xf32, #tpu.memory_space<vmem>> -> memref<16x128xf32, #tpu.memory_space<vmem>>
    %dma_start3A_57 = arith.constant 0 : i32
    %dma_start3A_58 = arith.constant 0 : i32
    %dma_start3A_59 = tpu.memref_slice %arg3[%dma_start3A_57, %dma_start3A_58] : memref<262144x128xf32, #tpu.memory_space<hbm>> -> memref<262144x128xf32, #tpu.memory_space<hbm>>
    tpu.enqueue_indirect_dma source(%dma_start3A_59 : memref<262144x128xf32, #tpu.memory_space<hbm>>) target(%dma_start3A_56 : memref<16x128xf32, #tpu.memory_space<vmem>>) offsets(%add3A_53 : vector<16xi32>) semaphore(%arg10 : memref<!tpu.dma_semaphore, #tpu.memory_space<semaphore_mem>>)
    %dma_start3A_60 = arith.constant 16 : i32
    %dma_start3A_61 = arith.constant 0 : i32
    %dma_start3A_62 = tpu.memref_slice %arg9[%dma_start3A_60, %dma_start3A_61] : memref<256x128xf32, #tpu.memory_space<vmem>> -> memref<16x128xf32, #tpu.memory_space<vmem>>
    %dma_start3A_63 = arith.constant 0 : i32
    %dma_start3A_64 = arith.constant 0 : i32
    %dma_start3A_65 = tpu.memref_slice %arg4[%dma_start3A_63, %dma_start3A_64] : memref<262144x128xf32, #tpu.memory_space<hbm>> -> memref<262144x128xf32, #tpu.memory_space<hbm>>
    tpu.enqueue_indirect_dma source(%dma_start3A_65 : memref<262144x128xf32, #tpu.memory_space<hbm>>) target(%dma_start3A_62 : memref<16x128xf32, #tpu.memory_space<vmem>>) offsets(%add3A_53 : vector<16xi32>) semaphore(%arg11 : memref<!tpu.dma_semaphore, #tpu.memory_space<semaphore_mem>>)
    %get3A_66 = arith.constant 0 : i32
    %get3A_67 = arith.index_cast %get3A_66 : i32 to index
    %get3A_68 = arith.constant 32 : index
    %get3A_69 = tpu.vector_load %arg7[%get3A_67, %get3A_68] {strides = array<i32>} : memref<64x256xf32, #tpu.memory_space<vmem>>, vector<1x16xf32>,
    %get3A_70 = vector.shape_cast %get3A_69 : vector<1x16xf32> to vector<16xf32>
    %broadcast_in_dim3A_71 = arith.constant 0 : i32
    %broadcast_in_dim3A_72 = vector.broadcast %broadcast_in_dim3A_71 : i32 to vector<16xi32>
    %scan3A_73 = arith.constant 1 : i32
    %scan3A_74 = arith.constant 63 : i32
    %scan3A_75 = arith.addi %scan3A_73, %scan3A_74 : i32
    %scan3A_76 = arith.constant 9 : i32
    %scan3A_77:2 = scf.for %scan3A_569 = %scan3A_73 to %scan3A_75 step %scan3A_76 iter_args(%scan3A_570 = %get3A_70, %scan3A_571 = %broadcast_in_dim3A_72) -> (vector<16xf32>, vector<16xi32>)  : i32 {
      %get3A_572 = arith.index_cast %scan3A_569 : i32 to index
      %get3A_573 = arith.constant 32 : index
      %get3A_574 = tpu.vector_load %arg7[%get3A_572, %get3A_573] {strides = array<i32>} : memref<64x256xf32, #tpu.memory_space<vmem>>, vector<1x16xf32>,
      %get3A_575 = vector.shape_cast %get3A_574 : vector<1x16xf32> to vector<16xf32>
      %gt3A = arith.cmpf ogt, %get3A_575, %scan3A_570 : vector<16xf32>
      %select_n3A = arith.select %gt3A, %get3A_575, %scan3A_570 : vector<16xi1>, vector<16xf32>
      %broadcast_in_dim3A_576 = vector.broadcast %scan3A_569 : i32 to vector<16xi32>
      %select_n3A_577 = arith.select %gt3A, %broadcast_in_dim3A_576, %scan3A_571 : vector<16xi1>, vector<16xi32>
      %scan3A_578 = arith.constant 1 : i32
      %scan3A_579 = arith.addi %scan3A_569, %scan3A_578 : i32
      %get3A_580 = arith.index_cast %scan3A_579 : i32 to index
      %get3A_581 = arith.constant 32 : index
      %get3A_582 = tpu.vector_load %arg7[%get3A_580, %get3A_581] {strides = array<i32>} : memref<64x256xf32, #tpu.memory_space<vmem>>, vector<1x16xf32>,
      %get3A_583 = vector.shape_cast %get3A_582 : vector<1x16xf32> to vector<16xf32>
      %gt3A_584 = arith.cmpf ogt, %get3A_583, %select_n3A : vector<16xf32>
      %select_n3A_585 = arith.select %gt3A_584, %get3A_583, %select_n3A : vector<16xi1>, vector<16xf32>
      %broadcast_in_dim3A_586 = vector.broadcast %scan3A_579 : i32 to vector<16xi32>
      %select_n3A_587 = arith.select %gt3A_584, %broadcast_in_dim3A_586, %select_n3A_577 : vector<16xi1>, vector<16xi32>
      %scan3A_588 = arith.constant 2 : i32
      %scan3A_589 = arith.addi %scan3A_569, %scan3A_588 : i32
      %get3A_590 = arith.index_cast %scan3A_589 : i32 to index
      %get3A_591 = arith.constant 32 : index
      %get3A_592 = tpu.vector_load %arg7[%get3A_590, %get3A_591] {strides = array<i32>} : memref<64x256xf32, #tpu.memory_space<vmem>>, vector<1x16xf32>,
      %get3A_593 = vector.shape_cast %get3A_592 : vector<1x16xf32> to vector<16xf32>
      %gt3A_594 = arith.cmpf ogt, %get3A_593, %select_n3A_585 : vector<16xf32>
      %select_n3A_595 = arith.select %gt3A_594, %get3A_593, %select_n3A_585 : vector<16xi1>, vector<16xf32>
      %broadcast_in_dim3A_596 = vector.broadcast %scan3A_589 : i32 to vector<16xi32>
      %select_n3A_597 = arith.select %gt3A_594, %broadcast_in_dim3A_596, %select_n3A_587 : vector<16xi1>, vector<16xi32>
      %scan3A_598 = arith.constant 3 : i32
      %scan3A_599 = arith.addi %scan3A_569, %scan3A_598 : i32
      %get3A_600 = arith.index_cast %scan3A_599 : i32 to index
      %get3A_601 = arith.constant 32 : index
      %get3A_602 = tpu.vector_load %arg7[%get3A_600, %get3A_601] {strides = array<i32>} : memref<64x256xf32, #tpu.memory_space<vmem>>, vector<1x16xf32>,
      %get3A_603 = vector.shape_cast %get3A_602 : vector<1x16xf32> to vector<16xf32>
      %gt3A_604 = arith.cmpf ogt, %get3A_603, %select_n3A_595 : vector<16xf32>
      %select_n3A_605 = arith.select %gt3A_604, %get3A_603, %select_n3A_595 : vector<16xi1>, vector<16xf32>
      %broadcast_in_dim3A_606 = vector.broadcast %scan3A_599 : i32 to vector<16xi32>
      %select_n3A_607 = arith.select %gt3A_604, %broadcast_in_dim3A_606, %select_n3A_597 : vector<16xi1>, vector<16xi32>
      %scan3A_608 = arith.constant 4 : i32
      %scan3A_609 = arith.addi %scan3A_569, %scan3A_608 : i32
      %get3A_610 = arith.index_cast %scan3A_609 : i32 to index
      %get3A_611 = arith.constant 32 : index
      %get3A_612 = tpu.vector_load %arg7[%get3A_610, %get3A_611] {strides = array<i32>} : memref<64x256xf32, #tpu.memory_space<vmem>>, vector<1x16xf32>,
      %get3A_613 = vector.shape_cast %get3A_612 : vector<1x16xf32> to vector<16xf32>
      %gt3A_614 = arith.cmpf ogt, %get3A_613, %select_n3A_605 : vector<16xf32>
      %select_n3A_615 = arith.select %gt3A_614, %get3A_613, %select_n3A_605 : vector<16xi1>, vector<16xf32>
      %broadcast_in_dim3A_616 = vector.broadcast %scan3A_609 : i32 to vector<16xi32>
      %select_n3A_617 = arith.select %gt3A_614, %broadcast_in_dim3A_616, %select_n3A_607 : vector<16xi1>, vector<16xi32>
      %scan3A_618 = arith.constant 5 : i32
      %scan3A_619 = arith.addi %scan3A_569, %scan3A_618 : i32
      %get3A_620 = arith.index_cast %scan3A_619 : i32 to index
      %get3A_621 = arith.constant 32 : index
      %get3A_622 = tpu.vector_load %arg7[%get3A_620, %get3A_621] {strides = array<i32>} : memref<64x256xf32, #tpu.memory_space<vmem>>, vector<1x16xf32>,
      %get3A_623 = vector.shape_cast %get3A_622 : vector<1x16xf32> to vector<16xf32>
      %gt3A_624 = arith.cmpf ogt, %get3A_623, %select_n3A_615 : vector<16xf32>
      %select_n3A_625 = arith.select %gt3A_624, %get3A_623, %select_n3A_615 : vector<16xi1>, vector<16xf32>
      %broadcast_in_dim3A_626 = vector.broadcast %scan3A_619 : i32 to vector<16xi32>
      %select_n3A_627 = arith.select %gt3A_624, %broadcast_in_dim3A_626, %select_n3A_617 : vector<16xi1>, vector<16xi32>
      %scan3A_628 = arith.constant 6 : i32
      %scan3A_629 = arith.addi %scan3A_569, %scan3A_628 : i32
      %get3A_630 = arith.index_cast %scan3A_629 : i32 to index
      %get3A_631 = arith.constant 32 : index
      %get3A_632 = tpu.vector_load %arg7[%get3A_630, %get3A_631] {strides = array<i32>} : memref<64x256xf32, #tpu.memory_space<vmem>>, vector<1x16xf32>,
      %get3A_633 = vector.shape_cast %get3A_632 : vector<1x16xf32> to vector<16xf32>
      %gt3A_634 = arith.cmpf ogt, %get3A_633, %select_n3A_625 : vector<16xf32>
      %select_n3A_635 = arith.select %gt3A_634, %get3A_633, %select_n3A_625 : vector<16xi1>, vector<16xf32>
      %broadcast_in_dim3A_636 = vector.broadcast %scan3A_629 : i32 to vector<16xi32>
      %select_n3A_637 = arith.select %gt3A_634, %broadcast_in_dim3A_636, %select_n3A_627 : vector<16xi1>, vector<16xi32>
      %scan3A_638 = arith.constant 7 : i32
      %scan3A_639 = arith.addi %scan3A_569, %scan3A_638 : i32
      %get3A_640 = arith.index_cast %scan3A_639 : i32 to index
      %get3A_641 = arith.constant 32 : index
      %get3A_642 = tpu.vector_load %arg7[%get3A_640, %get3A_641] {strides = array<i32>} : memref<64x256xf32, #tpu.memory_space<vmem>>, vector<1x16xf32>,
      %get3A_643 = vector.shape_cast %get3A_642 : vector<1x16xf32> to vector<16xf32>
      %gt3A_644 = arith.cmpf ogt, %get3A_643, %select_n3A_635 : vector<16xf32>
      %select_n3A_645 = arith.select %gt3A_644, %get3A_643, %select_n3A_635 : vector<16xi1>, vector<16xf32>
      %broadcast_in_dim3A_646 = vector.broadcast %scan3A_639 : i32 to vector<16xi32>
      %select_n3A_647 = arith.select %gt3A_644, %broadcast_in_dim3A_646, %select_n3A_637 : vector<16xi1>, vector<16xi32>
      %scan3A_648 = arith.constant 8 : i32
      %scan3A_649 = arith.addi %scan3A_569, %scan3A_648 : i32
      %get3A_650 = arith.index_cast %scan3A_649 : i32 to index
      %get3A_651 = arith.constant 32 : index
      %get3A_652 = tpu.vector_load %arg7[%get3A_650, %get3A_651] {strides = array<i32>} : memref<64x256xf32, #tpu.memory_space<vmem>>, vector<1x16xf32>,
      %get3A_653 = vector.shape_cast %get3A_652 : vector<1x16xf32> to vector<16xf32>
      %gt3A_654 = arith.cmpf ogt, %get3A_653, %select_n3A_645 : vector<16xf32>
      %select_n3A_655 = arith.select %gt3A_654, %get3A_653, %select_n3A_645 : vector<16xi1>, vector<16xf32>
      %broadcast_in_dim3A_656 = vector.broadcast %scan3A_649 : i32 to vector<16xi32>
      %select_n3A_657 = arith.select %gt3A_654, %broadcast_in_dim3A_656, %select_n3A_647 : vector<16xi1>, vector<16xi32>
      scf.yield %select_n3A_655, %select_n3A_657 : vector<16xf32>, vector<16xi32>
    }
    %scan3A_78 = arith.constant 63 : i32
    %add3A_79 = arith.constant 32 : i32
    %add3A_80 = arith.addi %mul3A_2, %add3A_79 : i32
    %iota3A_81 = tpu.iota {dimensions = array<i32: 0>} : vector<16xi32>
    %add3A_82 = vector.broadcast %add3A_80 : i32 to vector<16xi32>
    %add3A_83 = arith.addi %add3A_82, %iota3A_81 : vector<16xi32>
    %mul3A_84 = arith.constant 64 : i32
    %mul3A_85 = vector.broadcast %mul3A_84 : i32 to vector<16xi32>
    %mul3A_86 = arith.muli %add3A_83, %mul3A_85 : vector<16xi32>
    %add3A_87 = arith.addi %mul3A_86, %scan3A_77#1 : vector<16xi32>
    %dma_start3A_88 = arith.constant 32 : i32
    %dma_start3A_89 = arith.constant 0 : i32
    %dma_start3A_90 = tpu.memref_slice %arg8[%dma_start3A_88, %dma_start3A_89] : memref<256x128xf32, #tpu.memory_space<vmem>> -> memref<16x128xf32, #tpu.memory_space<vmem>>
    %dma_start3A_91 = arith.constant 0 : i32
    %dma_start3A_92 = arith.constant 0 : i32
    %dma_start3A_93 = tpu.memref_slice %arg3[%dma_start3A_91, %dma_start3A_92] : memref<262144x128xf32, #tpu.memory_space<hbm>> -> memref<262144x128xf32, #tpu.memory_space<hbm>>
    tpu.enqueue_indirect_dma source(%dma_start3A_93 : memref<262144x128xf32, #tpu.memory_space<hbm>>) target(%dma_start3A_90 : memref<16x128xf32, #tpu.memory_space<vmem>>) offsets(%add3A_87 : vector<16xi32>) semaphore(%arg10 : memref<!tpu.dma_semaphore, #tpu.memory_space<semaphore_mem>>)
    %dma_start3A_94 = arith.constant 32 : i32
    %dma_start3A_95 = arith.constant 0 : i32
    %dma_start3A_96 = tpu.memref_slice %arg9[%dma_start3A_94, %dma_start3A_95] : memref<256x128xf32, #tpu.memory_space<vmem>> -> memref<16x128xf32, #tpu.memory_space<vmem>>
    %dma_start3A_97 = arith.constant 0 : i32
    %dma_start3A_98 = arith.constant 0 : i32
    %dma_start3A_99 = tpu.memref_slice %arg4[%dma_start3A_97, %dma_start3A_98] : memref<262144x128xf32, #tpu.memory_space<hbm>> -> memref<262144x128xf32, #tpu.memory_space<hbm>>
    tpu.enqueue_indirect_dma source(%dma_start3A_99 : memref<262144x128xf32, #tpu.memory_space<hbm>>) target(%dma_start3A_96 : memref<16x128xf32, #tpu.memory_space<vmem>>) offsets(%add3A_87 : vector<16xi32>) semaphore(%arg11 : memref<!tpu.dma_semaphore, #tpu.memory_space<semaphore_mem>>)
    %get3A_100 = arith.constant 0 : i32
    %get3A_101 = arith.index_cast %get3A_100 : i32 to index
    %get3A_102 = arith.constant 48 : index
    %get3A_103 = tpu.vector_load %arg7[%get3A_101, %get3A_102] {strides = array<i32>} : memref<64x256xf32, #tpu.memory_space<vmem>>, vector<1x16xf32>,
    %get3A_104 = vector.shape_cast %get3A_103 : vector<1x16xf32> to vector<16xf32>
    %broadcast_in_dim3A_105 = arith.constant 0 : i32
    %broadcast_in_dim3A_106 = vector.broadcast %broadcast_in_dim3A_105 : i32 to vector<16xi32>
    %scan3A_107 = arith.constant 1 : i32
    %scan3A_108 = arith.constant 63 : i32
    %scan3A_109 = arith.addi %scan3A_107, %scan3A_108 : i32
    %scan3A_110 = arith.constant 9 : i32
    %scan3A_111:2 = scf.for %scan3A_569 = %scan3A_107 to %scan3A_109 step %scan3A_110 iter_args(%scan3A_570 = %get3A_104, %scan3A_571 = %broadcast_in_dim3A_106) -> (vector<16xf32>, vector<16xi32>)  : i32 {
      %get3A_572 = arith.index_cast %scan3A_569 : i32 to index
      %get3A_573 = arith.constant 48 : index
      %get3A_574 = tpu.vector_load %arg7[%get3A_572, %get3A_573] {strides = array<i32>} : memref<64x256xf32, #tpu.memory_space<vmem>>, vector<1x16xf32>,
      %get3A_575 = vector.shape_cast %get3A_574 : vector<1x16xf32> to vector<16xf32>
      %gt3A = arith.cmpf ogt, %get3A_575, %scan3A_570 : vector<16xf32>
      %select_n3A = arith.select %gt3A, %get3A_575, %scan3A_570 : vector<16xi1>, vector<16xf32>
      %broadcast_in_dim3A_576 = vector.broadcast %scan3A_569 : i32 to vector<16xi32>
      %select_n3A_577 = arith.select %gt3A, %broadcast_in_dim3A_576, %scan3A_571 : vector<16xi1>, vector<16xi32>
      %scan3A_578 = arith.constant 1 : i32
      %scan3A_579 = arith.addi %scan3A_569, %scan3A_578 : i32
      %get3A_580 = arith.index_cast %scan3A_579 : i32 to index
      %get3A_581 = arith.constant 48 : index
      %get3A_582 = tpu.vector_load %arg7[%get3A_580, %get3A_581] {strides = array<i32>} : memref<64x256xf32, #tpu.memory_space<vmem>>, vector<1x16xf32>,
      %get3A_583 = vector.shape_cast %get3A_582 : vector<1x16xf32> to vector<16xf32>
      %gt3A_584 = arith.cmpf ogt, %get3A_583, %select_n3A : vector<16xf32>
      %select_n3A_585 = arith.select %gt3A_584, %get3A_583, %select_n3A : vector<16xi1>, vector<16xf32>
      %broadcast_in_dim3A_586 = vector.broadcast %scan3A_579 : i32 to vector<16xi32>
      %select_n3A_587 = arith.select %gt3A_584, %broadcast_in_dim3A_586, %select_n3A_577 : vector<16xi1>, vector<16xi32>
      %scan3A_588 = arith.constant 2 : i32
      %scan3A_589 = arith.addi %scan3A_569, %scan3A_588 : i32
      %get3A_590 = arith.index_cast %scan3A_589 : i32 to index
      %get3A_591 = arith.constant 48 : index
      %get3A_592 = tpu.vector_load %arg7[%get3A_590, %get3A_591] {strides = array<i32>} : memref<64x256xf32, #tpu.memory_space<vmem>>, vector<1x16xf32>,
      %get3A_593 = vector.shape_cast %get3A_592 : vector<1x16xf32> to vector<16xf32>
      %gt3A_594 = arith.cmpf ogt, %get3A_593, %select_n3A_585 : vector<16xf32>
      %select_n3A_595 = arith.select %gt3A_594, %get3A_593, %select_n3A_585 : vector<16xi1>, vector<16xf32>
      %broadcast_in_dim3A_596 = vector.broadcast %scan3A_589 : i32 to vector<16xi32>
      %select_n3A_597 = arith.select %gt3A_594, %broadcast_in_dim3A_596, %select_n3A_587 : vector<16xi1>, vector<16xi32>
      %scan3A_598 = arith.constant 3 : i32
      %scan3A_599 = arith.addi %scan3A_569, %scan3A_598 : i32
      %get3A_600 = arith.index_cast %scan3A_599 : i32 to index
      %get3A_601 = arith.constant 48 : index
      %get3A_602 = tpu.vector_load %arg7[%get3A_600, %get3A_601] {strides = array<i32>} : memref<64x256xf32, #tpu.memory_space<vmem>>, vector<1x16xf32>,
      %get3A_603 = vector.shape_cast %get3A_602 : vector<1x16xf32> to vector<16xf32>
      %gt3A_604 = arith.cmpf ogt, %get3A_603, %select_n3A_595 : vector<16xf32>
      %select_n3A_605 = arith.select %gt3A_604, %get3A_603, %select_n3A_595 : vector<16xi1>, vector<16xf32>
      %broadcast_in_dim3A_606 = vector.broadcast %scan3A_599 : i32 to vector<16xi32>
      %select_n3A_607 = arith.select %gt3A_604, %broadcast_in_dim3A_606, %select_n3A_597 : vector<16xi1>, vector<16xi32>
      %scan3A_608 = arith.constant 4 : i32
      %scan3A_609 = arith.addi %scan3A_569, %scan3A_608 : i32
      %get3A_610 = arith.index_cast %scan3A_609 : i32 to index
      %get3A_611 = arith.constant 48 : index
      %get3A_612 = tpu.vector_load %arg7[%get3A_610, %get3A_611] {strides = array<i32>} : memref<64x256xf32, #tpu.memory_space<vmem>>, vector<1x16xf32>,
      %get3A_613 = vector.shape_cast %get3A_612 : vector<1x16xf32> to vector<16xf32>
      %gt3A_614 = arith.cmpf ogt, %get3A_613, %select_n3A_605 : vector<16xf32>
      %select_n3A_615 = arith.select %gt3A_614, %get3A_613, %select_n3A_605 : vector<16xi1>, vector<16xf32>
      %broadcast_in_dim3A_616 = vector.broadcast %scan3A_609 : i32 to vector<16xi32>
      %select_n3A_617 = arith.select %gt3A_614, %broadcast_in_dim3A_616, %select_n3A_607 : vector<16xi1>, vector<16xi32>
      %scan3A_618 = arith.constant 5 : i32
      %scan3A_619 = arith.addi %scan3A_569, %scan3A_618 : i32
      %get3A_620 = arith.index_cast %scan3A_619 : i32 to index
      %get3A_621 = arith.constant 48 : index
      %get3A_622 = tpu.vector_load %arg7[%get3A_620, %get3A_621] {strides = array<i32>} : memref<64x256xf32, #tpu.memory_space<vmem>>, vector<1x16xf32>,
      %get3A_623 = vector.shape_cast %get3A_622 : vector<1x16xf32> to vector<16xf32>
      %gt3A_624 = arith.cmpf ogt, %get3A_623, %select_n3A_615 : vector<16xf32>
      %select_n3A_625 = arith.select %gt3A_624, %get3A_623, %select_n3A_615 : vector<16xi1>, vector<16xf32>
      %broadcast_in_dim3A_626 = vector.broadcast %scan3A_619 : i32 to vector<16xi32>
      %select_n3A_627 = arith.select %gt3A_624, %broadcast_in_dim3A_626, %select_n3A_617 : vector<16xi1>, vector<16xi32>
      %scan3A_628 = arith.constant 6 : i32
      %scan3A_629 = arith.addi %scan3A_569, %scan3A_628 : i32
      %get3A_630 = arith.index_cast %scan3A_629 : i32 to index
      %get3A_631 = arith.constant 48 : index
      %get3A_632 = tpu.vector_load %arg7[%get3A_630, %get3A_631] {strides = array<i32>} : memref<64x256xf32, #tpu.memory_space<vmem>>, vector<1x16xf32>,
      %get3A_633 = vector.shape_cast %get3A_632 : vector<1x16xf32> to vector<16xf32>
      %gt3A_634 = arith.cmpf ogt, %get3A_633, %select_n3A_625 : vector<16xf32>
      %select_n3A_635 = arith.select %gt3A_634, %get3A_633, %select_n3A_625 : vector<16xi1>, vector<16xf32>
      %broadcast_in_dim3A_636 = vector.broadcast %scan3A_629 : i32 to vector<16xi32>
      %select_n3A_637 = arith.select %gt3A_634, %broadcast_in_dim3A_636, %select_n3A_627 : vector<16xi1>, vector<16xi32>
      %scan3A_638 = arith.constant 7 : i32
      %scan3A_639 = arith.addi %scan3A_569, %scan3A_638 : i32
      %get3A_640 = arith.index_cast %scan3A_639 : i32 to index
      %get3A_641 = arith.constant 48 : index
      %get3A_642 = tpu.vector_load %arg7[%get3A_640, %get3A_641] {strides = array<i32>} : memref<64x256xf32, #tpu.memory_space<vmem>>, vector<1x16xf32>,
      %get3A_643 = vector.shape_cast %get3A_642 : vector<1x16xf32> to vector<16xf32>
      %gt3A_644 = arith.cmpf ogt, %get3A_643, %select_n3A_635 : vector<16xf32>
      %select_n3A_645 = arith.select %gt3A_644, %get3A_643, %select_n3A_635 : vector<16xi1>, vector<16xf32>
      %broadcast_in_dim3A_646 = vector.broadcast %scan3A_639 : i32 to vector<16xi32>
      %select_n3A_647 = arith.select %gt3A_644, %broadcast_in_dim3A_646, %select_n3A_637 : vector<16xi1>, vector<16xi32>
      %scan3A_648 = arith.constant 8 : i32
      %scan3A_649 = arith.addi %scan3A_569, %scan3A_648 : i32
      %get3A_650 = arith.index_cast %scan3A_649 : i32 to index
      %get3A_651 = arith.constant 48 : index
      %get3A_652 = tpu.vector_load %arg7[%get3A_650, %get3A_651] {strides = array<i32>} : memref<64x256xf32, #tpu.memory_space<vmem>>, vector<1x16xf32>,
      %get3A_653 = vector.shape_cast %get3A_652 : vector<1x16xf32> to vector<16xf32>
      %gt3A_654 = arith.cmpf ogt, %get3A_653, %select_n3A_645 : vector<16xf32>
      %select_n3A_655 = arith.select %gt3A_654, %get3A_653, %select_n3A_645 : vector<16xi1>, vector<16xf32>
      %broadcast_in_dim3A_656 = vector.broadcast %scan3A_649 : i32 to vector<16xi32>
      %select_n3A_657 = arith.select %gt3A_654, %broadcast_in_dim3A_656, %select_n3A_647 : vector<16xi1>, vector<16xi32>
      scf.yield %select_n3A_655, %select_n3A_657 : vector<16xf32>, vector<16xi32>
    }
    %scan3A_112 = arith.constant 63 : i32
    %add3A_113 = arith.constant 48 : i32
    %add3A_114 = arith.addi %mul3A_2, %add3A_113 : i32
    %iota3A_115 = tpu.iota {dimensions = array<i32: 0>} : vector<16xi32>
    %add3A_116 = vector.broadcast %add3A_114 : i32 to vector<16xi32>
    %add3A_117 = arith.addi %add3A_116, %iota3A_115 : vector<16xi32>
    %mul3A_118 = arith.constant 64 : i32
    %mul3A_119 = vector.broadcast %mul3A_118 : i32 to vector<16xi32>
    %mul3A_120 = arith.muli %add3A_117, %mul3A_119 : vector<16xi32>
    %add3A_121 = arith.addi %mul3A_120, %scan3A_111#1 : vector<16xi32>
    %dma_start3A_122 = arith.constant 48 : i32
    %dma_start3A_123 = arith.constant 0 : i32
    %dma_start3A_124 = tpu.memref_slice %arg8[%dma_start3A_122, %dma_start3A_123] : memref<256x128xf32, #tpu.memory_space<vmem>> -> memref<16x128xf32, #tpu.memory_space<vmem>>
    %dma_start3A_125 = arith.constant 0 : i32
    %dma_start3A_126 = arith.constant 0 : i32
    %dma_start3A_127 = tpu.memref_slice %arg3[%dma_start3A_125, %dma_start3A_126] : memref<262144x128xf32, #tpu.memory_space<hbm>> -> memref<262144x128xf32, #tpu.memory_space<hbm>>
    tpu.enqueue_indirect_dma source(%dma_start3A_127 : memref<262144x128xf32, #tpu.memory_space<hbm>>) target(%dma_start3A_124 : memref<16x128xf32, #tpu.memory_space<vmem>>) offsets(%add3A_121 : vector<16xi32>) semaphore(%arg10 : memref<!tpu.dma_semaphore, #tpu.memory_space<semaphore_mem>>)
    %dma_start3A_128 = arith.constant 48 : i32
    %dma_start3A_129 = arith.constant 0 : i32
    %dma_start3A_130 = tpu.memref_slice %arg9[%dma_start3A_128, %dma_start3A_129] : memref<256x128xf32, #tpu.memory_space<vmem>> -> memref<16x128xf32, #tpu.memory_space<vmem>>
    %dma_start3A_131 = arith.constant 0 : i32
    %dma_start3A_132 = arith.constant 0 : i32
    %dma_start3A_133 = tpu.memref_slice %arg4[%dma_start3A_131, %dma_start3A_132] : memref<262144x128xf32, #tpu.memory_space<hbm>> -> memref<262144x128xf32, #tpu.memory_space<hbm>>
    tpu.enqueue_indirect_dma source(%dma_start3A_133 : memref<262144x128xf32, #tpu.memory_space<hbm>>) target(%dma_start3A_130 : memref<16x128xf32, #tpu.memory_space<vmem>>) offsets(%add3A_121 : vector<16xi32>) semaphore(%arg11 : memref<!tpu.dma_semaphore, #tpu.memory_space<semaphore_mem>>)
    %get3A_134 = arith.constant 0 : i32
    %get3A_135 = arith.index_cast %get3A_134 : i32 to index
    %get3A_136 = arith.constant 64 : index
    %get3A_137 = tpu.vector_load %arg7[%get3A_135, %get3A_136] {strides = array<i32>} : memref<64x256xf32, #tpu.memory_space<vmem>>, vector<1x16xf32>,
    %get3A_138 = vector.shape_cast %get3A_137 : vector<1x16xf32> to vector<16xf32>
    %broadcast_in_dim3A_139 = arith.constant 0 : i32
    %broadcast_in_dim3A_140 = vector.broadcast %broadcast_in_dim3A_139 : i32 to vector<16xi32>
    %scan3A_141 = arith.constant 1 : i32
    %scan3A_142 = arith.constant 63 : i32
    %scan3A_143 = arith.addi %scan3A_141, %scan3A_142 : i32
    %scan3A_144 = arith.constant 9 : i32
    %scan3A_145:2 = scf.for %scan3A_569 = %scan3A_141 to %scan3A_143 step %scan3A_144 iter_args(%scan3A_570 = %get3A_138, %scan3A_571 = %broadcast_in_dim3A_140) -> (vector<16xf32>, vector<16xi32>)  : i32 {
      %get3A_572 = arith.index_cast %scan3A_569 : i32 to index
      %get3A_573 = arith.constant 64 : index
      %get3A_574 = tpu.vector_load %arg7[%get3A_572, %get3A_573] {strides = array<i32>} : memref<64x256xf32, #tpu.memory_space<vmem>>, vector<1x16xf32>,
      %get3A_575 = vector.shape_cast %get3A_574 : vector<1x16xf32> to vector<16xf32>
      %gt3A = arith.cmpf ogt, %get3A_575, %scan3A_570 : vector<16xf32>
      %select_n3A = arith.select %gt3A, %get3A_575, %scan3A_570 : vector<16xi1>, vector<16xf32>
      %broadcast_in_dim3A_576 = vector.broadcast %scan3A_569 : i32 to vector<16xi32>
      %select_n3A_577 = arith.select %gt3A, %broadcast_in_dim3A_576, %scan3A_571 : vector<16xi1>, vector<16xi32>
      %scan3A_578 = arith.constant 1 : i32
      %scan3A_579 = arith.addi %scan3A_569, %scan3A_578 : i32
      %get3A_580 = arith.index_cast %scan3A_579 : i32 to index
      %get3A_581 = arith.constant 64 : index
      %get3A_582 = tpu.vector_load %arg7[%get3A_580, %get3A_581] {strides = array<i32>} : memref<64x256xf32, #tpu.memory_space<vmem>>, vector<1x16xf32>,
      %get3A_583 = vector.shape_cast %get3A_582 : vector<1x16xf32> to vector<16xf32>
      %gt3A_584 = arith.cmpf ogt, %get3A_583, %select_n3A : vector<16xf32>
      %select_n3A_585 = arith.select %gt3A_584, %get3A_583, %select_n3A : vector<16xi1>, vector<16xf32>
      %broadcast_in_dim3A_586 = vector.broadcast %scan3A_579 : i32 to vector<16xi32>
      %select_n3A_587 = arith.select %gt3A_584, %broadcast_in_dim3A_586, %select_n3A_577 : vector<16xi1>, vector<16xi32>
      %scan3A_588 = arith.constant 2 : i32
      %scan3A_589 = arith.addi %scan3A_569, %scan3A_588 : i32
      %get3A_590 = arith.index_cast %scan3A_589 : i32 to index
      %get3A_591 = arith.constant 64 : index
      %get3A_592 = tpu.vector_load %arg7[%get3A_590, %get3A_591] {strides = array<i32>} : memref<64x256xf32, #tpu.memory_space<vmem>>, vector<1x16xf32>,
      %get3A_593 = vector.shape_cast %get3A_592 : vector<1x16xf32> to vector<16xf32>
      %gt3A_594 = arith.cmpf ogt, %get3A_593, %select_n3A_585 : vector<16xf32>
      %select_n3A_595 = arith.select %gt3A_594, %get3A_593, %select_n3A_585 : vector<16xi1>, vector<16xf32>
      %broadcast_in_dim3A_596 = vector.broadcast %scan3A_589 : i32 to vector<16xi32>
      %select_n3A_597 = arith.select %gt3A_594, %broadcast_in_dim3A_596, %select_n3A_587 : vector<16xi1>, vector<16xi32>
      %scan3A_598 = arith.constant 3 : i32
      %scan3A_599 = arith.addi %scan3A_569, %scan3A_598 : i32
      %get3A_600 = arith.index_cast %scan3A_599 : i32 to index
      %get3A_601 = arith.constant 64 : index
      %get3A_602 = tpu.vector_load %arg7[%get3A_600, %get3A_601] {strides = array<i32>} : memref<64x256xf32, #tpu.memory_space<vmem>>, vector<1x16xf32>,
      %get3A_603 = vector.shape_cast %get3A_602 : vector<1x16xf32> to vector<16xf32>
      %gt3A_604 = arith.cmpf ogt, %get3A_603, %select_n3A_595 : vector<16xf32>
      %select_n3A_605 = arith.select %gt3A_604, %get3A_603, %select_n3A_595 : vector<16xi1>, vector<16xf32>
      %broadcast_in_dim3A_606 = vector.broadcast %scan3A_599 : i32 to vector<16xi32>
      %select_n3A_607 = arith.select %gt3A_604, %broadcast_in_dim3A_606, %select_n3A_597 : vector<16xi1>, vector<16xi32>
      %scan3A_608 = arith.constant 4 : i32
      %scan3A_609 = arith.addi %scan3A_569, %scan3A_608 : i32
      %get3A_610 = arith.index_cast %scan3A_609 : i32 to index
      %get3A_611 = arith.constant 64 : index
      %get3A_612 = tpu.vector_load %arg7[%get3A_610, %get3A_611] {strides = array<i32>} : memref<64x256xf32, #tpu.memory_space<vmem>>, vector<1x16xf32>,
      %get3A_613 = vector.shape_cast %get3A_612 : vector<1x16xf32> to vector<16xf32>
      %gt3A_614 = arith.cmpf ogt, %get3A_613, %select_n3A_605 : vector<16xf32>
      %select_n3A_615 = arith.select %gt3A_614, %get3A_613, %select_n3A_605 : vector<16xi1>, vector<16xf32>
      %broadcast_in_dim3A_616 = vector.broadcast %scan3A_609 : i32 to vector<16xi32>
      %select_n3A_617 = arith.select %gt3A_614, %broadcast_in_dim3A_616, %select_n3A_607 : vector<16xi1>, vector<16xi32>
      %scan3A_618 = arith.constant 5 : i32
      %scan3A_619 = arith.addi %scan3A_569, %scan3A_618 : i32
      %get3A_620 = arith.index_cast %scan3A_619 : i32 to index
      %get3A_621 = arith.constant 64 : index
      %get3A_622 = tpu.vector_load %arg7[%get3A_620, %get3A_621] {strides = array<i32>} : memref<64x256xf32, #tpu.memory_space<vmem>>, vector<1x16xf32>,
      %get3A_623 = vector.shape_cast %get3A_622 : vector<1x16xf32> to vector<16xf32>
      %gt3A_624 = arith.cmpf ogt, %get3A_623, %select_n3A_615 : vector<16xf32>
      %select_n3A_625 = arith.select %gt3A_624, %get3A_623, %select_n3A_615 : vector<16xi1>, vector<16xf32>
      %broadcast_in_dim3A_626 = vector.broadcast %scan3A_619 : i32 to vector<16xi32>
      %select_n3A_627 = arith.select %gt3A_624, %broadcast_in_dim3A_626, %select_n3A_617 : vector<16xi1>, vector<16xi32>
      %scan3A_628 = arith.constant 6 : i32
      %scan3A_629 = arith.addi %scan3A_569, %scan3A_628 : i32
      %get3A_630 = arith.index_cast %scan3A_629 : i32 to index
      %get3A_631 = arith.constant 64 : index
      %get3A_632 = tpu.vector_load %arg7[%get3A_630, %get3A_631] {strides = array<i32>} : memref<64x256xf32, #tpu.memory_space<vmem>>, vector<1x16xf32>,
      %get3A_633 = vector.shape_cast %get3A_632 : vector<1x16xf32> to vector<16xf32>
      %gt3A_634 = arith.cmpf ogt, %get3A_633, %select_n3A_625 : vector<16xf32>
      %select_n3A_635 = arith.select %gt3A_634, %get3A_633, %select_n3A_625 : vector<16xi1>, vector<16xf32>
      %broadcast_in_dim3A_636 = vector.broadcast %scan3A_629 : i32 to vector<16xi32>
      %select_n3A_637 = arith.select %gt3A_634, %broadcast_in_dim3A_636, %select_n3A_627 : vector<16xi1>, vector<16xi32>
      %scan3A_638 = arith.constant 7 : i32
      %scan3A_639 = arith.addi %scan3A_569, %scan3A_638 : i32
      %get3A_640 = arith.index_cast %scan3A_639 : i32 to index
      %get3A_641 = arith.constant 64 : index
      %get3A_642 = tpu.vector_load %arg7[%get3A_640, %get3A_641] {strides = array<i32>} : memref<64x256xf32, #tpu.memory_space<vmem>>, vector<1x16xf32>,
      %get3A_643 = vector.shape_cast %get3A_642 : vector<1x16xf32> to vector<16xf32>
      %gt3A_644 = arith.cmpf ogt, %get3A_643, %select_n3A_635 : vector<16xf32>
      %select_n3A_645 = arith.select %gt3A_644, %get3A_643, %select_n3A_635 : vector<16xi1>, vector<16xf32>
      %broadcast_in_dim3A_646 = vector.broadcast %scan3A_639 : i32 to vector<16xi32>
      %select_n3A_647 = arith.select %gt3A_644, %broadcast_in_dim3A_646, %select_n3A_637 : vector<16xi1>, vector<16xi32>
      %scan3A_648 = arith.constant 8 : i32
      %scan3A_649 = arith.addi %scan3A_569, %scan3A_648 : i32
      %get3A_650 = arith.index_cast %scan3A_649 : i32 to index
      %get3A_651 = arith.constant 64 : index
      %get3A_652 = tpu.vector_load %arg7[%get3A_650, %get3A_651] {strides = array<i32>} : memref<64x256xf32, #tpu.memory_space<vmem>>, vector<1x16xf32>,
      %get3A_653 = vector.shape_cast %get3A_652 : vector<1x16xf32> to vector<16xf32>
      %gt3A_654 = arith.cmpf ogt, %get3A_653, %select_n3A_645 : vector<16xf32>
      %select_n3A_655 = arith.select %gt3A_654, %get3A_653, %select_n3A_645 : vector<16xi1>, vector<16xf32>
      %broadcast_in_dim3A_656 = vector.broadcast %scan3A_649 : i32 to vector<16xi32>
      %select_n3A_657 = arith.select %gt3A_654, %broadcast_in_dim3A_656, %select_n3A_647 : vector<16xi1>, vector<16xi32>
      scf.yield %select_n3A_655, %select_n3A_657 : vector<16xf32>, vector<16xi32>
    }
    %scan3A_146 = arith.constant 63 : i32
    %add3A_147 = arith.constant 64 : i32
    %add3A_148 = arith.addi %mul3A_2, %add3A_147 : i32
    %iota3A_149 = tpu.iota {dimensions = array<i32: 0>} : vector<16xi32>
    %add3A_150 = vector.broadcast %add3A_148 : i32 to vector<16xi32>
    %add3A_151 = arith.addi %add3A_150, %iota3A_149 : vector<16xi32>
    %mul3A_152 = arith.constant 64 : i32
    %mul3A_153 = vector.broadcast %mul3A_152 : i32 to vector<16xi32>
    %mul3A_154 = arith.muli %add3A_151, %mul3A_153 : vector<16xi32>
    %add3A_155 = arith.addi %mul3A_154, %scan3A_145#1 : vector<16xi32>
    %dma_start3A_156 = arith.constant 64 : i32
    %dma_start3A_157 = arith.constant 0 : i32
    %dma_start3A_158 = tpu.memref_slice %arg8[%dma_start3A_156, %dma_start3A_157] : memref<256x128xf32, #tpu.memory_space<vmem>> -> memref<16x128xf32, #tpu.memory_space<vmem>>
    %dma_start3A_159 = arith.constant 0 : i32
    %dma_start3A_160 = arith.constant 0 : i32
    %dma_start3A_161 = tpu.memref_slice %arg3[%dma_start3A_159, %dma_start3A_160] : memref<262144x128xf32, #tpu.memory_space<hbm>> -> memref<262144x128xf32, #tpu.memory_space<hbm>>
    tpu.enqueue_indirect_dma source(%dma_start3A_161 : memref<262144x128xf32, #tpu.memory_space<hbm>>) target(%dma_start3A_158 : memref<16x128xf32, #tpu.memory_space<vmem>>) offsets(%add3A_155 : vector<16xi32>) semaphore(%arg10 : memref<!tpu.dma_semaphore, #tpu.memory_space<semaphore_mem>>)
    %dma_start3A_162 = arith.constant 64 : i32
    %dma_start3A_163 = arith.constant 0 : i32
    %dma_start3A_164 = tpu.memref_slice %arg9[%dma_start3A_162, %dma_start3A_163] : memref<256x128xf32, #tpu.memory_space<vmem>> -> memref<16x128xf32, #tpu.memory_space<vmem>>
    %dma_start3A_165 = arith.constant 0 : i32
    %dma_start3A_166 = arith.constant 0 : i32
    %dma_start3A_167 = tpu.memref_slice %arg4[%dma_start3A_165, %dma_start3A_166] : memref<262144x128xf32, #tpu.memory_space<hbm>> -> memref<262144x128xf32, #tpu.memory_space<hbm>>
    tpu.enqueue_indirect_dma source(%dma_start3A_167 : memref<262144x128xf32, #tpu.memory_space<hbm>>) target(%dma_start3A_164 : memref<16x128xf32, #tpu.memory_space<vmem>>) offsets(%add3A_155 : vector<16xi32>) semaphore(%arg11 : memref<!tpu.dma_semaphore, #tpu.memory_space<semaphore_mem>>)
    %get3A_168 = arith.constant 0 : i32
    %get3A_169 = arith.index_cast %get3A_168 : i32 to index
    %get3A_170 = arith.constant 80 : index
    %get3A_171 = tpu.vector_load %arg7[%get3A_169, %get3A_170] {strides = array<i32>} : memref<64x256xf32, #tpu.memory_space<vmem>>, vector<1x16xf32>,
    %get3A_172 = vector.shape_cast %get3A_171 : vector<1x16xf32> to vector<16xf32>
    %broadcast_in_dim3A_173 = arith.constant 0 : i32
    %broadcast_in_dim3A_174 = vector.broadcast %broadcast_in_dim3A_173 : i32 to vector<16xi32>
    %scan3A_175 = arith.constant 1 : i32
    %scan3A_176 = arith.constant 63 : i32
    %scan3A_177 = arith.addi %scan3A_175, %scan3A_176 : i32
    %scan3A_178 = arith.constant 9 : i32
    %scan3A_179:2 = scf.for %scan3A_569 = %scan3A_175 to %scan3A_177 step %scan3A_178 iter_args(%scan3A_570 = %get3A_172, %scan3A_571 = %broadcast_in_dim3A_174) -> (vector<16xf32>, vector<16xi32>)  : i32 {
      %get3A_572 = arith.index_cast %scan3A_569 : i32 to index
      %get3A_573 = arith.constant 80 : index
      %get3A_574 = tpu.vector_load %arg7[%get3A_572, %get3A_573] {strides = array<i32>} : memref<64x256xf32, #tpu.memory_space<vmem>>, vector<1x16xf32>,
      %get3A_575 = vector.shape_cast %get3A_574 : vector<1x16xf32> to vector<16xf32>
      %gt3A = arith.cmpf ogt, %get3A_575, %scan3A_570 : vector<16xf32>
      %select_n3A = arith.select %gt3A, %get3A_575, %scan3A_570 : vector<16xi1>, vector<16xf32>
      %broadcast_in_dim3A_576 = vector.broadcast %scan3A_569 : i32 to vector<16xi32>
      %select_n3A_577 = arith.select %gt3A, %broadcast_in_dim3A_576, %scan3A_571 : vector<16xi1>, vector<16xi32>
      %scan3A_578 = arith.constant 1 : i32
      %scan3A_579 = arith.addi %scan3A_569, %scan3A_578 : i32
      %get3A_580 = arith.index_cast %scan3A_579 : i32 to index
      %get3A_581 = arith.constant 80 : index
      %get3A_582 = tpu.vector_load %arg7[%get3A_580, %get3A_581] {strides = array<i32>} : memref<64x256xf32, #tpu.memory_space<vmem>>, vector<1x16xf32>,
      %get3A_583 = vector.shape_cast %get3A_582 : vector<1x16xf32> to vector<16xf32>
      %gt3A_584 = arith.cmpf ogt, %get3A_583, %select_n3A : vector<16xf32>
      %select_n3A_585 = arith.select %gt3A_584, %get3A_583, %select_n3A : vector<16xi1>, vector<16xf32>
      %broadcast_in_dim3A_586 = vector.broadcast %scan3A_579 : i32 to vector<16xi32>
      %select_n3A_587 = arith.select %gt3A_584, %broadcast_in_dim3A_586, %select_n3A_577 : vector<16xi1>, vector<16xi32>
      %scan3A_588 = arith.constant 2 : i32
      %scan3A_589 = arith.addi %scan3A_569, %scan3A_588 : i32
      %get3A_590 = arith.index_cast %scan3A_589 : i32 to index
      %get3A_591 = arith.constant 80 : index
      %get3A_592 = tpu.vector_load %arg7[%get3A_590, %get3A_591] {strides = array<i32>} : memref<64x256xf32, #tpu.memory_space<vmem>>, vector<1x16xf32>,
      %get3A_593 = vector.shape_cast %get3A_592 : vector<1x16xf32> to vector<16xf32>
      %gt3A_594 = arith.cmpf ogt, %get3A_593, %select_n3A_585 : vector<16xf32>
      %select_n3A_595 = arith.select %gt3A_594, %get3A_593, %select_n3A_585 : vector<16xi1>, vector<16xf32>
      %broadcast_in_dim3A_596 = vector.broadcast %scan3A_589 : i32 to vector<16xi32>
      %select_n3A_597 = arith.select %gt3A_594, %broadcast_in_dim3A_596, %select_n3A_587 : vector<16xi1>, vector<16xi32>
      %scan3A_598 = arith.constant 3 : i32
      %scan3A_599 = arith.addi %scan3A_569, %scan3A_598 : i32
      %get3A_600 = arith.index_cast %scan3A_599 : i32 to index
      %get3A_601 = arith.constant 80 : index
      %get3A_602 = tpu.vector_load %arg7[%get3A_600, %get3A_601] {strides = array<i32>} : memref<64x256xf32, #tpu.memory_space<vmem>>, vector<1x16xf32>,
      %get3A_603 = vector.shape_cast %get3A_602 : vector<1x16xf32> to vector<16xf32>
      %gt3A_604 = arith.cmpf ogt, %get3A_603, %select_n3A_595 : vector<16xf32>
      %select_n3A_605 = arith.select %gt3A_604, %get3A_603, %select_n3A_595 : vector<16xi1>, vector<16xf32>
      %broadcast_in_dim3A_606 = vector.broadcast %scan3A_599 : i32 to vector<16xi32>
      %select_n3A_607 = arith.select %gt3A_604, %broadcast_in_dim3A_606, %select_n3A_597 : vector<16xi1>, vector<16xi32>
      %scan3A_608 = arith.constant 4 : i32
      %scan3A_609 = arith.addi %scan3A_569, %scan3A_608 : i32
      %get3A_610 = arith.index_cast %scan3A_609 : i32 to index
      %get3A_611 = arith.constant 80 : index
      %get3A_612 = tpu.vector_load %arg7[%get3A_610, %get3A_611] {strides = array<i32>} : memref<64x256xf32, #tpu.memory_space<vmem>>, vector<1x16xf32>,
      %get3A_613 = vector.shape_cast %get3A_612 : vector<1x16xf32> to vector<16xf32>
      %gt3A_614 = arith.cmpf ogt, %get3A_613, %select_n3A_605 : vector<16xf32>
      %select_n3A_615 = arith.select %gt3A_614, %get3A_613, %select_n3A_605 : vector<16xi1>, vector<16xf32>
      %broadcast_in_dim3A_616 = vector.broadcast %scan3A_609 : i32 to vector<16xi32>
      %select_n3A_617 = arith.select %gt3A_614, %broadcast_in_dim3A_616, %select_n3A_607 : vector<16xi1>, vector<16xi32>
      %scan3A_618 = arith.constant 5 : i32
      %scan3A_619 = arith.addi %scan3A_569, %scan3A_618 : i32
      %get3A_620 = arith.index_cast %scan3A_619 : i32 to index
      %get3A_621 = arith.constant 80 : index
      %get3A_622 = tpu.vector_load %arg7[%get3A_620, %get3A_621] {strides = array<i32>} : memref<64x256xf32, #tpu.memory_space<vmem>>, vector<1x16xf32>,
      %get3A_623 = vector.shape_cast %get3A_622 : vector<1x16xf32> to vector<16xf32>
      %gt3A_624 = arith.cmpf ogt, %get3A_623, %select_n3A_615 : vector<16xf32>
      %select_n3A_625 = arith.select %gt3A_624, %get3A_623, %select_n3A_615 : vector<16xi1>, vector<16xf32>
      %broadcast_in_dim3A_626 = vector.broadcast %scan3A_619 : i32 to vector<16xi32>
      %select_n3A_627 = arith.select %gt3A_624, %broadcast_in_dim3A_626, %select_n3A_617 : vector<16xi1>, vector<16xi32>
      %scan3A_628 = arith.constant 6 : i32
      %scan3A_629 = arith.addi %scan3A_569, %scan3A_628 : i32
      %get3A_630 = arith.index_cast %scan3A_629 : i32 to index
      %get3A_631 = arith.constant 80 : index
      %get3A_632 = tpu.vector_load %arg7[%get3A_630, %get3A_631] {strides = array<i32>} : memref<64x256xf32, #tpu.memory_space<vmem>>, vector<1x16xf32>,
      %get3A_633 = vector.shape_cast %get3A_632 : vector<1x16xf32> to vector<16xf32>
      %gt3A_634 = arith.cmpf ogt, %get3A_633, %select_n3A_625 : vector<16xf32>
      %select_n3A_635 = arith.select %gt3A_634, %get3A_633, %select_n3A_625 : vector<16xi1>, vector<16xf32>
      %broadcast_in_dim3A_636 = vector.broadcast %scan3A_629 : i32 to vector<16xi32>
      %select_n3A_637 = arith.select %gt3A_634, %broadcast_in_dim3A_636, %select_n3A_627 : vector<16xi1>, vector<16xi32>
      %scan3A_638 = arith.constant 7 : i32
      %scan3A_639 = arith.addi %scan3A_569, %scan3A_638 : i32
      %get3A_640 = arith.index_cast %scan3A_639 : i32 to index
      %get3A_641 = arith.constant 80 : index
      %get3A_642 = tpu.vector_load %arg7[%get3A_640, %get3A_641] {strides = array<i32>} : memref<64x256xf32, #tpu.memory_space<vmem>>, vector<1x16xf32>,
      %get3A_643 = vector.shape_cast %get3A_642 : vector<1x16xf32> to vector<16xf32>
      %gt3A_644 = arith.cmpf ogt, %get3A_643, %select_n3A_635 : vector<16xf32>
      %select_n3A_645 = arith.select %gt3A_644, %get3A_643, %select_n3A_635 : vector<16xi1>, vector<16xf32>
      %broadcast_in_dim3A_646 = vector.broadcast %scan3A_639 : i32 to vector<16xi32>
      %select_n3A_647 = arith.select %gt3A_644, %broadcast_in_dim3A_646, %select_n3A_637 : vector<16xi1>, vector<16xi32>
      %scan3A_648 = arith.constant 8 : i32
      %scan3A_649 = arith.addi %scan3A_569, %scan3A_648 : i32
      %get3A_650 = arith.index_cast %scan3A_649 : i32 to index
      %get3A_651 = arith.constant 80 : index
      %get3A_652 = tpu.vector_load %arg7[%get3A_650, %get3A_651] {strides = array<i32>} : memref<64x256xf32, #tpu.memory_space<vmem>>, vector<1x16xf32>,
      %get3A_653 = vector.shape_cast %get3A_652 : vector<1x16xf32> to vector<16xf32>
      %gt3A_654 = arith.cmpf ogt, %get3A_653, %select_n3A_645 : vector<16xf32>
      %select_n3A_655 = arith.select %gt3A_654, %get3A_653, %select_n3A_645 : vector<16xi1>, vector<16xf32>
      %broadcast_in_dim3A_656 = vector.broadcast %scan3A_649 : i32 to vector<16xi32>
      %select_n3A_657 = arith.select %gt3A_654, %broadcast_in_dim3A_656, %select_n3A_647 : vector<16xi1>, vector<16xi32>
      scf.yield %select_n3A_655, %select_n3A_657 : vector<16xf32>, vector<16xi32>
    }
    %scan3A_180 = arith.constant 63 : i32
    %add3A_181 = arith.constant 80 : i32
    %add3A_182 = arith.addi %mul3A_2, %add3A_181 : i32
    %iota3A_183 = tpu.iota {dimensions = array<i32: 0>} : vector<16xi32>
    %add3A_184 = vector.broadcast %add3A_182 : i32 to vector<16xi32>
    %add3A_185 = arith.addi %add3A_184, %iota3A_183 : vector<16xi32>
    %mul3A_186 = arith.constant 64 : i32
    %mul3A_187 = vector.broadcast %mul3A_186 : i32 to vector<16xi32>
    %mul3A_188 = arith.muli %add3A_185, %mul3A_187 : vector<16xi32>
    %add3A_189 = arith.addi %mul3A_188, %scan3A_179#1 : vector<16xi32>
    %dma_start3A_190 = arith.constant 80 : i32
    %dma_start3A_191 = arith.constant 0 : i32
    %dma_start3A_192 = tpu.memref_slice %arg8[%dma_start3A_190, %dma_start3A_191] : memref<256x128xf32, #tpu.memory_space<vmem>> -> memref<16x128xf32, #tpu.memory_space<vmem>>
    %dma_start3A_193 = arith.constant 0 : i32
    %dma_start3A_194 = arith.constant 0 : i32
    %dma_start3A_195 = tpu.memref_slice %arg3[%dma_start3A_193, %dma_start3A_194] : memref<262144x128xf32, #tpu.memory_space<hbm>> -> memref<262144x128xf32, #tpu.memory_space<hbm>>
    tpu.enqueue_indirect_dma source(%dma_start3A_195 : memref<262144x128xf32, #tpu.memory_space<hbm>>) target(%dma_start3A_192 : memref<16x128xf32, #tpu.memory_space<vmem>>) offsets(%add3A_189 : vector<16xi32>) semaphore(%arg10 : memref<!tpu.dma_semaphore, #tpu.memory_space<semaphore_mem>>)
    %dma_start3A_196 = arith.constant 80 : i32
    %dma_start3A_197 = arith.constant 0 : i32
    %dma_start3A_198 = tpu.memref_slice %arg9[%dma_start3A_196, %dma_start3A_197] : memref<256x128xf32, #tpu.memory_space<vmem>> -> memref<16x128xf32, #tpu.memory_space<vmem>>
    %dma_start3A_199 = arith.constant 0 : i32
    %dma_start3A_200 = arith.constant 0 : i32
    %dma_start3A_201 = tpu.memref_slice %arg4[%dma_start3A_199, %dma_start3A_200] : memref<262144x128xf32, #tpu.memory_space<hbm>> -> memref<262144x128xf32, #tpu.memory_space<hbm>>
    tpu.enqueue_indirect_dma source(%dma_start3A_201 : memref<262144x128xf32, #tpu.memory_space<hbm>>) target(%dma_start3A_198 : memref<16x128xf32, #tpu.memory_space<vmem>>) offsets(%add3A_189 : vector<16xi32>) semaphore(%arg11 : memref<!tpu.dma_semaphore, #tpu.memory_space<semaphore_mem>>)
    %get3A_202 = arith.constant 0 : i32
    %get3A_203 = arith.index_cast %get3A_202 : i32 to index
    %get3A_204 = arith.constant 96 : index
    %get3A_205 = tpu.vector_load %arg7[%get3A_203, %get3A_204] {strides = array<i32>} : memref<64x256xf32, #tpu.memory_space<vmem>>, vector<1x16xf32>,
    %get3A_206 = vector.shape_cast %get3A_205 : vector<1x16xf32> to vector<16xf32>
    %broadcast_in_dim3A_207 = arith.constant 0 : i32
    %broadcast_in_dim3A_208 = vector.broadcast %broadcast_in_dim3A_207 : i32 to vector<16xi32>
    %scan3A_209 = arith.constant 1 : i32
    %scan3A_210 = arith.constant 63 : i32
    %scan3A_211 = arith.addi %scan3A_209, %scan3A_210 : i32
    %scan3A_212 = arith.constant 9 : i32
    %scan3A_213:2 = scf.for %scan3A_569 = %scan3A_209 to %scan3A_211 step %scan3A_212 iter_args(%scan3A_570 = %get3A_206, %scan3A_571 = %broadcast_in_dim3A_208) -> (vector<16xf32>, vector<16xi32>)  : i32 {
      %get3A_572 = arith.index_cast %scan3A_569 : i32 to index
      %get3A_573 = arith.constant 96 : index
      %get3A_574 = tpu.vector_load %arg7[%get3A_572, %get3A_573] {strides = array<i32>} : memref<64x256xf32, #tpu.memory_space<vmem>>, vector<1x16xf32>,
      %get3A_575 = vector.shape_cast %get3A_574 : vector<1x16xf32> to vector<16xf32>
      %gt3A = arith.cmpf ogt, %get3A_575, %scan3A_570 : vector<16xf32>
      %select_n3A = arith.select %gt3A, %get3A_575, %scan3A_570 : vector<16xi1>, vector<16xf32>
      %broadcast_in_dim3A_576 = vector.broadcast %scan3A_569 : i32 to vector<16xi32>
      %select_n3A_577 = arith.select %gt3A, %broadcast_in_dim3A_576, %scan3A_571 : vector<16xi1>, vector<16xi32>
      %scan3A_578 = arith.constant 1 : i32
      %scan3A_579 = arith.addi %scan3A_569, %scan3A_578 : i32
      %get3A_580 = arith.index_cast %scan3A_579 : i32 to index
      %get3A_581 = arith.constant 96 : index
      %get3A_582 = tpu.vector_load %arg7[%get3A_580, %get3A_581] {strides = array<i32>} : memref<64x256xf32, #tpu.memory_space<vmem>>, vector<1x16xf32>,
      %get3A_583 = vector.shape_cast %get3A_582 : vector<1x16xf32> to vector<16xf32>
      %gt3A_584 = arith.cmpf ogt, %get3A_583, %select_n3A : vector<16xf32>
      %select_n3A_585 = arith.select %gt3A_584, %get3A_583, %select_n3A : vector<16xi1>, vector<16xf32>
      %broadcast_in_dim3A_586 = vector.broadcast %scan3A_579 : i32 to vector<16xi32>
      %select_n3A_587 = arith.select %gt3A_584, %broadcast_in_dim3A_586, %select_n3A_577 : vector<16xi1>, vector<16xi32>
      %scan3A_588 = arith.constant 2 : i32
      %scan3A_589 = arith.addi %scan3A_569, %scan3A_588 : i32
      %get3A_590 = arith.index_cast %scan3A_589 : i32 to index
      %get3A_591 = arith.constant 96 : index
      %get3A_592 = tpu.vector_load %arg7[%get3A_590, %get3A_591] {strides = array<i32>} : memref<64x256xf32, #tpu.memory_space<vmem>>, vector<1x16xf32>,
      %get3A_593 = vector.shape_cast %get3A_592 : vector<1x16xf32> to vector<16xf32>
      %gt3A_594 = arith.cmpf ogt, %get3A_593, %select_n3A_585 : vector<16xf32>
      %select_n3A_595 = arith.select %gt3A_594, %get3A_593, %select_n3A_585 : vector<16xi1>, vector<16xf32>
      %broadcast_in_dim3A_596 = vector.broadcast %scan3A_589 : i32 to vector<16xi32>
      %select_n3A_597 = arith.select %gt3A_594, %broadcast_in_dim3A_596, %select_n3A_587 : vector<16xi1>, vector<16xi32>
      %scan3A_598 = arith.constant 3 : i32
      %scan3A_599 = arith.addi %scan3A_569, %scan3A_598 : i32
      %get3A_600 = arith.index_cast %scan3A_599 : i32 to index
      %get3A_601 = arith.constant 96 : index
      %get3A_602 = tpu.vector_load %arg7[%get3A_600, %get3A_601] {strides = array<i32>} : memref<64x256xf32, #tpu.memory_space<vmem>>, vector<1x16xf32>,
      %get3A_603 = vector.shape_cast %get3A_602 : vector<1x16xf32> to vector<16xf32>
      %gt3A_604 = arith.cmpf ogt, %get3A_603, %select_n3A_595 : vector<16xf32>
      %select_n3A_605 = arith.select %gt3A_604, %get3A_603, %select_n3A_595 : vector<16xi1>, vector<16xf32>
      %broadcast_in_dim3A_606 = vector.broadcast %scan3A_599 : i32 to vector<16xi32>
      %select_n3A_607 = arith.select %gt3A_604, %broadcast_in_dim3A_606, %select_n3A_597 : vector<16xi1>, vector<16xi32>
      %scan3A_608 = arith.constant 4 : i32
      %scan3A_609 = arith.addi %scan3A_569, %scan3A_608 : i32
      %get3A_610 = arith.index_cast %scan3A_609 : i32 to index
      %get3A_611 = arith.constant 96 : index
      %get3A_612 = tpu.vector_load %arg7[%get3A_610, %get3A_611] {strides = array<i32>} : memref<64x256xf32, #tpu.memory_space<vmem>>, vector<1x16xf32>,
      %get3A_613 = vector.shape_cast %get3A_612 : vector<1x16xf32> to vector<16xf32>
      %gt3A_614 = arith.cmpf ogt, %get3A_613, %select_n3A_605 : vector<16xf32>
      %select_n3A_615 = arith.select %gt3A_614, %get3A_613, %select_n3A_605 : vector<16xi1>, vector<16xf32>
      %broadcast_in_dim3A_616 = vector.broadcast %scan3A_609 : i32 to vector<16xi32>
      %select_n3A_617 = arith.select %gt3A_614, %broadcast_in_dim3A_616, %select_n3A_607 : vector<16xi1>, vector<16xi32>
      %scan3A_618 = arith.constant 5 : i32
      %scan3A_619 = arith.addi %scan3A_569, %scan3A_618 : i32
      %get3A_620 = arith.index_cast %scan3A_619 : i32 to index
      %get3A_621 = arith.constant 96 : index
      %get3A_622 = tpu.vector_load %arg7[%get3A_620, %get3A_621] {strides = array<i32>} : memref<64x256xf32, #tpu.memory_space<vmem>>, vector<1x16xf32>,
      %get3A_623 = vector.shape_cast %get3A_622 : vector<1x16xf32> to vector<16xf32>
      %gt3A_624 = arith.cmpf ogt, %get3A_623, %select_n3A_615 : vector<16xf32>
      %select_n3A_625 = arith.select %gt3A_624, %get3A_623, %select_n3A_615 : vector<16xi1>, vector<16xf32>
      %broadcast_in_dim3A_626 = vector.broadcast %scan3A_619 : i32 to vector<16xi32>
      %select_n3A_627 = arith.select %gt3A_624, %broadcast_in_dim3A_626, %select_n3A_617 : vector<16xi1>, vector<16xi32>
      %scan3A_628 = arith.constant 6 : i32
      %scan3A_629 = arith.addi %scan3A_569, %scan3A_628 : i32
      %get3A_630 = arith.index_cast %scan3A_629 : i32 to index
      %get3A_631 = arith.constant 96 : index
      %get3A_632 = tpu.vector_load %arg7[%get3A_630, %get3A_631] {strides = array<i32>} : memref<64x256xf32, #tpu.memory_space<vmem>>, vector<1x16xf32>,
      %get3A_633 = vector.shape_cast %get3A_632 : vector<1x16xf32> to vector<16xf32>
      %gt3A_634 = arith.cmpf ogt, %get3A_633, %select_n3A_625 : vector<16xf32>
      %select_n3A_635 = arith.select %gt3A_634, %get3A_633, %select_n3A_625 : vector<16xi1>, vector<16xf32>
      %broadcast_in_dim3A_636 = vector.broadcast %scan3A_629 : i32 to vector<16xi32>
      %select_n3A_637 = arith.select %gt3A_634, %broadcast_in_dim3A_636, %select_n3A_627 : vector<16xi1>, vector<16xi32>
      %scan3A_638 = arith.constant 7 : i32
      %scan3A_639 = arith.addi %scan3A_569, %scan3A_638 : i32
      %get3A_640 = arith.index_cast %scan3A_639 : i32 to index
      %get3A_641 = arith.constant 96 : index
      %get3A_642 = tpu.vector_load %arg7[%get3A_640, %get3A_641] {strides = array<i32>} : memref<64x256xf32, #tpu.memory_space<vmem>>, vector<1x16xf32>,
      %get3A_643 = vector.shape_cast %get3A_642 : vector<1x16xf32> to vector<16xf32>
      %gt3A_644 = arith.cmpf ogt, %get3A_643, %select_n3A_635 : vector<16xf32>
      %select_n3A_645 = arith.select %gt3A_644, %get3A_643, %select_n3A_635 : vector<16xi1>, vector<16xf32>
      %broadcast_in_dim3A_646 = vector.broadcast %scan3A_639 : i32 to vector<16xi32>
      %select_n3A_647 = arith.select %gt3A_644, %broadcast_in_dim3A_646, %select_n3A_637 : vector<16xi1>, vector<16xi32>
      %scan3A_648 = arith.constant 8 : i32
      %scan3A_649 = arith.addi %scan3A_569, %scan3A_648 : i32
      %get3A_650 = arith.index_cast %scan3A_649 : i32 to index
      %get3A_651 = arith.constant 96 : index
      %get3A_652 = tpu.vector_load %arg7[%get3A_650, %get3A_651] {strides = array<i32>} : memref<64x256xf32, #tpu.memory_space<vmem>>, vector<1x16xf32>,
      %get3A_653 = vector.shape_cast %get3A_652 : vector<1x16xf32> to vector<16xf32>
      %gt3A_654 = arith.cmpf ogt, %get3A_653, %select_n3A_645 : vector<16xf32>
      %select_n3A_655 = arith.select %gt3A_654, %get3A_653, %select_n3A_645 : vector<16xi1>, vector<16xf32>
      %broadcast_in_dim3A_656 = vector.broadcast %scan3A_649 : i32 to vector<16xi32>
      %select_n3A_657 = arith.select %gt3A_654, %broadcast_in_dim3A_656, %select_n3A_647 : vector<16xi1>, vector<16xi32>
      scf.yield %select_n3A_655, %select_n3A_657 : vector<16xf32>, vector<16xi32>
    }
    %scan3A_214 = arith.constant 63 : i32
    %add3A_215 = arith.constant 96 : i32
    %add3A_216 = arith.addi %mul3A_2, %add3A_215 : i32
    %iota3A_217 = tpu.iota {dimensions = array<i32: 0>} : vector<16xi32>
    %add3A_218 = vector.broadcast %add3A_216 : i32 to vector<16xi32>
    %add3A_219 = arith.addi %add3A_218, %iota3A_217 : vector<16xi32>
    %mul3A_220 = arith.constant 64 : i32
    %mul3A_221 = vector.broadcast %mul3A_220 : i32 to vector<16xi32>
    %mul3A_222 = arith.muli %add3A_219, %mul3A_221 : vector<16xi32>
    %add3A_223 = arith.addi %mul3A_222, %scan3A_213#1 : vector<16xi32>
    %dma_start3A_224 = arith.constant 96 : i32
    %dma_start3A_225 = arith.constant 0 : i32
    %dma_start3A_226 = tpu.memref_slice %arg8[%dma_start3A_224, %dma_start3A_225] : memref<256x128xf32, #tpu.memory_space<vmem>> -> memref<16x128xf32, #tpu.memory_space<vmem>>
    %dma_start3A_227 = arith.constant 0 : i32
    %dma_start3A_228 = arith.constant 0 : i32
    %dma_start3A_229 = tpu.memref_slice %arg3[%dma_start3A_227, %dma_start3A_228] : memref<262144x128xf32, #tpu.memory_space<hbm>> -> memref<262144x128xf32, #tpu.memory_space<hbm>>
    tpu.enqueue_indirect_dma source(%dma_start3A_229 : memref<262144x128xf32, #tpu.memory_space<hbm>>) target(%dma_start3A_226 : memref<16x128xf32, #tpu.memory_space<vmem>>) offsets(%add3A_223 : vector<16xi32>) semaphore(%arg10 : memref<!tpu.dma_semaphore, #tpu.memory_space<semaphore_mem>>)
    %dma_start3A_230 = arith.constant 96 : i32
    %dma_start3A_231 = arith.constant 0 : i32
    %dma_start3A_232 = tpu.memref_slice %arg9[%dma_start3A_230, %dma_start3A_231] : memref<256x128xf32, #tpu.memory_space<vmem>> -> memref<16x128xf32, #tpu.memory_space<vmem>>
    %dma_start3A_233 = arith.constant 0 : i32
    %dma_start3A_234 = arith.constant 0 : i32
    %dma_start3A_235 = tpu.memref_slice %arg4[%dma_start3A_233, %dma_start3A_234] : memref<262144x128xf32, #tpu.memory_space<hbm>> -> memref<262144x128xf32, #tpu.memory_space<hbm>>
    tpu.enqueue_indirect_dma source(%dma_start3A_235 : memref<262144x128xf32, #tpu.memory_space<hbm>>) target(%dma_start3A_232 : memref<16x128xf32, #tpu.memory_space<vmem>>) offsets(%add3A_223 : vector<16xi32>) semaphore(%arg11 : memref<!tpu.dma_semaphore, #tpu.memory_space<semaphore_mem>>)
    %get3A_236 = arith.constant 0 : i32
    %get3A_237 = arith.index_cast %get3A_236 : i32 to index
    %get3A_238 = arith.constant 112 : index
    %get3A_239 = tpu.vector_load %arg7[%get3A_237, %get3A_238] {strides = array<i32>} : memref<64x256xf32, #tpu.memory_space<vmem>>, vector<1x16xf32>,
    %get3A_240 = vector.shape_cast %get3A_239 : vector<1x16xf32> to vector<16xf32>
    %broadcast_in_dim3A_241 = arith.constant 0 : i32
    %broadcast_in_dim3A_242 = vector.broadcast %broadcast_in_dim3A_241 : i32 to vector<16xi32>
    %scan3A_243 = arith.constant 1 : i32
    %scan3A_244 = arith.constant 63 : i32
    %scan3A_245 = arith.addi %scan3A_243, %scan3A_244 : i32
    %scan3A_246 = arith.constant 9 : i32
    %scan3A_247:2 = scf.for %scan3A_569 = %scan3A_243 to %scan3A_245 step %scan3A_246 iter_args(%scan3A_570 = %get3A_240, %scan3A_571 = %broadcast_in_dim3A_242) -> (vector<16xf32>, vector<16xi32>)  : i32 {
      %get3A_572 = arith.index_cast %scan3A_569 : i32 to index
      %get3A_573 = arith.constant 112 : index
      %get3A_574 = tpu.vector_load %arg7[%get3A_572, %get3A_573] {strides = array<i32>} : memref<64x256xf32, #tpu.memory_space<vmem>>, vector<1x16xf32>,
      %get3A_575 = vector.shape_cast %get3A_574 : vector<1x16xf32> to vector<16xf32>
      %gt3A = arith.cmpf ogt, %get3A_575, %scan3A_570 : vector<16xf32>
      %select_n3A = arith.select %gt3A, %get3A_575, %scan3A_570 : vector<16xi1>, vector<16xf32>
      %broadcast_in_dim3A_576 = vector.broadcast %scan3A_569 : i32 to vector<16xi32>
      %select_n3A_577 = arith.select %gt3A, %broadcast_in_dim3A_576, %scan3A_571 : vector<16xi1>, vector<16xi32>
      %scan3A_578 = arith.constant 1 : i32
      %scan3A_579 = arith.addi %scan3A_569, %scan3A_578 : i32
      %get3A_580 = arith.index_cast %scan3A_579 : i32 to index
      %get3A_581 = arith.constant 112 : index
      %get3A_582 = tpu.vector_load %arg7[%get3A_580, %get3A_581] {strides = array<i32>} : memref<64x256xf32, #tpu.memory_space<vmem>>, vector<1x16xf32>,
      %get3A_583 = vector.shape_cast %get3A_582 : vector<1x16xf32> to vector<16xf32>
      %gt3A_584 = arith.cmpf ogt, %get3A_583, %select_n3A : vector<16xf32>
      %select_n3A_585 = arith.select %gt3A_584, %get3A_583, %select_n3A : vector<16xi1>, vector<16xf32>
      %broadcast_in_dim3A_586 = vector.broadcast %scan3A_579 : i32 to vector<16xi32>
      %select_n3A_587 = arith.select %gt3A_584, %broadcast_in_dim3A_586, %select_n3A_577 : vector<16xi1>, vector<16xi32>
      %scan3A_588 = arith.constant 2 : i32
      %scan3A_589 = arith.addi %scan3A_569, %scan3A_588 : i32
      %get3A_590 = arith.index_cast %scan3A_589 : i32 to index
      %get3A_591 = arith.constant 112 : index
      %get3A_592 = tpu.vector_load %arg7[%get3A_590, %get3A_591] {strides = array<i32>} : memref<64x256xf32, #tpu.memory_space<vmem>>, vector<1x16xf32>,
      %get3A_593 = vector.shape_cast %get3A_592 : vector<1x16xf32> to vector<16xf32>
      %gt3A_594 = arith.cmpf ogt, %get3A_593, %select_n3A_585 : vector<16xf32>
      %select_n3A_595 = arith.select %gt3A_594, %get3A_593, %select_n3A_585 : vector<16xi1>, vector<16xf32>
      %broadcast_in_dim3A_596 = vector.broadcast %scan3A_589 : i32 to vector<16xi32>
      %select_n3A_597 = arith.select %gt3A_594, %broadcast_in_dim3A_596, %select_n3A_587 : vector<16xi1>, vector<16xi32>
      %scan3A_598 = arith.constant 3 : i32
      %scan3A_599 = arith.addi %scan3A_569, %scan3A_598 : i32
      %get3A_600 = arith.index_cast %scan3A_599 : i32 to index
      %get3A_601 = arith.constant 112 : index
      %get3A_602 = tpu.vector_load %arg7[%get3A_600, %get3A_601] {strides = array<i32>} : memref<64x256xf32, #tpu.memory_space<vmem>>, vector<1x16xf32>,
      %get3A_603 = vector.shape_cast %get3A_602 : vector<1x16xf32> to vector<16xf32>
      %gt3A_604 = arith.cmpf ogt, %get3A_603, %select_n3A_595 : vector<16xf32>
      %select_n3A_605 = arith.select %gt3A_604, %get3A_603, %select_n3A_595 : vector<16xi1>, vector<16xf32>
      %broadcast_in_dim3A_606 = vector.broadcast %scan3A_599 : i32 to vector<16xi32>
      %select_n3A_607 = arith.select %gt3A_604, %broadcast_in_dim3A_606, %select_n3A_597 : vector<16xi1>, vector<16xi32>
      %scan3A_608 = arith.constant 4 : i32
      %scan3A_609 = arith.addi %scan3A_569, %scan3A_608 : i32
      %get3A_610 = arith.index_cast %scan3A_609 : i32 to index
      %get3A_611 = arith.constant 112 : index
      %get3A_612 = tpu.vector_load %arg7[%get3A_610, %get3A_611] {strides = array<i32>} : memref<64x256xf32, #tpu.memory_space<vmem>>, vector<1x16xf32>,
      %get3A_613 = vector.shape_cast %get3A_612 : vector<1x16xf32> to vector<16xf32>
      %gt3A_614 = arith.cmpf ogt, %get3A_613, %select_n3A_605 : vector<16xf32>
      %select_n3A_615 = arith.select %gt3A_614, %get3A_613, %select_n3A_605 : vector<16xi1>, vector<16xf32>
      %broadcast_in_dim3A_616 = vector.broadcast %scan3A_609 : i32 to vector<16xi32>
      %select_n3A_617 = arith.select %gt3A_614, %broadcast_in_dim3A_616, %select_n3A_607 : vector<16xi1>, vector<16xi32>
      %scan3A_618 = arith.constant 5 : i32
      %scan3A_619 = arith.addi %scan3A_569, %scan3A_618 : i32
      %get3A_620 = arith.index_cast %scan3A_619 : i32 to index
      %get3A_621 = arith.constant 112 : index
      %get3A_622 = tpu.vector_load %arg7[%get3A_620, %get3A_621] {strides = array<i32>} : memref<64x256xf32, #tpu.memory_space<vmem>>, vector<1x16xf32>,
      %get3A_623 = vector.shape_cast %get3A_622 : vector<1x16xf32> to vector<16xf32>
      %gt3A_624 = arith.cmpf ogt, %get3A_623, %select_n3A_615 : vector<16xf32>
      %select_n3A_625 = arith.select %gt3A_624, %get3A_623, %select_n3A_615 : vector<16xi1>, vector<16xf32>
      %broadcast_in_dim3A_626 = vector.broadcast %scan3A_619 : i32 to vector<16xi32>
      %select_n3A_627 = arith.select %gt3A_624, %broadcast_in_dim3A_626, %select_n3A_617 : vector<16xi1>, vector<16xi32>
      %scan3A_628 = arith.constant 6 : i32
      %scan3A_629 = arith.addi %scan3A_569, %scan3A_628 : i32
      %get3A_630 = arith.index_cast %scan3A_629 : i32 to index
      %get3A_631 = arith.constant 112 : index
      %get3A_632 = tpu.vector_load %arg7[%get3A_630, %get3A_631] {strides = array<i32>} : memref<64x256xf32, #tpu.memory_space<vmem>>, vector<1x16xf32>,
      %get3A_633 = vector.shape_cast %get3A_632 : vector<1x16xf32> to vector<16xf32>
      %gt3A_634 = arith.cmpf ogt, %get3A_633, %select_n3A_625 : vector<16xf32>
      %select_n3A_635 = arith.select %gt3A_634, %get3A_633, %select_n3A_625 : vector<16xi1>, vector<16xf32>
      %broadcast_in_dim3A_636 = vector.broadcast %scan3A_629 : i32 to vector<16xi32>
      %select_n3A_637 = arith.select %gt3A_634, %broadcast_in_dim3A_636, %select_n3A_627 : vector<16xi1>, vector<16xi32>
      %scan3A_638 = arith.constant 7 : i32
      %scan3A_639 = arith.addi %scan3A_569, %scan3A_638 : i32
      %get3A_640 = arith.index_cast %scan3A_639 : i32 to index
      %get3A_641 = arith.constant 112 : index
      %get3A_642 = tpu.vector_load %arg7[%get3A_640, %get3A_641] {strides = array<i32>} : memref<64x256xf32, #tpu.memory_space<vmem>>, vector<1x16xf32>,
      %get3A_643 = vector.shape_cast %get3A_642 : vector<1x16xf32> to vector<16xf32>
      %gt3A_644 = arith.cmpf ogt, %get3A_643, %select_n3A_635 : vector<16xf32>
      %select_n3A_645 = arith.select %gt3A_644, %get3A_643, %select_n3A_635 : vector<16xi1>, vector<16xf32>
      %broadcast_in_dim3A_646 = vector.broadcast %scan3A_639 : i32 to vector<16xi32>
      %select_n3A_647 = arith.select %gt3A_644, %broadcast_in_dim3A_646, %select_n3A_637 : vector<16xi1>, vector<16xi32>
      %scan3A_648 = arith.constant 8 : i32
      %scan3A_649 = arith.addi %scan3A_569, %scan3A_648 : i32
      %get3A_650 = arith.index_cast %scan3A_649 : i32 to index
      %get3A_651 = arith.constant 112 : index
      %get3A_652 = tpu.vector_load %arg7[%get3A_650, %get3A_651] {strides = array<i32>} : memref<64x256xf32, #tpu.memory_space<vmem>>, vector<1x16xf32>,
      %get3A_653 = vector.shape_cast %get3A_652 : vector<1x16xf32> to vector<16xf32>
      %gt3A_654 = arith.cmpf ogt, %get3A_653, %select_n3A_645 : vector<16xf32>
      %select_n3A_655 = arith.select %gt3A_654, %get3A_653, %select_n3A_645 : vector<16xi1>, vector<16xf32>
      %broadcast_in_dim3A_656 = vector.broadcast %scan3A_649 : i32 to vector<16xi32>
      %select_n3A_657 = arith.select %gt3A_654, %broadcast_in_dim3A_656, %select_n3A_647 : vector<16xi1>, vector<16xi32>
      scf.yield %select_n3A_655, %select_n3A_657 : vector<16xf32>, vector<16xi32>
    }
    %scan3A_248 = arith.constant 63 : i32
    %add3A_249 = arith.constant 112 : i32
    %add3A_250 = arith.addi %mul3A_2, %add3A_249 : i32
    %iota3A_251 = tpu.iota {dimensions = array<i32: 0>} : vector<16xi32>
    %add3A_252 = vector.broadcast %add3A_250 : i32 to vector<16xi32>
    %add3A_253 = arith.addi %add3A_252, %iota3A_251 : vector<16xi32>
    %mul3A_254 = arith.constant 64 : i32
    %mul3A_255 = vector.broadcast %mul3A_254 : i32 to vector<16xi32>
    %mul3A_256 = arith.muli %add3A_253, %mul3A_255 : vector<16xi32>
    %add3A_257 = arith.addi %mul3A_256, %scan3A_247#1 : vector<16xi32>
    %dma_start3A_258 = arith.constant 112 : i32
    %dma_start3A_259 = arith.constant 0 : i32
    %dma_start3A_260 = tpu.memref_slice %arg8[%dma_start3A_258, %dma_start3A_259] : memref<256x128xf32, #tpu.memory_space<vmem>> -> memref<16x128xf32, #tpu.memory_space<vmem>>
    %dma_start3A_261 = arith.constant 0 : i32
    %dma_start3A_262 = arith.constant 0 : i32
    %dma_start3A_263 = tpu.memref_slice %arg3[%dma_start3A_261, %dma_start3A_262] : memref<262144x128xf32, #tpu.memory_space<hbm>> -> memref<262144x128xf32, #tpu.memory_space<hbm>>
    tpu.enqueue_indirect_dma source(%dma_start3A_263 : memref<262144x128xf32, #tpu.memory_space<hbm>>) target(%dma_start3A_260 : memref<16x128xf32, #tpu.memory_space<vmem>>) offsets(%add3A_257 : vector<16xi32>) semaphore(%arg10 : memref<!tpu.dma_semaphore, #tpu.memory_space<semaphore_mem>>)
    %dma_start3A_264 = arith.constant 112 : i32
    %dma_start3A_265 = arith.constant 0 : i32
    %dma_start3A_266 = tpu.memref_slice %arg9[%dma_start3A_264, %dma_start3A_265] : memref<256x128xf32, #tpu.memory_space<vmem>> -> memref<16x128xf32, #tpu.memory_space<vmem>>
    %dma_start3A_267 = arith.constant 0 : i32
    %dma_start3A_268 = arith.constant 0 : i32
    %dma_start3A_269 = tpu.memref_slice %arg4[%dma_start3A_267, %dma_start3A_268] : memref<262144x128xf32, #tpu.memory_space<hbm>> -> memref<262144x128xf32, #tpu.memory_space<hbm>>
    tpu.enqueue_indirect_dma source(%dma_start3A_269 : memref<262144x128xf32, #tpu.memory_space<hbm>>) target(%dma_start3A_266 : memref<16x128xf32, #tpu.memory_space<vmem>>) offsets(%add3A_257 : vector<16xi32>) semaphore(%arg11 : memref<!tpu.dma_semaphore, #tpu.memory_space<semaphore_mem>>)
    %get3A_270 = arith.constant 0 : i32
    %get3A_271 = arith.index_cast %get3A_270 : i32 to index
    %get3A_272 = arith.constant 128 : index
    %get3A_273 = tpu.vector_load %arg7[%get3A_271, %get3A_272] {strides = array<i32>} : memref<64x256xf32, #tpu.memory_space<vmem>>, vector<1x16xf32>,
    %get3A_274 = vector.shape_cast %get3A_273 : vector<1x16xf32> to vector<16xf32>
    %broadcast_in_dim3A_275 = arith.constant 0 : i32
    %broadcast_in_dim3A_276 = vector.broadcast %broadcast_in_dim3A_275 : i32 to vector<16xi32>
    %scan3A_277 = arith.constant 1 : i32
    %scan3A_278 = arith.constant 63 : i32
    %scan3A_279 = arith.addi %scan3A_277, %scan3A_278 : i32
    %scan3A_280 = arith.constant 9 : i32
    %scan3A_281:2 = scf.for %scan3A_569 = %scan3A_277 to %scan3A_279 step %scan3A_280 iter_args(%scan3A_570 = %get3A_274, %scan3A_571 = %broadcast_in_dim3A_276) -> (vector<16xf32>, vector<16xi32>)  : i32 {
      %get3A_572 = arith.index_cast %scan3A_569 : i32 to index
      %get3A_573 = arith.constant 128 : index
      %get3A_574 = tpu.vector_load %arg7[%get3A_572, %get3A_573] {strides = array<i32>} : memref<64x256xf32, #tpu.memory_space<vmem>>, vector<1x16xf32>,
      %get3A_575 = vector.shape_cast %get3A_574 : vector<1x16xf32> to vector<16xf32>
      %gt3A = arith.cmpf ogt, %get3A_575, %scan3A_570 : vector<16xf32>
      %select_n3A = arith.select %gt3A, %get3A_575, %scan3A_570 : vector<16xi1>, vector<16xf32>
      %broadcast_in_dim3A_576 = vector.broadcast %scan3A_569 : i32 to vector<16xi32>
      %select_n3A_577 = arith.select %gt3A, %broadcast_in_dim3A_576, %scan3A_571 : vector<16xi1>, vector<16xi32>
      %scan3A_578 = arith.constant 1 : i32
      %scan3A_579 = arith.addi %scan3A_569, %scan3A_578 : i32
      %get3A_580 = arith.index_cast %scan3A_579 : i32 to index
      %get3A_581 = arith.constant 128 : index
      %get3A_582 = tpu.vector_load %arg7[%get3A_580, %get3A_581] {strides = array<i32>} : memref<64x256xf32, #tpu.memory_space<vmem>>, vector<1x16xf32>,
      %get3A_583 = vector.shape_cast %get3A_582 : vector<1x16xf32> to vector<16xf32>
      %gt3A_584 = arith.cmpf ogt, %get3A_583, %select_n3A : vector<16xf32>
      %select_n3A_585 = arith.select %gt3A_584, %get3A_583, %select_n3A : vector<16xi1>, vector<16xf32>
      %broadcast_in_dim3A_586 = vector.broadcast %scan3A_579 : i32 to vector<16xi32>
      %select_n3A_587 = arith.select %gt3A_584, %broadcast_in_dim3A_586, %select_n3A_577 : vector<16xi1>, vector<16xi32>
      %scan3A_588 = arith.constant 2 : i32
      %scan3A_589 = arith.addi %scan3A_569, %scan3A_588 : i32
      %get3A_590 = arith.index_cast %scan3A_589 : i32 to index
      %get3A_591 = arith.constant 128 : index
      %get3A_592 = tpu.vector_load %arg7[%get3A_590, %get3A_591] {strides = array<i32>} : memref<64x256xf32, #tpu.memory_space<vmem>>, vector<1x16xf32>,
      %get3A_593 = vector.shape_cast %get3A_592 : vector<1x16xf32> to vector<16xf32>
      %gt3A_594 = arith.cmpf ogt, %get3A_593, %select_n3A_585 : vector<16xf32>
      %select_n3A_595 = arith.select %gt3A_594, %get3A_593, %select_n3A_585 : vector<16xi1>, vector<16xf32>
      %broadcast_in_dim3A_596 = vector.broadcast %scan3A_589 : i32 to vector<16xi32>
      %select_n3A_597 = arith.select %gt3A_594, %broadcast_in_dim3A_596, %select_n3A_587 : vector<16xi1>, vector<16xi32>
      %scan3A_598 = arith.constant 3 : i32
      %scan3A_599 = arith.addi %scan3A_569, %scan3A_598 : i32
      %get3A_600 = arith.index_cast %scan3A_599 : i32 to index
      %get3A_601 = arith.constant 128 : index
      %get3A_602 = tpu.vector_load %arg7[%get3A_600, %get3A_601] {strides = array<i32>} : memref<64x256xf32, #tpu.memory_space<vmem>>, vector<1x16xf32>,
      %get3A_603 = vector.shape_cast %get3A_602 : vector<1x16xf32> to vector<16xf32>
      %gt3A_604 = arith.cmpf ogt, %get3A_603, %select_n3A_595 : vector<16xf32>
      %select_n3A_605 = arith.select %gt3A_604, %get3A_603, %select_n3A_595 : vector<16xi1>, vector<16xf32>
      %broadcast_in_dim3A_606 = vector.broadcast %scan3A_599 : i32 to vector<16xi32>
      %select_n3A_607 = arith.select %gt3A_604, %broadcast_in_dim3A_606, %select_n3A_597 : vector<16xi1>, vector<16xi32>
      %scan3A_608 = arith.constant 4 : i32
      %scan3A_609 = arith.addi %scan3A_569, %scan3A_608 : i32
      %get3A_610 = arith.index_cast %scan3A_609 : i32 to index
      %get3A_611 = arith.constant 128 : index
      %get3A_612 = tpu.vector_load %arg7[%get3A_610, %get3A_611] {strides = array<i32>} : memref<64x256xf32, #tpu.memory_space<vmem>>, vector<1x16xf32>,
      %get3A_613 = vector.shape_cast %get3A_612 : vector<1x16xf32> to vector<16xf32>
      %gt3A_614 = arith.cmpf ogt, %get3A_613, %select_n3A_605 : vector<16xf32>
      %select_n3A_615 = arith.select %gt3A_614, %get3A_613, %select_n3A_605 : vector<16xi1>, vector<16xf32>
      %broadcast_in_dim3A_616 = vector.broadcast %scan3A_609 : i32 to vector<16xi32>
      %select_n3A_617 = arith.select %gt3A_614, %broadcast_in_dim3A_616, %select_n3A_607 : vector<16xi1>, vector<16xi32>
      %scan3A_618 = arith.constant 5 : i32
      %scan3A_619 = arith.addi %scan3A_569, %scan3A_618 : i32
      %get3A_620 = arith.index_cast %scan3A_619 : i32 to index
      %get3A_621 = arith.constant 128 : index
      %get3A_622 = tpu.vector_load %arg7[%get3A_620, %get3A_621] {strides = array<i32>} : memref<64x256xf32, #tpu.memory_space<vmem>>, vector<1x16xf32>,
      %get3A_623 = vector.shape_cast %get3A_622 : vector<1x16xf32> to vector<16xf32>
      %gt3A_624 = arith.cmpf ogt, %get3A_623, %select_n3A_615 : vector<16xf32>
      %select_n3A_625 = arith.select %gt3A_624, %get3A_623, %select_n3A_615 : vector<16xi1>, vector<16xf32>
      %broadcast_in_dim3A_626 = vector.broadcast %scan3A_619 : i32 to vector<16xi32>
      %select_n3A_627 = arith.select %gt3A_624, %broadcast_in_dim3A_626, %select_n3A_617 : vector<16xi1>, vector<16xi32>
      %scan3A_628 = arith.constant 6 : i32
      %scan3A_629 = arith.addi %scan3A_569, %scan3A_628 : i32
      %get3A_630 = arith.index_cast %scan3A_629 : i32 to index
      %get3A_631 = arith.constant 128 : index
      %get3A_632 = tpu.vector_load %arg7[%get3A_630, %get3A_631] {strides = array<i32>} : memref<64x256xf32, #tpu.memory_space<vmem>>, vector<1x16xf32>,
      %get3A_633 = vector.shape_cast %get3A_632 : vector<1x16xf32> to vector<16xf32>
      %gt3A_634 = arith.cmpf ogt, %get3A_633, %select_n3A_625 : vector<16xf32>
      %select_n3A_635 = arith.select %gt3A_634, %get3A_633, %select_n3A_625 : vector<16xi1>, vector<16xf32>
      %broadcast_in_dim3A_636 = vector.broadcast %scan3A_629 : i32 to vector<16xi32>
      %select_n3A_637 = arith.select %gt3A_634, %broadcast_in_dim3A_636, %select_n3A_627 : vector<16xi1>, vector<16xi32>
      %scan3A_638 = arith.constant 7 : i32
      %scan3A_639 = arith.addi %scan3A_569, %scan3A_638 : i32
      %get3A_640 = arith.index_cast %scan3A_639 : i32 to index
      %get3A_641 = arith.constant 128 : index
      %get3A_642 = tpu.vector_load %arg7[%get3A_640, %get3A_641] {strides = array<i32>} : memref<64x256xf32, #tpu.memory_space<vmem>>, vector<1x16xf32>,
      %get3A_643 = vector.shape_cast %get3A_642 : vector<1x16xf32> to vector<16xf32>
      %gt3A_644 = arith.cmpf ogt, %get3A_643, %select_n3A_635 : vector<16xf32>
      %select_n3A_645 = arith.select %gt3A_644, %get3A_643, %select_n3A_635 : vector<16xi1>, vector<16xf32>
      %broadcast_in_dim3A_646 = vector.broadcast %scan3A_639 : i32 to vector<16xi32>
      %select_n3A_647 = arith.select %gt3A_644, %broadcast_in_dim3A_646, %select_n3A_637 : vector<16xi1>, vector<16xi32>
      %scan3A_648 = arith.constant 8 : i32
      %scan3A_649 = arith.addi %scan3A_569, %scan3A_648 : i32
      %get3A_650 = arith.index_cast %scan3A_649 : i32 to index
      %get3A_651 = arith.constant 128 : index
      %get3A_652 = tpu.vector_load %arg7[%get3A_650, %get3A_651] {strides = array<i32>} : memref<64x256xf32, #tpu.memory_space<vmem>>, vector<1x16xf32>,
      %get3A_653 = vector.shape_cast %get3A_652 : vector<1x16xf32> to vector<16xf32>
      %gt3A_654 = arith.cmpf ogt, %get3A_653, %select_n3A_645 : vector<16xf32>
      %select_n3A_655 = arith.select %gt3A_654, %get3A_653, %select_n3A_645 : vector<16xi1>, vector<16xf32>
      %broadcast_in_dim3A_656 = vector.broadcast %scan3A_649 : i32 to vector<16xi32>
      %select_n3A_657 = arith.select %gt3A_654, %broadcast_in_dim3A_656, %select_n3A_647 : vector<16xi1>, vector<16xi32>
      scf.yield %select_n3A_655, %select_n3A_657 : vector<16xf32>, vector<16xi32>
    }
    %scan3A_282 = arith.constant 63 : i32
    %add3A_283 = arith.constant 128 : i32
    %add3A_284 = arith.addi %mul3A_2, %add3A_283 : i32
    %iota3A_285 = tpu.iota {dimensions = array<i32: 0>} : vector<16xi32>
    %add3A_286 = vector.broadcast %add3A_284 : i32 to vector<16xi32>
    %add3A_287 = arith.addi %add3A_286, %iota3A_285 : vector<16xi32>
    %mul3A_288 = arith.constant 64 : i32
    %mul3A_289 = vector.broadcast %mul3A_288 : i32 to vector<16xi32>
    %mul3A_290 = arith.muli %add3A_287, %mul3A_289 : vector<16xi32>
    %add3A_291 = arith.addi %mul3A_290, %scan3A_281#1 : vector<16xi32>
    %dma_start3A_292 = arith.constant 128 : i32
    %dma_start3A_293 = arith.constant 0 : i32
    %dma_start3A_294 = tpu.memref_slice %arg8[%dma_start3A_292, %dma_start3A_293] : memref<256x128xf32, #tpu.memory_space<vmem>> -> memref<16x128xf32, #tpu.memory_space<vmem>>
    %dma_start3A_295 = arith.constant 0 : i32
    %dma_start3A_296 = arith.constant 0 : i32
    %dma_start3A_297 = tpu.memref_slice %arg3[%dma_start3A_295, %dma_start3A_296] : memref<262144x128xf32, #tpu.memory_space<hbm>> -> memref<262144x128xf32, #tpu.memory_space<hbm>>
    tpu.enqueue_indirect_dma source(%dma_start3A_297 : memref<262144x128xf32, #tpu.memory_space<hbm>>) target(%dma_start3A_294 : memref<16x128xf32, #tpu.memory_space<vmem>>) offsets(%add3A_291 : vector<16xi32>) semaphore(%arg10 : memref<!tpu.dma_semaphore, #tpu.memory_space<semaphore_mem>>)
    %dma_start3A_298 = arith.constant 128 : i32
    %dma_start3A_299 = arith.constant 0 : i32
    %dma_start3A_300 = tpu.memref_slice %arg9[%dma_start3A_298, %dma_start3A_299] : memref<256x128xf32, #tpu.memory_space<vmem>> -> memref<16x128xf32, #tpu.memory_space<vmem>>
    %dma_start3A_301 = arith.constant 0 : i32
    %dma_start3A_302 = arith.constant 0 : i32
    %dma_start3A_303 = tpu.memref_slice %arg4[%dma_start3A_301, %dma_start3A_302] : memref<262144x128xf32, #tpu.memory_space<hbm>> -> memref<262144x128xf32, #tpu.memory_space<hbm>>
    tpu.enqueue_indirect_dma source(%dma_start3A_303 : memref<262144x128xf32, #tpu.memory_space<hbm>>) target(%dma_start3A_300 : memref<16x128xf32, #tpu.memory_space<vmem>>) offsets(%add3A_291 : vector<16xi32>) semaphore(%arg11 : memref<!tpu.dma_semaphore, #tpu.memory_space<semaphore_mem>>)
    %get3A_304 = arith.constant 0 : i32
    %get3A_305 = arith.index_cast %get3A_304 : i32 to index
    %get3A_306 = arith.constant 144 : index
    %get3A_307 = tpu.vector_load %arg7[%get3A_305, %get3A_306] {strides = array<i32>} : memref<64x256xf32, #tpu.memory_space<vmem>>, vector<1x16xf32>,
    %get3A_308 = vector.shape_cast %get3A_307 : vector<1x16xf32> to vector<16xf32>
    %broadcast_in_dim3A_309 = arith.constant 0 : i32
    %broadcast_in_dim3A_310 = vector.broadcast %broadcast_in_dim3A_309 : i32 to vector<16xi32>
    %scan3A_311 = arith.constant 1 : i32
    %scan3A_312 = arith.constant 63 : i32
    %scan3A_313 = arith.addi %scan3A_311, %scan3A_312 : i32
    %scan3A_314 = arith.constant 9 : i32
    %scan3A_315:2 = scf.for %scan3A_569 = %scan3A_311 to %scan3A_313 step %scan3A_314 iter_args(%scan3A_570 = %get3A_308, %scan3A_571 = %broadcast_in_dim3A_310) -> (vector<16xf32>, vector<16xi32>)  : i32 {
      %get3A_572 = arith.index_cast %scan3A_569 : i32 to index
      %get3A_573 = arith.constant 144 : index
      %get3A_574 = tpu.vector_load %arg7[%get3A_572, %get3A_573] {strides = array<i32>} : memref<64x256xf32, #tpu.memory_space<vmem>>, vector<1x16xf32>,
      %get3A_575 = vector.shape_cast %get3A_574 : vector<1x16xf32> to vector<16xf32>
      %gt3A = arith.cmpf ogt, %get3A_575, %scan3A_570 : vector<16xf32>
      %select_n3A = arith.select %gt3A, %get3A_575, %scan3A_570 : vector<16xi1>, vector<16xf32>
      %broadcast_in_dim3A_576 = vector.broadcast %scan3A_569 : i32 to vector<16xi32>
      %select_n3A_577 = arith.select %gt3A, %broadcast_in_dim3A_576, %scan3A_571 : vector<16xi1>, vector<16xi32>
      %scan3A_578 = arith.constant 1 : i32
      %scan3A_579 = arith.addi %scan3A_569, %scan3A_578 : i32
      %get3A_580 = arith.index_cast %scan3A_579 : i32 to index
      %get3A_581 = arith.constant 144 : index
      %get3A_582 = tpu.vector_load %arg7[%get3A_580, %get3A_581] {strides = array<i32>} : memref<64x256xf32, #tpu.memory_space<vmem>>, vector<1x16xf32>,
      %get3A_583 = vector.shape_cast %get3A_582 : vector<1x16xf32> to vector<16xf32>
      %gt3A_584 = arith.cmpf ogt, %get3A_583, %select_n3A : vector<16xf32>
      %select_n3A_585 = arith.select %gt3A_584, %get3A_583, %select_n3A : vector<16xi1>, vector<16xf32>
      %broadcast_in_dim3A_586 = vector.broadcast %scan3A_579 : i32 to vector<16xi32>
      %select_n3A_587 = arith.select %gt3A_584, %broadcast_in_dim3A_586, %select_n3A_577 : vector<16xi1>, vector<16xi32>
      %scan3A_588 = arith.constant 2 : i32
      %scan3A_589 = arith.addi %scan3A_569, %scan3A_588 : i32
      %get3A_590 = arith.index_cast %scan3A_589 : i32 to index
      %get3A_591 = arith.constant 144 : index
      %get3A_592 = tpu.vector_load %arg7[%get3A_590, %get3A_591] {strides = array<i32>} : memref<64x256xf32, #tpu.memory_space<vmem>>, vector<1x16xf32>,
      %get3A_593 = vector.shape_cast %get3A_592 : vector<1x16xf32> to vector<16xf32>
      %gt3A_594 = arith.cmpf ogt, %get3A_593, %select_n3A_585 : vector<16xf32>
      %select_n3A_595 = arith.select %gt3A_594, %get3A_593, %select_n3A_585 : vector<16xi1>, vector<16xf32>
      %broadcast_in_dim3A_596 = vector.broadcast %scan3A_589 : i32 to vector<16xi32>
      %select_n3A_597 = arith.select %gt3A_594, %broadcast_in_dim3A_596, %select_n3A_587 : vector<16xi1>, vector<16xi32>
      %scan3A_598 = arith.constant 3 : i32
      %scan3A_599 = arith.addi %scan3A_569, %scan3A_598 : i32
      %get3A_600 = arith.index_cast %scan3A_599 : i32 to index
      %get3A_601 = arith.constant 144 : index
      %get3A_602 = tpu.vector_load %arg7[%get3A_600, %get3A_601] {strides = array<i32>} : memref<64x256xf32, #tpu.memory_space<vmem>>, vector<1x16xf32>,
      %get3A_603 = vector.shape_cast %get3A_602 : vector<1x16xf32> to vector<16xf32>
      %gt3A_604 = arith.cmpf ogt, %get3A_603, %select_n3A_595 : vector<16xf32>
      %select_n3A_605 = arith.select %gt3A_604, %get3A_603, %select_n3A_595 : vector<16xi1>, vector<16xf32>
      %broadcast_in_dim3A_606 = vector.broadcast %scan3A_599 : i32 to vector<16xi32>
      %select_n3A_607 = arith.select %gt3A_604, %broadcast_in_dim3A_606, %select_n3A_597 : vector<16xi1>, vector<16xi32>
      %scan3A_608 = arith.constant 4 : i32
      %scan3A_609 = arith.addi %scan3A_569, %scan3A_608 : i32
      %get3A_610 = arith.index_cast %scan3A_609 : i32 to index
      %get3A_611 = arith.constant 144 : index
      %get3A_612 = tpu.vector_load %arg7[%get3A_610, %get3A_611] {strides = array<i32>} : memref<64x256xf32, #tpu.memory_space<vmem>>, vector<1x16xf32>,
      %get3A_613 = vector.shape_cast %get3A_612 : vector<1x16xf32> to vector<16xf32>
      %gt3A_614 = arith.cmpf ogt, %get3A_613, %select_n3A_605 : vector<16xf32>
      %select_n3A_615 = arith.select %gt3A_614, %get3A_613, %select_n3A_605 : vector<16xi1>, vector<16xf32>
      %broadcast_in_dim3A_616 = vector.broadcast %scan3A_609 : i32 to vector<16xi32>
      %select_n3A_617 = arith.select %gt3A_614, %broadcast_in_dim3A_616, %select_n3A_607 : vector<16xi1>, vector<16xi32>
      %scan3A_618 = arith.constant 5 : i32
      %scan3A_619 = arith.addi %scan3A_569, %scan3A_618 : i32
      %get3A_620 = arith.index_cast %scan3A_619 : i32 to index
      %get3A_621 = arith.constant 144 : index
      %get3A_622 = tpu.vector_load %arg7[%get3A_620, %get3A_621] {strides = array<i32>} : memref<64x256xf32, #tpu.memory_space<vmem>>, vector<1x16xf32>,
      %get3A_623 = vector.shape_cast %get3A_622 : vector<1x16xf32> to vector<16xf32>
      %gt3A_624 = arith.cmpf ogt, %get3A_623, %select_n3A_615 : vector<16xf32>
      %select_n3A_625 = arith.select %gt3A_624, %get3A_623, %select_n3A_615 : vector<16xi1>, vector<16xf32>
      %broadcast_in_dim3A_626 = vector.broadcast %scan3A_619 : i32 to vector<16xi32>
      %select_n3A_627 = arith.select %gt3A_624, %broadcast_in_dim3A_626, %select_n3A_617 : vector<16xi1>, vector<16xi32>
      %scan3A_628 = arith.constant 6 : i32
      %scan3A_629 = arith.addi %scan3A_569, %scan3A_628 : i32
      %get3A_630 = arith.index_cast %scan3A_629 : i32 to index
      %get3A_631 = arith.constant 144 : index
      %get3A_632 = tpu.vector_load %arg7[%get3A_630, %get3A_631] {strides = array<i32>} : memref<64x256xf32, #tpu.memory_space<vmem>>, vector<1x16xf32>,
      %get3A_633 = vector.shape_cast %get3A_632 : vector<1x16xf32> to vector<16xf32>
      %gt3A_634 = arith.cmpf ogt, %get3A_633, %select_n3A_625 : vector<16xf32>
      %select_n3A_635 = arith.select %gt3A_634, %get3A_633, %select_n3A_625 : vector<16xi1>, vector<16xf32>
      %broadcast_in_dim3A_636 = vector.broadcast %scan3A_629 : i32 to vector<16xi32>
      %select_n3A_637 = arith.select %gt3A_634, %broadcast_in_dim3A_636, %select_n3A_627 : vector<16xi1>, vector<16xi32>
      %scan3A_638 = arith.constant 7 : i32
      %scan3A_639 = arith.addi %scan3A_569, %scan3A_638 : i32
      %get3A_640 = arith.index_cast %scan3A_639 : i32 to index
      %get3A_641 = arith.constant 144 : index
      %get3A_642 = tpu.vector_load %arg7[%get3A_640, %get3A_641] {strides = array<i32>} : memref<64x256xf32, #tpu.memory_space<vmem>>, vector<1x16xf32>,
      %get3A_643 = vector.shape_cast %get3A_642 : vector<1x16xf32> to vector<16xf32>
      %gt3A_644 = arith.cmpf ogt, %get3A_643, %select_n3A_635 : vector<16xf32>
      %select_n3A_645 = arith.select %gt3A_644, %get3A_643, %select_n3A_635 : vector<16xi1>, vector<16xf32>
      %broadcast_in_dim3A_646 = vector.broadcast %scan3A_639 : i32 to vector<16xi32>
      %select_n3A_647 = arith.select %gt3A_644, %broadcast_in_dim3A_646, %select_n3A_637 : vector<16xi1>, vector<16xi32>
      %scan3A_648 = arith.constant 8 : i32
      %scan3A_649 = arith.addi %scan3A_569, %scan3A_648 : i32
      %get3A_650 = arith.index_cast %scan3A_649 : i32 to index
      %get3A_651 = arith.constant 144 : index
      %get3A_652 = tpu.vector_load %arg7[%get3A_650, %get3A_651] {strides = array<i32>} : memref<64x256xf32, #tpu.memory_space<vmem>>, vector<1x16xf32>,
      %get3A_653 = vector.shape_cast %get3A_652 : vector<1x16xf32> to vector<16xf32>
      %gt3A_654 = arith.cmpf ogt, %get3A_653, %select_n3A_645 : vector<16xf32>
      %select_n3A_655 = arith.select %gt3A_654, %get3A_653, %select_n3A_645 : vector<16xi1>, vector<16xf32>
      %broadcast_in_dim3A_656 = vector.broadcast %scan3A_649 : i32 to vector<16xi32>
      %select_n3A_657 = arith.select %gt3A_654, %broadcast_in_dim3A_656, %select_n3A_647 : vector<16xi1>, vector<16xi32>
      scf.yield %select_n3A_655, %select_n3A_657 : vector<16xf32>, vector<16xi32>
    }
    %scan3A_316 = arith.constant 63 : i32
    %add3A_317 = arith.constant 144 : i32
    %add3A_318 = arith.addi %mul3A_2, %add3A_317 : i32
    %iota3A_319 = tpu.iota {dimensions = array<i32: 0>} : vector<16xi32>
    %add3A_320 = vector.broadcast %add3A_318 : i32 to vector<16xi32>
    %add3A_321 = arith.addi %add3A_320, %iota3A_319 : vector<16xi32>
    %mul3A_322 = arith.constant 64 : i32
    %mul3A_323 = vector.broadcast %mul3A_322 : i32 to vector<16xi32>
    %mul3A_324 = arith.muli %add3A_321, %mul3A_323 : vector<16xi32>
    %add3A_325 = arith.addi %mul3A_324, %scan3A_315#1 : vector<16xi32>
    %dma_start3A_326 = arith.constant 144 : i32
    %dma_start3A_327 = arith.constant 0 : i32
    %dma_start3A_328 = tpu.memref_slice %arg8[%dma_start3A_326, %dma_start3A_327] : memref<256x128xf32, #tpu.memory_space<vmem>> -> memref<16x128xf32, #tpu.memory_space<vmem>>
    %dma_start3A_329 = arith.constant 0 : i32
    %dma_start3A_330 = arith.constant 0 : i32
    %dma_start3A_331 = tpu.memref_slice %arg3[%dma_start3A_329, %dma_start3A_330] : memref<262144x128xf32, #tpu.memory_space<hbm>> -> memref<262144x128xf32, #tpu.memory_space<hbm>>
    tpu.enqueue_indirect_dma source(%dma_start3A_331 : memref<262144x128xf32, #tpu.memory_space<hbm>>) target(%dma_start3A_328 : memref<16x128xf32, #tpu.memory_space<vmem>>) offsets(%add3A_325 : vector<16xi32>) semaphore(%arg10 : memref<!tpu.dma_semaphore, #tpu.memory_space<semaphore_mem>>)
    %dma_start3A_332 = arith.constant 144 : i32
    %dma_start3A_333 = arith.constant 0 : i32
    %dma_start3A_334 = tpu.memref_slice %arg9[%dma_start3A_332, %dma_start3A_333] : memref<256x128xf32, #tpu.memory_space<vmem>> -> memref<16x128xf32, #tpu.memory_space<vmem>>
    %dma_start3A_335 = arith.constant 0 : i32
    %dma_start3A_336 = arith.constant 0 : i32
    %dma_start3A_337 = tpu.memref_slice %arg4[%dma_start3A_335, %dma_start3A_336] : memref<262144x128xf32, #tpu.memory_space<hbm>> -> memref<262144x128xf32, #tpu.memory_space<hbm>>
    tpu.enqueue_indirect_dma source(%dma_start3A_337 : memref<262144x128xf32, #tpu.memory_space<hbm>>) target(%dma_start3A_334 : memref<16x128xf32, #tpu.memory_space<vmem>>) offsets(%add3A_325 : vector<16xi32>) semaphore(%arg11 : memref<!tpu.dma_semaphore, #tpu.memory_space<semaphore_mem>>)
    %get3A_338 = arith.constant 0 : i32
    %get3A_339 = arith.index_cast %get3A_338 : i32 to index
    %get3A_340 = arith.constant 160 : index
    %get3A_341 = tpu.vector_load %arg7[%get3A_339, %get3A_340] {strides = array<i32>} : memref<64x256xf32, #tpu.memory_space<vmem>>, vector<1x16xf32>,
    %get3A_342 = vector.shape_cast %get3A_341 : vector<1x16xf32> to vector<16xf32>
    %broadcast_in_dim3A_343 = arith.constant 0 : i32
    %broadcast_in_dim3A_344 = vector.broadcast %broadcast_in_dim3A_343 : i32 to vector<16xi32>
    %scan3A_345 = arith.constant 1 : i32
    %scan3A_346 = arith.constant 63 : i32
    %scan3A_347 = arith.addi %scan3A_345, %scan3A_346 : i32
    %scan3A_348 = arith.constant 9 : i32
    %scan3A_349:2 = scf.for %scan3A_569 = %scan3A_345 to %scan3A_347 step %scan3A_348 iter_args(%scan3A_570 = %get3A_342, %scan3A_571 = %broadcast_in_dim3A_344) -> (vector<16xf32>, vector<16xi32>)  : i32 {
      %get3A_572 = arith.index_cast %scan3A_569 : i32 to index
      %get3A_573 = arith.constant 160 : index
      %get3A_574 = tpu.vector_load %arg7[%get3A_572, %get3A_573] {strides = array<i32>} : memref<64x256xf32, #tpu.memory_space<vmem>>, vector<1x16xf32>,
      %get3A_575 = vector.shape_cast %get3A_574 : vector<1x16xf32> to vector<16xf32>
      %gt3A = arith.cmpf ogt, %get3A_575, %scan3A_570 : vector<16xf32>
      %select_n3A = arith.select %gt3A, %get3A_575, %scan3A_570 : vector<16xi1>, vector<16xf32>
      %broadcast_in_dim3A_576 = vector.broadcast %scan3A_569 : i32 to vector<16xi32>
      %select_n3A_577 = arith.select %gt3A, %broadcast_in_dim3A_576, %scan3A_571 : vector<16xi1>, vector<16xi32>
      %scan3A_578 = arith.constant 1 : i32
      %scan3A_579 = arith.addi %scan3A_569, %scan3A_578 : i32
      %get3A_580 = arith.index_cast %scan3A_579 : i32 to index
      %get3A_581 = arith.constant 160 : index
      %get3A_582 = tpu.vector_load %arg7[%get3A_580, %get3A_581] {strides = array<i32>} : memref<64x256xf32, #tpu.memory_space<vmem>>, vector<1x16xf32>,
      %get3A_583 = vector.shape_cast %get3A_582 : vector<1x16xf32> to vector<16xf32>
      %gt3A_584 = arith.cmpf ogt, %get3A_583, %select_n3A : vector<16xf32>
      %select_n3A_585 = arith.select %gt3A_584, %get3A_583, %select_n3A : vector<16xi1>, vector<16xf32>
      %broadcast_in_dim3A_586 = vector.broadcast %scan3A_579 : i32 to vector<16xi32>
      %select_n3A_587 = arith.select %gt3A_584, %broadcast_in_dim3A_586, %select_n3A_577 : vector<16xi1>, vector<16xi32>
      %scan3A_588 = arith.constant 2 : i32
      %scan3A_589 = arith.addi %scan3A_569, %scan3A_588 : i32
      %get3A_590 = arith.index_cast %scan3A_589 : i32 to index
      %get3A_591 = arith.constant 160 : index
      %get3A_592 = tpu.vector_load %arg7[%get3A_590, %get3A_591] {strides = array<i32>} : memref<64x256xf32, #tpu.memory_space<vmem>>, vector<1x16xf32>,
      %get3A_593 = vector.shape_cast %get3A_592 : vector<1x16xf32> to vector<16xf32>
      %gt3A_594 = arith.cmpf ogt, %get3A_593, %select_n3A_585 : vector<16xf32>
      %select_n3A_595 = arith.select %gt3A_594, %get3A_593, %select_n3A_585 : vector<16xi1>, vector<16xf32>
      %broadcast_in_dim3A_596 = vector.broadcast %scan3A_589 : i32 to vector<16xi32>
      %select_n3A_597 = arith.select %gt3A_594, %broadcast_in_dim3A_596, %select_n3A_587 : vector<16xi1>, vector<16xi32>
      %scan3A_598 = arith.constant 3 : i32
      %scan3A_599 = arith.addi %scan3A_569, %scan3A_598 : i32
      %get3A_600 = arith.index_cast %scan3A_599 : i32 to index
      %get3A_601 = arith.constant 160 : index
      %get3A_602 = tpu.vector_load %arg7[%get3A_600, %get3A_601] {strides = array<i32>} : memref<64x256xf32, #tpu.memory_space<vmem>>, vector<1x16xf32>,
      %get3A_603 = vector.shape_cast %get3A_602 : vector<1x16xf32> to vector<16xf32>
      %gt3A_604 = arith.cmpf ogt, %get3A_603, %select_n3A_595 : vector<16xf32>
      %select_n3A_605 = arith.select %gt3A_604, %get3A_603, %select_n3A_595 : vector<16xi1>, vector<16xf32>
      %broadcast_in_dim3A_606 = vector.broadcast %scan3A_599 : i32 to vector<16xi32>
      %select_n3A_607 = arith.select %gt3A_604, %broadcast_in_dim3A_606, %select_n3A_597 : vector<16xi1>, vector<16xi32>
      %scan3A_608 = arith.constant 4 : i32
      %scan3A_609 = arith.addi %scan3A_569, %scan3A_608 : i32
      %get3A_610 = arith.index_cast %scan3A_609 : i32 to index
      %get3A_611 = arith.constant 160 : index
      %get3A_612 = tpu.vector_load %arg7[%get3A_610, %get3A_611] {strides = array<i32>} : memref<64x256xf32, #tpu.memory_space<vmem>>, vector<1x16xf32>,
      %get3A_613 = vector.shape_cast %get3A_612 : vector<1x16xf32> to vector<16xf32>
      %gt3A_614 = arith.cmpf ogt, %get3A_613, %select_n3A_605 : vector<16xf32>
      %select_n3A_615 = arith.select %gt3A_614, %get3A_613, %select_n3A_605 : vector<16xi1>, vector<16xf32>
      %broadcast_in_dim3A_616 = vector.broadcast %scan3A_609 : i32 to vector<16xi32>
      %select_n3A_617 = arith.select %gt3A_614, %broadcast_in_dim3A_616, %select_n3A_607 : vector<16xi1>, vector<16xi32>
      %scan3A_618 = arith.constant 5 : i32
      %scan3A_619 = arith.addi %scan3A_569, %scan3A_618 : i32
      %get3A_620 = arith.index_cast %scan3A_619 : i32 to index
      %get3A_621 = arith.constant 160 : index
      %get3A_622 = tpu.vector_load %arg7[%get3A_620, %get3A_621] {strides = array<i32>} : memref<64x256xf32, #tpu.memory_space<vmem>>, vector<1x16xf32>,
      %get3A_623 = vector.shape_cast %get3A_622 : vector<1x16xf32> to vector<16xf32>
      %gt3A_624 = arith.cmpf ogt, %get3A_623, %select_n3A_615 : vector<16xf32>
      %select_n3A_625 = arith.select %gt3A_624, %get3A_623, %select_n3A_615 : vector<16xi1>, vector<16xf32>
      %broadcast_in_dim3A_626 = vector.broadcast %scan3A_619 : i32 to vector<16xi32>
      %select_n3A_627 = arith.select %gt3A_624, %broadcast_in_dim3A_626, %select_n3A_617 : vector<16xi1>, vector<16xi32>
      %scan3A_628 = arith.constant 6 : i32
      %scan3A_629 = arith.addi %scan3A_569, %scan3A_628 : i32
      %get3A_630 = arith.index_cast %scan3A_629 : i32 to index
      %get3A_631 = arith.constant 160 : index
      %get3A_632 = tpu.vector_load %arg7[%get3A_630, %get3A_631] {strides = array<i32>} : memref<64x256xf32, #tpu.memory_space<vmem>>, vector<1x16xf32>,
      %get3A_633 = vector.shape_cast %get3A_632 : vector<1x16xf32> to vector<16xf32>
      %gt3A_634 = arith.cmpf ogt, %get3A_633, %select_n3A_625 : vector<16xf32>
      %select_n3A_635 = arith.select %gt3A_634, %get3A_633, %select_n3A_625 : vector<16xi1>, vector<16xf32>
      %broadcast_in_dim3A_636 = vector.broadcast %scan3A_629 : i32 to vector<16xi32>
      %select_n3A_637 = arith.select %gt3A_634, %broadcast_in_dim3A_636, %select_n3A_627 : vector<16xi1>, vector<16xi32>
      %scan3A_638 = arith.constant 7 : i32
      %scan3A_639 = arith.addi %scan3A_569, %scan3A_638 : i32
      %get3A_640 = arith.index_cast %scan3A_639 : i32 to index
      %get3A_641 = arith.constant 160 : index
      %get3A_642 = tpu.vector_load %arg7[%get3A_640, %get3A_641] {strides = array<i32>} : memref<64x256xf32, #tpu.memory_space<vmem>>, vector<1x16xf32>,
      %get3A_643 = vector.shape_cast %get3A_642 : vector<1x16xf32> to vector<16xf32>
      %gt3A_644 = arith.cmpf ogt, %get3A_643, %select_n3A_635 : vector<16xf32>
      %select_n3A_645 = arith.select %gt3A_644, %get3A_643, %select_n3A_635 : vector<16xi1>, vector<16xf32>
      %broadcast_in_dim3A_646 = vector.broadcast %scan3A_639 : i32 to vector<16xi32>
      %select_n3A_647 = arith.select %gt3A_644, %broadcast_in_dim3A_646, %select_n3A_637 : vector<16xi1>, vector<16xi32>
      %scan3A_648 = arith.constant 8 : i32
      %scan3A_649 = arith.addi %scan3A_569, %scan3A_648 : i32
      %get3A_650 = arith.index_cast %scan3A_649 : i32 to index
      %get3A_651 = arith.constant 160 : index
      %get3A_652 = tpu.vector_load %arg7[%get3A_650, %get3A_651] {strides = array<i32>} : memref<64x256xf32, #tpu.memory_space<vmem>>, vector<1x16xf32>,
      %get3A_653 = vector.shape_cast %get3A_652 : vector<1x16xf32> to vector<16xf32>
      %gt3A_654 = arith.cmpf ogt, %get3A_653, %select_n3A_645 : vector<16xf32>
      %select_n3A_655 = arith.select %gt3A_654, %get3A_653, %select_n3A_645 : vector<16xi1>, vector<16xf32>
      %broadcast_in_dim3A_656 = vector.broadcast %scan3A_649 : i32 to vector<16xi32>
      %select_n3A_657 = arith.select %gt3A_654, %broadcast_in_dim3A_656, %select_n3A_647 : vector<16xi1>, vector<16xi32>
      scf.yield %select_n3A_655, %select_n3A_657 : vector<16xf32>, vector<16xi32>
    }
    %scan3A_350 = arith.constant 63 : i32
    %add3A_351 = arith.constant 160 : i32
    %add3A_352 = arith.addi %mul3A_2, %add3A_351 : i32
    %iota3A_353 = tpu.iota {dimensions = array<i32: 0>} : vector<16xi32>
    %add3A_354 = vector.broadcast %add3A_352 : i32 to vector<16xi32>
    %add3A_355 = arith.addi %add3A_354, %iota3A_353 : vector<16xi32>
    %mul3A_356 = arith.constant 64 : i32
    %mul3A_357 = vector.broadcast %mul3A_356 : i32 to vector<16xi32>
    %mul3A_358 = arith.muli %add3A_355, %mul3A_357 : vector<16xi32>
    %add3A_359 = arith.addi %mul3A_358, %scan3A_349#1 : vector<16xi32>
    %dma_start3A_360 = arith.constant 160 : i32
    %dma_start3A_361 = arith.constant 0 : i32
    %dma_start3A_362 = tpu.memref_slice %arg8[%dma_start3A_360, %dma_start3A_361] : memref<256x128xf32, #tpu.memory_space<vmem>> -> memref<16x128xf32, #tpu.memory_space<vmem>>
    %dma_start3A_363 = arith.constant 0 : i32
    %dma_start3A_364 = arith.constant 0 : i32
    %dma_start3A_365 = tpu.memref_slice %arg3[%dma_start3A_363, %dma_start3A_364] : memref<262144x128xf32, #tpu.memory_space<hbm>> -> memref<262144x128xf32, #tpu.memory_space<hbm>>
    tpu.enqueue_indirect_dma source(%dma_start3A_365 : memref<262144x128xf32, #tpu.memory_space<hbm>>) target(%dma_start3A_362 : memref<16x128xf32, #tpu.memory_space<vmem>>) offsets(%add3A_359 : vector<16xi32>) semaphore(%arg10 : memref<!tpu.dma_semaphore, #tpu.memory_space<semaphore_mem>>)
    %dma_start3A_366 = arith.constant 160 : i32
    %dma_start3A_367 = arith.constant 0 : i32
    %dma_start3A_368 = tpu.memref_slice %arg9[%dma_start3A_366, %dma_start3A_367] : memref<256x128xf32, #tpu.memory_space<vmem>> -> memref<16x128xf32, #tpu.memory_space<vmem>>
    %dma_start3A_369 = arith.constant 0 : i32
    %dma_start3A_370 = arith.constant 0 : i32
    %dma_start3A_371 = tpu.memref_slice %arg4[%dma_start3A_369, %dma_start3A_370] : memref<262144x128xf32, #tpu.memory_space<hbm>> -> memref<262144x128xf32, #tpu.memory_space<hbm>>
    tpu.enqueue_indirect_dma source(%dma_start3A_371 : memref<262144x128xf32, #tpu.memory_space<hbm>>) target(%dma_start3A_368 : memref<16x128xf32, #tpu.memory_space<vmem>>) offsets(%add3A_359 : vector<16xi32>) semaphore(%arg11 : memref<!tpu.dma_semaphore, #tpu.memory_space<semaphore_mem>>)
    %get3A_372 = arith.constant 0 : i32
    %get3A_373 = arith.index_cast %get3A_372 : i32 to index
    %get3A_374 = arith.constant 176 : index
    %get3A_375 = tpu.vector_load %arg7[%get3A_373, %get3A_374] {strides = array<i32>} : memref<64x256xf32, #tpu.memory_space<vmem>>, vector<1x16xf32>,
    %get3A_376 = vector.shape_cast %get3A_375 : vector<1x16xf32> to vector<16xf32>
    %broadcast_in_dim3A_377 = arith.constant 0 : i32
    %broadcast_in_dim3A_378 = vector.broadcast %broadcast_in_dim3A_377 : i32 to vector<16xi32>
    %scan3A_379 = arith.constant 1 : i32
    %scan3A_380 = arith.constant 63 : i32
    %scan3A_381 = arith.addi %scan3A_379, %scan3A_380 : i32
    %scan3A_382 = arith.constant 9 : i32
    %scan3A_383:2 = scf.for %scan3A_569 = %scan3A_379 to %scan3A_381 step %scan3A_382 iter_args(%scan3A_570 = %get3A_376, %scan3A_571 = %broadcast_in_dim3A_378) -> (vector<16xf32>, vector<16xi32>)  : i32 {
      %get3A_572 = arith.index_cast %scan3A_569 : i32 to index
      %get3A_573 = arith.constant 176 : index
      %get3A_574 = tpu.vector_load %arg7[%get3A_572, %get3A_573] {strides = array<i32>} : memref<64x256xf32, #tpu.memory_space<vmem>>, vector<1x16xf32>,
      %get3A_575 = vector.shape_cast %get3A_574 : vector<1x16xf32> to vector<16xf32>
      %gt3A = arith.cmpf ogt, %get3A_575, %scan3A_570 : vector<16xf32>
      %select_n3A = arith.select %gt3A, %get3A_575, %scan3A_570 : vector<16xi1>, vector<16xf32>
      %broadcast_in_dim3A_576 = vector.broadcast %scan3A_569 : i32 to vector<16xi32>
      %select_n3A_577 = arith.select %gt3A, %broadcast_in_dim3A_576, %scan3A_571 : vector<16xi1>, vector<16xi32>
      %scan3A_578 = arith.constant 1 : i32
      %scan3A_579 = arith.addi %scan3A_569, %scan3A_578 : i32
      %get3A_580 = arith.index_cast %scan3A_579 : i32 to index
      %get3A_581 = arith.constant 176 : index
      %get3A_582 = tpu.vector_load %arg7[%get3A_580, %get3A_581] {strides = array<i32>} : memref<64x256xf32, #tpu.memory_space<vmem>>, vector<1x16xf32>,
      %get3A_583 = vector.shape_cast %get3A_582 : vector<1x16xf32> to vector<16xf32>
      %gt3A_584 = arith.cmpf ogt, %get3A_583, %select_n3A : vector<16xf32>
      %select_n3A_585 = arith.select %gt3A_584, %get3A_583, %select_n3A : vector<16xi1>, vector<16xf32>
      %broadcast_in_dim3A_586 = vector.broadcast %scan3A_579 : i32 to vector<16xi32>
      %select_n3A_587 = arith.select %gt3A_584, %broadcast_in_dim3A_586, %select_n3A_577 : vector<16xi1>, vector<16xi32>
      %scan3A_588 = arith.constant 2 : i32
      %scan3A_589 = arith.addi %scan3A_569, %scan3A_588 : i32
      %get3A_590 = arith.index_cast %scan3A_589 : i32 to index
      %get3A_591 = arith.constant 176 : index
      %get3A_592 = tpu.vector_load %arg7[%get3A_590, %get3A_591] {strides = array<i32>} : memref<64x256xf32, #tpu.memory_space<vmem>>, vector<1x16xf32>,
      %get3A_593 = vector.shape_cast %get3A_592 : vector<1x16xf32> to vector<16xf32>
      %gt3A_594 = arith.cmpf ogt, %get3A_593, %select_n3A_585 : vector<16xf32>
      %select_n3A_595 = arith.select %gt3A_594, %get3A_593, %select_n3A_585 : vector<16xi1>, vector<16xf32>
      %broadcast_in_dim3A_596 = vector.broadcast %scan3A_589 : i32 to vector<16xi32>
      %select_n3A_597 = arith.select %gt3A_594, %broadcast_in_dim3A_596, %select_n3A_587 : vector<16xi1>, vector<16xi32>
      %scan3A_598 = arith.constant 3 : i32
      %scan3A_599 = arith.addi %scan3A_569, %scan3A_598 : i32
      %get3A_600 = arith.index_cast %scan3A_599 : i32 to index
      %get3A_601 = arith.constant 176 : index
      %get3A_602 = tpu.vector_load %arg7[%get3A_600, %get3A_601] {strides = array<i32>} : memref<64x256xf32, #tpu.memory_space<vmem>>, vector<1x16xf32>,
      %get3A_603 = vector.shape_cast %get3A_602 : vector<1x16xf32> to vector<16xf32>
      %gt3A_604 = arith.cmpf ogt, %get3A_603, %select_n3A_595 : vector<16xf32>
      %select_n3A_605 = arith.select %gt3A_604, %get3A_603, %select_n3A_595 : vector<16xi1>, vector<16xf32>
      %broadcast_in_dim3A_606 = vector.broadcast %scan3A_599 : i32 to vector<16xi32>
      %select_n3A_607 = arith.select %gt3A_604, %broadcast_in_dim3A_606, %select_n3A_597 : vector<16xi1>, vector<16xi32>
      %scan3A_608 = arith.constant 4 : i32
      %scan3A_609 = arith.addi %scan3A_569, %scan3A_608 : i32
      %get3A_610 = arith.index_cast %scan3A_609 : i32 to index
      %get3A_611 = arith.constant 176 : index
      %get3A_612 = tpu.vector_load %arg7[%get3A_610, %get3A_611] {strides = array<i32>} : memref<64x256xf32, #tpu.memory_space<vmem>>, vector<1x16xf32>,
      %get3A_613 = vector.shape_cast %get3A_612 : vector<1x16xf32> to vector<16xf32>
      %gt3A_614 = arith.cmpf ogt, %get3A_613, %select_n3A_605 : vector<16xf32>
      %select_n3A_615 = arith.select %gt3A_614, %get3A_613, %select_n3A_605 : vector<16xi1>, vector<16xf32>
      %broadcast_in_dim3A_616 = vector.broadcast %scan3A_609 : i32 to vector<16xi32>
      %select_n3A_617 = arith.select %gt3A_614, %broadcast_in_dim3A_616, %select_n3A_607 : vector<16xi1>, vector<16xi32>
      %scan3A_618 = arith.constant 5 : i32
      %scan3A_619 = arith.addi %scan3A_569, %scan3A_618 : i32
      %get3A_620 = arith.index_cast %scan3A_619 : i32 to index
      %get3A_621 = arith.constant 176 : index
      %get3A_622 = tpu.vector_load %arg7[%get3A_620, %get3A_621] {strides = array<i32>} : memref<64x256xf32, #tpu.memory_space<vmem>>, vector<1x16xf32>,
      %get3A_623 = vector.shape_cast %get3A_622 : vector<1x16xf32> to vector<16xf32>
      %gt3A_624 = arith.cmpf ogt, %get3A_623, %select_n3A_615 : vector<16xf32>
      %select_n3A_625 = arith.select %gt3A_624, %get3A_623, %select_n3A_615 : vector<16xi1>, vector<16xf32>
      %broadcast_in_dim3A_626 = vector.broadcast %scan3A_619 : i32 to vector<16xi32>
      %select_n3A_627 = arith.select %gt3A_624, %broadcast_in_dim3A_626, %select_n3A_617 : vector<16xi1>, vector<16xi32>
      %scan3A_628 = arith.constant 6 : i32
      %scan3A_629 = arith.addi %scan3A_569, %scan3A_628 : i32
      %get3A_630 = arith.index_cast %scan3A_629 : i32 to index
      %get3A_631 = arith.constant 176 : index
      %get3A_632 = tpu.vector_load %arg7[%get3A_630, %get3A_631] {strides = array<i32>} : memref<64x256xf32, #tpu.memory_space<vmem>>, vector<1x16xf32>,
      %get3A_633 = vector.shape_cast %get3A_632 : vector<1x16xf32> to vector<16xf32>
      %gt3A_634 = arith.cmpf ogt, %get3A_633, %select_n3A_625 : vector<16xf32>
      %select_n3A_635 = arith.select %gt3A_634, %get3A_633, %select_n3A_625 : vector<16xi1>, vector<16xf32>
      %broadcast_in_dim3A_636 = vector.broadcast %scan3A_629 : i32 to vector<16xi32>
      %select_n3A_637 = arith.select %gt3A_634, %broadcast_in_dim3A_636, %select_n3A_627 : vector<16xi1>, vector<16xi32>
      %scan3A_638 = arith.constant 7 : i32
      %scan3A_639 = arith.addi %scan3A_569, %scan3A_638 : i32
      %get3A_640 = arith.index_cast %scan3A_639 : i32 to index
      %get3A_641 = arith.constant 176 : index
      %get3A_642 = tpu.vector_load %arg7[%get3A_640, %get3A_641] {strides = array<i32>} : memref<64x256xf32, #tpu.memory_space<vmem>>, vector<1x16xf32>,
      %get3A_643 = vector.shape_cast %get3A_642 : vector<1x16xf32> to vector<16xf32>
      %gt3A_644 = arith.cmpf ogt, %get3A_643, %select_n3A_635 : vector<16xf32>
      %select_n3A_645 = arith.select %gt3A_644, %get3A_643, %select_n3A_635 : vector<16xi1>, vector<16xf32>
      %broadcast_in_dim3A_646 = vector.broadcast %scan3A_639 : i32 to vector<16xi32>
      %select_n3A_647 = arith.select %gt3A_644, %broadcast_in_dim3A_646, %select_n3A_637 : vector<16xi1>, vector<16xi32>
      %scan3A_648 = arith.constant 8 : i32
      %scan3A_649 = arith.addi %scan3A_569, %scan3A_648 : i32
      %get3A_650 = arith.index_cast %scan3A_649 : i32 to index
      %get3A_651 = arith.constant 176 : index
      %get3A_652 = tpu.vector_load %arg7[%get3A_650, %get3A_651] {strides = array<i32>} : memref<64x256xf32, #tpu.memory_space<vmem>>, vector<1x16xf32>,
      %get3A_653 = vector.shape_cast %get3A_652 : vector<1x16xf32> to vector<16xf32>
      %gt3A_654 = arith.cmpf ogt, %get3A_653, %select_n3A_645 : vector<16xf32>
      %select_n3A_655 = arith.select %gt3A_654, %get3A_653, %select_n3A_645 : vector<16xi1>, vector<16xf32>
      %broadcast_in_dim3A_656 = vector.broadcast %scan3A_649 : i32 to vector<16xi32>
      %select_n3A_657 = arith.select %gt3A_654, %broadcast_in_dim3A_656, %select_n3A_647 : vector<16xi1>, vector<16xi32>
      scf.yield %select_n3A_655, %select_n3A_657 : vector<16xf32>, vector<16xi32>
    }
    %scan3A_384 = arith.constant 63 : i32
    %add3A_385 = arith.constant 176 : i32
    %add3A_386 = arith.addi %mul3A_2, %add3A_385 : i32
    %iota3A_387 = tpu.iota {dimensions = array<i32: 0>} : vector<16xi32>
    %add3A_388 = vector.broadcast %add3A_386 : i32 to vector<16xi32>
    %add3A_389 = arith.addi %add3A_388, %iota3A_387 : vector<16xi32>
    %mul3A_390 = arith.constant 64 : i32
    %mul3A_391 = vector.broadcast %mul3A_390 : i32 to vector<16xi32>
    %mul3A_392 = arith.muli %add3A_389, %mul3A_391 : vector<16xi32>
    %add3A_393 = arith.addi %mul3A_392, %scan3A_383#1 : vector<16xi32>
    %dma_start3A_394 = arith.constant 176 : i32
    %dma_start3A_395 = arith.constant 0 : i32
    %dma_start3A_396 = tpu.memref_slice %arg8[%dma_start3A_394, %dma_start3A_395] : memref<256x128xf32, #tpu.memory_space<vmem>> -> memref<16x128xf32, #tpu.memory_space<vmem>>
    %dma_start3A_397 = arith.constant 0 : i32
    %dma_start3A_398 = arith.constant 0 : i32
    %dma_start3A_399 = tpu.memref_slice %arg3[%dma_start3A_397, %dma_start3A_398] : memref<262144x128xf32, #tpu.memory_space<hbm>> -> memref<262144x128xf32, #tpu.memory_space<hbm>>
    tpu.enqueue_indirect_dma source(%dma_start3A_399 : memref<262144x128xf32, #tpu.memory_space<hbm>>) target(%dma_start3A_396 : memref<16x128xf32, #tpu.memory_space<vmem>>) offsets(%add3A_393 : vector<16xi32>) semaphore(%arg10 : memref<!tpu.dma_semaphore, #tpu.memory_space<semaphore_mem>>)
    %dma_start3A_400 = arith.constant 176 : i32
    %dma_start3A_401 = arith.constant 0 : i32
    %dma_start3A_402 = tpu.memref_slice %arg9[%dma_start3A_400, %dma_start3A_401] : memref<256x128xf32, #tpu.memory_space<vmem>> -> memref<16x128xf32, #tpu.memory_space<vmem>>
    %dma_start3A_403 = arith.constant 0 : i32
    %dma_start3A_404 = arith.constant 0 : i32
    %dma_start3A_405 = tpu.memref_slice %arg4[%dma_start3A_403, %dma_start3A_404] : memref<262144x128xf32, #tpu.memory_space<hbm>> -> memref<262144x128xf32, #tpu.memory_space<hbm>>
    tpu.enqueue_indirect_dma source(%dma_start3A_405 : memref<262144x128xf32, #tpu.memory_space<hbm>>) target(%dma_start3A_402 : memref<16x128xf32, #tpu.memory_space<vmem>>) offsets(%add3A_393 : vector<16xi32>) semaphore(%arg11 : memref<!tpu.dma_semaphore, #tpu.memory_space<semaphore_mem>>)
    %get3A_406 = arith.constant 0 : i32
    %get3A_407 = arith.index_cast %get3A_406 : i32 to index
    %get3A_408 = arith.constant 192 : index
    %get3A_409 = tpu.vector_load %arg7[%get3A_407, %get3A_408] {strides = array<i32>} : memref<64x256xf32, #tpu.memory_space<vmem>>, vector<1x16xf32>,
    %get3A_410 = vector.shape_cast %get3A_409 : vector<1x16xf32> to vector<16xf32>
    %broadcast_in_dim3A_411 = arith.constant 0 : i32
    %broadcast_in_dim3A_412 = vector.broadcast %broadcast_in_dim3A_411 : i32 to vector<16xi32>
    %scan3A_413 = arith.constant 1 : i32
    %scan3A_414 = arith.constant 63 : i32
    %scan3A_415 = arith.addi %scan3A_413, %scan3A_414 : i32
    %scan3A_416 = arith.constant 9 : i32
    %scan3A_417:2 = scf.for %scan3A_569 = %scan3A_413 to %scan3A_415 step %scan3A_416 iter_args(%scan3A_570 = %get3A_410, %scan3A_571 = %broadcast_in_dim3A_412) -> (vector<16xf32>, vector<16xi32>)  : i32 {
      %get3A_572 = arith.index_cast %scan3A_569 : i32 to index
      %get3A_573 = arith.constant 192 : index
      %get3A_574 = tpu.vector_load %arg7[%get3A_572, %get3A_573] {strides = array<i32>} : memref<64x256xf32, #tpu.memory_space<vmem>>, vector<1x16xf32>,
      %get3A_575 = vector.shape_cast %get3A_574 : vector<1x16xf32> to vector<16xf32>
      %gt3A = arith.cmpf ogt, %get3A_575, %scan3A_570 : vector<16xf32>
      %select_n3A = arith.select %gt3A, %get3A_575, %scan3A_570 : vector<16xi1>, vector<16xf32>
      %broadcast_in_dim3A_576 = vector.broadcast %scan3A_569 : i32 to vector<16xi32>
      %select_n3A_577 = arith.select %gt3A, %broadcast_in_dim3A_576, %scan3A_571 : vector<16xi1>, vector<16xi32>
      %scan3A_578 = arith.constant 1 : i32
      %scan3A_579 = arith.addi %scan3A_569, %scan3A_578 : i32
      %get3A_580 = arith.index_cast %scan3A_579 : i32 to index
      %get3A_581 = arith.constant 192 : index
      %get3A_582 = tpu.vector_load %arg7[%get3A_580, %get3A_581] {strides = array<i32>} : memref<64x256xf32, #tpu.memory_space<vmem>>, vector<1x16xf32>,
      %get3A_583 = vector.shape_cast %get3A_582 : vector<1x16xf32> to vector<16xf32>
      %gt3A_584 = arith.cmpf ogt, %get3A_583, %select_n3A : vector<16xf32>
      %select_n3A_585 = arith.select %gt3A_584, %get3A_583, %select_n3A : vector<16xi1>, vector<16xf32>
      %broadcast_in_dim3A_586 = vector.broadcast %scan3A_579 : i32 to vector<16xi32>
      %select_n3A_587 = arith.select %gt3A_584, %broadcast_in_dim3A_586, %select_n3A_577 : vector<16xi1>, vector<16xi32>
      %scan3A_588 = arith.constant 2 : i32
      %scan3A_589 = arith.addi %scan3A_569, %scan3A_588 : i32
      %get3A_590 = arith.index_cast %scan3A_589 : i32 to index
      %get3A_591 = arith.constant 192 : index
      %get3A_592 = tpu.vector_load %arg7[%get3A_590, %get3A_591] {strides = array<i32>} : memref<64x256xf32, #tpu.memory_space<vmem>>, vector<1x16xf32>,
      %get3A_593 = vector.shape_cast %get3A_592 : vector<1x16xf32> to vector<16xf32>
      %gt3A_594 = arith.cmpf ogt, %get3A_593, %select_n3A_585 : vector<16xf32>
      %select_n3A_595 = arith.select %gt3A_594, %get3A_593, %select_n3A_585 : vector<16xi1>, vector<16xf32>
      %broadcast_in_dim3A_596 = vector.broadcast %scan3A_589 : i32 to vector<16xi32>
      %select_n3A_597 = arith.select %gt3A_594, %broadcast_in_dim3A_596, %select_n3A_587 : vector<16xi1>, vector<16xi32>
      %scan3A_598 = arith.constant 3 : i32
      %scan3A_599 = arith.addi %scan3A_569, %scan3A_598 : i32
      %get3A_600 = arith.index_cast %scan3A_599 : i32 to index
      %get3A_601 = arith.constant 192 : index
      %get3A_602 = tpu.vector_load %arg7[%get3A_600, %get3A_601] {strides = array<i32>} : memref<64x256xf32, #tpu.memory_space<vmem>>, vector<1x16xf32>,
      %get3A_603 = vector.shape_cast %get3A_602 : vector<1x16xf32> to vector<16xf32>
      %gt3A_604 = arith.cmpf ogt, %get3A_603, %select_n3A_595 : vector<16xf32>
      %select_n3A_605 = arith.select %gt3A_604, %get3A_603, %select_n3A_595 : vector<16xi1>, vector<16xf32>
      %broadcast_in_dim3A_606 = vector.broadcast %scan3A_599 : i32 to vector<16xi32>
      %select_n3A_607 = arith.select %gt3A_604, %broadcast_in_dim3A_606, %select_n3A_597 : vector<16xi1>, vector<16xi32>
      %scan3A_608 = arith.constant 4 : i32
      %scan3A_609 = arith.addi %scan3A_569, %scan3A_608 : i32
      %get3A_610 = arith.index_cast %scan3A_609 : i32 to index
      %get3A_611 = arith.constant 192 : index
      %get3A_612 = tpu.vector_load %arg7[%get3A_610, %get3A_611] {strides = array<i32>} : memref<64x256xf32, #tpu.memory_space<vmem>>, vector<1x16xf32>,
      %get3A_613 = vector.shape_cast %get3A_612 : vector<1x16xf32> to vector<16xf32>
      %gt3A_614 = arith.cmpf ogt, %get3A_613, %select_n3A_605 : vector<16xf32>
      %select_n3A_615 = arith.select %gt3A_614, %get3A_613, %select_n3A_605 : vector<16xi1>, vector<16xf32>
      %broadcast_in_dim3A_616 = vector.broadcast %scan3A_609 : i32 to vector<16xi32>
      %select_n3A_617 = arith.select %gt3A_614, %broadcast_in_dim3A_616, %select_n3A_607 : vector<16xi1>, vector<16xi32>
      %scan3A_618 = arith.constant 5 : i32
      %scan3A_619 = arith.addi %scan3A_569, %scan3A_618 : i32
      %get3A_620 = arith.index_cast %scan3A_619 : i32 to index
      %get3A_621 = arith.constant 192 : index
      %get3A_622 = tpu.vector_load %arg7[%get3A_620, %get3A_621] {strides = array<i32>} : memref<64x256xf32, #tpu.memory_space<vmem>>, vector<1x16xf32>,
      %get3A_623 = vector.shape_cast %get3A_622 : vector<1x16xf32> to vector<16xf32>
      %gt3A_624 = arith.cmpf ogt, %get3A_623, %select_n3A_615 : vector<16xf32>
      %select_n3A_625 = arith.select %gt3A_624, %get3A_623, %select_n3A_615 : vector<16xi1>, vector<16xf32>
      %broadcast_in_dim3A_626 = vector.broadcast %scan3A_619 : i32 to vector<16xi32>
      %select_n3A_627 = arith.select %gt3A_624, %broadcast_in_dim3A_626, %select_n3A_617 : vector<16xi1>, vector<16xi32>
      %scan3A_628 = arith.constant 6 : i32
      %scan3A_629 = arith.addi %scan3A_569, %scan3A_628 : i32
      %get3A_630 = arith.index_cast %scan3A_629 : i32 to index
      %get3A_631 = arith.constant 192 : index
      %get3A_632 = tpu.vector_load %arg7[%get3A_630, %get3A_631] {strides = array<i32>} : memref<64x256xf32, #tpu.memory_space<vmem>>, vector<1x16xf32>,
      %get3A_633 = vector.shape_cast %get3A_632 : vector<1x16xf32> to vector<16xf32>
      %gt3A_634 = arith.cmpf ogt, %get3A_633, %select_n3A_625 : vector<16xf32>
      %select_n3A_635 = arith.select %gt3A_634, %get3A_633, %select_n3A_625 : vector<16xi1>, vector<16xf32>
      %broadcast_in_dim3A_636 = vector.broadcast %scan3A_629 : i32 to vector<16xi32>
      %select_n3A_637 = arith.select %gt3A_634, %broadcast_in_dim3A_636, %select_n3A_627 : vector<16xi1>, vector<16xi32>
      %scan3A_638 = arith.constant 7 : i32
      %scan3A_639 = arith.addi %scan3A_569, %scan3A_638 : i32
      %get3A_640 = arith.index_cast %scan3A_639 : i32 to index
      %get3A_641 = arith.constant 192 : index
      %get3A_642 = tpu.vector_load %arg7[%get3A_640, %get3A_641] {strides = array<i32>} : memref<64x256xf32, #tpu.memory_space<vmem>>, vector<1x16xf32>,
      %get3A_643 = vector.shape_cast %get3A_642 : vector<1x16xf32> to vector<16xf32>
      %gt3A_644 = arith.cmpf ogt, %get3A_643, %select_n3A_635 : vector<16xf32>
      %select_n3A_645 = arith.select %gt3A_644, %get3A_643, %select_n3A_635 : vector<16xi1>, vector<16xf32>
      %broadcast_in_dim3A_646 = vector.broadcast %scan3A_639 : i32 to vector<16xi32>
      %select_n3A_647 = arith.select %gt3A_644, %broadcast_in_dim3A_646, %select_n3A_637 : vector<16xi1>, vector<16xi32>
      %scan3A_648 = arith.constant 8 : i32
      %scan3A_649 = arith.addi %scan3A_569, %scan3A_648 : i32
      %get3A_650 = arith.index_cast %scan3A_649 : i32 to index
      %get3A_651 = arith.constant 192 : index
      %get3A_652 = tpu.vector_load %arg7[%get3A_650, %get3A_651] {strides = array<i32>} : memref<64x256xf32, #tpu.memory_space<vmem>>, vector<1x16xf32>,
      %get3A_653 = vector.shape_cast %get3A_652 : vector<1x16xf32> to vector<16xf32>
      %gt3A_654 = arith.cmpf ogt, %get3A_653, %select_n3A_645 : vector<16xf32>
      %select_n3A_655 = arith.select %gt3A_654, %get3A_653, %select_n3A_645 : vector<16xi1>, vector<16xf32>
      %broadcast_in_dim3A_656 = vector.broadcast %scan3A_649 : i32 to vector<16xi32>
      %select_n3A_657 = arith.select %gt3A_654, %broadcast_in_dim3A_656, %select_n3A_647 : vector<16xi1>, vector<16xi32>
      scf.yield %select_n3A_655, %select_n3A_657 : vector<16xf32>, vector<16xi32>
    }
    %scan3A_418 = arith.constant 63 : i32
    %add3A_419 = arith.constant 192 : i32
    %add3A_420 = arith.addi %mul3A_2, %add3A_419 : i32
    %iota3A_421 = tpu.iota {dimensions = array<i32: 0>} : vector<16xi32>
    %add3A_422 = vector.broadcast %add3A_420 : i32 to vector<16xi32>
    %add3A_423 = arith.addi %add3A_422, %iota3A_421 : vector<16xi32>
    %mul3A_424 = arith.constant 64 : i32
    %mul3A_425 = vector.broadcast %mul3A_424 : i32 to vector<16xi32>
    %mul3A_426 = arith.muli %add3A_423, %mul3A_425 : vector<16xi32>
    %add3A_427 = arith.addi %mul3A_426, %scan3A_417#1 : vector<16xi32>
    %dma_start3A_428 = arith.constant 192 : i32
    %dma_start3A_429 = arith.constant 0 : i32
    %dma_start3A_430 = tpu.memref_slice %arg8[%dma_start3A_428, %dma_start3A_429] : memref<256x128xf32, #tpu.memory_space<vmem>> -> memref<16x128xf32, #tpu.memory_space<vmem>>
    %dma_start3A_431 = arith.constant 0 : i32
    %dma_start3A_432 = arith.constant 0 : i32
    %dma_start3A_433 = tpu.memref_slice %arg3[%dma_start3A_431, %dma_start3A_432] : memref<262144x128xf32, #tpu.memory_space<hbm>> -> memref<262144x128xf32, #tpu.memory_space<hbm>>
    tpu.enqueue_indirect_dma source(%dma_start3A_433 : memref<262144x128xf32, #tpu.memory_space<hbm>>) target(%dma_start3A_430 : memref<16x128xf32, #tpu.memory_space<vmem>>) offsets(%add3A_427 : vector<16xi32>) semaphore(%arg10 : memref<!tpu.dma_semaphore, #tpu.memory_space<semaphore_mem>>)
    %dma_start3A_434 = arith.constant 192 : i32
    %dma_start3A_435 = arith.constant 0 : i32
    %dma_start3A_436 = tpu.memref_slice %arg9[%dma_start3A_434, %dma_start3A_435] : memref<256x128xf32, #tpu.memory_space<vmem>> -> memref<16x128xf32, #tpu.memory_space<vmem>>
    %dma_start3A_437 = arith.constant 0 : i32
    %dma_start3A_438 = arith.constant 0 : i32
    %dma_start3A_439 = tpu.memref_slice %arg4[%dma_start3A_437, %dma_start3A_438] : memref<262144x128xf32, #tpu.memory_space<hbm>> -> memref<262144x128xf32, #tpu.memory_space<hbm>>
    tpu.enqueue_indirect_dma source(%dma_start3A_439 : memref<262144x128xf32, #tpu.memory_space<hbm>>) target(%dma_start3A_436 : memref<16x128xf32, #tpu.memory_space<vmem>>) offsets(%add3A_427 : vector<16xi32>) semaphore(%arg11 : memref<!tpu.dma_semaphore, #tpu.memory_space<semaphore_mem>>)
    %get3A_440 = arith.constant 0 : i32
    %get3A_441 = arith.index_cast %get3A_440 : i32 to index
    %get3A_442 = arith.constant 208 : index
    %get3A_443 = tpu.vector_load %arg7[%get3A_441, %get3A_442] {strides = array<i32>} : memref<64x256xf32, #tpu.memory_space<vmem>>, vector<1x16xf32>,
    %get3A_444 = vector.shape_cast %get3A_443 : vector<1x16xf32> to vector<16xf32>
    %broadcast_in_dim3A_445 = arith.constant 0 : i32
    %broadcast_in_dim3A_446 = vector.broadcast %broadcast_in_dim3A_445 : i32 to vector<16xi32>
    %scan3A_447 = arith.constant 1 : i32
    %scan3A_448 = arith.constant 63 : i32
    %scan3A_449 = arith.addi %scan3A_447, %scan3A_448 : i32
    %scan3A_450 = arith.constant 9 : i32
    %scan3A_451:2 = scf.for %scan3A_569 = %scan3A_447 to %scan3A_449 step %scan3A_450 iter_args(%scan3A_570 = %get3A_444, %scan3A_571 = %broadcast_in_dim3A_446) -> (vector<16xf32>, vector<16xi32>)  : i32 {
      %get3A_572 = arith.index_cast %scan3A_569 : i32 to index
      %get3A_573 = arith.constant 208 : index
      %get3A_574 = tpu.vector_load %arg7[%get3A_572, %get3A_573] {strides = array<i32>} : memref<64x256xf32, #tpu.memory_space<vmem>>, vector<1x16xf32>,
      %get3A_575 = vector.shape_cast %get3A_574 : vector<1x16xf32> to vector<16xf32>
      %gt3A = arith.cmpf ogt, %get3A_575, %scan3A_570 : vector<16xf32>
      %select_n3A = arith.select %gt3A, %get3A_575, %scan3A_570 : vector<16xi1>, vector<16xf32>
      %broadcast_in_dim3A_576 = vector.broadcast %scan3A_569 : i32 to vector<16xi32>
      %select_n3A_577 = arith.select %gt3A, %broadcast_in_dim3A_576, %scan3A_571 : vector<16xi1>, vector<16xi32>
      %scan3A_578 = arith.constant 1 : i32
      %scan3A_579 = arith.addi %scan3A_569, %scan3A_578 : i32
      %get3A_580 = arith.index_cast %scan3A_579 : i32 to index
      %get3A_581 = arith.constant 208 : index
      %get3A_582 = tpu.vector_load %arg7[%get3A_580, %get3A_581] {strides = array<i32>} : memref<64x256xf32, #tpu.memory_space<vmem>>, vector<1x16xf32>,
      %get3A_583 = vector.shape_cast %get3A_582 : vector<1x16xf32> to vector<16xf32>
      %gt3A_584 = arith.cmpf ogt, %get3A_583, %select_n3A : vector<16xf32>
      %select_n3A_585 = arith.select %gt3A_584, %get3A_583, %select_n3A : vector<16xi1>, vector<16xf32>
      %broadcast_in_dim3A_586 = vector.broadcast %scan3A_579 : i32 to vector<16xi32>
      %select_n3A_587 = arith.select %gt3A_584, %broadcast_in_dim3A_586, %select_n3A_577 : vector<16xi1>, vector<16xi32>
      %scan3A_588 = arith.constant 2 : i32
      %scan3A_589 = arith.addi %scan3A_569, %scan3A_588 : i32
      %get3A_590 = arith.index_cast %scan3A_589 : i32 to index
      %get3A_591 = arith.constant 208 : index
      %get3A_592 = tpu.vector_load %arg7[%get3A_590, %get3A_591] {strides = array<i32>} : memref<64x256xf32, #tpu.memory_space<vmem>>, vector<1x16xf32>,
      %get3A_593 = vector.shape_cast %get3A_592 : vector<1x16xf32> to vector<16xf32>
      %gt3A_594 = arith.cmpf ogt, %get3A_593, %select_n3A_585 : vector<16xf32>
      %select_n3A_595 = arith.select %gt3A_594, %get3A_593, %select_n3A_585 : vector<16xi1>, vector<16xf32>
      %broadcast_in_dim3A_596 = vector.broadcast %scan3A_589 : i32 to vector<16xi32>
      %select_n3A_597 = arith.select %gt3A_594, %broadcast_in_dim3A_596, %select_n3A_587 : vector<16xi1>, vector<16xi32>
      %scan3A_598 = arith.constant 3 : i32
      %scan3A_599 = arith.addi %scan3A_569, %scan3A_598 : i32
      %get3A_600 = arith.index_cast %scan3A_599 : i32 to index
      %get3A_601 = arith.constant 208 : index
      %get3A_602 = tpu.vector_load %arg7[%get3A_600, %get3A_601] {strides = array<i32>} : memref<64x256xf32, #tpu.memory_space<vmem>>, vector<1x16xf32>,
      %get3A_603 = vector.shape_cast %get3A_602 : vector<1x16xf32> to vector<16xf32>
      %gt3A_604 = arith.cmpf ogt, %get3A_603, %select_n3A_595 : vector<16xf32>
      %select_n3A_605 = arith.select %gt3A_604, %get3A_603, %select_n3A_595 : vector<16xi1>, vector<16xf32>
      %broadcast_in_dim3A_606 = vector.broadcast %scan3A_599 : i32 to vector<16xi32>
      %select_n3A_607 = arith.select %gt3A_604, %broadcast_in_dim3A_606, %select_n3A_597 : vector<16xi1>, vector<16xi32>
      %scan3A_608 = arith.constant 4 : i32
      %scan3A_609 = arith.addi %scan3A_569, %scan3A_608 : i32
      %get3A_610 = arith.index_cast %scan3A_609 : i32 to index
      %get3A_611 = arith.constant 208 : index
      %get3A_612 = tpu.vector_load %arg7[%get3A_610, %get3A_611] {strides = array<i32>} : memref<64x256xf32, #tpu.memory_space<vmem>>, vector<1x16xf32>,
      %get3A_613 = vector.shape_cast %get3A_612 : vector<1x16xf32> to vector<16xf32>
      %gt3A_614 = arith.cmpf ogt, %get3A_613, %select_n3A_605 : vector<16xf32>
      %select_n3A_615 = arith.select %gt3A_614, %get3A_613, %select_n3A_605 : vector<16xi1>, vector<16xf32>
      %broadcast_in_dim3A_616 = vector.broadcast %scan3A_609 : i32 to vector<16xi32>
      %select_n3A_617 = arith.select %gt3A_614, %broadcast_in_dim3A_616, %select_n3A_607 : vector<16xi1>, vector<16xi32>
      %scan3A_618 = arith.constant 5 : i32
      %scan3A_619 = arith.addi %scan3A_569, %scan3A_618 : i32
      %get3A_620 = arith.index_cast %scan3A_619 : i32 to index
      %get3A_621 = arith.constant 208 : index
      %get3A_622 = tpu.vector_load %arg7[%get3A_620, %get3A_621] {strides = array<i32>} : memref<64x256xf32, #tpu.memory_space<vmem>>, vector<1x16xf32>,
      %get3A_623 = vector.shape_cast %get3A_622 : vector<1x16xf32> to vector<16xf32>
      %gt3A_624 = arith.cmpf ogt, %get3A_623, %select_n3A_615 : vector<16xf32>
      %select_n3A_625 = arith.select %gt3A_624, %get3A_623, %select_n3A_615 : vector<16xi1>, vector<16xf32>
      %broadcast_in_dim3A_626 = vector.broadcast %scan3A_619 : i32 to vector<16xi32>
      %select_n3A_627 = arith.select %gt3A_624, %broadcast_in_dim3A_626, %select_n3A_617 : vector<16xi1>, vector<16xi32>
      %scan3A_628 = arith.constant 6 : i32
      %scan3A_629 = arith.addi %scan3A_569, %scan3A_628 : i32
      %get3A_630 = arith.index_cast %scan3A_629 : i32 to index
      %get3A_631 = arith.constant 208 : index
      %get3A_632 = tpu.vector_load %arg7[%get3A_630, %get3A_631] {strides = array<i32>} : memref<64x256xf32, #tpu.memory_space<vmem>>, vector<1x16xf32>,
      %get3A_633 = vector.shape_cast %get3A_632 : vector<1x16xf32> to vector<16xf32>
      %gt3A_634 = arith.cmpf ogt, %get3A_633, %select_n3A_625 : vector<16xf32>
      %select_n3A_635 = arith.select %gt3A_634, %get3A_633, %select_n3A_625 : vector<16xi1>, vector<16xf32>
      %broadcast_in_dim3A_636 = vector.broadcast %scan3A_629 : i32 to vector<16xi32>
      %select_n3A_637 = arith.select %gt3A_634, %broadcast_in_dim3A_636, %select_n3A_627 : vector<16xi1>, vector<16xi32>
      %scan3A_638 = arith.constant 7 : i32
      %scan3A_639 = arith.addi %scan3A_569, %scan3A_638 : i32
      %get3A_640 = arith.index_cast %scan3A_639 : i32 to index
      %get3A_641 = arith.constant 208 : index
      %get3A_642 = tpu.vector_load %arg7[%get3A_640, %get3A_641] {strides = array<i32>} : memref<64x256xf32, #tpu.memory_space<vmem>>, vector<1x16xf32>,
      %get3A_643 = vector.shape_cast %get3A_642 : vector<1x16xf32> to vector<16xf32>
      %gt3A_644 = arith.cmpf ogt, %get3A_643, %select_n3A_635 : vector<16xf32>
      %select_n3A_645 = arith.select %gt3A_644, %get3A_643, %select_n3A_635 : vector<16xi1>, vector<16xf32>
      %broadcast_in_dim3A_646 = vector.broadcast %scan3A_639 : i32 to vector<16xi32>
      %select_n3A_647 = arith.select %gt3A_644, %broadcast_in_dim3A_646, %select_n3A_637 : vector<16xi1>, vector<16xi32>
      %scan3A_648 = arith.constant 8 : i32
      %scan3A_649 = arith.addi %scan3A_569, %scan3A_648 : i32
      %get3A_650 = arith.index_cast %scan3A_649 : i32 to index
      %get3A_651 = arith.constant 208 : index
      %get3A_652 = tpu.vector_load %arg7[%get3A_650, %get3A_651] {strides = array<i32>} : memref<64x256xf32, #tpu.memory_space<vmem>>, vector<1x16xf32>,
      %get3A_653 = vector.shape_cast %get3A_652 : vector<1x16xf32> to vector<16xf32>
      %gt3A_654 = arith.cmpf ogt, %get3A_653, %select_n3A_645 : vector<16xf32>
      %select_n3A_655 = arith.select %gt3A_654, %get3A_653, %select_n3A_645 : vector<16xi1>, vector<16xf32>
      %broadcast_in_dim3A_656 = vector.broadcast %scan3A_649 : i32 to vector<16xi32>
      %select_n3A_657 = arith.select %gt3A_654, %broadcast_in_dim3A_656, %select_n3A_647 : vector<16xi1>, vector<16xi32>
      scf.yield %select_n3A_655, %select_n3A_657 : vector<16xf32>, vector<16xi32>
    }
    %scan3A_452 = arith.constant 63 : i32
    %add3A_453 = arith.constant 208 : i32
    %add3A_454 = arith.addi %mul3A_2, %add3A_453 : i32
    %iota3A_455 = tpu.iota {dimensions = array<i32: 0>} : vector<16xi32>
    %add3A_456 = vector.broadcast %add3A_454 : i32 to vector<16xi32>
    %add3A_457 = arith.addi %add3A_456, %iota3A_455 : vector<16xi32>
    %mul3A_458 = arith.constant 64 : i32
    %mul3A_459 = vector.broadcast %mul3A_458 : i32 to vector<16xi32>
    %mul3A_460 = arith.muli %add3A_457, %mul3A_459 : vector<16xi32>
    %add3A_461 = arith.addi %mul3A_460, %scan3A_451#1 : vector<16xi32>
    %dma_start3A_462 = arith.constant 208 : i32
    %dma_start3A_463 = arith.constant 0 : i32
    %dma_start3A_464 = tpu.memref_slice %arg8[%dma_start3A_462, %dma_start3A_463] : memref<256x128xf32, #tpu.memory_space<vmem>> -> memref<16x128xf32, #tpu.memory_space<vmem>>
    %dma_start3A_465 = arith.constant 0 : i32
    %dma_start3A_466 = arith.constant 0 : i32
    %dma_start3A_467 = tpu.memref_slice %arg3[%dma_start3A_465, %dma_start3A_466] : memref<262144x128xf32, #tpu.memory_space<hbm>> -> memref<262144x128xf32, #tpu.memory_space<hbm>>
    tpu.enqueue_indirect_dma source(%dma_start3A_467 : memref<262144x128xf32, #tpu.memory_space<hbm>>) target(%dma_start3A_464 : memref<16x128xf32, #tpu.memory_space<vmem>>) offsets(%add3A_461 : vector<16xi32>) semaphore(%arg10 : memref<!tpu.dma_semaphore, #tpu.memory_space<semaphore_mem>>)
    %dma_start3A_468 = arith.constant 208 : i32
    %dma_start3A_469 = arith.constant 0 : i32
    %dma_start3A_470 = tpu.memref_slice %arg9[%dma_start3A_468, %dma_start3A_469] : memref<256x128xf32, #tpu.memory_space<vmem>> -> memref<16x128xf32, #tpu.memory_space<vmem>>
    %dma_start3A_471 = arith.constant 0 : i32
    %dma_start3A_472 = arith.constant 0 : i32
    %dma_start3A_473 = tpu.memref_slice %arg4[%dma_start3A_471, %dma_start3A_472] : memref<262144x128xf32, #tpu.memory_space<hbm>> -> memref<262144x128xf32, #tpu.memory_space<hbm>>
    tpu.enqueue_indirect_dma source(%dma_start3A_473 : memref<262144x128xf32, #tpu.memory_space<hbm>>) target(%dma_start3A_470 : memref<16x128xf32, #tpu.memory_space<vmem>>) offsets(%add3A_461 : vector<16xi32>) semaphore(%arg11 : memref<!tpu.dma_semaphore, #tpu.memory_space<semaphore_mem>>)
    %get3A_474 = arith.constant 0 : i32
    %get3A_475 = arith.index_cast %get3A_474 : i32 to index
    %get3A_476 = arith.constant 224 : index
    %get3A_477 = tpu.vector_load %arg7[%get3A_475, %get3A_476] {strides = array<i32>} : memref<64x256xf32, #tpu.memory_space<vmem>>, vector<1x16xf32>,
    %get3A_478 = vector.shape_cast %get3A_477 : vector<1x16xf32> to vector<16xf32>
    %broadcast_in_dim3A_479 = arith.constant 0 : i32
    %broadcast_in_dim3A_480 = vector.broadcast %broadcast_in_dim3A_479 : i32 to vector<16xi32>
    %scan3A_481 = arith.constant 1 : i32
    %scan3A_482 = arith.constant 63 : i32
    %scan3A_483 = arith.addi %scan3A_481, %scan3A_482 : i32
    %scan3A_484 = arith.constant 9 : i32
    %scan3A_485:2 = scf.for %scan3A_569 = %scan3A_481 to %scan3A_483 step %scan3A_484 iter_args(%scan3A_570 = %get3A_478, %scan3A_571 = %broadcast_in_dim3A_480) -> (vector<16xf32>, vector<16xi32>)  : i32 {
      %get3A_572 = arith.index_cast %scan3A_569 : i32 to index
      %get3A_573 = arith.constant 224 : index
      %get3A_574 = tpu.vector_load %arg7[%get3A_572, %get3A_573] {strides = array<i32>} : memref<64x256xf32, #tpu.memory_space<vmem>>, vector<1x16xf32>,
      %get3A_575 = vector.shape_cast %get3A_574 : vector<1x16xf32> to vector<16xf32>
      %gt3A = arith.cmpf ogt, %get3A_575, %scan3A_570 : vector<16xf32>
      %select_n3A = arith.select %gt3A, %get3A_575, %scan3A_570 : vector<16xi1>, vector<16xf32>
      %broadcast_in_dim3A_576 = vector.broadcast %scan3A_569 : i32 to vector<16xi32>
      %select_n3A_577 = arith.select %gt3A, %broadcast_in_dim3A_576, %scan3A_571 : vector<16xi1>, vector<16xi32>
      %scan3A_578 = arith.constant 1 : i32
      %scan3A_579 = arith.addi %scan3A_569, %scan3A_578 : i32
      %get3A_580 = arith.index_cast %scan3A_579 : i32 to index
      %get3A_581 = arith.constant 224 : index
      %get3A_582 = tpu.vector_load %arg7[%get3A_580, %get3A_581] {strides = array<i32>} : memref<64x256xf32, #tpu.memory_space<vmem>>, vector<1x16xf32>,
      %get3A_583 = vector.shape_cast %get3A_582 : vector<1x16xf32> to vector<16xf32>
      %gt3A_584 = arith.cmpf ogt, %get3A_583, %select_n3A : vector<16xf32>
      %select_n3A_585 = arith.select %gt3A_584, %get3A_583, %select_n3A : vector<16xi1>, vector<16xf32>
      %broadcast_in_dim3A_586 = vector.broadcast %scan3A_579 : i32 to vector<16xi32>
      %select_n3A_587 = arith.select %gt3A_584, %broadcast_in_dim3A_586, %select_n3A_577 : vector<16xi1>, vector<16xi32>
      %scan3A_588 = arith.constant 2 : i32
      %scan3A_589 = arith.addi %scan3A_569, %scan3A_588 : i32
      %get3A_590 = arith.index_cast %scan3A_589 : i32 to index
      %get3A_591 = arith.constant 224 : index
      %get3A_592 = tpu.vector_load %arg7[%get3A_590, %get3A_591] {strides = array<i32>} : memref<64x256xf32, #tpu.memory_space<vmem>>, vector<1x16xf32>,
      %get3A_593 = vector.shape_cast %get3A_592 : vector<1x16xf32> to vector<16xf32>
      %gt3A_594 = arith.cmpf ogt, %get3A_593, %select_n3A_585 : vector<16xf32>
      %select_n3A_595 = arith.select %gt3A_594, %get3A_593, %select_n3A_585 : vector<16xi1>, vector<16xf32>
      %broadcast_in_dim3A_596 = vector.broadcast %scan3A_589 : i32 to vector<16xi32>
      %select_n3A_597 = arith.select %gt3A_594, %broadcast_in_dim3A_596, %select_n3A_587 : vector<16xi1>, vector<16xi32>
      %scan3A_598 = arith.constant 3 : i32
      %scan3A_599 = arith.addi %scan3A_569, %scan3A_598 : i32
      %get3A_600 = arith.index_cast %scan3A_599 : i32 to index
      %get3A_601 = arith.constant 224 : index
      %get3A_602 = tpu.vector_load %arg7[%get3A_600, %get3A_601] {strides = array<i32>} : memref<64x256xf32, #tpu.memory_space<vmem>>, vector<1x16xf32>,
      %get3A_603 = vector.shape_cast %get3A_602 : vector<1x16xf32> to vector<16xf32>
      %gt3A_604 = arith.cmpf ogt, %get3A_603, %select_n3A_595 : vector<16xf32>
      %select_n3A_605 = arith.select %gt3A_604, %get3A_603, %select_n3A_595 : vector<16xi1>, vector<16xf32>
      %broadcast_in_dim3A_606 = vector.broadcast %scan3A_599 : i32 to vector<16xi32>
      %select_n3A_607 = arith.select %gt3A_604, %broadcast_in_dim3A_606, %select_n3A_597 : vector<16xi1>, vector<16xi32>
      %scan3A_608 = arith.constant 4 : i32
      %scan3A_609 = arith.addi %scan3A_569, %scan3A_608 : i32
      %get3A_610 = arith.index_cast %scan3A_609 : i32 to index
      %get3A_611 = arith.constant 224 : index
      %get3A_612 = tpu.vector_load %arg7[%get3A_610, %get3A_611] {strides = array<i32>} : memref<64x256xf32, #tpu.memory_space<vmem>>, vector<1x16xf32>,
      %get3A_613 = vector.shape_cast %get3A_612 : vector<1x16xf32> to vector<16xf32>
      %gt3A_614 = arith.cmpf ogt, %get3A_613, %select_n3A_605 : vector<16xf32>
      %select_n3A_615 = arith.select %gt3A_614, %get3A_613, %select_n3A_605 : vector<16xi1>, vector<16xf32>
      %broadcast_in_dim3A_616 = vector.broadcast %scan3A_609 : i32 to vector<16xi32>
      %select_n3A_617 = arith.select %gt3A_614, %broadcast_in_dim3A_616, %select_n3A_607 : vector<16xi1>, vector<16xi32>
      %scan3A_618 = arith.constant 5 : i32
      %scan3A_619 = arith.addi %scan3A_569, %scan3A_618 : i32
      %get3A_620 = arith.index_cast %scan3A_619 : i32 to index
      %get3A_621 = arith.constant 224 : index
      %get3A_622 = tpu.vector_load %arg7[%get3A_620, %get3A_621] {strides = array<i32>} : memref<64x256xf32, #tpu.memory_space<vmem>>, vector<1x16xf32>,
      %get3A_623 = vector.shape_cast %get3A_622 : vector<1x16xf32> to vector<16xf32>
      %gt3A_624 = arith.cmpf ogt, %get3A_623, %select_n3A_615 : vector<16xf32>
      %select_n3A_625 = arith.select %gt3A_624, %get3A_623, %select_n3A_615 : vector<16xi1>, vector<16xf32>
      %broadcast_in_dim3A_626 = vector.broadcast %scan3A_619 : i32 to vector<16xi32>
      %select_n3A_627 = arith.select %gt3A_624, %broadcast_in_dim3A_626, %select_n3A_617 : vector<16xi1>, vector<16xi32>
      %scan3A_628 = arith.constant 6 : i32
      %scan3A_629 = arith.addi %scan3A_569, %scan3A_628 : i32
      %get3A_630 = arith.index_cast %scan3A_629 : i32 to index
      %get3A_631 = arith.constant 224 : index
      %get3A_632 = tpu.vector_load %arg7[%get3A_630, %get3A_631] {strides = array<i32>} : memref<64x256xf32, #tpu.memory_space<vmem>>, vector<1x16xf32>,
      %get3A_633 = vector.shape_cast %get3A_632 : vector<1x16xf32> to vector<16xf32>
      %gt3A_634 = arith.cmpf ogt, %get3A_633, %select_n3A_625 : vector<16xf32>
      %select_n3A_635 = arith.select %gt3A_634, %get3A_633, %select_n3A_625 : vector<16xi1>, vector<16xf32>
      %broadcast_in_dim3A_636 = vector.broadcast %scan3A_629 : i32 to vector<16xi32>
      %select_n3A_637 = arith.select %gt3A_634, %broadcast_in_dim3A_636, %select_n3A_627 : vector<16xi1>, vector<16xi32>
      %scan3A_638 = arith.constant 7 : i32
      %scan3A_639 = arith.addi %scan3A_569, %scan3A_638 : i32
      %get3A_640 = arith.index_cast %scan3A_639 : i32 to index
      %get3A_641 = arith.constant 224 : index
      %get3A_642 = tpu.vector_load %arg7[%get3A_640, %get3A_641] {strides = array<i32>} : memref<64x256xf32, #tpu.memory_space<vmem>>, vector<1x16xf32>,
      %get3A_643 = vector.shape_cast %get3A_642 : vector<1x16xf32> to vector<16xf32>
      %gt3A_644 = arith.cmpf ogt, %get3A_643, %select_n3A_635 : vector<16xf32>
      %select_n3A_645 = arith.select %gt3A_644, %get3A_643, %select_n3A_635 : vector<16xi1>, vector<16xf32>
      %broadcast_in_dim3A_646 = vector.broadcast %scan3A_639 : i32 to vector<16xi32>
      %select_n3A_647 = arith.select %gt3A_644, %broadcast_in_dim3A_646, %select_n3A_637 : vector<16xi1>, vector<16xi32>
      %scan3A_648 = arith.constant 8 : i32
      %scan3A_649 = arith.addi %scan3A_569, %scan3A_648 : i32
      %get3A_650 = arith.index_cast %scan3A_649 : i32 to index
      %get3A_651 = arith.constant 224 : index
      %get3A_652 = tpu.vector_load %arg7[%get3A_650, %get3A_651] {strides = array<i32>} : memref<64x256xf32, #tpu.memory_space<vmem>>, vector<1x16xf32>,
      %get3A_653 = vector.shape_cast %get3A_652 : vector<1x16xf32> to vector<16xf32>
      %gt3A_654 = arith.cmpf ogt, %get3A_653, %select_n3A_645 : vector<16xf32>
      %select_n3A_655 = arith.select %gt3A_654, %get3A_653, %select_n3A_645 : vector<16xi1>, vector<16xf32>
      %broadcast_in_dim3A_656 = vector.broadcast %scan3A_649 : i32 to vector<16xi32>
      %select_n3A_657 = arith.select %gt3A_654, %broadcast_in_dim3A_656, %select_n3A_647 : vector<16xi1>, vector<16xi32>
      scf.yield %select_n3A_655, %select_n3A_657 : vector<16xf32>, vector<16xi32>
    }
    %scan3A_486 = arith.constant 63 : i32
    %add3A_487 = arith.constant 224 : i32
    %add3A_488 = arith.addi %mul3A_2, %add3A_487 : i32
    %iota3A_489 = tpu.iota {dimensions = array<i32: 0>} : vector<16xi32>
    %add3A_490 = vector.broadcast %add3A_488 : i32 to vector<16xi32>
    %add3A_491 = arith.addi %add3A_490, %iota3A_489 : vector<16xi32>
    %mul3A_492 = arith.constant 64 : i32
    %mul3A_493 = vector.broadcast %mul3A_492 : i32 to vector<16xi32>
    %mul3A_494 = arith.muli %add3A_491, %mul3A_493 : vector<16xi32>
    %add3A_495 = arith.addi %mul3A_494, %scan3A_485#1 : vector<16xi32>
    %dma_start3A_496 = arith.constant 224 : i32
    %dma_start3A_497 = arith.constant 0 : i32
    %dma_start3A_498 = tpu.memref_slice %arg8[%dma_start3A_496, %dma_start3A_497] : memref<256x128xf32, #tpu.memory_space<vmem>> -> memref<16x128xf32, #tpu.memory_space<vmem>>
    %dma_start3A_499 = arith.constant 0 : i32
    %dma_start3A_500 = arith.constant 0 : i32
    %dma_start3A_501 = tpu.memref_slice %arg3[%dma_start3A_499, %dma_start3A_500] : memref<262144x128xf32, #tpu.memory_space<hbm>> -> memref<262144x128xf32, #tpu.memory_space<hbm>>
    tpu.enqueue_indirect_dma source(%dma_start3A_501 : memref<262144x128xf32, #tpu.memory_space<hbm>>) target(%dma_start3A_498 : memref<16x128xf32, #tpu.memory_space<vmem>>) offsets(%add3A_495 : vector<16xi32>) semaphore(%arg10 : memref<!tpu.dma_semaphore, #tpu.memory_space<semaphore_mem>>)
    %dma_start3A_502 = arith.constant 224 : i32
    %dma_start3A_503 = arith.constant 0 : i32
    %dma_start3A_504 = tpu.memref_slice %arg9[%dma_start3A_502, %dma_start3A_503] : memref<256x128xf32, #tpu.memory_space<vmem>> -> memref<16x128xf32, #tpu.memory_space<vmem>>
    %dma_start3A_505 = arith.constant 0 : i32
    %dma_start3A_506 = arith.constant 0 : i32
    %dma_start3A_507 = tpu.memref_slice %arg4[%dma_start3A_505, %dma_start3A_506] : memref<262144x128xf32, #tpu.memory_space<hbm>> -> memref<262144x128xf32, #tpu.memory_space<hbm>>
    tpu.enqueue_indirect_dma source(%dma_start3A_507 : memref<262144x128xf32, #tpu.memory_space<hbm>>) target(%dma_start3A_504 : memref<16x128xf32, #tpu.memory_space<vmem>>) offsets(%add3A_495 : vector<16xi32>) semaphore(%arg11 : memref<!tpu.dma_semaphore, #tpu.memory_space<semaphore_mem>>)
    %get3A_508 = arith.constant 0 : i32
    %get3A_509 = arith.index_cast %get3A_508 : i32 to index
    %get3A_510 = arith.constant 240 : index
    %get3A_511 = tpu.vector_load %arg7[%get3A_509, %get3A_510] {strides = array<i32>} : memref<64x256xf32, #tpu.memory_space<vmem>>, vector<1x16xf32>,
    %get3A_512 = vector.shape_cast %get3A_511 : vector<1x16xf32> to vector<16xf32>
    %broadcast_in_dim3A_513 = arith.constant 0 : i32
    %broadcast_in_dim3A_514 = vector.broadcast %broadcast_in_dim3A_513 : i32 to vector<16xi32>
    %scan3A_515 = arith.constant 1 : i32
    %scan3A_516 = arith.constant 63 : i32
    %scan3A_517 = arith.addi %scan3A_515, %scan3A_516 : i32
    %scan3A_518 = arith.constant 9 : i32
    %scan3A_519:2 = scf.for %scan3A_569 = %scan3A_515 to %scan3A_517 step %scan3A_518 iter_args(%scan3A_570 = %get3A_512, %scan3A_571 = %broadcast_in_dim3A_514) -> (vector<16xf32>, vector<16xi32>)  : i32 {
      %get3A_572 = arith.index_cast %scan3A_569 : i32 to index
      %get3A_573 = arith.constant 240 : index
      %get3A_574 = tpu.vector_load %arg7[%get3A_572, %get3A_573] {strides = array<i32>} : memref<64x256xf32, #tpu.memory_space<vmem>>, vector<1x16xf32>,
      %get3A_575 = vector.shape_cast %get3A_574 : vector<1x16xf32> to vector<16xf32>
      %gt3A = arith.cmpf ogt, %get3A_575, %scan3A_570 : vector<16xf32>
      %select_n3A = arith.select %gt3A, %get3A_575, %scan3A_570 : vector<16xi1>, vector<16xf32>
      %broadcast_in_dim3A_576 = vector.broadcast %scan3A_569 : i32 to vector<16xi32>
      %select_n3A_577 = arith.select %gt3A, %broadcast_in_dim3A_576, %scan3A_571 : vector<16xi1>, vector<16xi32>
      %scan3A_578 = arith.constant 1 : i32
      %scan3A_579 = arith.addi %scan3A_569, %scan3A_578 : i32
      %get3A_580 = arith.index_cast %scan3A_579 : i32 to index
      %get3A_581 = arith.constant 240 : index
      %get3A_582 = tpu.vector_load %arg7[%get3A_580, %get3A_581] {strides = array<i32>} : memref<64x256xf32, #tpu.memory_space<vmem>>, vector<1x16xf32>,
      %get3A_583 = vector.shape_cast %get3A_582 : vector<1x16xf32> to vector<16xf32>
      %gt3A_584 = arith.cmpf ogt, %get3A_583, %select_n3A : vector<16xf32>
      %select_n3A_585 = arith.select %gt3A_584, %get3A_583, %select_n3A : vector<16xi1>, vector<16xf32>
      %broadcast_in_dim3A_586 = vector.broadcast %scan3A_579 : i32 to vector<16xi32>
      %select_n3A_587 = arith.select %gt3A_584, %broadcast_in_dim3A_586, %select_n3A_577 : vector<16xi1>, vector<16xi32>
      %scan3A_588 = arith.constant 2 : i32
      %scan3A_589 = arith.addi %scan3A_569, %scan3A_588 : i32
      %get3A_590 = arith.index_cast %scan3A_589 : i32 to index
      %get3A_591 = arith.constant 240 : index
      %get3A_592 = tpu.vector_load %arg7[%get3A_590, %get3A_591] {strides = array<i32>} : memref<64x256xf32, #tpu.memory_space<vmem>>, vector<1x16xf32>,
      %get3A_593 = vector.shape_cast %get3A_592 : vector<1x16xf32> to vector<16xf32>
      %gt3A_594 = arith.cmpf ogt, %get3A_593, %select_n3A_585 : vector<16xf32>
      %select_n3A_595 = arith.select %gt3A_594, %get3A_593, %select_n3A_585 : vector<16xi1>, vector<16xf32>
      %broadcast_in_dim3A_596 = vector.broadcast %scan3A_589 : i32 to vector<16xi32>
      %select_n3A_597 = arith.select %gt3A_594, %broadcast_in_dim3A_596, %select_n3A_587 : vector<16xi1>, vector<16xi32>
      %scan3A_598 = arith.constant 3 : i32
      %scan3A_599 = arith.addi %scan3A_569, %scan3A_598 : i32
      %get3A_600 = arith.index_cast %scan3A_599 : i32 to index
      %get3A_601 = arith.constant 240 : index
      %get3A_602 = tpu.vector_load %arg7[%get3A_600, %get3A_601] {strides = array<i32>} : memref<64x256xf32, #tpu.memory_space<vmem>>, vector<1x16xf32>,
      %get3A_603 = vector.shape_cast %get3A_602 : vector<1x16xf32> to vector<16xf32>
      %gt3A_604 = arith.cmpf ogt, %get3A_603, %select_n3A_595 : vector<16xf32>
      %select_n3A_605 = arith.select %gt3A_604, %get3A_603, %select_n3A_595 : vector<16xi1>, vector<16xf32>
      %broadcast_in_dim3A_606 = vector.broadcast %scan3A_599 : i32 to vector<16xi32>
      %select_n3A_607 = arith.select %gt3A_604, %broadcast_in_dim3A_606, %select_n3A_597 : vector<16xi1>, vector<16xi32>
      %scan3A_608 = arith.constant 4 : i32
      %scan3A_609 = arith.addi %scan3A_569, %scan3A_608 : i32
      %get3A_610 = arith.index_cast %scan3A_609 : i32 to index
      %get3A_611 = arith.constant 240 : index
      %get3A_612 = tpu.vector_load %arg7[%get3A_610, %get3A_611] {strides = array<i32>} : memref<64x256xf32, #tpu.memory_space<vmem>>, vector<1x16xf32>,
      %get3A_613 = vector.shape_cast %get3A_612 : vector<1x16xf32> to vector<16xf32>
      %gt3A_614 = arith.cmpf ogt, %get3A_613, %select_n3A_605 : vector<16xf32>
      %select_n3A_615 = arith.select %gt3A_614, %get3A_613, %select_n3A_605 : vector<16xi1>, vector<16xf32>
      %broadcast_in_dim3A_616 = vector.broadcast %scan3A_609 : i32 to vector<16xi32>
      %select_n3A_617 = arith.select %gt3A_614, %broadcast_in_dim3A_616, %select_n3A_607 : vector<16xi1>, vector<16xi32>
      %scan3A_618 = arith.constant 5 : i32
      %scan3A_619 = arith.addi %scan3A_569, %scan3A_618 : i32
      %get3A_620 = arith.index_cast %scan3A_619 : i32 to index
      %get3A_621 = arith.constant 240 : index
      %get3A_622 = tpu.vector_load %arg7[%get3A_620, %get3A_621] {strides = array<i32>} : memref<64x256xf32, #tpu.memory_space<vmem>>, vector<1x16xf32>,
      %get3A_623 = vector.shape_cast %get3A_622 : vector<1x16xf32> to vector<16xf32>
      %gt3A_624 = arith.cmpf ogt, %get3A_623, %select_n3A_615 : vector<16xf32>
      %select_n3A_625 = arith.select %gt3A_624, %get3A_623, %select_n3A_615 : vector<16xi1>, vector<16xf32>
      %broadcast_in_dim3A_626 = vector.broadcast %scan3A_619 : i32 to vector<16xi32>
      %select_n3A_627 = arith.select %gt3A_624, %broadcast_in_dim3A_626, %select_n3A_617 : vector<16xi1>, vector<16xi32>
      %scan3A_628 = arith.constant 6 : i32
      %scan3A_629 = arith.addi %scan3A_569, %scan3A_628 : i32
      %get3A_630 = arith.index_cast %scan3A_629 : i32 to index
      %get3A_631 = arith.constant 240 : index
      %get3A_632 = tpu.vector_load %arg7[%get3A_630, %get3A_631] {strides = array<i32>} : memref<64x256xf32, #tpu.memory_space<vmem>>, vector<1x16xf32>,
      %get3A_633 = vector.shape_cast %get3A_632 : vector<1x16xf32> to vector<16xf32>
      %gt3A_634 = arith.cmpf ogt, %get3A_633, %select_n3A_625 : vector<16xf32>
      %select_n3A_635 = arith.select %gt3A_634, %get3A_633, %select_n3A_625 : vector<16xi1>, vector<16xf32>
      %broadcast_in_dim3A_636 = vector.broadcast %scan3A_629 : i32 to vector<16xi32>
      %select_n3A_637 = arith.select %gt3A_634, %broadcast_in_dim3A_636, %select_n3A_627 : vector<16xi1>, vector<16xi32>
      %scan3A_638 = arith.constant 7 : i32
      %scan3A_639 = arith.addi %scan3A_569, %scan3A_638 : i32
      %get3A_640 = arith.index_cast %scan3A_639 : i32 to index
      %get3A_641 = arith.constant 240 : index
      %get3A_642 = tpu.vector_load %arg7[%get3A_640, %get3A_641] {strides = array<i32>} : memref<64x256xf32, #tpu.memory_space<vmem>>, vector<1x16xf32>,
      %get3A_643 = vector.shape_cast %get3A_642 : vector<1x16xf32> to vector<16xf32>
      %gt3A_644 = arith.cmpf ogt, %get3A_643, %select_n3A_635 : vector<16xf32>
      %select_n3A_645 = arith.select %gt3A_644, %get3A_643, %select_n3A_635 : vector<16xi1>, vector<16xf32>
      %broadcast_in_dim3A_646 = vector.broadcast %scan3A_639 : i32 to vector<16xi32>
      %select_n3A_647 = arith.select %gt3A_644, %broadcast_in_dim3A_646, %select_n3A_637 : vector<16xi1>, vector<16xi32>
      %scan3A_648 = arith.constant 8 : i32
      %scan3A_649 = arith.addi %scan3A_569, %scan3A_648 : i32
      %get3A_650 = arith.index_cast %scan3A_649 : i32 to index
      %get3A_651 = arith.constant 240 : index
      %get3A_652 = tpu.vector_load %arg7[%get3A_650, %get3A_651] {strides = array<i32>} : memref<64x256xf32, #tpu.memory_space<vmem>>, vector<1x16xf32>,
      %get3A_653 = vector.shape_cast %get3A_652 : vector<1x16xf32> to vector<16xf32>
      %gt3A_654 = arith.cmpf ogt, %get3A_653, %select_n3A_645 : vector<16xf32>
      %select_n3A_655 = arith.select %gt3A_654, %get3A_653, %select_n3A_645 : vector<16xi1>, vector<16xf32>
      %broadcast_in_dim3A_656 = vector.broadcast %scan3A_649 : i32 to vector<16xi32>
      %select_n3A_657 = arith.select %gt3A_654, %broadcast_in_dim3A_656, %select_n3A_647 : vector<16xi1>, vector<16xi32>
      scf.yield %select_n3A_655, %select_n3A_657 : vector<16xf32>, vector<16xi32>
    }
    %scan3A_520 = arith.constant 63 : i32
    %add3A_521 = arith.constant 240 : i32
    %add3A_522 = arith.addi %mul3A_2, %add3A_521 : i32
    %iota3A_523 = tpu.iota {dimensions = array<i32: 0>} : vector<16xi32>
    %add3A_524 = vector.broadcast %add3A_522 : i32 to vector<16xi32>
    %add3A_525 = arith.addi %add3A_524, %iota3A_523 : vector<16xi32>
    %mul3A_526 = arith.constant 64 : i32
    %mul3A_527 = vector.broadcast %mul3A_526 : i32 to vector<16xi32>
    %mul3A_528 = arith.muli %add3A_525, %mul3A_527 : vector<16xi32>
    %add3A_529 = arith.addi %mul3A_528, %scan3A_519#1 : vector<16xi32>
    %dma_start3A_530 = arith.constant 240 : i32
    %dma_start3A_531 = arith.constant 0 : i32
    %dma_start3A_532 = tpu.memref_slice %arg8[%dma_start3A_530, %dma_start3A_531] : memref<256x128xf32, #tpu.memory_space<vmem>> -> memref<16x128xf32, #tpu.memory_space<vmem>>
    %dma_start3A_533 = arith.constant 0 : i32
    %dma_start3A_534 = arith.constant 0 : i32
    %dma_start3A_535 = tpu.memref_slice %arg3[%dma_start3A_533, %dma_start3A_534] : memref<262144x128xf32, #tpu.memory_space<hbm>> -> memref<262144x128xf32, #tpu.memory_space<hbm>>
    tpu.enqueue_indirect_dma source(%dma_start3A_535 : memref<262144x128xf32, #tpu.memory_space<hbm>>) target(%dma_start3A_532 : memref<16x128xf32, #tpu.memory_space<vmem>>) offsets(%add3A_529 : vector<16xi32>) semaphore(%arg10 : memref<!tpu.dma_semaphore, #tpu.memory_space<semaphore_mem>>)
    %dma_start3A_536 = arith.constant 240 : i32
    %dma_start3A_537 = arith.constant 0 : i32
    %dma_start3A_538 = tpu.memref_slice %arg9[%dma_start3A_536, %dma_start3A_537] : memref<256x128xf32, #tpu.memory_space<vmem>> -> memref<16x128xf32, #tpu.memory_space<vmem>>
    %dma_start3A_539 = arith.constant 0 : i32
    %dma_start3A_540 = arith.constant 0 : i32
    %dma_start3A_541 = tpu.memref_slice %arg4[%dma_start3A_539, %dma_start3A_540] : memref<262144x128xf32, #tpu.memory_space<hbm>> -> memref<262144x128xf32, #tpu.memory_space<hbm>>
    tpu.enqueue_indirect_dma source(%dma_start3A_541 : memref<262144x128xf32, #tpu.memory_space<hbm>>) target(%dma_start3A_538 : memref<16x128xf32, #tpu.memory_space<vmem>>) offsets(%add3A_529 : vector<16xi32>) semaphore(%arg11 : memref<!tpu.dma_semaphore, #tpu.memory_space<semaphore_mem>>)
    %dma_wait3A = arith.constant 0 : i32
    %dma_wait3A_542 = arith.constant 0 : i32
    %dma_wait3A_543 = tpu.memref_slice %arg3[%dma_wait3A, %dma_wait3A_542] : memref<262144x128xf32, #tpu.memory_space<hbm>> -> memref<256x128xf32, #tpu.memory_space<hbm>>
    %dma_wait3A_544 = arith.constant 0 : i32
    %dma_wait3A_545 = arith.constant 0 : i32
    %dma_wait3A_546 = tpu.memref_slice %arg3[%dma_wait3A_544, %dma_wait3A_545] : memref<262144x128xf32, #tpu.memory_space<hbm>> -> memref<256x128xf32, #tpu.memory_space<hbm>>
    tpu.wait_dma2 semaphore(%arg10 : memref<!tpu.dma_semaphore, #tpu.memory_space<semaphore_mem>>) src(%dma_wait3A_546 : memref<256x128xf32, #tpu.memory_space<hbm>>) dst(%arg8 : memref<256x128xf32, #tpu.memory_space<vmem>>)
    %dma_wait3A_547 = arith.constant 0 : i32
    %dma_wait3A_548 = arith.constant 0 : i32
    %dma_wait3A_549 = tpu.memref_slice %arg4[%dma_wait3A_547, %dma_wait3A_548] : memref<262144x128xf32, #tpu.memory_space<hbm>> -> memref<256x128xf32, #tpu.memory_space<hbm>>
    %dma_wait3A_550 = arith.constant 0 : i32
    %dma_wait3A_551 = arith.constant 0 : i32
    %dma_wait3A_552 = tpu.memref_slice %arg4[%dma_wait3A_550, %dma_wait3A_551] : memref<262144x128xf32, #tpu.memory_space<hbm>> -> memref<256x128xf32, #tpu.memory_space<hbm>>
    tpu.wait_dma2 semaphore(%arg11 : memref<!tpu.dma_semaphore, #tpu.memory_space<semaphore_mem>>) src(%dma_wait3A_552 : memref<256x128xf32, #tpu.memory_space<hbm>>) dst(%arg9 : memref<256x128xf32, #tpu.memory_space<vmem>>)
    %dma_start3A_553 = arith.constant 0 : i32
    %dma_start3A_554 = tpu.memref_slice %arg5[%mul3A_2, %dma_start3A_553] : memref<4096x128xf32, #tpu.memory_space<hbm>> -> memref<256x128xf32, #tpu.memory_space<hbm>>
    %dma_start3A_555 = arith.constant 0 : i32
    %dma_start3A_556 = tpu.memref_slice %arg5[%mul3A_2, %dma_start3A_555] : memref<4096x128xf32, #tpu.memory_space<hbm>> -> memref<256x128xf32, #tpu.memory_space<hbm>>
    tpu.enqueue_dma source(%arg8 : memref<256x128xf32, #tpu.memory_space<vmem>>) target(%dma_start3A_556 : memref<256x128xf32, #tpu.memory_space<hbm>>) target_semaphore(%arg12 : memref<!tpu.dma_semaphore, #tpu.memory_space<semaphore_mem>>)
    %dma_start3A_557 = arith.constant 0 : i32
    %dma_start3A_558 = tpu.memref_slice %arg6[%mul3A_2, %dma_start3A_557] : memref<4096x128xf32, #tpu.memory_space<hbm>> -> memref<256x128xf32, #tpu.memory_space<hbm>>
    %dma_start3A_559 = arith.constant 0 : i32
    %dma_start3A_560 = tpu.memref_slice %arg6[%mul3A_2, %dma_start3A_559] : memref<4096x128xf32, #tpu.memory_space<hbm>> -> memref<256x128xf32, #tpu.memory_space<hbm>>
    tpu.enqueue_dma source(%arg9 : memref<256x128xf32, #tpu.memory_space<vmem>>) target(%dma_start3A_560 : memref<256x128xf32, #tpu.memory_space<hbm>>) target_semaphore(%arg12 : memref<!tpu.dma_semaphore, #tpu.memory_space<semaphore_mem>>)
    %dma_wait3A_561 = arith.constant 0 : i32
    %dma_wait3A_562 = tpu.memref_slice %arg5[%mul3A_2, %dma_wait3A_561] : memref<4096x128xf32, #tpu.memory_space<hbm>> -> memref<256x128xf32, #tpu.memory_space<hbm>>
    %dma_wait3A_563 = arith.constant 0 : i32
    %dma_wait3A_564 = tpu.memref_slice %arg5[%mul3A_2, %dma_wait3A_563] : memref<4096x128xf32, #tpu.memory_space<hbm>> -> memref<256x128xf32, #tpu.memory_space<hbm>>
    tpu.wait_dma2 semaphore(%arg12 : memref<!tpu.dma_semaphore, #tpu.memory_space<semaphore_mem>>) src(%arg8 : memref<256x128xf32, #tpu.memory_space<vmem>>) dst(%dma_wait3A_564 : memref<256x128xf32, #tpu.memory_space<hbm>>)
    %dma_wait3A_565 = arith.constant 0 : i32
    %dma_wait3A_566 = tpu.memref_slice %arg6[%mul3A_2, %dma_wait3A_565] : memref<4096x128xf32, #tpu.memory_space<hbm>> -> memref<256x128xf32, #tpu.memory_space<hbm>>
    %dma_wait3A_567 = arith.constant 0 : i32
    %dma_wait3A_568 = tpu.memref_slice %arg6[%mul3A_2, %dma_wait3A_567] : memref<4096x128xf32, #tpu.memory_space<hbm>> -> memref<256x128xf32, #tpu.memory_space<hbm>>
    tpu.wait_dma2 semaphore(%arg12 : memref<!tpu.dma_semaphore, #tpu.memory_space<semaphore_mem>>) src(%arg9 : memref<256x128xf32, #tpu.memory_space<vmem>>) dst(%dma_wait3A_568 : memref<256x128xf32, #tpu.memory_space<hbm>>)
    return
  }
}

module attributes {stable_mosaic.version = 14 : i64} {
  func.func @_fma_body(%arg0: i32, %arg1: memref<512x128xf32, #tpu.memory_space<vmem>>, %arg2: memref<512x128xf32, #tpu.memory_space<vmem>>, %arg3: memref<512x128xf32, #tpu.memory_space<vmem>>, %arg4: memref<512x128xf32, #tpu.memory_space<vmem>>) attributes {dimension_semantics = [#tpu.dimension_semantics<arbitrary>], iteration_bounds = array<i64: 8>, scalar_prefetch = 0 : i64, scratch_operands = 0 : i64, tpu.core_type = #tpu.core_type<tc>, window_params = [{transform_indices = @transform_0, window_bounds = array<i64: 512, 128>}, {transform_indices = @transform_1, window_bounds = array<i64: 512, 128>}, {transform_indices = @transform_2, window_bounds = array<i64: 512, 128>}, {transform_indices = @transform_3, window_bounds = array<i64: 512, 128>}]} {
    %get3A = arith.constant 0 : index
    %get3A_0 = arith.constant 0 : index
    %get3A_1 = vector.load %arg1[%get3A, %get3A_0] : memref<512x128xf32, #tpu.memory_space<vmem>>, vector<512x128xf32>
    %get3A_2 = arith.constant 0 : index
    %get3A_3 = arith.constant 0 : index
    %get3A_4 = vector.load %arg2[%get3A_2, %get3A_3] : memref<512x128xf32, #tpu.memory_space<vmem>>, vector<512x128xf32>
    %get3A_5 = arith.constant 0 : index
    %get3A_6 = arith.constant 0 : index
    %get3A_7 = vector.load %arg3[%get3A_5, %get3A_6] : memref<512x128xf32, #tpu.memory_space<vmem>>, vector<512x128xf32>
    %mul3A = arith.mulf %get3A_4, %get3A_7 : vector<512x128xf32>
    %add3A = arith.addf %get3A_1, %mul3A : vector<512x128xf32>
    %swap3A = arith.constant 0 : index
    %swap3A_8 = arith.constant 0 : index
    %swap3A_9 = vector.load %arg4[%swap3A, %swap3A_8] : memref<512x128xf32, #tpu.memory_space<vmem>>, vector<512x128xf32>
    tpu.vector_store %arg4[%swap3A, %swap3A_8], %add3A {strides = array<i32>} : memref<512x128xf32, #tpu.memory_space<vmem>>, vector<512x128xf32>,
    return
  }
  func.func @transform_0(%arg0: i32) -> (i32, i32) {
    %c0_i32 = arith.constant 0 : i32
    %c0_i32_0 = arith.constant 0 : i32
    return %arg0, %c0_i32 : i32, i32
  }
  func.func @transform_1(%arg0: i32) -> (i32, i32) {
    %c0_i32 = arith.constant 0 : i32
    %c0_i32_0 = arith.constant 0 : i32
    return %arg0, %c0_i32 : i32, i32
  }
  func.func @transform_2(%arg0: i32) -> (i32, i32) {
    %c0_i32 = arith.constant 0 : i32
    %c0_i32_0 = arith.constant 0 : i32
    return %arg0, %c0_i32 : i32, i32
  }
  func.func @transform_3(%arg0: i32) -> (i32, i32) {
    %c0_i32 = arith.constant 0 : i32
    %c0_i32_0 = arith.constant 0 : i32
    return %arg0, %c0_i32 : i32, i32
  }
}

</mosaic_0001>

<sc_bundles>
// kernel: kernel.6.cloned.1.call-start
scs
__scs_entry_jumppad:
0x0: {  	(pc) =	sbr.rel $0x88, $3  }
0x1: {  	(tag) =	ssettag $0x0;
	lr =	simm.s32 $0x1  }
0x2: {  	[smem:$0x3F9E] =	sst lr;
	_ =	strace $0xD0000000  }
0x3: {  	_ = 	snop  }
0x4: {  	_ = 	snop  }
0x5: {  	_ = 	snop  }
0x6: {  	_ = 	snop  }
0x7: {  	_ = 	snop  }
__scs_overlays_trampoline_lowered:
0x8: {  	[smem:$0x3FAD] =	sst s0  }
0x9: {  	[smem:$0x3FAE] =	sst s1  }
0xa: {  	[smem:$0x3FAF] =	sst s2  }
0xb: {  	[smem:$0x3FB0] =	sst s3  }
0xc: {  	[smem:$0x3FB1] =	sst s4  }
0xd: {  	[smem:$0x3FB2] =	sst s5  }
0xe: {  	[smem:$0x3FB3] =	sst s6  }
0xf: {  	[smem:$0x3FB4] =	sst s7  }
0x10: {  	[smem:$0x3FB5] =	sst s8  }
0x11: {  	[smem:$0x3FB6] =	sst s9;
	s0 =	simm.s32 @!p0 $0x0  }
0x12: {  	s1 =	sld [smem:$0x3F9C];
	s0 =	simm.s32 @p0 $0x1  }
0x13: {  	[smem:$0x3FB7] =	sst s0;
	s0 =	simm.s32 @!p1 $0x0  }
0x14: {  	s2 =	sld [smem:$0x3F9B];
	s0 =	simm.s32 @p1 $0x1  }
0x15: {  	[smem:$0x3FB8] =	sst s0;
	s0 =	simm.s32 @!p2 $0x0  }
0x16: {  	s3 =	sld [smem:$0x3FDB];
	s0 =	simm.s32 @p2 $0x1  }
0x17: {  	s4 =	simm.s32 $0x1BF5;
	[smem:$0x3FBA] =	sst s0  }
0x18: {  	s0 =	sld [smem:$0x3F9D];
	_ =	swait.ge [sflag:s4], $0x0  }
0x19: {  	s7 =	sld [smem:$0x3F9E]  }
0x1a: {  	s8 =	sadd.s32 $0xFFFFE003, lr  }
0x1b: {  	s9 =	sadd.s32 $0xFFFFFEF7, lr;
	s5 =	simm.s32 $0xFFFFFFFF;
	p2 =	slt.u32 s8, $0xFFFFF086  }
0x1c: {  	p1 =	slt.u32 s9, $0xF7A;
	s5 =	simm.s32 @!p2 $0x0  }
0x1d: {  	s5 =	simm.s32 @p1 $0x1;
	p0 =	seq.s32 s7, s2  }
0x1e: {  	s7 =	smul.u32 @!p0 $0xF7A, s2;
	p2 =	seq.s32 @!p0 s5, $0x0  }
0x1f: {  	s9 =	smul.u32 $0xF7A, s1;
	s8 =	simm.s32 @!p0 $0x1BF5;
	p2 =	por !p2, p0  }
0x20: {  	[sflag:s8] =	ssyncset.s32 @!p0 $0xFFFFF086;
	s6 =	sadd.s32 @!p0 s3, s7;
	s7 =	simm.s32 @!p0 $0x108  }
0x21: {  	s3 =	sadd.s32 s3, s9;
	s6 =	sadd.s32 @!p0 $0x88, s6;
	s7 =	simm.s32 @p2 $0x1082  }
0x22: {  	[simem:s7], [sflag:s8] =	dma.local @!p0 [hbm:s6], $0xF7A  }
0x23: {  	s9 =	sor.u32 $0xD0000000, s2;
	s6 =	simm.s32 $0x108;
	_ =	swait.ge @!p0 [sflag:s8], $0x0  }
0x24: {  	s3 =	sadd.s32 $0x88, s3;
	s6 =	simm.s32 @!p1 $0x1082;
	[sflag:s4] =	ssyncset.s32 $0xFFFFF086  }
0x25: {  	[simem:s6], [sflag:s4] =	dma.local [hbm:s3], $0xF7A  }
0x26: {  	[smem:$0x3F9E] =	sst s1;
	(tag) =	ssettag s2;
	_ =	strace s9  }
0x27: {  	s1 =	sld [smem:$0x3FAE]  }
0x28: {  	s2 =	sld [smem:$0x3FAF]  }
0x29: {  	s4 =	sld [smem:$0x3FB1]  }
0x2a: {  	p0 =	seq.s32 s5, $0x0;
	s5 =	sld [smem:$0x3FB2]  }
0x2b: {  	s6 =	sld [smem:$0x3FB3]  }
0x2c: {  	s7 =	sld [smem:$0x3FB4]  }
0x2d: {  	s3 =	simm.s32 $0x108;
	s8 =	sld [smem:$0x3FB5]  }
0x2e: {  	s3 =	simm.s32 @!p0 $0x1082;
	s9 =	sld [smem:$0x3FB6]  }
0x2f: {  	lr =	sadd.s32 s0, s3;
	s0 =	sld [smem:$0x3FAD]  }
0x30: {  	s3 =	sld [smem:$0x3FB0]  }
0x31: {  	[smem:$0x3FB9] =	sst s10  }
0x32: {  	s10 =	sld [smem:$0x3FB7];
	_ =	sdelay $0x3  }
0x33: {  	p0 =	seq.s32 s10, $0x1;
	s10 =	sld [smem:$0x3FB9];
	_ =	sdelay $0x3  }
0x34: {  	[smem:$0x3FB9] =	sst s10  }
0x35: {  	s10 =	sld [smem:$0x3FB8];
	_ =	sdelay $0x3  }
0x36: {  	p1 =	seq.s32 s10, $0x1;
	s10 =	sld [smem:$0x3FB9];
	_ =	sdelay $0x3  }
0x37: {  	[smem:$0x3FB9] =	sst s10  }
0x38: {  	s10 =	sld [smem:$0x3FBA]  }
0x39: {  	_ = 	snop;
	(pc) =	sbr.ind lr, $3  }
0x3a: {  	_ = 	snop  }
0x3b: {  	_ = 	snop  }
0x3c: {  	p2 =	seq.s32 s10, $0x1;
	s10 =	sld [smem:$0x3FB9]  }
0x3d: {  	_ =	shalt  }
0x3e: {  	_ =	shalt  }
0x3f: {  	_ =	shalt  }
0x40: {  	_ =	shalt  }
0x41: {  	_ =	shalt  }
0x42: {  	_ =	shalt  }
0x43: {  	_ =	shalt  }
0x44: {  	_ =	shalt  }
0x45: {  	_ =	shalt  }
0x46: {  	_ =	shalt  }
0x47: {  	_ =	shalt  }
0x48: {  	_ =	shalt  }
0x49: {  	_ =	shalt  }
0x4a: {  	_ =	shalt  }
0x4b: {  	_ =	shalt  }
0x4c: {  	_ =	shalt  }
0x4d: {  	_ =	shalt  }
0x4e: {  	_ =	shalt  }
0x4f: {  	_ =	shalt  }
0x50: {  	_ =	shalt  }
0x51: {  	_ =	shalt  }
0x52: {  	_ =	shalt  }
0x53: {  	_ =	shalt  }
0x54: {  	_ =	shalt  }
0x55: {  	_ =	shalt  }
0x56: {  	_ =	shalt  }
0x57: {  	_ =	shalt  }
0x58: {  	_ =	shalt  }
0x59: {  	_ =	shalt  }
0x5a: {  	_ =	shalt  }
0x5b: {  	_ =	shalt  }
0x5c: {  	_ =	shalt  }
0x5d: {  	_ =	shalt  }
0x5e: {  	_ =	shalt  }
0x5f: {  	_ =	shalt  }
0x60: {  	_ =	shalt  }
0x61: {  	_ =	shalt  }
0x62: {  	_ =	shalt  }
0x63: {  	_ =	shalt  }
0x64: {  	_ =	shalt  }
0x65: {  	_ =	shalt  }
0x66: {  	_ =	shalt  }
0x67: {  	_ =	shalt  }
0x68: {  	_ =	shalt  }
0x69: {  	_ =	shalt  }
0x6a: {  	_ =	shalt  }
0x6b: {  	_ =	shalt  }
0x6c: {  	_ =	shalt  }
0x6d: {  	_ =	shalt  }
0x6e: {  	_ =	shalt  }
0x6f: {  	_ =	shalt  }
0x70: {  	_ =	shalt  }
0x71: {  	_ =	shalt  }
0x72: {  	_ =	shalt  }
0x73: {  	_ =	shalt  }
0x74: {  	_ =	shalt  }
0x75: {  	_ =	shalt  }
0x76: {  	_ =	shalt  }
0x77: {  	_ =	shalt  }
0x78: {  	_ =	shalt  }
0x79: {  	_ =	shalt  }
0x7a: {  	_ =	shalt  }
0x7b: {  	_ =	shalt  }
0x7c: {  	_ =	shalt  }
0x7d: {  	_ =	shalt  }
0x7e: {  	_ =	shalt  }
0x7f: {  	_ =	shalt  }
0x80: {  	_ =	shalt  }
0x81: {  	_ =	shalt  }
0x82: {  	_ =	shalt  }
0x83: {  	_ =	shalt  }
0x84: {  	_ =	shalt  }
0x85: {  	_ =	shalt  }
0x86: {  	_ =	shalt  }
0x87: {  	_ =	shalt  }
.Lfunc_end0:
.L_simem_size_0:
called_computation_lowered:
.L_overlay_start_0:
0x88: {  	s0 =	sld [smem:$0x3FD9]  }
0x89: {  	s1 =	sld [smem:$0x3FFE];
	_ =	sdelay $0x3  }
0x8a: {  	s0 =	sadd.s32 s1, s0  }
0x8b: {  	[smem:$0x3FC5] =	sst s0  }
0x8c: {  	_ = 	snop  }
0x8d: {  	s0 =	sld [smem:$0x3FC8]  }
0x8e: {  	s16 =	sld [smem:$0x3FC7]  }
0x8f: {  	s2 =	sld [smem:$0x3FD0];
	(tm) =	ssettm $0x1  }
0x90: {  	s3 =	sld [smem:$0x3FFB];
	_ =	sdelay $0x3  }
0x91: {  	_ =	strace s3  }
0x92: {  	s3 =	sld [smem:$0x3FFC];
	_ =	sdelay $0x3  }
0x93: {  	_ =	strace s3  }
0x94: {  	s3 =	sld [smem:$0x3FFD];
	_ =	sdelay $0x3  }
0x95: {  	_ =	strace s3  }
0x96: {  	_ =	strace $0x8FFFFFFF  }
0x97: {  	s17 =	sld [smem:$0x3FDB];
	_ =	sdelay $0x1  }
0x98: {  	s4 =	simm.s32 $_scs_section_size  }
0x99: {  	s5 =	simm.s32 $_size__tile_overlayer_lowered;
	s6 =	simm.s32 $_tile_overlayer_lowered  }
0x9a: {  	s20 =	simm.s32 $0x1BFF;
	s19 =	sshll.u32 s6, $0x1;
	s3 =	sadd.s32 s4, s17  }
0x9b: {  	s7 =	simm.s32 $0x0;
	s18 =	sshll.u32 s5, $0x1;
	s5 =	sadd.s32 s19, s3  }
0x9c: {  	[timem:s7], [sflag:s20] =	dma.local [hbm:s5], s18  }
0x9d: {  	_ =	swait.ge [sflag:s20], s18  }
0x9e: {  	s4 =	ssub.s32 $0x0, s18;
	[sflag:s20] =	ssyncset.done $0x0  }
0x9f: {  	[sflag:s20] =	ssyncadd.s32 s4;
	_ =	sdelay $0x1  }
0xa0: {  	s21 =	simm.s32 $0x1B8B  }
0xa1: {  	_ =	swait.ge [sflag:s21], $0x1  }
0xa2: {  	[sflag:s21] =	ssyncset.done $0x0  }
0xa3: {  	s23 =	simm.s32 $0x1B8E;
	s22 =	sld [smem:$0x3FFE];
	[sflag:s21] =	ssyncadd.s32 $0xFFFFFFFF  }
0xa4: {  	s24 =	simm.s32 $execute0_lowered;
	[smem:$0x3FD2] =	sst s23  }
0xa5: {  	s5 =	sshll.u32 s24, $0x1;
	_ =	strace $0x80000046;
	[dreg:$0x1] =	wrdreg $0xFFFFFFFF  }
0xa6: {  	s25 =	simm.s32 $_size_execute0_lowered;
	s3 =	sadd.s32 s3, s5;
	[dreg:$0x0] =	wrdreg $0x0  }
0xa7: {  	s5 =	sshll.u32 s25, $0x1;
	[dreg:$0x2] =	wrdreg s3  }
0xa8: {  	[dreg:$0x3] =	wrdreg s5  }
0xa9: {  	[dreg:$0x4] =	wrdreg $0xC0  }
0xaa: {  	_ =	task [dreg:s7], $0x5FFFF  }
0xab: {  	[dreg:$0x1] =	wrdreg $0xFFFFFFFF  }
0xac: {  	[dreg:$0x0] =	wrdreg $0x60  }
0xad: {  	[dreg:$0x2] =	wrdreg s22  }
0xae: {  	[dreg:$0x3] =	wrdreg s0  }
0xaf: {  	[dreg:$0x4] =	wrdreg s16  }
0xb0: {  	[dreg:$0x5] =	wrdreg s2  }
0xb1: {  	[dreg:$0x6] =	wrdreg $0x9  }
0xb2: {  	_ =	task.clear_ibuf [dreg:s7], $0x7FFFF;
	_ =	strace $0x90000046  }
0xb3: {  	s26 =	simm.s32 $0x9;
	_ =	strace $0x80000048  }
0xb4: {  	_ =	swait.ge [sflag:s26], $0x1  }
0xb5: {  	[sflag:s26] =	ssyncadd.s32 $0xFFFFFFFF  }
0xb6: {  	_ =	strace $0x90000048  }
0xb7: {  	_ =	sfence  }
0xb8: {  	s28 =	sld [smem:$0x0];
	_ =	sdelay $0x1  }
0xb9: {  	s29 =	srdreg.scid  }
0xba: {  	s30 =	sshll.u32 s29, $0xD;
	s31 =	sshrl.u32 s29, $0x2  }
0xbb: {  	s1 =	sand.u32 $0x1, s29;
	s2 =	sand.u32 $0x4000, s30;
	s0 =	sadd.s32 s31, s28  }
0xbc: {  	s1 =	sor.u32 s2, s1;
	s0 =	sshll.u32 s0, $0x11  }
0xbd: {  	s0 =	sor.u32 s0, s1  }
0xbe: {  	s0 =	sadd.s32 $0x8F2B, s0  }
0xbf: {  	[sflag:s0] =	ssyncadd.remote.s32 $0x1  }
0xc0: {  	_ =	sfence.sel $0xFFFF  }
0xc1: {  	[dreg:$0x0] =	wrdreg $0xFFFFFFFF;
	(pc) =	sbr.abs _section_cstart, $3  }
0xc2: {  	[dreg:$0x1] =	wrdreg $0xFFFFFFFF  }
0xc3: {  	_ =	task.clear_ibuf [dreg:s7], $0x2FFFF;
	_ =	strace $0x9FFFFFFF  }
0xc4: {  	(tm) =	ssettm $0x7FFFFFFF  }
0xc5: {  	_ =	shalt  }
tec
execute0_lowered:
.L_overlay_start_1:
0x0: {  	(tag) =	ssettag $0x1  }
0x1: {  	s5 =	rddreg [dreg:$0x0]  }
0x2: {  	s4 =	rddreg [dreg:$0x1]  }
0x3: {  	s3 =	rddreg [dreg:$0x2]  }
0x4: {  	s2 =	rddreg [dreg:$0x3];
	s1 =	stileid.u32  }
0x5: {  	s0 =	rddreg [dreg:$0x4];
	s6 =	simm.s32 $0x0;
	s7 =	sshll.u32 s1, $0xB  }
0x6: {  	[smem:$0x7FF] =	sst s6;
	s7 =	sadd.s32 s7, s5  }
0x7: {  	s29 =	simm.s32 $0x4;
	_ =	strace $0x80000047;
	s7 =	sadd.s32 $0x1C00, s7  }
0x8: {  	[tilespmem:s6], [sflag:$0x4] =	stream.linear.gather [hbm4b:s7+s6], $0x4000, $0x38;
	[tilespmem:$0x14000] =	vst v63  }
0x9: {  	_ =	swait.ge [sflag:s29], $0x4000  }
0xa: {  	s8 =	simm.s32 $0x100;
	[sflag:s29] =	ssyncset.done $0x0  }
0xb: {  	s30 =	sand.u32 $0x3FFFF800, s8;
	[sflag:s29] =	ssyncadd.s32 $0xFFFFC000  }
0xc: {  	s31 =	simm.s32 $0x200;
	s9 =	simm.s32 $0x100;
	s7 =	sadd.s32 $0x80, s30;
	v0 =	vld [tilespmem:$0x0]  }
0xd: {  	s10 =	sand.u32 $0x7800, s31;
	s11 =	sand.u32 $0x380, s9;
	v1 =	vld [tilespmem:s7+$0x0]  }
0xe: {  	s12 =	simm.s32 $0x300;
	s13 =	simm.s32 $0x180;
	s7 =	sor.u32 s11, s10  }
0xf: {  	s16 =	simm.s32 $0x400;
	s14 =	sand.u32 $0x7800, s12;
	s15 =	sand.u32 $0x380, s13;
	v2 =	vld [tilespmem:s7+$0x0]  }
0x10: {  	s19 =	simm.s32 $0x500;
	s10 =	simm.s32 $0x200;
	s7 =	sor.u32 s15, s14  }
0x11: {  	s20 =	simm.s32 $0x280;
	s17 =	sand.u32 $0x7800, s16;
	s18 =	sand.u32 $0x380, s10;
	v3 =	vld [tilespmem:s7+$0x0]  }
0x12: {  	s23 =	simm.s32 $0x600;
	s24 =	simm.s32 $0x2;
	s7 =	sor.u32 s18, s17;
	vm0 =	vgt.f32 v1, v0  }
0x13: {  	s26 =	simm.s32 $0x4;
	s21 =	sand.u32 $0x7800, s19;
	s22 =	sand.u32 $0x380, s20;
	v0 =	vsel vm0, v1, v0;
	v1 =	vld [tilespmem:s7+$0x0]  }
0x14: {  	s8 =	simm.s32 $0x1;
	s12 =	simm.s32 $0x300;
	s7 =	sor.u32 s22, s21;
	vm1 =	vgt.f32 v2, v0  }
0x15: {  	s9 =	simm.s32 $0x800;
	s12 =	sand.u32 $0x380, s12;
	s10 =	sand.u32 $0x7800, s23;
	v0 =	vsel vm1, v2, v0;
	v2 =	vld [tilespmem:s7+$0x0]  }
0x16: {  	v4 =	vimm.s32 $0x0;
	s13 =	simm.s32 $0x380;
	s16 =	simm.s32 $0x5;
	s10 =	sor.u32 s12, s10;
	vm2 =	vgt.f32 v3, v0  }
0x17: {  	s19 =	simm.s32 $0x6;
	s5 =	sadd.s32 $0x9C00, s5;
	s15 =	simm.s32 $0x700;
	v4 =	vsel vm0, s8, v4;
	v0 =	vsel vm2, v3, v0;
	v3 =	vld [tilespmem:s10+$0x0]  }
0x18: {  	s13 =	sand.u32 $0x380, s13;
	s14 =	simm.s32 $0x3;
	s25 =	sand.u32 $0x7800, s15;
	v4 =	vsel vm1, s24, v4;
	vm13 =	vgt.f32 v1, v0  }
0x19: {  	s28 =	sand.u32 $0x3FFFF800, s9;
	s11 =	simm.s32 $0x900;
	s13 =	sor.u32 s13, s25;
	v0 =	vsel vm13, v1, v0;
	v1 =	vsel vm2, s14, v4  }
0x1a: {  	s29 =	sadd.s32 $0x0, s28;
	s30 =	sand.u32 $0x3FFFF800, s11;
	s11 =	simm.s32 $0x100;
	vm14 =	vgt.f32 v2, v0;
	v4 =	vsel vm13, s26, v1;
	v1 =	vld [tilespmem:s13+$0x0]  }
0x1b: {  	s12 =	simm.s32 $0x800;
	s31 =	sadd.s32 $0x80, s30;
	s17 =	simm.s32 $0x7;
	v2 =	vsel vm14, v2, v0  }
0x1c: {  	s18 =	simm.s32 $0xB00;
	s7 =	simm.s32 $0xA;
	s13 =	simm.s32 $0xA00;
	v5 =	vsel vm14, s16, v4;
	v0 =	vld [tilespmem:s29+$0x0];
	vm15 =	vgt.f32 v3, v2  }
0x1d: {  	s10 =	simm.s32 $0x1200;
	s14 =	simm.s32 $0x13;
	s15 =	sand.u32 $0x3FFFF800, s13;
	v4 =	vsel vm15, v3, v2;
	v3 =	vsel vm15, s19, v5;
	v2 =	vld [tilespmem:s31+$0x0]  }
.LBB2_1:
0x1e: {  	p0 =	slt.u32 s14, $0x37;
	s19 =	sadd.s32 s15, s11  }
0x1f: {  	s20 =	sadd.s32 $0xFFFFFD80, s12;
	vm0 =	vgt.f32 v1, v4;
	s16 =	smov.u32 s10;
	s15 =	smov.u32 s11  }
0x20: {  	s18 =	sand.u32 $0x7800, s18;
	v5 =	vld [tilespmem:s19+$0x0];
	s19 =	sand.u32 $0x380, s20;
	v1 =	vsel vm0, v1, v4;
	v3 =	vsel vm0, s17, v3;
	s17 =	sadd.s32 $0x7, s8  }
0x21: {  	s20 =	sadd.s32 $0xFFFFFE00, s12;
	s18 =	sor.u32 s19, s18;
	s19 =	sadd.s32 $0xFFFFFA00, s10;
	vm0 =	vgt.f32 v0, v1  }
0x22: {  	s8 =	sadd.s32 $0x8, s8;
	v4 =	vld [tilespmem:s18+$0x0];
	s18 =	sand.u32 $0x7800, s19;
	s19 =	sand.u32 $0x380, s20;
	v0 =	vsel vm0, v0, v1;
	v1 =	vsel vm0, s17, v3  }
0x23: {  	s17 =	sor.u32 s19, s18;
	s18 =	sadd.s32 $0xFFFFFB00, s10;
	s19 =	sadd.s32 $0xFFFFFE80, s12;
	vm0 =	vgt.f32 v2, v0  }
0x24: {  	v3 =	vld [tilespmem:s17+$0x0];
	s17 =	sand.u32 $0x7800, s18;
	s18 =	sand.u32 $0x380, s19;
	v0 =	vsel vm0, v2, v0;
	v1 =	vsel vm0, s8, v1;
	s8 =	smov.u32 s7  }
0x25: {  	vm0 =	vgt.f32 v5, v0;
	s7 =	sor.u32 s18, s17;
	s17 =	sadd.s32 $0xFFFFFC00, s10;
	s18 =	sadd.s32 $0xFFFFFF00, s12  }
0x26: {  	s19 =	sadd.s32 $0x1, s8;
	v0 =	vsel vm0, v5, v0;
	v1 =	vsel vm0, s8, v1;
	v2 =	vld [tilespmem:s7+$0x0];
	s7 =	sand.u32 $0x7800, s17;
	s17 =	sand.u32 $0x380, s18  }
0x27: {  	s18 =	sadd.s32 $0xFFFFFF80, s12;
	vm0 =	vgt.f32 v4, v0;
	s7 =	sor.u32 s17, s7;
	s17 =	sadd.s32 $0xFFFFFD00, s10  }
0x28: {  	s18 =	sand.u32 $0x380, s18;
	v0 =	vsel vm0, v4, v0;
	v1 =	vsel vm0, s19, v1;
	v4 =	vld [tilespmem:s7+$0x0];
	s17 =	sand.u32 $0x7800, s17;
	s7 =	smov.u32 s14  }
0x29: {  	s19 =	sadd.s32 $0x2, s8;
	vm0 =	vgt.f32 v3, v0;
	s17 =	sor.u32 s18, s17;
	s18 =	sadd.s32 $0xFFFFFE00, s10  }
0x2a: {  	s9 =	sadd.s32 $0x900, s9;
	v0 =	vsel vm0, v3, v0;
	v1 =	vsel vm0, s19, v1;
	v3 =	vld [tilespmem:s17+$0x0];
	s17 =	sand.u32 $0x7800, s18;
	s18 =	sand.u32 $0x380, s12  }
0x2b: {  	s6 =	sadd.s32 $0x80, s6;
	s19 =	sadd.s32 $0x3, s8;
	vm0 =	vgt.f32 v2, v0;
	s17 =	sor.u32 s18, s17  }
.Ltmp0:
0x2c: {  	s10 =	sadd.s32 $0x900, s10;
	s18 =	sand.u32 $0x3FFFF800, s9;
	v0 =	vsel vm0, v2, v0;
	v2 =	vsel vm0, s19, v1;
	v1 =	vld [tilespmem:s17+$0x0];
	(pc) =	sbr.rel @p0 .LBB2_1-.Ltmp0, $4  }
0x2d: {  	s12 =	sadd.s32 $0x480, s12;
	s17 =	sadd.s32 s18, s6;
	s18 =	sadd.s32 $0x4, s8;
	vm0 =	vgt.f32 v4, v0  }
0x2e: {  	s11 =	sadd.s32 $0x80, s11;
	s13 =	sadd.s32 $0x900, s13;
	s16 =	sand.u32 $0x3FFFF800, s16;
	v4 =	vsel vm0, v4, v0;
	v2 =	vsel vm0, s18, v2;
	v0 =	vld [tilespmem:s17+$0x0]  }
0x2f: {  	s16 =	sadd.s32 s16, s15;
	s19 =	sadd.s32 $0x5, s8;
	s17 =	sadd.s32 $0x6, s8;
	vm0 =	vgt.f32 v3, v4  }
0x30: {  	s15 =	sand.u32 $0x3FFFF800, s13;
	s14 =	sadd.s32 $0x9, s14;
	s18 =	sadd.s32 $0xFFFFF900, s10;
	v4 =	vsel vm0, v3, v4;
	v3 =	vsel vm0, s19, v2;
	v2 =	vld [tilespmem:s16+$0x0]  }
0x31: {  	s13 =	sadd.s32 s15, s11;
	s14 =	sadd.s32 $0xFFFFFD80, s12;
	vm0 =	vgt.f32 v1, v4  }
0x32: {  	s20 =	sand.u32 $0x7800, s18;
	v5 =	vld [tilespmem:s13+$0x0];
	s14 =	sand.u32 $0x380, s14;
	v1 =	vsel vm0, v1, v4  }
0x33: {  	s21 =	sadd.s32 $0xFFFFFA00, s10;
	s22 =	sadd.s32 $0xFFFFFE00, s12;
	s13 =	sor.u32 s14, s20;
	vm1 =	vgt.f32 v0, v1  }
0x34: {  	s23 =	sand.u32 $0x7800, s21;
	s24 =	sand.u32 $0x380, s22;
	v4 =	vld [tilespmem:s13+$0x0];
	v0 =	vsel vm1, v0, v1  }
0x35: {  	s25 =	sadd.s32 $0xFFFFFB00, s10;
	s26 =	sadd.s32 $0xFFFFFE80, s12;
	s13 =	sor.u32 s24, s23;
	vm2 =	vgt.f32 v2, v0  }
0x36: {  	s28 =	sand.u32 $0x7800, s25;
	s29 =	sand.u32 $0x380, s26;
	v1 =	vld [tilespmem:s13+$0x0];
	v0 =	vsel vm2, v2, v0  }
0x37: {  	s30 =	sadd.s32 $0xFFFFFC00, s10;
	s31 =	sadd.s32 $0xFFFFFF00, s12;
	s13 =	sor.u32 s29, s28;
	vm3 =	vgt.f32 v5, v0  }
0x38: {  	s16 =	sand.u32 $0x380, s31;
	s14 =	sand.u32 $0x7800, s30;
	v2 =	vld [tilespmem:s13+$0x0];
	v0 =	vsel vm3, v5, v0  }
0x39: {  	s18 =	sadd.s32 $0xFFFFFD00, s10;
	s19 =	sadd.s32 $0xFFFFFF80, s12;
	s13 =	sor.u32 s16, s14;
	vm4 =	vgt.f32 v4, v0  }
0x3a: {  	s21 =	sand.u32 $0x380, s19;
	s20 =	sand.u32 $0x7800, s18;
	v0 =	vsel vm4, v4, v0;
	v4 =	vld [tilespmem:s13+$0x0]  }
0x3b: {  	s22 =	sadd.s32 $0xFFFFFE00, s10;
	s13 =	sor.u32 s21, s20;
	vm5 =	vgt.f32 v1, v0  }
0x3c: {  	v3 =	vsel vm0, s17, v3;
	s25 =	sand.u32 $0x380, s12;
	s23 =	sadd.s32 $0x7, s8;
	s24 =	sand.u32 $0x7800, s22;
	v0 =	vsel vm5, v1, v0;
	v1 =	vld [tilespmem:s13+$0x0]  }
0x3d: {  	s9 =	sadd.s32 $0x900, s9;
	s26 =	sadd.s32 $0x8, s8;
	v3 =	vsel vm1, s23, v3;
	s12 =	sor.u32 s25, s24;
	vm0 =	vgt.f32 v2, v0  }
0x3e: {  	s6 =	sadd.s32 $0x80, s6;
	s28 =	sand.u32 $0x3FFFF800, s9;
	v3 =	vsel vm2, s26, v3;
	v0 =	vsel vm0, v2, v0;
	v2 =	vld [tilespmem:s12+$0x0]  }
0x3f: {  	s29 =	sadd.s32 $0x1, s7;
	s6 =	sadd.s32 s28, s6;
	v3 =	vsel vm3, s7, v3;
	vm1 =	vgt.f32 v4, v0  }
0x40: {  	s31 =	sand.u32 $0x3FFFF800, s10;
	s30 =	sadd.s32 $0x2, s7;
	v3 =	vsel vm4, s29, v3;
	v0 =	vsel vm1, v4, v0;
	v4 =	vld [tilespmem:s6+$0x0]  }
0x41: {  	s10 =	sadd.s32 s31, s11;
	s8 =	sadd.s32 $0x3, s7;
	v3 =	vsel vm5, s30, v3;
	vm2 =	vgt.f32 v1, v0  }
0x42: {  	s11 =	sadd.s32 $0x4, s7;
	v3 =	vsel vm0, s8, v3;
	v0 =	vsel vm2, v1, v0;
	v1 =	vld [tilespmem:s10+$0x0]  }
0x43: {  	s12 =	sadd.s32 $0x5, s7;
	v3 =	vsel vm1, s11, v3;
	vm0 =	vgt.f32 v2, v0  }
0x44: {  	s13 =	sadd.s32 $0x6, s7;
	v3 =	vsel vm2, s12, v3;
	v0 =	vsel vm0, v2, v0  }
0x45: {  	s6 =	sshll.u32 s1, $0x8;
	v2 =	vsel vm0, s13, v3;
	v3 =	vlaneseq.u32;
	vm0 =	vgt.f32 v4, v0  }
0x46: {  	s14 =	sadd.s32 $0x7, s7;
	v3 =	vmul.u32 $0x40, v3;
	v0 =	vsel vm0, v4, v0;
	v4 =	vmov s6  }
0x47: {  	s15 =	sadd.s32 $0x8, s7;
	v2 =	vsel vm0, s14, v2;
	vm0 =	vgt.f32 v1, v0;
	v0 =	vshll.u32 v4, $0x6  }
0x48: {  	v1 =	vsel vm0, s15, v2;
	v0 =	vor.u32 v3, v0  }
0x49: {  	v0 =	vadd.s32 v0, v1;
	_ =	sdelay $0x3  }
0x4a: {  	s17 =	simm.s32 $0x4000;
	s19 =	simm.s32 $0x100;
	s16 =	simm.s32 $0x0;
	vm0 =	vmmov $0xffff  }
0x4b: {  	[tilespmem:s17], [sflag:$0x1] =	stream.indirect_vreg.gather [hbm4b:s4+s16], $0x80, v0, vm0, $0xb8;
	[tilespmem:$0x14000] =	vst v63  }
0x4c: {  	s18 =	simm.s32 $0xC000;
	s7 =	sand.u32 $0x3FFFF800, s19  }
0x4d: {  	[tilespmem:s18], [sflag:$0x2] =	stream.indirect_vreg.gather [hbm4b:s3+s16], $0x80, v0, vm0, $0xb8;
	[tilespmem:$0x14000] =	vst v63  }
0x4e: {  	s20 =	simm.s32 $0x200;
	s21 =	simm.s32 $0x100;
	s7 =	sadd.s32 $0x90, s7;
	v0 =	vld [tilespmem:$0x10]  }
0x4f: {  	s22 =	sand.u32 $0x7800, s20;
	s23 =	sand.u32 $0x380, s21;
	v1 =	vld [tilespmem:s7+$0x0]  }
0x50: {  	s24 =	simm.s32 $0x300;
	s25 =	simm.s32 $0x180;
	s7 =	sor.u32 s23, s22  }
0x51: {  	s31 =	simm.s32 $0x900;
	s26 =	sand.u32 $0x7800, s24;
	s28 =	sand.u32 $0x380, s25;
	v2 =	vld [tilespmem:s7+$0x10]  }
0x52: {  	s29 =	simm.s32 $0x400;
	s30 =	simm.s32 $0x200;
	s7 =	sor.u32 s28, s26  }
0x53: {  	s25 =	simm.s32 $0x4;
	s13 =	sand.u32 $0x7800, s29;
	s14 =	sand.u32 $0x380, s30;
	v3 =	vld [tilespmem:s7+$0x10]  }
0x54: {  	s9 =	sor.u32 s14, s13;
	s15 =	simm.s32 $0x500;
	s16 =	simm.s32 $0x280;
	vm1 =	vgt.f32 v1, v0  }
0x55: {  	s20 =	simm.s32 $0x300;
	s17 =	sand.u32 $0x7800, s15;
	s18 =	sand.u32 $0x380, s16;
	v0 =	vsel vm1, v1, v0;
	v1 =	vld [tilespmem:s9+$0x10]  }
0x56: {  	s21 =	simm.s32 $0x380;
	s19 =	simm.s32 $0x600;
	s9 =	sor.u32 s18, s17;
	vm2 =	vgt.f32 v2, v0  }
0x57: {  	s8 =	simm.s32 $0x1;
	s11 =	sand.u32 $0x7800, s19;
	s13 =	sand.u32 $0x380, s20;
	v0 =	vsel vm2, v2, v0;
	v2 =	vld [tilespmem:s9+$0x10]  }
0x58: {  	s19 =	simm.s32 $0xB00;
	s10 =	simm.s32 $0x800;
	v4 =	vimm.s32 $0x0;
	s11 =	sor.u32 s13, s11;
	vm3 =	vgt.f32 v3, v0  }
0x59: {  	s12 =	simm.s32 $0x110;
	s22 =	simm.s32 $0x2;
	s16 =	simm.s32 $0x700;
	v4 =	vsel vm1, s8, v4;
	v0 =	vsel vm3, v3, v0;
	v3 =	vld [tilespmem:s11+$0x10]  }
0x5a: {  	s14 =	sand.u32 $0x380, s21;
	s23 =	simm.s32 $0x3;
	s24 =	sand.u32 $0x7800, s16;
	v4 =	vsel vm2, s22, v4;
	vm1 =	vgt.f32 v1, v0  }
0x5b: {  	s29 =	simm.s32 $0x5;
	s30 =	sand.u32 $0x3FFFF800, s31;
	s14 =	sor.u32 s14, s24;
	v0 =	vsel vm1, v1, v0;
	v1 =	vsel vm3, s23, v4  }
0x5c: {  	s31 =	sadd.s32 $0x90, s30;
	s20 =	simm.s32 $0x6;
	s26 =	sand.u32 $0x3FFFF800, s10;
	vm2 =	vgt.f32 v2, v0;
	v4 =	vsel vm1, s25, v1;
	v1 =	vld [tilespmem:s14+$0x10]  }
0x5d: {  	s13 =	simm.s32 $0x800;
	s15 =	simm.s32 $0x13;
	s28 =	sadd.s32 $0x10, s26;
	v2 =	vsel vm2, v2, v0  }
0x5e: {  	s7 =	simm.s32 $0x10;
	s18 =	simm.s32 $0x7;
	s14 =	simm.s32 $0xA00;
	v5 =	vsel vm2, s29, v4;
	v0 =	vld [tilespmem:s28+$0x0];
	vm1 =	vgt.f32 v3, v2  }
0x5f: {  	s9 =	simm.s32 $0xA;
	s11 =	simm.s32 $0x1200;
	s16 =	sand.u32 $0x3FFFF800, s14;
	v4 =	vsel vm1, v3, v2;
	v3 =	vsel vm1, s20, v5;
	v2 =	vld [tilespmem:s31+$0x0]  }
.LBB2_3:
0x60: {  	p0 =	slt.u32 s15, $0x37;
	s20 =	sadd.s32 s16, s12  }
0x61: {  	s21 =	sadd.s32 $0xFFFFFD80, s13;
	vm1 =	vgt.f32 v1, v4;
	s17 =	smov.u32 s11;
	s16 =	smov.u32 s12  }
0x62: {  	s19 =	sand.u32 $0x7800, s19;
	v5 =	vld [tilespmem:s20+$0x0];
	s20 =	sand.u32 $0x380, s21;
	v1 =	vsel vm1, v1, v4;
	v3 =	vsel vm1, s18, v3;
	s18 =	sadd.s32 $0x7, s8  }
0x63: {  	s21 =	sadd.s32 $0xFFFFFE00, s13;
	s19 =	sor.u32 s20, s19;
	s20 =	sadd.s32 $0xFFFFFA00, s11;
	vm1 =	vgt.f32 v0, v1  }
0x64: {  	s8 =	sadd.s32 $0x8, s8;
	v4 =	vld [tilespmem:s19+$0x10];
	s19 =	sand.u32 $0x7800, s20;
	s20 =	sand.u32 $0x380, s21;
	v0 =	vsel vm1, v0, v1;
	v1 =	vsel vm1, s18, v3  }
0x65: {  	s18 =	sor.u32 s20, s19;
	s19 =	sadd.s32 $0xFFFFFB00, s11;
	s20 =	sadd.s32 $0xFFFFFE80, s13;
	vm1 =	vgt.f32 v2, v0  }
0x66: {  	v3 =	vld [tilespmem:s18+$0x10];
	s18 =	sand.u32 $0x7800, s19;
	s19 =	sand.u32 $0x380, s20;
	v0 =	vsel vm1, v2, v0;
	v1 =	vsel vm1, s8, v1;
	s8 =	smov.u32 s9  }
0x67: {  	vm1 =	vgt.f32 v5, v0;
	s9 =	sor.u32 s19, s18;
	s18 =	sadd.s32 $0xFFFFFC00, s11;
	s19 =	sadd.s32 $0xFFFFFF00, s13  }
0x68: {  	s20 =	sadd.s32 $0x1, s8;
	v0 =	vsel vm1, v5, v0;
	v1 =	vsel vm1, s8, v1;
	v2 =	vld [tilespmem:s9+$0x10];
	s9 =	sand.u32 $0x7800, s18;
	s18 =	sand.u32 $0x380, s19  }
0x69: {  	s19 =	sadd.s32 $0xFFFFFF80, s13;
	vm1 =	vgt.f32 v4, v0;
	s9 =	sor.u32 s18, s9;
	s18 =	sadd.s32 $0xFFFFFD00, s11  }
0x6a: {  	s19 =	sand.u32 $0x380, s19;
	v0 =	vsel vm1, v4, v0;
	v1 =	vsel vm1, s20, v1;
	v4 =	vld [tilespmem:s9+$0x10];
	s18 =	sand.u32 $0x7800, s18;
	s9 =	smov.u32 s15  }
0x6b: {  	s20 =	sadd.s32 $0x2, s8;
	vm1 =	vgt.f32 v3, v0;
	s18 =	sor.u32 s19, s18;
	s19 =	sadd.s32 $0xFFFFFE00, s11  }
0x6c: {  	s10 =	sadd.s32 $0x900, s10;
	v0 =	vsel vm1, v3, v0;
	v1 =	vsel vm1, s20, v1;
	v3 =	vld [tilespmem:s18+$0x10];
	s18 =	sand.u32 $0x7800, s19;
	s19 =	sand.u32 $0x380, s13  }
0x6d: {  	s7 =	sadd.s32 $0x80, s7;
	s20 =	sadd.s32 $0x3, s8;
	vm1 =	vgt.f32 v2, v0;
	s18 =	sor.u32 s19, s18  }
.Ltmp1:
0x6e: {  	s11 =	sadd.s32 $0x900, s11;
	s19 =	sand.u32 $0x3FFFF800, s10;
	v0 =	vsel vm1, v2, v0;
	v2 =	vsel vm1, s20, v1;
	v1 =	vld [tilespmem:s18+$0x10];
	(pc) =	sbr.rel @p0 .LBB2_3-.Ltmp1, $4  }
0x6f: {  	s13 =	sadd.s32 $0x480, s13;
	s18 =	sadd.s32 s19, s7;
	s19 =	sadd.s32 $0x4, s8;
	vm1 =	vgt.f32 v4, v0  }
0x70: {  	s12 =	sadd.s32 $0x80, s12;
	s14 =	sadd.s32 $0x900, s14;
	s17 =	sand.u32 $0x3FFFF800, s17;
	v4 =	vsel vm1, v4, v0;
	v2 =	vsel vm1, s19, v2;
	v0 =	vld [tilespmem:s18+$0x0]  }
0x71: {  	s17 =	sadd.s32 s17, s16;
	s20 =	sadd.s32 $0x5, s8;
	s18 =	sadd.s32 $0x6, s8;
	vm1 =	vgt.f32 v3, v4  }
0x72: {  	s16 =	sand.u32 $0x3FFFF800, s14;
	s15 =	sadd.s32 $0x9, s15;
	s19 =	sadd.s32 $0xFFFFF900, s11;
	v4 =	vsel vm1, v3, v4;
	v3 =	vsel vm1, s20, v2;
	v2 =	vld [tilespmem:s17+$0x0]  }
0x73: {  	s14 =	sadd.s32 s16, s12;
	s15 =	sadd.s32 $0xFFFFFD80, s13;
	vm1 =	vgt.f32 v1, v4  }
0x74: {  	s31 =	sand.u32 $0x7800, s19;
	v5 =	vld [tilespmem:s14+$0x0];
	s15 =	sand.u32 $0x380, s15;
	v1 =	vsel vm1, v1, v4  }
0x75: {  	s16 =	sadd.s32 $0xFFFFFA00, s11;
	s17 =	sadd.s32 $0xFFFFFE00, s13;
	s14 =	sor.u32 s15, s31;
	vm2 =	vgt.f32 v0, v1  }
0x76: {  	s19 =	sand.u32 $0x7800, s16;
	s20 =	sand.u32 $0x380, s17;
	v4 =	vld [tilespmem:s14+$0x10];
	v0 =	vsel vm2, v0, v1  }
0x77: {  	s21 =	sadd.s32 $0xFFFFFB00, s11;
	s22 =	sadd.s32 $0xFFFFFE80, s13;
	s14 =	sor.u32 s20, s19;
	vm3 =	vgt.f32 v2, v0  }
0x78: {  	s23 =	sand.u32 $0x7800, s21;
	s24 =	sand.u32 $0x380, s22;
	v1 =	vld [tilespmem:s14+$0x10];
	v0 =	vsel vm3, v2, v0  }
0x79: {  	s25 =	sadd.s32 $0xFFFFFC00, s11;
	s26 =	sadd.s32 $0xFFFFFF00, s13;
	s14 =	sor.u32 s24, s23;
	vm4 =	vgt.f32 v5, v0  }
0x7a: {  	s28 =	sand.u32 $0x7800, s25;
	s29 =	sand.u32 $0x380, s26;
	v2 =	vld [tilespmem:s14+$0x10];
	v0 =	vsel vm4, v5, v0  }
0x7b: {  	s30 =	sadd.s32 $0xFFFFFD00, s11;
	s31 =	sadd.s32 $0xFFFFFF80, s13;
	s14 =	sor.u32 s29, s28;
	vm5 =	vgt.f32 v4, v0  }
0x7c: {  	s17 =	sand.u32 $0x7800, s30;
	s19 =	sand.u32 $0x380, s31;
	v0 =	vsel vm5, v4, v0;
	v4 =	vld [tilespmem:s14+$0x10]  }
0x7d: {  	s20 =	sadd.s32 $0xFFFFFE00, s11;
	s14 =	sor.u32 s19, s17;
	vm6 =	vgt.f32 v1, v0  }
0x7e: {  	v3 =	vsel vm1, s18, v3;
	s21 =	sadd.s32 $0x7, s8;
	s22 =	sand.u32 $0x7800, s20;
	s23 =	sand.u32 $0x380, s13;
	v0 =	vsel vm6, v1, v0;
	v1 =	vld [tilespmem:s14+$0x10]  }
0x7f: {  	s10 =	sadd.s32 $0x900, s10;
	v3 =	vsel vm2, s21, v3;
	s24 =	sadd.s32 $0x8, s8;
	s13 =	sor.u32 s23, s22;
	vm1 =	vgt.f32 v2, v0  }
0x80: {  	s7 =	sadd.s32 $0x80, s7;
	s25 =	sand.u32 $0x3FFFF800, s10;
	v3 =	vsel vm3, s24, v3;
	v0 =	vsel vm1, v2, v0;
	v2 =	vld [tilespmem:s13+$0x10]  }
0x81: {  	s26 =	sadd.s32 $0x1, s9;
	s7 =	sadd.s32 s25, s7;
	v3 =	vsel vm4, s9, v3;
	vm2 =	vgt.f32 v4, v0  }
0x82: {  	s28 =	sadd.s32 $0x2, s9;
	s29 =	sand.u32 $0x3FFFF800, s11;
	v3 =	vsel vm5, s26, v3;
	v0 =	vsel vm2, v4, v0;
	v4 =	vld [tilespmem:s7+$0x0]  }
0x83: {  	s30 =	sadd.s32 $0x3, s9;
	s31 =	sadd.s32 s29, s12;
	v3 =	vsel vm6, s28, v3;
	vm3 =	vgt.f32 v1, v0  }
0x84: {  	s10 =	sadd.s32 $0x4, s9;
	v3 =	vsel vm1, s30, v3;
	v0 =	vsel vm3, v1, v0;
	v1 =	vld [tilespmem:s31+$0x0]  }
0x85: {  	s11 =	sadd.s32 $0x5, s9;
	v3 =	vsel vm2, s10, v3;
	vm1 =	vgt.f32 v2, v0  }
0x86: {  	s12 =	sadd.s32 $0x6, s9;
	v3 =	vsel vm3, s11, v3;
	v0 =	vsel vm1, v2, v0  }
0x87: {  	s13 =	sor.u32 $0x10, s6;
	v2 =	vsel vm1, s12, v3;
	v3 =	vlaneseq.u32;
	vm1 =	vgt.f32 v4, v0  }
0x88: {  	s14 =	sadd.s32 $0x7, s9;
	v3 =	vmul.u32 $0x40, v3;
	v0 =	vsel vm1, v4, v0;
	v4 =	vmov s13  }
0x89: {  	s15 =	sadd.s32 $0x8, s9;
	v2 =	vsel vm1, s14, v2;
	vm1 =	vgt.f32 v1, v0;
	v0 =	vshll.u32 v4, $0x6  }
0x8a: {  	v1 =	vsel vm1, s15, v2;
	v0 =	vor.u32 v3, v0  }
0x8b: {  	v0 =	vadd.s32 v0, v1;
	_ =	sdelay $0x3  }
0x8c: {  	s16 =	simm.s32 $0x0;
	s17 =	simm.s32 $0x4800;
	s19 =	simm.s32 $0x100  }
0x8d: {  	[tilespmem:s17], [sflag:$0x1] =	stream.indirect_vreg.gather [hbm4b:s4+s16], $0x80, v0, vm0, $0xb8;
	[tilespmem:$0x14000] =	vst v63  }
0x8e: {  	s18 =	simm.s32 $0xC800;
	s7 =	sand.u32 $0x3FFFF800, s19  }
0x8f: {  	[tilespmem:s18], [sflag:$0x2] =	stream.indirect_vreg.gather [hbm4b:s3+s16], $0x80, v0, vm0, $0xb8;
	[tilespmem:$0x14000] =	vst v63  }
0x90: {  	s21 =	simm.s32 $0x100;
	s20 =	simm.s32 $0x200;
	s7 =	sadd.s32 $0xA0, s7;
	v0 =	vld [tilespmem:$0x20]  }
0x91: {  	s22 =	sand.u32 $0x7800, s20;
	s23 =	sand.u32 $0x380, s21;
	v1 =	vld [tilespmem:s7+$0x0]  }
0x92: {  	s25 =	simm.s32 $0x180;
	s24 =	simm.s32 $0x300;
	s7 =	sor.u32 s23, s22  }
0x93: {  	s8 =	simm.s32 $0x1;
	s26 =	sand.u32 $0x7800, s24;
	s28 =	sand.u32 $0x380, s25;
	v2 =	vld [tilespmem:s7+$0x20]  }
0x94: {  	s29 =	simm.s32 $0x400;
	s30 =	simm.s32 $0x200;
	s7 =	sor.u32 s28, s26  }
0x95: {  	s20 =	simm.s32 $0x300;
	s13 =	sand.u32 $0x7800, s29;
	s14 =	sand.u32 $0x380, s30;
	v3 =	vld [tilespmem:s7+$0x20]  }
0x96: {  	s9 =	sor.u32 s14, s13;
	s15 =	simm.s32 $0x500;
	s16 =	simm.s32 $0x280;
	vm1 =	vgt.f32 v1, v0  }
0x97: {  	s21 =	simm.s32 $0x380;
	s17 =	sand.u32 $0x7800, s15;
	s18 =	sand.u32 $0x380, s16;
	v0 =	vsel vm1, v1, v0;
	v1 =	vld [tilespmem:s9+$0x20]  }
0x98: {  	s24 =	simm.s32 $0x700;
	s19 =	simm.s32 $0x600;
	s9 =	sor.u32 s18, s17;
	vm2 =	vgt.f32 v2, v0  }
0x99: {  	s25 =	sand.u32 $0x7800, s24;
	s11 =	sand.u32 $0x7800, s19;
	s13 =	sand.u32 $0x380, s20;
	v0 =	vsel vm2, v2, v0;
	v2 =	vld [tilespmem:s9+$0x20]  }
0x9a: {  	s10 =	simm.s32 $0x800;
	s31 =	simm.s32 $0x900;
	v4 =	vimm.s32 $0x0;
	s11 =	sor.u32 s13, s11;
	vm3 =	vgt.f32 v3, v0  }
0x9b: {  	s19 =	simm.s32 $0xB00;
	s12 =	simm.s32 $0x120;
	s22 =	simm.s32 $0x2;
	v4 =	vsel vm1, s8, v4;
	v0 =	vsel vm3, v3, v0;
	v3 =	vld [tilespmem:s11+$0x20]  }
0x9c: {  	s30 =	sand.u32 $0x3FFFF800, s31;
	s14 =	sand.u32 $0x380, s21;
	s23 =	simm.s32 $0x3;
	v4 =	vsel vm2, s22, v4;
	vm1 =	vgt.f32 v1, v0  }
0x9d: {  	s31 =	sadd.s32 $0xA0, s30;
	s14 =	sor.u32 s14, s25;
	s26 =	simm.s32 $0x4;
	v0 =	vsel vm1, v1, v0;
	v1 =	vsel vm3, s23, v4  }
0x9e: {  	s20 =	simm.s32 $0x6;
	s13 =	simm.s32 $0x800;
	s28 =	sand.u32 $0x3FFFF800, s10;
	vm2 =	vgt.f32 v2, v0;
	v4 =	vsel vm1, s26, v1;
	v1 =	vld [tilespmem:s14+$0x20]  }
0x9f: {  	s15 =	simm.s32 $0x13;
	s29 =	sadd.s32 $0x20, s28;
	s17 =	simm.s32 $0x5;
	v2 =	vsel vm2, v2, v0  }
0xa0: {  	s7 =	simm.s32 $0x20;
	s18 =	simm.s32 $0x7;
	s14 =	simm.s32 $0xA00;
	v5 =	vsel vm2, s17, v4;
	v0 =	vld [tilespmem:s29+$0x0];
	vm1 =	vgt.f32 v3, v2  }
0xa1: {  	s9 =	simm.s32 $0xA;
	s11 =	simm.s32 $0x1200;
	s16 =	sand.u32 $0x3FFFF800, s14;
	v4 =	vsel vm1, v3, v2;
	v3 =	vsel vm1, s20, v5;
	v2 =	vld [tilespmem:s31+$0x0]  }
.LBB2_5:
0xa2: {  	p0 =	slt.u32 s15, $0x37;
	s20 =	sadd.s32 s16, s12  }
0xa3: {  	s21 =	sadd.s32 $0xFFFFFD80, s13;
	vm1 =	vgt.f32 v1, v4;
	s17 =	smov.u32 s11;
	s16 =	smov.u32 s12  }
0xa4: {  	s19 =	sand.u32 $0x7800, s19;
	v5 =	vld [tilespmem:s20+$0x0];
	s20 =	sand.u32 $0x380, s21;
	v1 =	vsel vm1, v1, v4;
	v3 =	vsel vm1, s18, v3;
	s18 =	sadd.s32 $0x7, s8  }
0xa5: {  	s21 =	sadd.s32 $0xFFFFFE00, s13;
	s19 =	sor.u32 s20, s19;
	s20 =	sadd.s32 $0xFFFFFA00, s11;
	vm1 =	vgt.f32 v0, v1  }
0xa6: {  	s8 =	sadd.s32 $0x8, s8;
	v4 =	vld [tilespmem:s19+$0x20];
	s19 =	sand.u32 $0x7800, s20;
	s20 =	sand.u32 $0x380, s21;
	v0 =	vsel vm1, v0, v1;
	v1 =	vsel vm1, s18, v3  }
0xa7: {  	s18 =	sor.u32 s20, s19;
	s19 =	sadd.s32 $0xFFFFFB00, s11;
	s20 =	sadd.s32 $0xFFFFFE80, s13;
	vm1 =	vgt.f32 v2, v0  }
0xa8: {  	v3 =	vld [tilespmem:s18+$0x20];
	s18 =	sand.u32 $0x7800, s19;
	s19 =	sand.u32 $0x380, s20;
	v0 =	vsel vm1, v2, v0;
	v1 =	vsel vm1, s8, v1;
	s8 =	smov.u32 s9  }
0xa9: {  	vm1 =	vgt.f32 v5, v0;
	s9 =	sor.u32 s19, s18;
	s18 =	sadd.s32 $0xFFFFFC00, s11;
	s19 =	sadd.s32 $0xFFFFFF00, s13  }
0xaa: {  	s20 =	sadd.s32 $0x1, s8;
	v0 =	vsel vm1, v5, v0;
	v1 =	vsel vm1, s8, v1;
	v2 =	vld [tilespmem:s9+$0x20];
	s9 =	sand.u32 $0x7800, s18;
	s18 =	sand.u32 $0x380, s19  }
0xab: {  	s19 =	sadd.s32 $0xFFFFFF80, s13;
	vm1 =	vgt.f32 v4, v0;
	s9 =	sor.u32 s18, s9;
	s18 =	sadd.s32 $0xFFFFFD00, s11  }
0xac: {  	s19 =	sand.u32 $0x380, s19;
	v0 =	vsel vm1, v4, v0;
	v1 =	vsel vm1, s20, v1;
	v4 =	vld [tilespmem:s9+$0x20];
	s18 =	sand.u32 $0x7800, s18;
	s9 =	smov.u32 s15  }
0xad: {  	s20 =	sadd.s32 $0x2, s8;
	vm1 =	vgt.f32 v3, v0;
	s18 =	sor.u32 s19, s18;
	s19 =	sadd.s32 $0xFFFFFE00, s11  }
0xae: {  	s10 =	sadd.s32 $0x900, s10;
	v0 =	vsel vm1, v3, v0;
	v1 =	vsel vm1, s20, v1;
	v3 =	vld [tilespmem:s18+$0x20];
	s18 =	sand.u32 $0x7800, s19;
	s19 =	sand.u32 $0x380, s13  }
0xaf: {  	s7 =	sadd.s32 $0x80, s7;
	s20 =	sadd.s32 $0x3, s8;
	vm1 =	vgt.f32 v2, v0;
	s18 =	sor.u32 s19, s18  }
.Ltmp2:
0xb0: {  	s11 =	sadd.s32 $0x900, s11;
	s19 =	sand.u32 $0x3FFFF800, s10;
	v0 =	vsel vm1, v2, v0;
	v2 =	vsel vm1, s20, v1;
	v1 =	vld [tilespmem:s18+$0x20];
	(pc) =	sbr.rel @p0 .LBB2_5-.Ltmp2, $4  }
0xb1: {  	s13 =	sadd.s32 $0x480, s13;
	s18 =	sadd.s32 s19, s7;
	s19 =	sadd.s32 $0x4, s8;
	vm1 =	vgt.f32 v4, v0  }
0xb2: {  	s12 =	sadd.s32 $0x80, s12;
	s14 =	sadd.s32 $0x900, s14;
	s17 =	sand.u32 $0x3FFFF800, s17;
	v4 =	vsel vm1, v4, v0;
	v2 =	vsel vm1, s19, v2;
	v0 =	vld [tilespmem:s18+$0x0]  }
0xb3: {  	s17 =	sadd.s32 s17, s16;
	s20 =	sadd.s32 $0x5, s8;
	s18 =	sadd.s32 $0x6, s8;
	vm1 =	vgt.f32 v3, v4  }
0xb4: {  	s16 =	sand.u32 $0x3FFFF800, s14;
	s15 =	sadd.s32 $0x9, s15;
	s19 =	sadd.s32 $0xFFFFF900, s11;
	v4 =	vsel vm1, v3, v4;
	v3 =	vsel vm1, s20, v2;
	v2 =	vld [tilespmem:s17+$0x0]  }
0xb5: {  	s14 =	sadd.s32 s16, s12;
	s15 =	sadd.s32 $0xFFFFFD80, s13;
	vm1 =	vgt.f32 v1, v4  }
0xb6: {  	s31 =	sand.u32 $0x7800, s19;
	v5 =	vld [tilespmem:s14+$0x0];
	s15 =	sand.u32 $0x380, s15;
	v1 =	vsel vm1, v1, v4  }
0xb7: {  	s16 =	sadd.s32 $0xFFFFFA00, s11;
	s17 =	sadd.s32 $0xFFFFFE00, s13;
	s14 =	sor.u32 s15, s31;
	vm2 =	vgt.f32 v0, v1  }
0xb8: {  	s19 =	sand.u32 $0x7800, s16;
	s20 =	sand.u32 $0x380, s17;
	v4 =	vld [tilespmem:s14+$0x20];
	v0 =	vsel vm2, v0, v1  }
0xb9: {  	s21 =	sadd.s32 $0xFFFFFB00, s11;
	s22 =	sadd.s32 $0xFFFFFE80, s13;
	s14 =	sor.u32 s20, s19;
	vm3 =	vgt.f32 v2, v0  }
0xba: {  	s23 =	sand.u32 $0x7800, s21;
	s24 =	sand.u32 $0x380, s22;
	v1 =	vld [tilespmem:s14+$0x20];
	v0 =	vsel vm3, v2, v0  }
0xbb: {  	s25 =	sadd.s32 $0xFFFFFC00, s11;
	s26 =	sadd.s32 $0xFFFFFF00, s13;
	s14 =	sor.u32 s24, s23;
	vm4 =	vgt.f32 v5, v0  }
0xbc: {  	s28 =	sand.u32 $0x7800, s25;
	s29 =	sand.u32 $0x380, s26;
	v2 =	vld [tilespmem:s14+$0x20];
	v0 =	vsel vm4, v5, v0  }
0xbd: {  	s30 =	sadd.s32 $0xFFFFFD00, s11;
	s31 =	sadd.s32 $0xFFFFFF80, s13;
	s14 =	sor.u32 s29, s28;
	vm5 =	vgt.f32 v4, v0  }
0xbe: {  	s17 =	sand.u32 $0x7800, s30;
	s19 =	sand.u32 $0x380, s31;
	v0 =	vsel vm5, v4, v0;
	v4 =	vld [tilespmem:s14+$0x20]  }
0xbf: {  	s20 =	sadd.s32 $0xFFFFFE00, s11;
	s14 =	sor.u32 s19, s17;
	vm6 =	vgt.f32 v1, v0  }
0xc0: {  	v3 =	vsel vm1, s18, v3;
	s21 =	sadd.s32 $0x7, s8;
	s22 =	sand.u32 $0x7800, s20;
	s23 =	sand.u32 $0x380, s13;
	v0 =	vsel vm6, v1, v0;
	v1 =	vld [tilespmem:s14+$0x20]  }
0xc1: {  	s10 =	sadd.s32 $0x900, s10;
	v3 =	vsel vm2, s21, v3;
	s24 =	sadd.s32 $0x8, s8;
	s13 =	sor.u32 s23, s22;
	vm1 =	vgt.f32 v2, v0  }
0xc2: {  	s7 =	sadd.s32 $0x80, s7;
	s25 =	sand.u32 $0x3FFFF800, s10;
	v3 =	vsel vm3, s24, v3;
	v0 =	vsel vm1, v2, v0;
	v2 =	vld [tilespmem:s13+$0x20]  }
0xc3: {  	s26 =	sadd.s32 $0x1, s9;
	s7 =	sadd.s32 s25, s7;
	v3 =	vsel vm4, s9, v3;
	vm2 =	vgt.f32 v4, v0  }
0xc4: {  	s28 =	sadd.s32 $0x2, s9;
	s29 =	sand.u32 $0x3FFFF800, s11;
	v3 =	vsel vm5, s26, v3;
	v0 =	vsel vm2, v4, v0;
	v4 =	vld [tilespmem:s7+$0x0]  }
0xc5: {  	s30 =	sadd.s32 $0x3, s9;
	s31 =	sadd.s32 s29, s12;
	v3 =	vsel vm6, s28, v3;
	vm3 =	vgt.f32 v1, v0  }
0xc6: {  	s10 =	sadd.s32 $0x4, s9;
	v3 =	vsel vm1, s30, v3;
	v0 =	vsel vm3, v1, v0;
	v1 =	vld [tilespmem:s31+$0x0]  }
0xc7: {  	s11 =	sadd.s32 $0x5, s9;
	v3 =	vsel vm2, s10, v3;
	vm1 =	vgt.f32 v2, v0  }
0xc8: {  	s12 =	sadd.s32 $0x6, s9;
	v3 =	vsel vm3, s11, v3;
	v0 =	vsel vm1, v2, v0  }
0xc9: {  	s13 =	sor.u32 $0x20, s6;
	v2 =	vsel vm1, s12, v3;
	v3 =	vlaneseq.u32;
	vm1 =	vgt.f32 v4, v0  }
0xca: {  	s14 =	sadd.s32 $0x7, s9;
	v3 =	vmul.u32 $0x40, v3;
	v0 =	vsel vm1, v4, v0;
	v4 =	vmov s13  }
0xcb: {  	s15 =	sadd.s32 $0x8, s9;
	v2 =	vsel vm1, s14, v2;
	vm1 =	vgt.f32 v1, v0;
	v0 =	vshll.u32 v4, $0x6  }
0xcc: {  	v1 =	vsel vm1, s15, v2;
	v0 =	vor.u32 v3, v0  }
0xcd: {  	v0 =	vadd.s32 v0, v1;
	_ =	sdelay $0x3  }
0xce: {  	s16 =	simm.s32 $0x0;
	s17 =	simm.s32 $0x5000;
	s19 =	simm.s32 $0x100  }
0xcf: {  	[tilespmem:s17], [sflag:$0x1] =	stream.indirect_vreg.gather [hbm4b:s4+s16], $0x80, v0, vm0, $0xb8;
	[tilespmem:$0x14000] =	vst v63  }
0xd0: {  	s18 =	simm.s32 $0xD000;
	s7 =	sand.u32 $0x3FFFF800, s19  }
0xd1: {  	[tilespmem:s18], [sflag:$0x2] =	stream.indirect_vreg.gather [hbm4b:s3+s16], $0x80, v0, vm0, $0xb8;
	[tilespmem:$0x14000] =	vst v63  }
0xd2: {  	s21 =	simm.s32 $0x100;
	s20 =	simm.s32 $0x200;
	s7 =	sadd.s32 $0xB0, s7;
	v0 =	vld [tilespmem:$0x30]  }
0xd3: {  	s22 =	sand.u32 $0x7800, s20;
	s23 =	sand.u32 $0x380, s21;
	v1 =	vld [tilespmem:s7+$0x0]  }
0xd4: {  	s25 =	simm.s32 $0x180;
	s24 =	simm.s32 $0x300;
	s7 =	sor.u32 s23, s22  }
0xd5: {  	s8 =	simm.s32 $0x1;
	s26 =	sand.u32 $0x7800, s24;
	s28 =	sand.u32 $0x380, s25;
	v2 =	vld [tilespmem:s7+$0x30]  }
0xd6: {  	s29 =	simm.s32 $0x400;
	s30 =	simm.s32 $0x200;
	s7 =	sor.u32 s28, s26  }
0xd7: {  	s20 =	simm.s32 $0x300;
	s13 =	sand.u32 $0x7800, s29;
	s14 =	sand.u32 $0x380, s30;
	v3 =	vld [tilespmem:s7+$0x30]  }
0xd8: {  	s9 =	sor.u32 s14, s13;
	s15 =	simm.s32 $0x500;
	s16 =	simm.s32 $0x280;
	vm1 =	vgt.f32 v1, v0  }
0xd9: {  	s21 =	simm.s32 $0x380;
	s17 =	sand.u32 $0x7800, s15;
	s18 =	sand.u32 $0x380, s16;
	v0 =	vsel vm1, v1, v0;
	v1 =	vld [tilespmem:s9+$0x30]  }
0xda: {  	s24 =	simm.s32 $0x700;
	s19 =	simm.s32 $0x600;
	s9 =	sor.u32 s18, s17;
	vm2 =	vgt.f32 v2, v0  }
0xdb: {  	s25 =	sand.u32 $0x7800, s24;
	s11 =	sand.u32 $0x7800, s19;
	s13 =	sand.u32 $0x380, s20;
	v0 =	vsel vm2, v2, v0;
	v2 =	vld [tilespmem:s9+$0x30]  }
0xdc: {  	s10 =	simm.s32 $0x800;
	s31 =	simm.s32 $0x900;
	v4 =	vimm.s32 $0x0;
	s11 =	sor.u32 s13, s11;
	vm3 =	vgt.f32 v3, v0  }
0xdd: {  	s19 =	simm.s32 $0xB00;
	s12 =	simm.s32 $0x130;
	s22 =	simm.s32 $0x2;
	v4 =	vsel vm1, s8, v4;
	v0 =	vsel vm3, v3, v0;
	v3 =	vld [tilespmem:s11+$0x30]  }
0xde: {  	s30 =	sand.u32 $0x3FFFF800, s31;
	s14 =	sand.u32 $0x380, s21;
	s23 =	simm.s32 $0x3;
	v4 =	vsel vm2, s22, v4;
	vm1 =	vgt.f32 v1, v0  }
0xdf: {  	s31 =	sadd.s32 $0xB0, s30;
	s14 =	sor.u32 s14, s25;
	s26 =	simm.s32 $0x4;
	v0 =	vsel vm1, v1, v0;
	v1 =	vsel vm3, s23, v4  }
0xe0: {  	s20 =	simm.s32 $0x6;
	s13 =	simm.s32 $0x800;
	s28 =	sand.u32 $0x3FFFF800, s10;
	vm2 =	vgt.f32 v2, v0;
	v4 =	vsel vm1, s26, v1;
	v1 =	vld [tilespmem:s14+$0x30]  }
0xe1: {  	s15 =	simm.s32 $0x13;
	s29 =	sadd.s32 $0x30, s28;
	s17 =	simm.s32 $0x5;
	v2 =	vsel vm2, v2, v0  }
0xe2: {  	s7 =	simm.s32 $0x30;
	s18 =	simm.s32 $0x7;
	s14 =	simm.s32 $0xA00;
	v5 =	vsel vm2, s17, v4;
	v0 =	vld [tilespmem:s29+$0x0];
	vm1 =	vgt.f32 v3, v2  }
0xe3: {  	s9 =	simm.s32 $0xA;
	s11 =	simm.s32 $0x1200;
	s16 =	sand.u32 $0x3FFFF800, s14;
	v4 =	vsel vm1, v3, v2;
	v3 =	vsel vm1, s20, v5;
	v2 =	vld [tilespmem:s31+$0x0]  }
.LBB2_7:
0xe4: {  	p0 =	slt.u32 s15, $0x37;
	s20 =	sadd.s32 s16, s12  }
0xe5: {  	s21 =	sadd.s32 $0xFFFFFD80, s13;
	vm1 =	vgt.f32 v1, v4;
	s17 =	smov.u32 s11;
	s16 =	smov.u32 s12  }
0xe6: {  	s19 =	sand.u32 $0x7800, s19;
	v5 =	vld [tilespmem:s20+$0x0];
	s20 =	sand.u32 $0x380, s21;
	v1 =	vsel vm1, v1, v4;
	v3 =	vsel vm1, s18, v3;
	s18 =	sadd.s32 $0x7, s8  }
0xe7: {  	s21 =	sadd.s32 $0xFFFFFE00, s13;
	s19 =	sor.u32 s20, s19;
	s20 =	sadd.s32 $0xFFFFFA00, s11;
	vm1 =	vgt.f32 v0, v1  }
0xe8: {  	s8 =	sadd.s32 $0x8, s8;
	v4 =	vld [tilespmem:s19+$0x30];
	s19 =	sand.u32 $0x7800, s20;
	s20 =	sand.u32 $0x380, s21;
	v0 =	vsel vm1, v0, v1;
	v1 =	vsel vm1, s18, v3  }
0xe9: {  	s18 =	sor.u32 s20, s19;
	s19 =	sadd.s32 $0xFFFFFB00, s11;
	s20 =	sadd.s32 $0xFFFFFE80, s13;
	vm1 =	vgt.f32 v2, v0  }
0xea: {  	v3 =	vld [tilespmem:s18+$0x30];
	s18 =	sand.u32 $0x7800, s19;
	s19 =	sand.u32 $0x380, s20;
	v0 =	vsel vm1, v2, v0;
	v1 =	vsel vm1, s8, v1;
	s8 =	smov.u32 s9  }
0xeb: {  	vm1 =	vgt.f32 v5, v0;
	s9 =	sor.u32 s19, s18;
	s18 =	sadd.s32 $0xFFFFFC00, s11;
	s19 =	sadd.s32 $0xFFFFFF00, s13  }
0xec: {  	s20 =	sadd.s32 $0x1, s8;
	v0 =	vsel vm1, v5, v0;
	v1 =	vsel vm1, s8, v1;
	v2 =	vld [tilespmem:s9+$0x30];
	s9 =	sand.u32 $0x7800, s18;
	s18 =	sand.u32 $0x380, s19  }
0xed: {  	s19 =	sadd.s32 $0xFFFFFF80, s13;
	vm1 =	vgt.f32 v4, v0;
	s9 =	sor.u32 s18, s9;
	s18 =	sadd.s32 $0xFFFFFD00, s11  }
0xee: {  	s19 =	sand.u32 $0x380, s19;
	v0 =	vsel vm1, v4, v0;
	v1 =	vsel vm1, s20, v1;
	v4 =	vld [tilespmem:s9+$0x30];
	s18 =	sand.u32 $0x7800, s18;
	s9 =	smov.u32 s15  }
0xef: {  	s20 =	sadd.s32 $0x2, s8;
	vm1 =	vgt.f32 v3, v0;
	s18 =	sor.u32 s19, s18;
	s19 =	sadd.s32 $0xFFFFFE00, s11  }
0xf0: {  	s10 =	sadd.s32 $0x900, s10;
	v0 =	vsel vm1, v3, v0;
	v1 =	vsel vm1, s20, v1;
	v3 =	vld [tilespmem:s18+$0x30];
	s18 =	sand.u32 $0x7800, s19;
	s19 =	sand.u32 $0x380, s13  }
0xf1: {  	s7 =	sadd.s32 $0x80, s7;
	s20 =	sadd.s32 $0x3, s8;
	vm1 =	vgt.f32 v2, v0;
	s18 =	sor.u32 s19, s18  }
.Ltmp3:
0xf2: {  	s11 =	sadd.s32 $0x900, s11;
	s19 =	sand.u32 $0x3FFFF800, s10;
	v0 =	vsel vm1, v2, v0;
	v2 =	vsel vm1, s20, v1;
	v1 =	vld [tilespmem:s18+$0x30];
	(pc) =	sbr.rel @p0 .LBB2_7-.Ltmp3, $4  }
0xf3: {  	s13 =	sadd.s32 $0x480, s13;
	s18 =	sadd.s32 s19, s7;
	s19 =	sadd.s32 $0x4, s8;
	vm1 =	vgt.f32 v4, v0  }
0xf4: {  	s12 =	sadd.s32 $0x80, s12;
	s14 =	sadd.s32 $0x900, s14;
	s17 =	sand.u32 $0x3FFFF800, s17;
	v4 =	vsel vm1, v4, v0;
	v2 =	vsel vm1, s19, v2;
	v0 =	vld [tilespmem:s18+$0x0]  }
0xf5: {  	s17 =	sadd.s32 s17, s16;
	s20 =	sadd.s32 $0x5, s8;
	s18 =	sadd.s32 $0x6, s8;
	vm1 =	vgt.f32 v3, v4  }
0xf6: {  	s16 =	sand.u32 $0x3FFFF800, s14;
	s15 =	sadd.s32 $0x9, s15;
	s19 =	sadd.s32 $0xFFFFF900, s11;
	v4 =	vsel vm1, v3, v4;
	v3 =	vsel vm1, s20, v2;
	v2 =	vld [tilespmem:s17+$0x0]  }
0xf7: {  	s14 =	sadd.s32 s16, s12;
	s15 =	sadd.s32 $0xFFFFFD80, s13;
	vm1 =	vgt.f32 v1, v4  }
0xf8: {  	s31 =	sand.u32 $0x7800, s19;
	v5 =	vld [tilespmem:s14+$0x0];
	s15 =	sand.u32 $0x380, s15;
	v1 =	vsel vm1, v1, v4  }
0xf9: {  	s16 =	sadd.s32 $0xFFFFFA00, s11;
	s17 =	sadd.s32 $0xFFFFFE00, s13;
	s14 =	sor.u32 s15, s31;
	vm2 =	vgt.f32 v0, v1  }
0xfa: {  	s19 =	sand.u32 $0x7800, s16;
	s20 =	sand.u32 $0x380, s17;
	v4 =	vld [tilespmem:s14+$0x30];
	v0 =	vsel vm2, v0, v1  }
0xfb: {  	s21 =	sadd.s32 $0xFFFFFB00, s11;
	s22 =	sadd.s32 $0xFFFFFE80, s13;
	s14 =	sor.u32 s20, s19;
	vm3 =	vgt.f32 v2, v0  }
0xfc: {  	s23 =	sand.u32 $0x7800, s21;
	s24 =	sand.u32 $0x380, s22;
	v1 =	vld [tilespmem:s14+$0x30];
	v0 =	vsel vm3, v2, v0  }
0xfd: {  	s25 =	sadd.s32 $0xFFFFFC00, s11;
	s26 =	sadd.s32 $0xFFFFFF00, s13;
	s14 =	sor.u32 s24, s23;
	vm4 =	vgt.f32 v5, v0  }
0xfe: {  	s28 =	sand.u32 $0x7800, s25;
	s29 =	sand.u32 $0x380, s26;
	v2 =	vld [tilespmem:s14+$0x30];
	v0 =	vsel vm4, v5, v0  }
0xff: {  	s30 =	sadd.s32 $0xFFFFFD00, s11;
	s31 =	sadd.s32 $0xFFFFFF80, s13;
	s14 =	sor.u32 s29, s28;
	vm5 =	vgt.f32 v4, v0  }
0x100: {  	s17 =	sand.u32 $0x7800, s30;
	s19 =	sand.u32 $0x380, s31;
	v0 =	vsel vm5, v4, v0;
	v4 =	vld [tilespmem:s14+$0x30]  }
0x101: {  	s20 =	sadd.s32 $0xFFFFFE00, s11;
	s14 =	sor.u32 s19, s17;
	vm6 =	vgt.f32 v1, v0  }
0x102: {  	v3 =	vsel vm1, s18, v3;
	s21 =	sadd.s32 $0x7, s8;
	s22 =	sand.u32 $0x7800, s20;
	s23 =	sand.u32 $0x380, s13;
	v0 =	vsel vm6, v1, v0;
	v1 =	vld [tilespmem:s14+$0x30]  }
0x103: {  	s10 =	sadd.s32 $0x900, s10;
	v3 =	vsel vm2, s21, v3;
	s24 =	sadd.s32 $0x8, s8;
	s13 =	sor.u32 s23, s22;
	vm1 =	vgt.f32 v2, v0  }
0x104: {  	s7 =	sadd.s32 $0x80, s7;
	s25 =	sand.u32 $0x3FFFF800, s10;
	v3 =	vsel vm3, s24, v3;
	v0 =	vsel vm1, v2, v0;
	v2 =	vld [tilespmem:s13+$0x30]  }
0x105: {  	s26 =	sadd.s32 $0x1, s9;
	s7 =	sadd.s32 s25, s7;
	v3 =	vsel vm4, s9, v3;
	vm2 =	vgt.f32 v4, v0  }
0x106: {  	s28 =	sadd.s32 $0x2, s9;
	s29 =	sand.u32 $0x3FFFF800, s11;
	v3 =	vsel vm5, s26, v3;
	v0 =	vsel vm2, v4, v0;
	v4 =	vld [tilespmem:s7+$0x0]  }
0x107: {  	s30 =	sadd.s32 $0x3, s9;
	s31 =	sadd.s32 s29, s12;
	v3 =	vsel vm6, s28, v3;
	vm3 =	vgt.f32 v1, v0  }
0x108: {  	s10 =	sadd.s32 $0x4, s9;
	v3 =	vsel vm1, s30, v3;
	v0 =	vsel vm3, v1, v0;
	v1 =	vld [tilespmem:s31+$0x0]  }
0x109: {  	s11 =	sadd.s32 $0x5, s9;
	v3 =	vsel vm2, s10, v3;
	vm1 =	vgt.f32 v2, v0  }
0x10a: {  	s12 =	sadd.s32 $0x6, s9;
	v3 =	vsel vm3, s11, v3;
	v0 =	vsel vm1, v2, v0  }
0x10b: {  	s13 =	sor.u32 $0x30, s6;
	v2 =	vsel vm1, s12, v3;
	v3 =	vlaneseq.u32;
	vm1 =	vgt.f32 v4, v0  }
0x10c: {  	s14 =	sadd.s32 $0x7, s9;
	v3 =	vmul.u32 $0x40, v3;
	v0 =	vsel vm1, v4, v0;
	v4 =	vmov s13  }
0x10d: {  	s15 =	sadd.s32 $0x8, s9;
	v2 =	vsel vm1, s14, v2;
	vm1 =	vgt.f32 v1, v0;
	v0 =	vshll.u32 v4, $0x6  }
0x10e: {  	v1 =	vsel vm1, s15, v2;
	v0 =	vor.u32 v3, v0  }
0x10f: {  	v0 =	vadd.s32 v0, v1;
	_ =	sdelay $0x3  }
0x110: {  	s16 =	simm.s32 $0x0;
	s17 =	simm.s32 $0x5800;
	s19 =	simm.s32 $0x100  }
0x111: {  	[tilespmem:s17], [sflag:$0x1] =	stream.indirect_vreg.gather [hbm4b:s4+s16], $0x80, v0, vm0, $0xb8;
	[tilespmem:$0x14000] =	vst v63  }
0x112: {  	s18 =	simm.s32 $0xD800;
	s7 =	sand.u32 $0x3FFFF800, s19  }
0x113: {  	[tilespmem:s18], [sflag:$0x2] =	stream.indirect_vreg.gather [hbm4b:s3+s16], $0x80, v0, vm0, $0xb8;
	[tilespmem:$0x14000] =	vst v63  }
0x114: {  	s21 =	simm.s32 $0x100;
	s20 =	simm.s32 $0x200;
	s7 =	sadd.s32 $0xC0, s7;
	v0 =	vld [tilespmem:$0x40]  }
0x115: {  	s22 =	sand.u32 $0x7800, s20;
	s23 =	sand.u32 $0x380, s21;
	v1 =	vld [tilespmem:s7+$0x0]  }
0x116: {  	s25 =	simm.s32 $0x180;
	s24 =	simm.s32 $0x300;
	s7 =	sor.u32 s23, s22  }
0x117: {  	s8 =	simm.s32 $0x1;
	s26 =	sand.u32 $0x7800, s24;
	s28 =	sand.u32 $0x380, s25;
	v2 =	vld [tilespmem:s7+$0x40]  }
0x118: {  	s29 =	simm.s32 $0x400;
	s30 =	simm.s32 $0x200;
	s7 =	sor.u32 s28, s26  }
0x119: {  	s20 =	simm.s32 $0x300;
	s13 =	sand.u32 $0x7800, s29;
	s14 =	sand.u32 $0x380, s30;
	v3 =	vld [tilespmem:s7+$0x40]  }
0x11a: {  	s9 =	sor.u32 s14, s13;
	s15 =	simm.s32 $0x500;
	s16 =	simm.s32 $0x280;
	vm1 =	vgt.f32 v1, v0  }
0x11b: {  	s21 =	simm.s32 $0x380;
	s17 =	sand.u32 $0x7800, s15;
	s18 =	sand.u32 $0x380, s16;
	v0 =	vsel vm1, v1, v0;
	v1 =	vld [tilespmem:s9+$0x40]  }
0x11c: {  	s24 =	simm.s32 $0x700;
	s19 =	simm.s32 $0x600;
	s9 =	sor.u32 s18, s17;
	vm2 =	vgt.f32 v2, v0  }
0x11d: {  	s25 =	sand.u32 $0x7800, s24;
	s11 =	sand.u32 $0x7800, s19;
	s13 =	sand.u32 $0x380, s20;
	v0 =	vsel vm2, v2, v0;
	v2 =	vld [tilespmem:s9+$0x40]  }
0x11e: {  	s10 =	simm.s32 $0x800;
	s31 =	simm.s32 $0x900;
	v4 =	vimm.s32 $0x0;
	s11 =	sor.u32 s13, s11;
	vm3 =	vgt.f32 v3, v0  }
0x11f: {  	s19 =	simm.s32 $0xB00;
	s12 =	simm.s32 $0x140;
	s22 =	simm.s32 $0x2;
	v4 =	vsel vm1, s8, v4;
	v0 =	vsel vm3, v3, v0;
	v3 =	vld [tilespmem:s11+$0x40]  }
0x120: {  	s30 =	sand.u32 $0x3FFFF800, s31;
	s14 =	sand.u32 $0x380, s21;
	s23 =	simm.s32 $0x3;
	v4 =	vsel vm2, s22, v4;
	vm1 =	vgt.f32 v1, v0  }
0x121: {  	s31 =	sadd.s32 $0xC0, s30;
	s14 =	sor.u32 s14, s25;
	s26 =	simm.s32 $0x4;
	v0 =	vsel vm1, v1, v0;
	v1 =	vsel vm3, s23, v4  }
0x122: {  	s20 =	simm.s32 $0x6;
	s13 =	simm.s32 $0x800;
	s28 =	sand.u32 $0x3FFFF800, s10;
	vm2 =	vgt.f32 v2, v0;
	v4 =	vsel vm1, s26, v1;
	v1 =	vld [tilespmem:s14+$0x40]  }
0x123: {  	s15 =	simm.s32 $0x13;
	s29 =	sadd.s32 $0x40, s28;
	s17 =	simm.s32 $0x5;
	v2 =	vsel vm2, v2, v0  }
0x124: {  	s7 =	simm.s32 $0x40;
	s18 =	simm.s32 $0x7;
	s14 =	simm.s32 $0xA00;
	v5 =	vsel vm2, s17, v4;
	v0 =	vld [tilespmem:s29+$0x0];
	vm1 =	vgt.f32 v3, v2  }
0x125: {  	s9 =	simm.s32 $0xA;
	s11 =	simm.s32 $0x1200;
	s16 =	sand.u32 $0x3FFFF800, s14;
	v4 =	vsel vm1, v3, v2;
	v3 =	vsel vm1, s20, v5;
	v2 =	vld [tilespmem:s31+$0x0]  }
.LBB2_9:
0x126: {  	p0 =	slt.u32 s15, $0x37;
	s20 =	sadd.s32 s16, s12  }
0x127: {  	s21 =	sadd.s32 $0xFFFFFD80, s13;
	vm1 =	vgt.f32 v1, v4;
	s17 =	smov.u32 s11;
	s16 =	smov.u32 s12  }
0x128: {  	s19 =	sand.u32 $0x7800, s19;
	v5 =	vld [tilespmem:s20+$0x0];
	s20 =	sand.u32 $0x380, s21;
	v1 =	vsel vm1, v1, v4;
	v3 =	vsel vm1, s18, v3;
	s18 =	sadd.s32 $0x7, s8  }
0x129: {  	s21 =	sadd.s32 $0xFFFFFE00, s13;
	s19 =	sor.u32 s20, s19;
	s20 =	sadd.s32 $0xFFFFFA00, s11;
	vm1 =	vgt.f32 v0, v1  }
0x12a: {  	s8 =	sadd.s32 $0x8, s8;
	v4 =	vld [tilespmem:s19+$0x40];
	s19 =	sand.u32 $0x7800, s20;
	s20 =	sand.u32 $0x380, s21;
	v0 =	vsel vm1, v0, v1;
	v1 =	vsel vm1, s18, v3  }
0x12b: {  	s18 =	sor.u32 s20, s19;
	s19 =	sadd.s32 $0xFFFFFB00, s11;
	s20 =	sadd.s32 $0xFFFFFE80, s13;
	vm1 =	vgt.f32 v2, v0  }
0x12c: {  	v3 =	vld [tilespmem:s18+$0x40];
	s18 =	sand.u32 $0x7800, s19;
	s19 =	sand.u32 $0x380, s20;
	v0 =	vsel vm1, v2, v0;
	v1 =	vsel vm1, s8, v1;
	s8 =	smov.u32 s9  }
0x12d: {  	vm1 =	vgt.f32 v5, v0;
	s9 =	sor.u32 s19, s18;
	s18 =	sadd.s32 $0xFFFFFC00, s11;
	s19 =	sadd.s32 $0xFFFFFF00, s13  }
0x12e: {  	s20 =	sadd.s32 $0x1, s8;
	v0 =	vsel vm1, v5, v0;
	v1 =	vsel vm1, s8, v1;
	v2 =	vld [tilespmem:s9+$0x40];
	s9 =	sand.u32 $0x7800, s18;
	s18 =	sand.u32 $0x380, s19  }
0x12f: {  	s19 =	sadd.s32 $0xFFFFFF80, s13;
	vm1 =	vgt.f32 v4, v0;
	s9 =	sor.u32 s18, s9;
	s18 =	sadd.s32 $0xFFFFFD00, s11  }
0x130: {  	s19 =	sand.u32 $0x380, s19;
	v0 =	vsel vm1, v4, v0;
	v1 =	vsel vm1, s20, v1;
	v4 =	vld [tilespmem:s9+$0x40];
	s18 =	sand.u32 $0x7800, s18;
	s9 =	smov.u32 s15  }
0x131: {  	s20 =	sadd.s32 $0x2, s8;
	vm1 =	vgt.f32 v3, v0;
	s18 =	sor.u32 s19, s18;
	s19 =	sadd.s32 $0xFFFFFE00, s11  }
0x132: {  	s10 =	sadd.s32 $0x900, s10;
	v0 =	vsel vm1, v3, v0;
	v1 =	vsel vm1, s20, v1;
	v3 =	vld [tilespmem:s18+$0x40];
	s18 =	sand.u32 $0x7800, s19;
	s19 =	sand.u32 $0x380, s13  }
0x133: {  	s7 =	sadd.s32 $0x80, s7;
	s20 =	sadd.s32 $0x3, s8;
	vm1 =	vgt.f32 v2, v0;
	s18 =	sor.u32 s19, s18  }
.Ltmp4:
0x134: {  	s11 =	sadd.s32 $0x900, s11;
	s19 =	sand.u32 $0x3FFFF800, s10;
	v0 =	vsel vm1, v2, v0;
	v2 =	vsel vm1, s20, v1;
	v1 =	vld [tilespmem:s18+$0x40];
	(pc) =	sbr.rel @p0 .LBB2_9-.Ltmp4, $4  }
0x135: {  	s13 =	sadd.s32 $0x480, s13;
	s18 =	sadd.s32 s19, s7;
	s19 =	sadd.s32 $0x4, s8;
	vm1 =	vgt.f32 v4, v0  }
0x136: {  	s12 =	sadd.s32 $0x80, s12;
	s14 =	sadd.s32 $0x900, s14;
	s17 =	sand.u32 $0x3FFFF800, s17;
	v4 =	vsel vm1, v4, v0;
	v2 =	vsel vm1, s19, v2;
	v0 =	vld [tilespmem:s18+$0x0]  }
0x137: {  	s17 =	sadd.s32 s17, s16;
	s20 =	sadd.s32 $0x5, s8;
	s18 =	sadd.s32 $0x6, s8;
	vm1 =	vgt.f32 v3, v4  }
0x138: {  	s16 =	sand.u32 $0x3FFFF800, s14;
	s15 =	sadd.s32 $0x9, s15;
	s19 =	sadd.s32 $0xFFFFF900, s11;
	v4 =	vsel vm1, v3, v4;
	v3 =	vsel vm1, s20, v2;
	v2 =	vld [tilespmem:s17+$0x0]  }
0x139: {  	s14 =	sadd.s32 s16, s12;
	s15 =	sadd.s32 $0xFFFFFD80, s13;
	vm1 =	vgt.f32 v1, v4  }
0x13a: {  	s31 =	sand.u32 $0x7800, s19;
	v5 =	vld [tilespmem:s14+$0x0];
	s15 =	sand.u32 $0x380, s15;
	v1 =	vsel vm1, v1, v4  }
0x13b: {  	s16 =	sadd.s32 $0xFFFFFA00, s11;
	s17 =	sadd.s32 $0xFFFFFE00, s13;
	s14 =	sor.u32 s15, s31;
	vm2 =	vgt.f32 v0, v1  }
0x13c: {  	s19 =	sand.u32 $0x7800, s16;
	s20 =	sand.u32 $0x380, s17;
	v4 =	vld [tilespmem:s14+$0x40];
	v0 =	vsel vm2, v0, v1  }
0x13d: {  	s21 =	sadd.s32 $0xFFFFFB00, s11;
	s22 =	sadd.s32 $0xFFFFFE80, s13;
	s14 =	sor.u32 s20, s19;
	vm3 =	vgt.f32 v2, v0  }
0x13e: {  	s23 =	sand.u32 $0x7800, s21;
	s24 =	sand.u32 $0x380, s22;
	v1 =	vld [tilespmem:s14+$0x40];
	v0 =	vsel vm3, v2, v0  }
0x13f: {  	s25 =	sadd.s32 $0xFFFFFC00, s11;
	s26 =	sadd.s32 $0xFFFFFF00, s13;
	s14 =	sor.u32 s24, s23;
	vm4 =	vgt.f32 v5, v0  }
0x140: {  	s28 =	sand.u32 $0x7800, s25;
	s29 =	sand.u32 $0x380, s26;
	v2 =	vld [tilespmem:s14+$0x40];
	v0 =	vsel vm4, v5, v0  }
0x141: {  	s30 =	sadd.s32 $0xFFFFFD00, s11;
	s31 =	sadd.s32 $0xFFFFFF80, s13;
	s14 =	sor.u32 s29, s28;
	vm5 =	vgt.f32 v4, v0  }
0x142: {  	s17 =	sand.u32 $0x7800, s30;
	s19 =	sand.u32 $0x380, s31;
	v0 =	vsel vm5, v4, v0;
	v4 =	vld [tilespmem:s14+$0x40]  }
0x143: {  	s20 =	sadd.s32 $0xFFFFFE00, s11;
	s14 =	sor.u32 s19, s17;
	vm6 =	vgt.f32 v1, v0  }
0x144: {  	v3 =	vsel vm1, s18, v3;
	s21 =	sadd.s32 $0x7, s8;
	s22 =	sand.u32 $0x7800, s20;
	s23 =	sand.u32 $0x380, s13;
	v0 =	vsel vm6, v1, v0;
	v1 =	vld [tilespmem:s14+$0x40]  }
0x145: {  	s10 =	sadd.s32 $0x900, s10;
	v3 =	vsel vm2, s21, v3;
	s24 =	sadd.s32 $0x8, s8;
	s13 =	sor.u32 s23, s22;
	vm1 =	vgt.f32 v2, v0  }
0x146: {  	s7 =	sadd.s32 $0x80, s7;
	s25 =	sand.u32 $0x3FFFF800, s10;
	v3 =	vsel vm3, s24, v3;
	v0 =	vsel vm1, v2, v0;
	v2 =	vld [tilespmem:s13+$0x40]  }
0x147: {  	s26 =	sadd.s32 $0x1, s9;
	s7 =	sadd.s32 s25, s7;
	v3 =	vsel vm4, s9, v3;
	vm2 =	vgt.f32 v4, v0  }
0x148: {  	s28 =	sadd.s32 $0x2, s9;
	s29 =	sand.u32 $0x3FFFF800, s11;
	v3 =	vsel vm5, s26, v3;
	v0 =	vsel vm2, v4, v0;
	v4 =	vld [tilespmem:s7+$0x0]  }
0x149: {  	s30 =	sadd.s32 $0x3, s9;
	s31 =	sadd.s32 s29, s12;
	v3 =	vsel vm6, s28, v3;
	vm3 =	vgt.f32 v1, v0  }
0x14a: {  	s10 =	sadd.s32 $0x4, s9;
	v3 =	vsel vm1, s30, v3;
	v0 =	vsel vm3, v1, v0;
	v1 =	vld [tilespmem:s31+$0x0]  }
0x14b: {  	s11 =	sadd.s32 $0x5, s9;
	v3 =	vsel vm2, s10, v3;
	vm1 =	vgt.f32 v2, v0  }
0x14c: {  	s12 =	sadd.s32 $0x6, s9;
	v3 =	vsel vm3, s11, v3;
	v0 =	vsel vm1, v2, v0  }
0x14d: {  	s13 =	sor.u32 $0x40, s6;
	v2 =	vsel vm1, s12, v3;
	v3 =	vlaneseq.u32;
	vm1 =	vgt.f32 v4, v0  }
0x14e: {  	s14 =	sadd.s32 $0x7, s9;
	v3 =	vmul.u32 $0x40, v3;
	v0 =	vsel vm1, v4, v0;
	v4 =	vmov s13  }
0x14f: {  	s15 =	sadd.s32 $0x8, s9;
	v2 =	vsel vm1, s14, v2;
	vm1 =	vgt.f32 v1, v0;
	v0 =	vshll.u32 v4, $0x6  }
0x150: {  	v1 =	vsel vm1, s15, v2;
	v0 =	vor.u32 v3, v0  }
0x151: {  	v0 =	vadd.s32 v0, v1;
	_ =	sdelay $0x3  }
0x152: {  	s16 =	simm.s32 $0x0;
	s17 =	simm.s32 $0x6000;
	s19 =	simm.s32 $0x100  }
0x153: {  	[tilespmem:s17], [sflag:$0x1] =	stream.indirect_vreg.gather [hbm4b:s4+s16], $0x80, v0, vm0, $0xb8;
	[tilespmem:$0x14000] =	vst v63  }
0x154: {  	s18 =	simm.s32 $0xE000;
	s7 =	sand.u32 $0x3FFFF800, s19  }
0x155: {  	[tilespmem:s18], [sflag:$0x2] =	stream.indirect_vreg.gather [hbm4b:s3+s16], $0x80, v0, vm0, $0xb8;
	[tilespmem:$0x14000] =	vst v63  }
0x156: {  	s21 =	simm.s32 $0x100;
	s20 =	simm.s32 $0x200;
	s7 =	sadd.s32 $0xD0, s7;
	v0 =	vld [tilespmem:$0x50]  }
0x157: {  	s22 =	sand.u32 $0x7800, s20;
	s23 =	sand.u32 $0x380, s21;
	v1 =	vld [tilespmem:s7+$0x0]  }
0x158: {  	s25 =	simm.s32 $0x180;
	s24 =	simm.s32 $0x300;
	s7 =	sor.u32 s23, s22  }
0x159: {  	s8 =	simm.s32 $0x1;
	s26 =	sand.u32 $0x7800, s24;
	s28 =	sand.u32 $0x380, s25;
	v2 =	vld [tilespmem:s7+$0x50]  }
0x15a: {  	s29 =	simm.s32 $0x400;
	s30 =	simm.s32 $0x200;
	s7 =	sor.u32 s28, s26  }
0x15b: {  	s20 =	simm.s32 $0x300;
	s13 =	sand.u32 $0x7800, s29;
	s14 =	sand.u32 $0x380, s30;
	v3 =	vld [tilespmem:s7+$0x50]  }
0x15c: {  	s9 =	sor.u32 s14, s13;
	s15 =	simm.s32 $0x500;
	s16 =	simm.s32 $0x280;
	vm1 =	vgt.f32 v1, v0  }
0x15d: {  	s21 =	simm.s32 $0x380;
	s17 =	sand.u32 $0x7800, s15;
	s18 =	sand.u32 $0x380, s16;
	v0 =	vsel vm1, v1, v0;
	v1 =	vld [tilespmem:s9+$0x50]  }
0x15e: {  	s24 =	simm.s32 $0x700;
	s19 =	simm.s32 $0x600;
	s9 =	sor.u32 s18, s17;
	vm2 =	vgt.f32 v2, v0  }
0x15f: {  	s25 =	sand.u32 $0x7800, s24;
	s11 =	sand.u32 $0x7800, s19;
	s13 =	sand.u32 $0x380, s20;
	v0 =	vsel vm2, v2, v0;
	v2 =	vld [tilespmem:s9+$0x50]  }
0x160: {  	s10 =	simm.s32 $0x800;
	s31 =	simm.s32 $0x900;
	v4 =	vimm.s32 $0x0;
	s11 =	sor.u32 s13, s11;
	vm3 =	vgt.f32 v3, v0  }
0x161: {  	s19 =	simm.s32 $0xB00;
	s12 =	simm.s32 $0x150;
	s22 =	simm.s32 $0x2;
	v4 =	vsel vm1, s8, v4;
	v0 =	vsel vm3, v3, v0;
	v3 =	vld [tilespmem:s11+$0x50]  }
0x162: {  	s30 =	sand.u32 $0x3FFFF800, s31;
	s14 =	sand.u32 $0x380, s21;
	s23 =	simm.s32 $0x3;
	v4 =	vsel vm2, s22, v4;
	vm1 =	vgt.f32 v1, v0  }
0x163: {  	s31 =	sadd.s32 $0xD0, s30;
	s14 =	sor.u32 s14, s25;
	s26 =	simm.s32 $0x4;
	v0 =	vsel vm1, v1, v0;
	v1 =	vsel vm3, s23, v4  }
0x164: {  	s20 =	simm.s32 $0x6;
	s13 =	simm.s32 $0x800;
	s28 =	sand.u32 $0x3FFFF800, s10;
	vm2 =	vgt.f32 v2, v0;
	v4 =	vsel vm1, s26, v1;
	v1 =	vld [tilespmem:s14+$0x50]  }
0x165: {  	s15 =	simm.s32 $0x13;
	s29 =	sadd.s32 $0x50, s28;
	s17 =	simm.s32 $0x5;
	v2 =	vsel vm2, v2, v0  }
0x166: {  	s7 =	simm.s32 $0x50;
	s18 =	simm.s32 $0x7;
	s14 =	simm.s32 $0xA00;
	v5 =	vsel vm2, s17, v4;
	v0 =	vld [tilespmem:s29+$0x0];
	vm1 =	vgt.f32 v3, v2  }
0x167: {  	s9 =	simm.s32 $0xA;
	s11 =	simm.s32 $0x1200;
	s16 =	sand.u32 $0x3FFFF800, s14;
	v4 =	vsel vm1, v3, v2;
	v3 =	vsel vm1, s20, v5;
	v2 =	vld [tilespmem:s31+$0x0]  }
.LBB2_11:
0x168: {  	p0 =	slt.u32 s15, $0x37;
	s20 =	sadd.s32 s16, s12  }
0x169: {  	s21 =	sadd.s32 $0xFFFFFD80, s13;
	vm1 =	vgt.f32 v1, v4;
	s17 =	smov.u32 s11;
	s16 =	smov.u32 s12  }
0x16a: {  	s19 =	sand.u32 $0x7800, s19;
	v5 =	vld [tilespmem:s20+$0x0];
	s20 =	sand.u32 $0x380, s21;
	v1 =	vsel vm1, v1, v4;
	v3 =	vsel vm1, s18, v3;
	s18 =	sadd.s32 $0x7, s8  }
0x16b: {  	s21 =	sadd.s32 $0xFFFFFE00, s13;
	s19 =	sor.u32 s20, s19;
	s20 =	sadd.s32 $0xFFFFFA00, s11;
	vm1 =	vgt.f32 v0, v1  }
0x16c: {  	s8 =	sadd.s32 $0x8, s8;
	v4 =	vld [tilespmem:s19+$0x50];
	s19 =	sand.u32 $0x7800, s20;
	s20 =	sand.u32 $0x380, s21;
	v0 =	vsel vm1, v0, v1;
	v1 =	vsel vm1, s18, v3  }
0x16d: {  	s18 =	sor.u32 s20, s19;
	s19 =	sadd.s32 $0xFFFFFB00, s11;
	s20 =	sadd.s32 $0xFFFFFE80, s13;
	vm1 =	vgt.f32 v2, v0  }
0x16e: {  	v3 =	vld [tilespmem:s18+$0x50];
	s18 =	sand.u32 $0x7800, s19;
	s19 =	sand.u32 $0x380, s20;
	v0 =	vsel vm1, v2, v0;
	v1 =	vsel vm1, s8, v1;
	s8 =	smov.u32 s9  }
0x16f: {  	vm1 =	vgt.f32 v5, v0;
	s9 =	sor.u32 s19, s18;
	s18 =	sadd.s32 $0xFFFFFC00, s11;
	s19 =	sadd.s32 $0xFFFFFF00, s13  }
0x170: {  	s20 =	sadd.s32 $0x1, s8;
	v0 =	vsel vm1, v5, v0;
	v1 =	vsel vm1, s8, v1;
	v2 =	vld [tilespmem:s9+$0x50];
	s9 =	sand.u32 $0x7800, s18;
	s18 =	sand.u32 $0x380, s19  }
0x171: {  	s19 =	sadd.s32 $0xFFFFFF80, s13;
	vm1 =	vgt.f32 v4, v0;
	s9 =	sor.u32 s18, s9;
	s18 =	sadd.s32 $0xFFFFFD00, s11  }
0x172: {  	s19 =	sand.u32 $0x380, s19;
	v0 =	vsel vm1, v4, v0;
	v1 =	vsel vm1, s20, v1;
	v4 =	vld [tilespmem:s9+$0x50];
	s18 =	sand.u32 $0x7800, s18;
	s9 =	smov.u32 s15  }
0x173: {  	s20 =	sadd.s32 $0x2, s8;
	vm1 =	vgt.f32 v3, v0;
	s18 =	sor.u32 s19, s18;
	s19 =	sadd.s32 $0xFFFFFE00, s11  }
0x174: {  	s10 =	sadd.s32 $0x900, s10;
	v0 =	vsel vm1, v3, v0;
	v1 =	vsel vm1, s20, v1;
	v3 =	vld [tilespmem:s18+$0x50];
	s18 =	sand.u32 $0x7800, s19;
	s19 =	sand.u32 $0x380, s13  }
0x175: {  	s7 =	sadd.s32 $0x80, s7;
	s20 =	sadd.s32 $0x3, s8;
	vm1 =	vgt.f32 v2, v0;
	s18 =	sor.u32 s19, s18  }
.Ltmp5:
0x176: {  	s11 =	sadd.s32 $0x900, s11;
	s19 =	sand.u32 $0x3FFFF800, s10;
	v0 =	vsel vm1, v2, v0;
	v2 =	vsel vm1, s20, v1;
	v1 =	vld [tilespmem:s18+$0x50];
	(pc) =	sbr.rel @p0 .LBB2_11-.Ltmp5, $4  }
0x177: {  	s13 =	sadd.s32 $0x480, s13;
	s18 =	sadd.s32 s19, s7;
	s19 =	sadd.s32 $0x4, s8;
	vm1 =	vgt.f32 v4, v0  }
0x178: {  	s12 =	sadd.s32 $0x80, s12;
	s14 =	sadd.s32 $0x900, s14;
	s17 =	sand.u32 $0x3FFFF800, s17;
	v4 =	vsel vm1, v4, v0;
	v2 =	vsel vm1, s19, v2;
	v0 =	vld [tilespmem:s18+$0x0]  }
0x179: {  	s17 =	sadd.s32 s17, s16;
	s20 =	sadd.s32 $0x5, s8;
	s18 =	sadd.s32 $0x6, s8;
	vm1 =	vgt.f32 v3, v4  }
0x17a: {  	s16 =	sand.u32 $0x3FFFF800, s14;
	s15 =	sadd.s32 $0x9, s15;
	s19 =	sadd.s32 $0xFFFFF900, s11;
	v4 =	vsel vm1, v3, v4;
	v3 =	vsel vm1, s20, v2;
	v2 =	vld [tilespmem:s17+$0x0]  }
0x17b: {  	s14 =	sadd.s32 s16, s12;
	s15 =	sadd.s32 $0xFFFFFD80, s13;
	vm1 =	vgt.f32 v1, v4  }
0x17c: {  	s31 =	sand.u32 $0x7800, s19;
	v5 =	vld [tilespmem:s14+$0x0];
	s15 =	sand.u32 $0x380, s15;
	v1 =	vsel vm1, v1, v4  }
0x17d: {  	s16 =	sadd.s32 $0xFFFFFA00, s11;
	s17 =	sadd.s32 $0xFFFFFE00, s13;
	s14 =	sor.u32 s15, s31;
	vm2 =	vgt.f32 v0, v1  }
0x17e: {  	s19 =	sand.u32 $0x7800, s16;
	s20 =	sand.u32 $0x380, s17;
	v4 =	vld [tilespmem:s14+$0x50];
	v0 =	vsel vm2, v0, v1  }
0x17f: {  	s21 =	sadd.s32 $0xFFFFFB00, s11;
	s22 =	sadd.s32 $0xFFFFFE80, s13;
	s14 =	sor.u32 s20, s19;
	vm3 =	vgt.f32 v2, v0  }
0x180: {  	s23 =	sand.u32 $0x7800, s21;
	s24 =	sand.u32 $0x380, s22;
	v1 =	vld [tilespmem:s14+$0x50];
	v0 =	vsel vm3, v2, v0  }
0x181: {  	s25 =	sadd.s32 $0xFFFFFC00, s11;
	s26 =	sadd.s32 $0xFFFFFF00, s13;
	s14 =	sor.u32 s24, s23;
	vm4 =	vgt.f32 v5, v0  }
0x182: {  	s28 =	sand.u32 $0x7800, s25;
	s29 =	sand.u32 $0x380, s26;
	v2 =	vld [tilespmem:s14+$0x50];
	v0 =	vsel vm4, v5, v0  }
0x183: {  	s30 =	sadd.s32 $0xFFFFFD00, s11;
	s31 =	sadd.s32 $0xFFFFFF80, s13;
	s14 =	sor.u32 s29, s28;
	vm5 =	vgt.f32 v4, v0  }
0x184: {  	s17 =	sand.u32 $0x7800, s30;
	s19 =	sand.u32 $0x380, s31;
	v0 =	vsel vm5, v4, v0;
	v4 =	vld [tilespmem:s14+$0x50]  }
0x185: {  	s20 =	sadd.s32 $0xFFFFFE00, s11;
	s14 =	sor.u32 s19, s17;
	vm6 =	vgt.f32 v1, v0  }
0x186: {  	v3 =	vsel vm1, s18, v3;
	s21 =	sadd.s32 $0x7, s8;
	s22 =	sand.u32 $0x7800, s20;
	s23 =	sand.u32 $0x380, s13;
	v0 =	vsel vm6, v1, v0;
	v1 =	vld [tilespmem:s14+$0x50]  }
0x187: {  	s10 =	sadd.s32 $0x900, s10;
	v3 =	vsel vm2, s21, v3;
	s24 =	sadd.s32 $0x8, s8;
	s13 =	sor.u32 s23, s22;
	vm1 =	vgt.f32 v2, v0  }
0x188: {  	s7 =	sadd.s32 $0x80, s7;
	s25 =	sand.u32 $0x3FFFF800, s10;
	v3 =	vsel vm3, s24, v3;
	v0 =	vsel vm1, v2, v0;
	v2 =	vld [tilespmem:s13+$0x50]  }
0x189: {  	s26 =	sadd.s32 $0x1, s9;
	s7 =	sadd.s32 s25, s7;
	v3 =	vsel vm4, s9, v3;
	vm2 =	vgt.f32 v4, v0  }
0x18a: {  	s28 =	sadd.s32 $0x2, s9;
	s29 =	sand.u32 $0x3FFFF800, s11;
	v3 =	vsel vm5, s26, v3;
	v0 =	vsel vm2, v4, v0;
	v4 =	vld [tilespmem:s7+$0x0]  }
0x18b: {  	s30 =	sadd.s32 $0x3, s9;
	s31 =	sadd.s32 s29, s12;
	v3 =	vsel vm6, s28, v3;
	vm3 =	vgt.f32 v1, v0  }
0x18c: {  	s10 =	sadd.s32 $0x4, s9;
	v3 =	vsel vm1, s30, v3;
	v0 =	vsel vm3, v1, v0;
	v1 =	vld [tilespmem:s31+$0x0]  }
0x18d: {  	s11 =	sadd.s32 $0x5, s9;
	v3 =	vsel vm2, s10, v3;
	vm1 =	vgt.f32 v2, v0  }
0x18e: {  	s12 =	sadd.s32 $0x6, s9;
	v3 =	vsel vm3, s11, v3;
	v0 =	vsel vm1, v2, v0  }
0x18f: {  	s13 =	sor.u32 $0x50, s6;
	v2 =	vsel vm1, s12, v3;
	v3 =	vlaneseq.u32;
	vm1 =	vgt.f32 v4, v0  }
0x190: {  	s14 =	sadd.s32 $0x7, s9;
	v3 =	vmul.u32 $0x40, v3;
	v0 =	vsel vm1, v4, v0;
	v4 =	vmov s13  }
0x191: {  	s15 =	sadd.s32 $0x8, s9;
	v2 =	vsel vm1, s14, v2;
	vm1 =	vgt.f32 v1, v0;
	v0 =	vshll.u32 v4, $0x6  }
0x192: {  	v1 =	vsel vm1, s15, v2;
	v0 =	vor.u32 v3, v0  }
0x193: {  	v0 =	vadd.s32 v0, v1;
	_ =	sdelay $0x3  }
0x194: {  	s16 =	simm.s32 $0x0;
	s17 =	simm.s32 $0x6800;
	s19 =	simm.s32 $0x100  }
0x195: {  	[tilespmem:s17], [sflag:$0x1] =	stream.indirect_vreg.gather [hbm4b:s4+s16], $0x80, v0, vm0, $0xb8;
	[tilespmem:$0x14000] =	vst v63  }
0x196: {  	s18 =	simm.s32 $0xE800;
	s7 =	sand.u32 $0x3FFFF800, s19  }
0x197: {  	[tilespmem:s18], [sflag:$0x2] =	stream.indirect_vreg.gather [hbm4b:s3+s16], $0x80, v0, vm0, $0xb8;
	[tilespmem:$0x14000] =	vst v63  }
0x198: {  	s21 =	simm.s32 $0x100;
	s20 =	simm.s32 $0x200;
	s7 =	sadd.s32 $0xE0, s7;
	v0 =	vld [tilespmem:$0x60]  }
0x199: {  	s22 =	sand.u32 $0x7800, s20;
	s23 =	sand.u32 $0x380, s21;
	v1 =	vld [tilespmem:s7+$0x0]  }
0x19a: {  	s25 =	simm.s32 $0x180;
	s24 =	simm.s32 $0x300;
	s7 =	sor.u32 s23, s22  }
0x19b: {  	s8 =	simm.s32 $0x1;
	s26 =	sand.u32 $0x7800, s24;
	s28 =	sand.u32 $0x380, s25;
	v2 =	vld [tilespmem:s7+$0x60]  }
0x19c: {  	s29 =	simm.s32 $0x400;
	s30 =	simm.s32 $0x200;
	s7 =	sor.u32 s28, s26  }
0x19d: {  	s20 =	simm.s32 $0x300;
	s13 =	sand.u32 $0x7800, s29;
	s14 =	sand.u32 $0x380, s30;
	v3 =	vld [tilespmem:s7+$0x60]  }
0x19e: {  	s9 =	sor.u32 s14, s13;
	s15 =	simm.s32 $0x500;
	s16 =	simm.s32 $0x280;
	vm1 =	vgt.f32 v1, v0  }
0x19f: {  	s21 =	simm.s32 $0x380;
	s17 =	sand.u32 $0x7800, s15;
	s18 =	sand.u32 $0x380, s16;
	v0 =	vsel vm1, v1, v0;
	v1 =	vld [tilespmem:s9+$0x60]  }
0x1a0: {  	s24 =	simm.s32 $0x700;
	s19 =	simm.s32 $0x600;
	s9 =	sor.u32 s18, s17;
	vm2 =	vgt.f32 v2, v0  }
0x1a1: {  	s25 =	sand.u32 $0x7800, s24;
	s11 =	sand.u32 $0x7800, s19;
	s13 =	sand.u32 $0x380, s20;
	v0 =	vsel vm2, v2, v0;
	v2 =	vld [tilespmem:s9+$0x60]  }
0x1a2: {  	s10 =	simm.s32 $0x800;
	s31 =	simm.s32 $0x900;
	v4 =	vimm.s32 $0x0;
	s11 =	sor.u32 s13, s11;
	vm3 =	vgt.f32 v3, v0  }
0x1a3: {  	s19 =	simm.s32 $0xB00;
	s12 =	simm.s32 $0x160;
	s22 =	simm.s32 $0x2;
	v4 =	vsel vm1, s8, v4;
	v0 =	vsel vm3, v3, v0;
	v3 =	vld [tilespmem:s11+$0x60]  }
0x1a4: {  	s30 =	sand.u32 $0x3FFFF800, s31;
	s14 =	sand.u32 $0x380, s21;
	s23 =	simm.s32 $0x3;
	v4 =	vsel vm2, s22, v4;
	vm1 =	vgt.f32 v1, v0  }
0x1a5: {  	s31 =	sadd.s32 $0xE0, s30;
	s14 =	sor.u32 s14, s25;
	s26 =	simm.s32 $0x4;
	v0 =	vsel vm1, v1, v0;
	v1 =	vsel vm3, s23, v4  }
0x1a6: {  	s20 =	simm.s32 $0x6;
	s13 =	simm.s32 $0x800;
	s28 =	sand.u32 $0x3FFFF800, s10;
	vm2 =	vgt.f32 v2, v0;
	v4 =	vsel vm1, s26, v1;
	v1 =	vld [tilespmem:s14+$0x60]  }
0x1a7: {  	s15 =	simm.s32 $0x13;
	s29 =	sadd.s32 $0x60, s28;
	s17 =	simm.s32 $0x5;
	v2 =	vsel vm2, v2, v0  }
0x1a8: {  	s7 =	simm.s32 $0x60;
	s18 =	simm.s32 $0x7;
	s14 =	simm.s32 $0xA00;
	v5 =	vsel vm2, s17, v4;
	v0 =	vld [tilespmem:s29+$0x0];
	vm1 =	vgt.f32 v3, v2  }
0x1a9: {  	s9 =	simm.s32 $0xA;
	s11 =	simm.s32 $0x1200;
	s16 =	sand.u32 $0x3FFFF800, s14;
	v4 =	vsel vm1, v3, v2;
	v3 =	vsel vm1, s20, v5;
	v2 =	vld [tilespmem:s31+$0x0]  }
.LBB2_13:
0x1aa: {  	p0 =	slt.u32 s15, $0x37;
	s20 =	sadd.s32 s16, s12  }
0x1ab: {  	s21 =	sadd.s32 $0xFFFFFD80, s13;
	vm1 =	vgt.f32 v1, v4;
	s17 =	smov.u32 s11;
	s16 =	smov.u32 s12  }
0x1ac: {  	s19 =	sand.u32 $0x7800, s19;
	v5 =	vld [tilespmem:s20+$0x0];
	s20 =	sand.u32 $0x380, s21;
	v1 =	vsel vm1, v1, v4;
	v3 =	vsel vm1, s18, v3;
	s18 =	sadd.s32 $0x7, s8  }
0x1ad: {  	s21 =	sadd.s32 $0xFFFFFE00, s13;
	s19 =	sor.u32 s20, s19;
	s20 =	sadd.s32 $0xFFFFFA00, s11;
	vm1 =	vgt.f32 v0, v1  }
0x1ae: {  	s8 =	sadd.s32 $0x8, s8;
	v4 =	vld [tilespmem:s19+$0x60];
	s19 =	sand.u32 $0x7800, s20;
	s20 =	sand.u32 $0x380, s21;
	v0 =	vsel vm1, v0, v1;
	v1 =	vsel vm1, s18, v3  }
0x1af: {  	s18 =	sor.u32 s20, s19;
	s19 =	sadd.s32 $0xFFFFFB00, s11;
	s20 =	sadd.s32 $0xFFFFFE80, s13;
	vm1 =	vgt.f32 v2, v0  }
0x1b0: {  	v3 =	vld [tilespmem:s18+$0x60];
	s18 =	sand.u32 $0x7800, s19;
	s19 =	sand.u32 $0x380, s20;
	v0 =	vsel vm1, v2, v0;
	v1 =	vsel vm1, s8, v1;
	s8 =	smov.u32 s9  }
0x1b1: {  	vm1 =	vgt.f32 v5, v0;
	s9 =	sor.u32 s19, s18;
	s18 =	sadd.s32 $0xFFFFFC00, s11;
	s19 =	sadd.s32 $0xFFFFFF00, s13  }
0x1b2: {  	s20 =	sadd.s32 $0x1, s8;
	v0 =	vsel vm1, v5, v0;
	v1 =	vsel vm1, s8, v1;
	v2 =	vld [tilespmem:s9+$0x60];
	s9 =	sand.u32 $0x7800, s18;
	s18 =	sand.u32 $0x380, s19  }
0x1b3: {  	s19 =	sadd.s32 $0xFFFFFF80, s13;
	vm1 =	vgt.f32 v4, v0;
	s9 =	sor.u32 s18, s9;
	s18 =	sadd.s32 $0xFFFFFD00, s11  }
0x1b4: {  	s19 =	sand.u32 $0x380, s19;
	v0 =	vsel vm1, v4, v0;
	v1 =	vsel vm1, s20, v1;
	v4 =	vld [tilespmem:s9+$0x60];
	s18 =	sand.u32 $0x7800, s18;
	s9 =	smov.u32 s15  }
0x1b5: {  	s20 =	sadd.s32 $0x2, s8;
	vm1 =	vgt.f32 v3, v0;
	s18 =	sor.u32 s19, s18;
	s19 =	sadd.s32 $0xFFFFFE00, s11  }
0x1b6: {  	s10 =	sadd.s32 $0x900, s10;
	v0 =	vsel vm1, v3, v0;
	v1 =	vsel vm1, s20, v1;
	v3 =	vld [tilespmem:s18+$0x60];
	s18 =	sand.u32 $0x7800, s19;
	s19 =	sand.u32 $0x380, s13  }
0x1b7: {  	s7 =	sadd.s32 $0x80, s7;
	s20 =	sadd.s32 $0x3, s8;
	vm1 =	vgt.f32 v2, v0;
	s18 =	sor.u32 s19, s18  }
.Ltmp6:
0x1b8: {  	s11 =	sadd.s32 $0x900, s11;
	s19 =	sand.u32 $0x3FFFF800, s10;
	v0 =	vsel vm1, v2, v0;
	v2 =	vsel vm1, s20, v1;
	v1 =	vld [tilespmem:s18+$0x60];
	(pc) =	sbr.rel @p0 .LBB2_13-.Ltmp6, $4  }
0x1b9: {  	s13 =	sadd.s32 $0x480, s13;
	s18 =	sadd.s32 s19, s7;
	s19 =	sadd.s32 $0x4, s8;
	vm1 =	vgt.f32 v4, v0  }
0x1ba: {  	s12 =	sadd.s32 $0x80, s12;
	s14 =	sadd.s32 $0x900, s14;
	s17 =	sand.u32 $0x3FFFF800, s17;
	v4 =	vsel vm1, v4, v0;
	v2 =	vsel vm1, s19, v2;
	v0 =	vld [tilespmem:s18+$0x0]  }
0x1bb: {  	s17 =	sadd.s32 s17, s16;
	s20 =	sadd.s32 $0x5, s8;
	s18 =	sadd.s32 $0x6, s8;
	vm1 =	vgt.f32 v3, v4  }
0x1bc: {  	s16 =	sand.u32 $0x3FFFF800, s14;
	s15 =	sadd.s32 $0x9, s15;
	s19 =	sadd.s32 $0xFFFFF900, s11;
	v4 =	vsel vm1, v3, v4;
	v3 =	vsel vm1, s20, v2;
	v2 =	vld [tilespmem:s17+$0x0]  }
0x1bd: {  	s14 =	sadd.s32 s16, s12;
	s15 =	sadd.s32 $0xFFFFFD80, s13;
	vm1 =	vgt.f32 v1, v4  }
0x1be: {  	s31 =	sand.u32 $0x7800, s19;
	v5 =	vld [tilespmem:s14+$0x0];
	s15 =	sand.u32 $0x380, s15;
	v1 =	vsel vm1, v1, v4  }
0x1bf: {  	s16 =	sadd.s32 $0xFFFFFA00, s11;
	s17 =	sadd.s32 $0xFFFFFE00, s13;
	s14 =	sor.u32 s15, s31;
	vm2 =	vgt.f32 v0, v1  }
0x1c0: {  	s19 =	sand.u32 $0x7800, s16;
	s20 =	sand.u32 $0x380, s17;
	v4 =	vld [tilespmem:s14+$0x60];
	v0 =	vsel vm2, v0, v1  }
0x1c1: {  	s21 =	sadd.s32 $0xFFFFFB00, s11;
	s22 =	sadd.s32 $0xFFFFFE80, s13;
	s14 =	sor.u32 s20, s19;
	vm3 =	vgt.f32 v2, v0  }
0x1c2: {  	s23 =	sand.u32 $0x7800, s21;
	s24 =	sand.u32 $0x380, s22;
	v1 =	vld [tilespmem:s14+$0x60];
	v0 =	vsel vm3, v2, v0  }
0x1c3: {  	s25 =	sadd.s32 $0xFFFFFC00, s11;
	s26 =	sadd.s32 $0xFFFFFF00, s13;
	s14 =	sor.u32 s24, s23;
	vm4 =	vgt.f32 v5, v0  }
0x1c4: {  	s28 =	sand.u32 $0x7800, s25;
	s29 =	sand.u32 $0x380, s26;
	v2 =	vld [tilespmem:s14+$0x60];
	v0 =	vsel vm4, v5, v0  }
0x1c5: {  	s30 =	sadd.s32 $0xFFFFFD00, s11;
	s31 =	sadd.s32 $0xFFFFFF80, s13;
	s14 =	sor.u32 s29, s28;
	vm5 =	vgt.f32 v4, v0  }
0x1c6: {  	s17 =	sand.u32 $0x7800, s30;
	s19 =	sand.u32 $0x380, s31;
	v0 =	vsel vm5, v4, v0;
	v4 =	vld [tilespmem:s14+$0x60]  }
0x1c7: {  	s20 =	sadd.s32 $0xFFFFFE00, s11;
	s14 =	sor.u32 s19, s17;
	vm6 =	vgt.f32 v1, v0  }
0x1c8: {  	v3 =	vsel vm1, s18, v3;
	s21 =	sadd.s32 $0x7, s8;
	s22 =	sand.u32 $0x7800, s20;
	s23 =	sand.u32 $0x380, s13;
	v0 =	vsel vm6, v1, v0;
	v1 =	vld [tilespmem:s14+$0x60]  }
0x1c9: {  	s10 =	sadd.s32 $0x900, s10;
	v3 =	vsel vm2, s21, v3;
	s24 =	sadd.s32 $0x8, s8;
	s13 =	sor.u32 s23, s22;
	vm1 =	vgt.f32 v2, v0  }
0x1ca: {  	s7 =	sadd.s32 $0x80, s7;
	s25 =	sand.u32 $0x3FFFF800, s10;
	v3 =	vsel vm3, s24, v3;
	v0 =	vsel vm1, v2, v0;
	v2 =	vld [tilespmem:s13+$0x60]  }
0x1cb: {  	s26 =	sadd.s32 $0x1, s9;
	s7 =	sadd.s32 s25, s7;
	v3 =	vsel vm4, s9, v3;
	vm2 =	vgt.f32 v4, v0  }
0x1cc: {  	s28 =	sadd.s32 $0x2, s9;
	s29 =	sand.u32 $0x3FFFF800, s11;
	v3 =	vsel vm5, s26, v3;
	v0 =	vsel vm2, v4, v0;
	v4 =	vld [tilespmem:s7+$0x0]  }
0x1cd: {  	s30 =	sadd.s32 $0x3, s9;
	s31 =	sadd.s32 s29, s12;
	v3 =	vsel vm6, s28, v3;
	vm3 =	vgt.f32 v1, v0  }
0x1ce: {  	s10 =	sadd.s32 $0x4, s9;
	v3 =	vsel vm1, s30, v3;
	v0 =	vsel vm3, v1, v0;
	v1 =	vld [tilespmem:s31+$0x0]  }
0x1cf: {  	s11 =	sadd.s32 $0x5, s9;
	v3 =	vsel vm2, s10, v3;
	vm1 =	vgt.f32 v2, v0  }
0x1d0: {  	s12 =	sadd.s32 $0x6, s9;
	v3 =	vsel vm3, s11, v3;
	v0 =	vsel vm1, v2, v0  }
0x1d1: {  	s13 =	sor.u32 $0x60, s6;
	v2 =	vsel vm1, s12, v3;
	v3 =	vlaneseq.u32;
	vm1 =	vgt.f32 v4, v0  }
0x1d2: {  	s14 =	sadd.s32 $0x7, s9;
	v3 =	vmul.u32 $0x40, v3;
	v0 =	vsel vm1, v4, v0;
	v4 =	vmov s13  }
0x1d3: {  	s15 =	sadd.s32 $0x8, s9;
	v2 =	vsel vm1, s14, v2;
	vm1 =	vgt.f32 v1, v0;
	v0 =	vshll.u32 v4, $0x6  }
0x1d4: {  	v1 =	vsel vm1, s15, v2;
	v0 =	vor.u32 v3, v0  }
0x1d5: {  	v0 =	vadd.s32 v0, v1;
	_ =	sdelay $0x3  }
0x1d6: {  	s16 =	simm.s32 $0x0;
	s17 =	simm.s32 $0x7000;
	s19 =	simm.s32 $0x100  }
0x1d7: {  	[tilespmem:s17], [sflag:$0x1] =	stream.indirect_vreg.gather [hbm4b:s4+s16], $0x80, v0, vm0, $0xb8;
	[tilespmem:$0x14000] =	vst v63  }
0x1d8: {  	s18 =	simm.s32 $0xF000;
	s7 =	sand.u32 $0x3FFFF800, s19  }
0x1d9: {  	[tilespmem:s18], [sflag:$0x2] =	stream.indirect_vreg.gather [hbm4b:s3+s16], $0x80, v0, vm0, $0xb8;
	[tilespmem:$0x14000] =	vst v63  }
0x1da: {  	s21 =	simm.s32 $0x100;
	s20 =	simm.s32 $0x200;
	s7 =	sadd.s32 $0xF0, s7;
	v0 =	vld [tilespmem:$0x70]  }
0x1db: {  	s22 =	sand.u32 $0x7800, s20;
	s23 =	sand.u32 $0x380, s21;
	v1 =	vld [tilespmem:s7+$0x0]  }
0x1dc: {  	s25 =	simm.s32 $0x180;
	s24 =	simm.s32 $0x300;
	s7 =	sor.u32 s23, s22  }
0x1dd: {  	s8 =	simm.s32 $0x1;
	s26 =	sand.u32 $0x7800, s24;
	s28 =	sand.u32 $0x380, s25;
	v2 =	vld [tilespmem:s7+$0x70]  }
0x1de: {  	s29 =	simm.s32 $0x400;
	s30 =	simm.s32 $0x200;
	s7 =	sor.u32 s28, s26  }
0x1df: {  	s20 =	simm.s32 $0x300;
	s13 =	sand.u32 $0x7800, s29;
	s14 =	sand.u32 $0x380, s30;
	v3 =	vld [tilespmem:s7+$0x70]  }
0x1e0: {  	s9 =	sor.u32 s14, s13;
	s15 =	simm.s32 $0x500;
	s16 =	simm.s32 $0x280;
	vm1 =	vgt.f32 v1, v0  }
0x1e1: {  	s21 =	simm.s32 $0x380;
	s17 =	sand.u32 $0x7800, s15;
	s18 =	sand.u32 $0x380, s16;
	v0 =	vsel vm1, v1, v0;
	v1 =	vld [tilespmem:s9+$0x70]  }
0x1e2: {  	s24 =	simm.s32 $0x700;
	s19 =	simm.s32 $0x600;
	s9 =	sor.u32 s18, s17;
	vm2 =	vgt.f32 v2, v0  }
0x1e3: {  	s25 =	sand.u32 $0x7800, s24;
	s11 =	sand.u32 $0x7800, s19;
	s13 =	sand.u32 $0x380, s20;
	v0 =	vsel vm2, v2, v0;
	v2 =	vld [tilespmem:s9+$0x70]  }
0x1e4: {  	s10 =	simm.s32 $0x800;
	s31 =	simm.s32 $0x900;
	v4 =	vimm.s32 $0x0;
	s11 =	sor.u32 s13, s11;
	vm3 =	vgt.f32 v3, v0  }
0x1e5: {  	s19 =	simm.s32 $0xB00;
	s12 =	simm.s32 $0x170;
	s22 =	simm.s32 $0x2;
	v4 =	vsel vm1, s8, v4;
	v0 =	vsel vm3, v3, v0;
	v3 =	vld [tilespmem:s11+$0x70]  }
0x1e6: {  	s30 =	sand.u32 $0x3FFFF800, s31;
	s14 =	sand.u32 $0x380, s21;
	s23 =	simm.s32 $0x3;
	v4 =	vsel vm2, s22, v4;
	vm1 =	vgt.f32 v1, v0  }
0x1e7: {  	s31 =	sadd.s32 $0xF0, s30;
	s14 =	sor.u32 s14, s25;
	s26 =	simm.s32 $0x4;
	v0 =	vsel vm1, v1, v0;
	v1 =	vsel vm3, s23, v4  }
0x1e8: {  	s20 =	simm.s32 $0x6;
	s13 =	simm.s32 $0x800;
	s28 =	sand.u32 $0x3FFFF800, s10;
	vm2 =	vgt.f32 v2, v0;
	v4 =	vsel vm1, s26, v1;
	v1 =	vld [tilespmem:s14+$0x70]  }
0x1e9: {  	s15 =	simm.s32 $0x13;
	s29 =	sadd.s32 $0x70, s28;
	s17 =	simm.s32 $0x5;
	v2 =	vsel vm2, v2, v0  }
0x1ea: {  	s7 =	simm.s32 $0x70;
	s18 =	simm.s32 $0x7;
	s14 =	simm.s32 $0xA00;
	v5 =	vsel vm2, s17, v4;
	v0 =	vld [tilespmem:s29+$0x0];
	vm1 =	vgt.f32 v3, v2  }
0x1eb: {  	s9 =	simm.s32 $0xA;
	s11 =	simm.s32 $0x1200;
	s16 =	sand.u32 $0x3FFFF800, s14;
	v4 =	vsel vm1, v3, v2;
	v3 =	vsel vm1, s20, v5;
	v2 =	vld [tilespmem:s31+$0x0]  }
.LBB2_15:
0x1ec: {  	p0 =	slt.u32 s15, $0x37;
	s20 =	sadd.s32 s16, s12  }
0x1ed: {  	s21 =	sadd.s32 $0xFFFFFD80, s13;
	vm1 =	vgt.f32 v1, v4;
	s17 =	smov.u32 s11;
	s16 =	smov.u32 s12  }
0x1ee: {  	s19 =	sand.u32 $0x7800, s19;
	v5 =	vld [tilespmem:s20+$0x0];
	s20 =	sand.u32 $0x380, s21;
	v1 =	vsel vm1, v1, v4;
	v3 =	vsel vm1, s18, v3;
	s18 =	sadd.s32 $0x7, s8  }
0x1ef: {  	s21 =	sadd.s32 $0xFFFFFE00, s13;
	s19 =	sor.u32 s20, s19;
	s20 =	sadd.s32 $0xFFFFFA00, s11;
	vm1 =	vgt.f32 v0, v1  }
0x1f0: {  	s8 =	sadd.s32 $0x8, s8;
	v4 =	vld [tilespmem:s19+$0x70];
	s19 =	sand.u32 $0x7800, s20;
	s20 =	sand.u32 $0x380, s21;
	v0 =	vsel vm1, v0, v1;
	v1 =	vsel vm1, s18, v3  }
0x1f1: {  	s18 =	sor.u32 s20, s19;
	s19 =	sadd.s32 $0xFFFFFB00, s11;
	s20 =	sadd.s32 $0xFFFFFE80, s13;
	vm1 =	vgt.f32 v2, v0  }
0x1f2: {  	v3 =	vld [tilespmem:s18+$0x70];
	s18 =	sand.u32 $0x7800, s19;
	s19 =	sand.u32 $0x380, s20;
	v0 =	vsel vm1, v2, v0;
	v1 =	vsel vm1, s8, v1;
	s8 =	smov.u32 s9  }
0x1f3: {  	vm1 =	vgt.f32 v5, v0;
	s9 =	sor.u32 s19, s18;
	s18 =	sadd.s32 $0xFFFFFC00, s11;
	s19 =	sadd.s32 $0xFFFFFF00, s13  }
0x1f4: {  	s20 =	sadd.s32 $0x1, s8;
	v0 =	vsel vm1, v5, v0;
	v1 =	vsel vm1, s8, v1;
	v2 =	vld [tilespmem:s9+$0x70];
	s9 =	sand.u32 $0x7800, s18;
	s18 =	sand.u32 $0x380, s19  }
0x1f5: {  	s19 =	sadd.s32 $0xFFFFFF80, s13;
	vm1 =	vgt.f32 v4, v0;
	s9 =	sor.u32 s18, s9;
	s18 =	sadd.s32 $0xFFFFFD00, s11  }
0x1f6: {  	s19 =	sand.u32 $0x380, s19;
	v0 =	vsel vm1, v4, v0;
	v1 =	vsel vm1, s20, v1;
	v4 =	vld [tilespmem:s9+$0x70];
	s18 =	sand.u32 $0x7800, s18;
	s9 =	smov.u32 s15  }
0x1f7: {  	s20 =	sadd.s32 $0x2, s8;
	vm1 =	vgt.f32 v3, v0;
	s18 =	sor.u32 s19, s18;
	s19 =	sadd.s32 $0xFFFFFE00, s11  }
0x1f8: {  	s10 =	sadd.s32 $0x900, s10;
	v0 =	vsel vm1, v3, v0;
	v1 =	vsel vm1, s20, v1;
	v3 =	vld [tilespmem:s18+$0x70];
	s18 =	sand.u32 $0x7800, s19;
	s19 =	sand.u32 $0x380, s13  }
0x1f9: {  	s7 =	sadd.s32 $0x80, s7;
	s20 =	sadd.s32 $0x3, s8;
	vm1 =	vgt.f32 v2, v0;
	s18 =	sor.u32 s19, s18  }
.Ltmp7:
0x1fa: {  	s11 =	sadd.s32 $0x900, s11;
	s19 =	sand.u32 $0x3FFFF800, s10;
	v0 =	vsel vm1, v2, v0;
	v2 =	vsel vm1, s20, v1;
	v1 =	vld [tilespmem:s18+$0x70];
	(pc) =	sbr.rel @p0 .LBB2_15-.Ltmp7, $4  }
0x1fb: {  	s13 =	sadd.s32 $0x480, s13;
	s18 =	sadd.s32 s19, s7;
	s19 =	sadd.s32 $0x4, s8;
	vm1 =	vgt.f32 v4, v0  }
0x1fc: {  	s12 =	sadd.s32 $0x80, s12;
	s14 =	sadd.s32 $0x900, s14;
	s17 =	sand.u32 $0x3FFFF800, s17;
	v4 =	vsel vm1, v4, v0;
	v2 =	vsel vm1, s19, v2;
	v0 =	vld [tilespmem:s18+$0x0]  }
0x1fd: {  	s17 =	sadd.s32 s17, s16;
	s20 =	sadd.s32 $0x5, s8;
	s18 =	sadd.s32 $0x6, s8;
	vm1 =	vgt.f32 v3, v4  }
0x1fe: {  	s16 =	sand.u32 $0x3FFFF800, s14;
	s15 =	sadd.s32 $0x9, s15;
	s19 =	sadd.s32 $0xFFFFF900, s11;
	v4 =	vsel vm1, v3, v4;
	v3 =	vsel vm1, s20, v2;
	v2 =	vld [tilespmem:s17+$0x0]  }
0x1ff: {  	s14 =	sadd.s32 s16, s12;
	s15 =	sadd.s32 $0xFFFFFD80, s13;
	vm1 =	vgt.f32 v1, v4  }
0x200: {  	s31 =	sand.u32 $0x7800, s19;
	v5 =	vld [tilespmem:s14+$0x0];
	s15 =	sand.u32 $0x380, s15;
	v1 =	vsel vm1, v1, v4  }
0x201: {  	s16 =	sadd.s32 $0xFFFFFA00, s11;
	s17 =	sadd.s32 $0xFFFFFE00, s13;
	s14 =	sor.u32 s15, s31;
	vm2 =	vgt.f32 v0, v1  }
0x202: {  	s19 =	sand.u32 $0x7800, s16;
	s20 =	sand.u32 $0x380, s17;
	v4 =	vld [tilespmem:s14+$0x70];
	v0 =	vsel vm2, v0, v1  }
0x203: {  	s21 =	sadd.s32 $0xFFFFFB00, s11;
	s22 =	sadd.s32 $0xFFFFFE80, s13;
	s14 =	sor.u32 s20, s19;
	vm3 =	vgt.f32 v2, v0  }
0x204: {  	s23 =	sand.u32 $0x7800, s21;
	s24 =	sand.u32 $0x380, s22;
	v1 =	vld [tilespmem:s14+$0x70];
	v0 =	vsel vm3, v2, v0  }
0x205: {  	s25 =	sadd.s32 $0xFFFFFC00, s11;
	s26 =	sadd.s32 $0xFFFFFF00, s13;
	s14 =	sor.u32 s24, s23;
	vm4 =	vgt.f32 v5, v0  }
0x206: {  	s28 =	sand.u32 $0x7800, s25;
	s29 =	sand.u32 $0x380, s26;
	v2 =	vld [tilespmem:s14+$0x70];
	v0 =	vsel vm4, v5, v0  }
0x207: {  	s30 =	sadd.s32 $0xFFFFFD00, s11;
	s31 =	sadd.s32 $0xFFFFFF80, s13;
	s14 =	sor.u32 s29, s28;
	vm5 =	vgt.f32 v4, v0  }
0x208: {  	s17 =	sand.u32 $0x7800, s30;
	s19 =	sand.u32 $0x380, s31;
	v0 =	vsel vm5, v4, v0;
	v4 =	vld [tilespmem:s14+$0x70]  }
0x209: {  	s20 =	sadd.s32 $0xFFFFFE00, s11;
	s14 =	sor.u32 s19, s17;
	vm6 =	vgt.f32 v1, v0  }
0x20a: {  	v3 =	vsel vm1, s18, v3;
	s21 =	sadd.s32 $0x7, s8;
	s22 =	sand.u32 $0x7800, s20;
	s23 =	sand.u32 $0x380, s13;
	v0 =	vsel vm6, v1, v0;
	v1 =	vld [tilespmem:s14+$0x70]  }
0x20b: {  	s10 =	sadd.s32 $0x900, s10;
	v3 =	vsel vm2, s21, v3;
	s24 =	sadd.s32 $0x8, s8;
	s13 =	sor.u32 s23, s22;
	vm1 =	vgt.f32 v2, v0  }
0x20c: {  	s7 =	sadd.s32 $0x80, s7;
	s25 =	sand.u32 $0x3FFFF800, s10;
	v3 =	vsel vm3, s24, v3;
	v0 =	vsel vm1, v2, v0;
	v2 =	vld [tilespmem:s13+$0x70]  }
0x20d: {  	s26 =	sadd.s32 $0x1, s9;
	s7 =	sadd.s32 s25, s7;
	v3 =	vsel vm4, s9, v3;
	vm2 =	vgt.f32 v4, v0  }
0x20e: {  	s28 =	sadd.s32 $0x2, s9;
	s29 =	sand.u32 $0x3FFFF800, s11;
	v3 =	vsel vm5, s26, v3;
	v0 =	vsel vm2, v4, v0;
	v4 =	vld [tilespmem:s7+$0x0]  }
0x20f: {  	s30 =	sadd.s32 $0x3, s9;
	s31 =	sadd.s32 s29, s12;
	v3 =	vsel vm6, s28, v3;
	vm3 =	vgt.f32 v1, v0  }
0x210: {  	s10 =	sadd.s32 $0x4, s9;
	v3 =	vsel vm1, s30, v3;
	v0 =	vsel vm3, v1, v0;
	v1 =	vld [tilespmem:s31+$0x0]  }
0x211: {  	s11 =	sadd.s32 $0x5, s9;
	v3 =	vsel vm2, s10, v3;
	vm1 =	vgt.f32 v2, v0  }
0x212: {  	s12 =	sadd.s32 $0x6, s9;
	v3 =	vsel vm3, s11, v3;
	v0 =	vsel vm1, v2, v0  }
0x213: {  	s13 =	sor.u32 $0x70, s6;
	v2 =	vsel vm1, s12, v3;
	v3 =	vlaneseq.u32;
	vm1 =	vgt.f32 v4, v0  }
0x214: {  	s14 =	sadd.s32 $0x7, s9;
	v3 =	vmul.u32 $0x40, v3;
	v0 =	vsel vm1, v4, v0;
	v4 =	vmov s13  }
0x215: {  	s15 =	sadd.s32 $0x8, s9;
	v2 =	vsel vm1, s14, v2;
	vm1 =	vgt.f32 v1, v0;
	v0 =	vshll.u32 v4, $0x6  }
0x216: {  	v1 =	vsel vm1, s15, v2;
	v0 =	vor.u32 v3, v0  }
0x217: {  	v0 =	vadd.s32 v0, v1;
	_ =	sdelay $0x3  }
0x218: {  	s16 =	simm.s32 $0x0;
	s17 =	simm.s32 $0x7800;
	s19 =	simm.s32 $0x100  }
0x219: {  	[tilespmem:s17], [sflag:$0x1] =	stream.indirect_vreg.gather [hbm4b:s4+s16], $0x80, v0, vm0, $0xb8;
	[tilespmem:$0x14000] =	vst v63  }
0x21a: {  	s18 =	simm.s32 $0xF800;
	s7 =	sand.u32 $0x3FFFF800, s19  }
0x21b: {  	[tilespmem:s18], [sflag:$0x2] =	stream.indirect_vreg.gather [hbm4b:s3+s16], $0x80, v0, vm0, $0xb8;
	[tilespmem:$0x14000] =	vst v63  }
0x21c: {  	s21 =	simm.s32 $0x100;
	s20 =	simm.s32 $0x200;
	s7 =	sadd.s32 $0x480, s7;
	v0 =	vld [tilespmem:$0x400]  }
0x21d: {  	s22 =	sand.u32 $0x7800, s20;
	s23 =	sand.u32 $0x380, s21;
	v1 =	vld [tilespmem:s7+$0x0]  }
0x21e: {  	s25 =	simm.s32 $0x180;
	s24 =	simm.s32 $0x300;
	s7 =	sor.u32 s23, s22  }
0x21f: {  	s8 =	simm.s32 $0x1;
	s26 =	sand.u32 $0x7800, s24;
	s28 =	sand.u32 $0x380, s25;
	v2 =	vld [tilespmem:s7+$0x400]  }
0x220: {  	s29 =	simm.s32 $0x400;
	s30 =	simm.s32 $0x200;
	s7 =	sor.u32 s28, s26  }
0x221: {  	s20 =	simm.s32 $0x300;
	s13 =	sand.u32 $0x7800, s29;
	s14 =	sand.u32 $0x380, s30;
	v3 =	vld [tilespmem:s7+$0x400]  }
0x222: {  	s9 =	sor.u32 s14, s13;
	s15 =	simm.s32 $0x500;
	s16 =	simm.s32 $0x280;
	vm1 =	vgt.f32 v1, v0  }
0x223: {  	s21 =	simm.s32 $0x380;
	s17 =	sand.u32 $0x7800, s15;
	s18 =	sand.u32 $0x380, s16;
	v0 =	vsel vm1, v1, v0;
	v1 =	vld [tilespmem:s9+$0x400]  }
0x224: {  	s24 =	simm.s32 $0x700;
	s19 =	simm.s32 $0x600;
	s9 =	sor.u32 s18, s17;
	vm2 =	vgt.f32 v2, v0  }
0x225: {  	s25 =	sand.u32 $0x7800, s24;
	s11 =	sand.u32 $0x7800, s19;
	s13 =	sand.u32 $0x380, s20;
	v0 =	vsel vm2, v2, v0;
	v2 =	vld [tilespmem:s9+$0x400]  }
0x226: {  	s10 =	simm.s32 $0x800;
	s31 =	simm.s32 $0x900;
	v4 =	vimm.s32 $0x0;
	s11 =	sor.u32 s13, s11;
	vm3 =	vgt.f32 v3, v0  }
0x227: {  	s19 =	simm.s32 $0xB00;
	s12 =	simm.s32 $0x500;
	s22 =	simm.s32 $0x2;
	v4 =	vsel vm1, s8, v4;
	v0 =	vsel vm3, v3, v0;
	v3 =	vld [tilespmem:s11+$0x400]  }
0x228: {  	s30 =	sand.u32 $0x3FFFF800, s31;
	s14 =	sand.u32 $0x380, s21;
	s23 =	simm.s32 $0x3;
	v4 =	vsel vm2, s22, v4;
	vm1 =	vgt.f32 v1, v0  }
0x229: {  	s31 =	sadd.s32 $0x480, s30;
	s14 =	sor.u32 s14, s25;
	s26 =	simm.s32 $0x4;
	v0 =	vsel vm1, v1, v0;
	v1 =	vsel vm3, s23, v4  }
0x22a: {  	s20 =	simm.s32 $0x6;
	s13 =	simm.s32 $0x800;
	s28 =	sand.u32 $0x3FFFF800, s10;
	vm2 =	vgt.f32 v2, v0;
	v4 =	vsel vm1, s26, v1;
	v1 =	vld [tilespmem:s14+$0x400]  }
0x22b: {  	s15 =	simm.s32 $0x13;
	s29 =	sadd.s32 $0x400, s28;
	s17 =	simm.s32 $0x5;
	v2 =	vsel vm2, v2, v0  }
0x22c: {  	s7 =	simm.s32 $0x400;
	s18 =	simm.s32 $0x7;
	s14 =	simm.s32 $0xA00;
	v5 =	vsel vm2, s17, v4;
	v0 =	vld [tilespmem:s29+$0x0];
	vm1 =	vgt.f32 v3, v2  }
0x22d: {  	s9 =	simm.s32 $0xA;
	s11 =	simm.s32 $0x1200;
	s16 =	sand.u32 $0x3FFFF800, s14;
	v4 =	vsel vm1, v3, v2;
	v3 =	vsel vm1, s20, v5;
	v2 =	vld [tilespmem:s31+$0x0]  }
.LBB2_17:
0x22e: {  	p0 =	slt.u32 s15, $0x37;
	s20 =	sadd.s32 s16, s12  }
0x22f: {  	s21 =	sadd.s32 $0xFFFFFD80, s13;
	vm1 =	vgt.f32 v1, v4;
	s17 =	smov.u32 s11;
	s16 =	smov.u32 s12  }
0x230: {  	s19 =	sand.u32 $0x7800, s19;
	v5 =	vld [tilespmem:s20+$0x0];
	s20 =	sand.u32 $0x380, s21;
	v1 =	vsel vm1, v1, v4;
	v3 =	vsel vm1, s18, v3;
	s18 =	sadd.s32 $0x7, s8  }
0x231: {  	s21 =	sadd.s32 $0xFFFFFE00, s13;
	s19 =	sor.u32 s20, s19;
	s20 =	sadd.s32 $0xFFFFFA00, s11;
	vm1 =	vgt.f32 v0, v1  }
0x232: {  	s8 =	sadd.s32 $0x8, s8;
	v4 =	vld [tilespmem:s19+$0x400];
	s19 =	sand.u32 $0x7800, s20;
	s20 =	sand.u32 $0x380, s21;
	v0 =	vsel vm1, v0, v1;
	v1 =	vsel vm1, s18, v3  }
0x233: {  	s18 =	sor.u32 s20, s19;
	s19 =	sadd.s32 $0xFFFFFB00, s11;
	s20 =	sadd.s32 $0xFFFFFE80, s13;
	vm1 =	vgt.f32 v2, v0  }
0x234: {  	v3 =	vld [tilespmem:s18+$0x400];
	s18 =	sand.u32 $0x7800, s19;
	s19 =	sand.u32 $0x380, s20;
	v0 =	vsel vm1, v2, v0;
	v1 =	vsel vm1, s8, v1;
	s8 =	smov.u32 s9  }
0x235: {  	vm1 =	vgt.f32 v5, v0;
	s9 =	sor.u32 s19, s18;
	s18 =	sadd.s32 $0xFFFFFC00, s11;
	s19 =	sadd.s32 $0xFFFFFF00, s13  }
0x236: {  	s20 =	sadd.s32 $0x1, s8;
	v0 =	vsel vm1, v5, v0;
	v1 =	vsel vm1, s8, v1;
	v2 =	vld [tilespmem:s9+$0x400];
	s9 =	sand.u32 $0x7800, s18;
	s18 =	sand.u32 $0x380, s19  }
0x237: {  	s19 =	sadd.s32 $0xFFFFFF80, s13;
	vm1 =	vgt.f32 v4, v0;
	s9 =	sor.u32 s18, s9;
	s18 =	sadd.s32 $0xFFFFFD00, s11  }
0x238: {  	s19 =	sand.u32 $0x380, s19;
	v0 =	vsel vm1, v4, v0;
	v1 =	vsel vm1, s20, v1;
	v4 =	vld [tilespmem:s9+$0x400];
	s18 =	sand.u32 $0x7800, s18;
	s9 =	smov.u32 s15  }
0x239: {  	s20 =	sadd.s32 $0x2, s8;
	vm1 =	vgt.f32 v3, v0;
	s18 =	sor.u32 s19, s18;
	s19 =	sadd.s32 $0xFFFFFE00, s11  }
0x23a: {  	s10 =	sadd.s32 $0x900, s10;
	v0 =	vsel vm1, v3, v0;
	v1 =	vsel vm1, s20, v1;
	v3 =	vld [tilespmem:s18+$0x400];
	s18 =	sand.u32 $0x7800, s19;
	s19 =	sand.u32 $0x380, s13  }
0x23b: {  	s7 =	sadd.s32 $0x80, s7;
	s20 =	sadd.s32 $0x3, s8;
	vm1 =	vgt.f32 v2, v0;
	s18 =	sor.u32 s19, s18  }
.Ltmp8:
0x23c: {  	s11 =	sadd.s32 $0x900, s11;
	s19 =	sand.u32 $0x3FFFF800, s10;
	v0 =	vsel vm1, v2, v0;
	v2 =	vsel vm1, s20, v1;
	v1 =	vld [tilespmem:s18+$0x400];
	(pc) =	sbr.rel @p0 .LBB2_17-.Ltmp8, $4  }
0x23d: {  	s13 =	sadd.s32 $0x480, s13;
	s18 =	sadd.s32 s19, s7;
	s19 =	sadd.s32 $0x4, s8;
	vm1 =	vgt.f32 v4, v0  }
0x23e: {  	s12 =	sadd.s32 $0x80, s12;
	s14 =	sadd.s32 $0x900, s14;
	s17 =	sand.u32 $0x3FFFF800, s17;
	v4 =	vsel vm1, v4, v0;
	v2 =	vsel vm1, s19, v2;
	v0 =	vld [tilespmem:s18+$0x0]  }
0x23f: {  	s17 =	sadd.s32 s17, s16;
	s20 =	sadd.s32 $0x5, s8;
	s18 =	sadd.s32 $0x6, s8;
	vm1 =	vgt.f32 v3, v4  }
0x240: {  	s16 =	sand.u32 $0x3FFFF800, s14;
	s15 =	sadd.s32 $0x9, s15;
	s19 =	sadd.s32 $0xFFFFF900, s11;
	v4 =	vsel vm1, v3, v4;
	v3 =	vsel vm1, s20, v2;
	v2 =	vld [tilespmem:s17+$0x0]  }
0x241: {  	s14 =	sadd.s32 s16, s12;
	s15 =	sadd.s32 $0xFFFFFD80, s13;
	vm1 =	vgt.f32 v1, v4  }
0x242: {  	s31 =	sand.u32 $0x7800, s19;
	v5 =	vld [tilespmem:s14+$0x0];
	s15 =	sand.u32 $0x380, s15;
	v1 =	vsel vm1, v1, v4  }
0x243: {  	s16 =	sadd.s32 $0xFFFFFA00, s11;
	s17 =	sadd.s32 $0xFFFFFE00, s13;
	s14 =	sor.u32 s15, s31;
	vm2 =	vgt.f32 v0, v1  }
0x244: {  	s19 =	sand.u32 $0x7800, s16;
	s20 =	sand.u32 $0x380, s17;
	v4 =	vld [tilespmem:s14+$0x400];
	v0 =	vsel vm2, v0, v1  }
0x245: {  	s21 =	sadd.s32 $0xFFFFFB00, s11;
	s22 =	sadd.s32 $0xFFFFFE80, s13;
	s14 =	sor.u32 s20, s19;
	vm3 =	vgt.f32 v2, v0  }
0x246: {  	s23 =	sand.u32 $0x7800, s21;
	s24 =	sand.u32 $0x380, s22;
	v1 =	vld [tilespmem:s14+$0x400];
	v0 =	vsel vm3, v2, v0  }
0x247: {  	s25 =	sadd.s32 $0xFFFFFC00, s11;
	s26 =	sadd.s32 $0xFFFFFF00, s13;
	s14 =	sor.u32 s24, s23;
	vm4 =	vgt.f32 v5, v0  }
0x248: {  	s28 =	sand.u32 $0x7800, s25;
	s29 =	sand.u32 $0x380, s26;
	v2 =	vld [tilespmem:s14+$0x400];
	v0 =	vsel vm4, v5, v0  }
0x249: {  	s30 =	sadd.s32 $0xFFFFFD00, s11;
	s31 =	sadd.s32 $0xFFFFFF80, s13;
	s14 =	sor.u32 s29, s28;
	vm5 =	vgt.f32 v4, v0  }
0x24a: {  	s17 =	sand.u32 $0x7800, s30;
	s19 =	sand.u32 $0x380, s31;
	v0 =	vsel vm5, v4, v0;
	v4 =	vld [tilespmem:s14+$0x400]  }
0x24b: {  	s20 =	sadd.s32 $0xFFFFFE00, s11;
	s14 =	sor.u32 s19, s17;
	vm6 =	vgt.f32 v1, v0  }
0x24c: {  	v3 =	vsel vm1, s18, v3;
	s21 =	sadd.s32 $0x7, s8;
	s22 =	sand.u32 $0x7800, s20;
	s23 =	sand.u32 $0x380, s13;
	v0 =	vsel vm6, v1, v0;
	v1 =	vld [tilespmem:s14+$0x400]  }
0x24d: {  	s10 =	sadd.s32 $0x900, s10;
	v3 =	vsel vm2, s21, v3;
	s24 =	sadd.s32 $0x8, s8;
	s13 =	sor.u32 s23, s22;
	vm1 =	vgt.f32 v2, v0  }
0x24e: {  	s7 =	sadd.s32 $0x80, s7;
	s25 =	sand.u32 $0x3FFFF800, s10;
	v3 =	vsel vm3, s24, v3;
	v0 =	vsel vm1, v2, v0;
	v2 =	vld [tilespmem:s13+$0x400]  }
0x24f: {  	s26 =	sadd.s32 $0x1, s9;
	s7 =	sadd.s32 s25, s7;
	v3 =	vsel vm4, s9, v3;
	vm2 =	vgt.f32 v4, v0  }
0x250: {  	s28 =	sadd.s32 $0x2, s9;
	s29 =	sand.u32 $0x3FFFF800, s11;
	v3 =	vsel vm5, s26, v3;
	v0 =	vsel vm2, v4, v0;
	v4 =	vld [tilespmem:s7+$0x0]  }
0x251: {  	s30 =	sadd.s32 $0x3, s9;
	s31 =	sadd.s32 s29, s12;
	v3 =	vsel vm6, s28, v3;
	vm3 =	vgt.f32 v1, v0  }
0x252: {  	s10 =	sadd.s32 $0x4, s9;
	v3 =	vsel vm1, s30, v3;
	v0 =	vsel vm3, v1, v0;
	v1 =	vld [tilespmem:s31+$0x0]  }
0x253: {  	s11 =	sadd.s32 $0x5, s9;
	v3 =	vsel vm2, s10, v3;
	vm1 =	vgt.f32 v2, v0  }
0x254: {  	s12 =	sadd.s32 $0x6, s9;
	v3 =	vsel vm3, s11, v3;
	v0 =	vsel vm1, v2, v0  }
0x255: {  	s13 =	sor.u32 $0x80, s6;
	v2 =	vsel vm1, s12, v3;
	v3 =	vlaneseq.u32;
	vm1 =	vgt.f32 v4, v0  }
0x256: {  	s14 =	sadd.s32 $0x7, s9;
	v3 =	vmul.u32 $0x40, v3;
	v0 =	vsel vm1, v4, v0;
	v4 =	vmov s13  }
0x257: {  	s15 =	sadd.s32 $0x8, s9;
	v2 =	vsel vm1, s14, v2;
	vm1 =	vgt.f32 v1, v0;
	v0 =	vshll.u32 v4, $0x6  }
0x258: {  	v1 =	vsel vm1, s15, v2;
	v0 =	vor.u32 v3, v0  }
0x259: {  	v0 =	vadd.s32 v0, v1;
	_ =	sdelay $0x3  }
0x25a: {  	s16 =	simm.s32 $0x0;
	s17 =	simm.s32 $0x8000;
	s19 =	simm.s32 $0x100  }
0x25b: {  	[tilespmem:s17], [sflag:$0x1] =	stream.indirect_vreg.gather [hbm4b:s4+s16], $0x80, v0, vm0, $0xb8;
	[tilespmem:$0x14000] =	vst v63  }
0x25c: {  	s18 =	simm.s32 $0x10000;
	s7 =	sand.u32 $0x3FFFF800, s19  }
0x25d: {  	[tilespmem:s18], [sflag:$0x2] =	stream.indirect_vreg.gather [hbm4b:s3+s16], $0x80, v0, vm0, $0xb8;
	[tilespmem:$0x14000] =	vst v63  }
0x25e: {  	s21 =	simm.s32 $0x100;
	s20 =	simm.s32 $0x200;
	s7 =	sadd.s32 $0x490, s7;
	v0 =	vld [tilespmem:$0x410]  }
0x25f: {  	s22 =	sand.u32 $0x7800, s20;
	s23 =	sand.u32 $0x380, s21;
	v1 =	vld [tilespmem:s7+$0x0]  }
0x260: {  	s25 =	simm.s32 $0x180;
	s24 =	simm.s32 $0x300;
	s7 =	sor.u32 s23, s22  }
0x261: {  	s8 =	simm.s32 $0x1;
	s26 =	sand.u32 $0x7800, s24;
	s28 =	sand.u32 $0x380, s25;
	v2 =	vld [tilespmem:s7+$0x410]  }
0x262: {  	s29 =	simm.s32 $0x400;
	s30 =	simm.s32 $0x200;
	s7 =	sor.u32 s28, s26  }
0x263: {  	s20 =	simm.s32 $0x300;
	s13 =	sand.u32 $0x7800, s29;
	s14 =	sand.u32 $0x380, s30;
	v3 =	vld [tilespmem:s7+$0x410]  }
0x264: {  	s9 =	sor.u32 s14, s13;
	s15 =	simm.s32 $0x500;
	s16 =	simm.s32 $0x280;
	vm1 =	vgt.f32 v1, v0  }
0x265: {  	s21 =	simm.s32 $0x380;
	s17 =	sand.u32 $0x7800, s15;
	s18 =	sand.u32 $0x380, s16;
	v0 =	vsel vm1, v1, v0;
	v1 =	vld [tilespmem:s9+$0x410]  }
0x266: {  	s24 =	simm.s32 $0x700;
	s19 =	simm.s32 $0x600;
	s9 =	sor.u32 s18, s17;
	vm2 =	vgt.f32 v2, v0  }
0x267: {  	s25 =	sand.u32 $0x7800, s24;
	s11 =	sand.u32 $0x7800, s19;
	s13 =	sand.u32 $0x380, s20;
	v0 =	vsel vm2, v2, v0;
	v2 =	vld [tilespmem:s9+$0x410]  }
0x268: {  	s10 =	simm.s32 $0x800;
	s31 =	simm.s32 $0x900;
	v4 =	vimm.s32 $0x0;
	s11 =	sor.u32 s13, s11;
	vm3 =	vgt.f32 v3, v0  }
0x269: {  	s19 =	simm.s32 $0xB00;
	s12 =	simm.s32 $0x510;
	s22 =	simm.s32 $0x2;
	v4 =	vsel vm1, s8, v4;
	v0 =	vsel vm3, v3, v0;
	v3 =	vld [tilespmem:s11+$0x410]  }
0x26a: {  	s30 =	sand.u32 $0x3FFFF800, s31;
	s14 =	sand.u32 $0x380, s21;
	s23 =	simm.s32 $0x3;
	v4 =	vsel vm2, s22, v4;
	vm1 =	vgt.f32 v1, v0  }
0x26b: {  	s31 =	sadd.s32 $0x490, s30;
	s14 =	sor.u32 s14, s25;
	s26 =	simm.s32 $0x4;
	v0 =	vsel vm1, v1, v0;
	v1 =	vsel vm3, s23, v4  }
0x26c: {  	s20 =	simm.s32 $0x6;
	s13 =	simm.s32 $0x800;
	s28 =	sand.u32 $0x3FFFF800, s10;
	vm2 =	vgt.f32 v2, v0;
	v4 =	vsel vm1, s26, v1;
	v1 =	vld [tilespmem:s14+$0x410]  }
0x26d: {  	s15 =	simm.s32 $0x13;
	s29 =	sadd.s32 $0x410, s28;
	s17 =	simm.s32 $0x5;
	v2 =	vsel vm2, v2, v0  }
0x26e: {  	s7 =	simm.s32 $0x410;
	s18 =	simm.s32 $0x7;
	s14 =	simm.s32 $0xA00;
	v5 =	vsel vm2, s17, v4;
	v0 =	vld [tilespmem:s29+$0x0];
	vm1 =	vgt.f32 v3, v2  }
0x26f: {  	s9 =	simm.s32 $0xA;
	s11 =	simm.s32 $0x1200;
	s16 =	sand.u32 $0x3FFFF800, s14;
	v4 =	vsel vm1, v3, v2;
	v3 =	vsel vm1, s20, v5;
	v2 =	vld [tilespmem:s31+$0x0]  }
.LBB2_19:
0x270: {  	p0 =	slt.u32 s15, $0x37;
	s20 =	sadd.s32 s16, s12  }
0x271: {  	s21 =	sadd.s32 $0xFFFFFD80, s13;
	vm1 =	vgt.f32 v1, v4;
	s17 =	smov.u32 s11;
	s16 =	smov.u32 s12  }
0x272: {  	s19 =	sand.u32 $0x7800, s19;
	v5 =	vld [tilespmem:s20+$0x0];
	s20 =	sand.u32 $0x380, s21;
	v1 =	vsel vm1, v1, v4;
	v3 =	vsel vm1, s18, v3;
	s18 =	sadd.s32 $0x7, s8  }
0x273: {  	s21 =	sadd.s32 $0xFFFFFE00, s13;
	s19 =	sor.u32 s20, s19;
	s20 =	sadd.s32 $0xFFFFFA00, s11;
	vm1 =	vgt.f32 v0, v1  }
0x274: {  	s8 =	sadd.s32 $0x8, s8;
	v4 =	vld [tilespmem:s19+$0x410];
	s19 =	sand.u32 $0x7800, s20;
	s20 =	sand.u32 $0x380, s21;
	v0 =	vsel vm1, v0, v1;
	v1 =	vsel vm1, s18, v3  }
0x275: {  	s18 =	sor.u32 s20, s19;
	s19 =	sadd.s32 $0xFFFFFB00, s11;
	s20 =	sadd.s32 $0xFFFFFE80, s13;
	vm1 =	vgt.f32 v2, v0  }
0x276: {  	v3 =	vld [tilespmem:s18+$0x410];
	s18 =	sand.u32 $0x7800, s19;
	s19 =	sand.u32 $0x380, s20;
	v0 =	vsel vm1, v2, v0;
	v1 =	vsel vm1, s8, v1;
	s8 =	smov.u32 s9  }
0x277: {  	vm1 =	vgt.f32 v5, v0;
	s9 =	sor.u32 s19, s18;
	s18 =	sadd.s32 $0xFFFFFC00, s11;
	s19 =	sadd.s32 $0xFFFFFF00, s13  }
0x278: {  	s20 =	sadd.s32 $0x1, s8;
	v0 =	vsel vm1, v5, v0;
	v1 =	vsel vm1, s8, v1;
	v2 =	vld [tilespmem:s9+$0x410];
	s9 =	sand.u32 $0x7800, s18;
	s18 =	sand.u32 $0x380, s19  }
0x279: {  	s19 =	sadd.s32 $0xFFFFFF80, s13;
	vm1 =	vgt.f32 v4, v0;
	s9 =	sor.u32 s18, s9;
	s18 =	sadd.s32 $0xFFFFFD00, s11  }
0x27a: {  	s19 =	sand.u32 $0x380, s19;
	v0 =	vsel vm1, v4, v0;
	v1 =	vsel vm1, s20, v1;
	v4 =	vld [tilespmem:s9+$0x410];
	s18 =	sand.u32 $0x7800, s18;
	s9 =	smov.u32 s15  }
0x27b: {  	s20 =	sadd.s32 $0x2, s8;
	vm1 =	vgt.f32 v3, v0;
	s18 =	sor.u32 s19, s18;
	s19 =	sadd.s32 $0xFFFFFE00, s11  }
0x27c: {  	s10 =	sadd.s32 $0x900, s10;
	v0 =	vsel vm1, v3, v0;
	v1 =	vsel vm1, s20, v1;
	v3 =	vld [tilespmem:s18+$0x410];
	s18 =	sand.u32 $0x7800, s19;
	s19 =	sand.u32 $0x380, s13  }
0x27d: {  	s7 =	sadd.s32 $0x80, s7;
	s20 =	sadd.s32 $0x3, s8;
	vm1 =	vgt.f32 v2, v0;
	s18 =	sor.u32 s19, s18  }
.Ltmp9:
0x27e: {  	s11 =	sadd.s32 $0x900, s11;
	s19 =	sand.u32 $0x3FFFF800, s10;
	v0 =	vsel vm1, v2, v0;
	v2 =	vsel vm1, s20, v1;
	v1 =	vld [tilespmem:s18+$0x410];
	(pc) =	sbr.rel @p0 .LBB2_19-.Ltmp9, $4  }
0x27f: {  	s13 =	sadd.s32 $0x480, s13;
	s18 =	sadd.s32 s19, s7;
	s19 =	sadd.s32 $0x4, s8;
	vm1 =	vgt.f32 v4, v0  }
0x280: {  	s12 =	sadd.s32 $0x80, s12;
	s14 =	sadd.s32 $0x900, s14;
	s17 =	sand.u32 $0x3FFFF800, s17;
	v4 =	vsel vm1, v4, v0;
	v2 =	vsel vm1, s19, v2;
	v0 =	vld [tilespmem:s18+$0x0]  }
0x281: {  	s17 =	sadd.s32 s17, s16;
	s20 =	sadd.s32 $0x5, s8;
	s18 =	sadd.s32 $0x6, s8;
	vm1 =	vgt.f32 v3, v4  }
0x282: {  	s16 =	sand.u32 $0x3FFFF800, s14;
	s15 =	sadd.s32 $0x9, s15;
	s19 =	sadd.s32 $0xFFFFF900, s11;
	v4 =	vsel vm1, v3, v4;
	v3 =	vsel vm1, s20, v2;
	v2 =	vld [tilespmem:s17+$0x0]  }
0x283: {  	s14 =	sadd.s32 s16, s12;
	s15 =	sadd.s32 $0xFFFFFD80, s13;
	vm1 =	vgt.f32 v1, v4  }
0x284: {  	s31 =	sand.u32 $0x7800, s19;
	v5 =	vld [tilespmem:s14+$0x0];
	s15 =	sand.u32 $0x380, s15;
	v1 =	vsel vm1, v1, v4  }
0x285: {  	s16 =	sadd.s32 $0xFFFFFA00, s11;
	s17 =	sadd.s32 $0xFFFFFE00, s13;
	s14 =	sor.u32 s15, s31;
	vm2 =	vgt.f32 v0, v1  }
0x286: {  	s19 =	sand.u32 $0x7800, s16;
	s20 =	sand.u32 $0x380, s17;
	v4 =	vld [tilespmem:s14+$0x410];
	v0 =	vsel vm2, v0, v1  }
0x287: {  	s21 =	sadd.s32 $0xFFFFFB00, s11;
	s22 =	sadd.s32 $0xFFFFFE80, s13;
	s14 =	sor.u32 s20, s19;
	vm3 =	vgt.f32 v2, v0  }
0x288: {  	s23 =	sand.u32 $0x7800, s21;
	s24 =	sand.u32 $0x380, s22;
	v1 =	vld [tilespmem:s14+$0x410];
	v0 =	vsel vm3, v2, v0  }
0x289: {  	s25 =	sadd.s32 $0xFFFFFC00, s11;
	s26 =	sadd.s32 $0xFFFFFF00, s13;
	s14 =	sor.u32 s24, s23;
	vm4 =	vgt.f32 v5, v0  }
0x28a: {  	s28 =	sand.u32 $0x7800, s25;
	s29 =	sand.u32 $0x380, s26;
	v2 =	vld [tilespmem:s14+$0x410];
	v0 =	vsel vm4, v5, v0  }
0x28b: {  	s30 =	sadd.s32 $0xFFFFFD00, s11;
	s31 =	sadd.s32 $0xFFFFFF80, s13;
	s14 =	sor.u32 s29, s28;
	vm5 =	vgt.f32 v4, v0  }
0x28c: {  	s17 =	sand.u32 $0x7800, s30;
	s19 =	sand.u32 $0x380, s31;
	v0 =	vsel vm5, v4, v0;
	v4 =	vld [tilespmem:s14+$0x410]  }
0x28d: {  	s20 =	sadd.s32 $0xFFFFFE00, s11;
	s14 =	sor.u32 s19, s17;
	vm6 =	vgt.f32 v1, v0  }
0x28e: {  	v3 =	vsel vm1, s18, v3;
	s21 =	sadd.s32 $0x7, s8;
	s22 =	sand.u32 $0x7800, s20;
	s23 =	sand.u32 $0x380, s13;
	v0 =	vsel vm6, v1, v0;
	v1 =	vld [tilespmem:s14+$0x410]  }
0x28f: {  	s10 =	sadd.s32 $0x900, s10;
	v3 =	vsel vm2, s21, v3;
	s24 =	sadd.s32 $0x8, s8;
	s13 =	sor.u32 s23, s22;
	vm1 =	vgt.f32 v2, v0  }
0x290: {  	s7 =	sadd.s32 $0x80, s7;
	s25 =	sand.u32 $0x3FFFF800, s10;
	v3 =	vsel vm3, s24, v3;
	v0 =	vsel vm1, v2, v0;
	v2 =	vld [tilespmem:s13+$0x410]  }
0x291: {  	s26 =	sadd.s32 $0x1, s9;
	s7 =	sadd.s32 s25, s7;
	v3 =	vsel vm4, s9, v3;
	vm2 =	vgt.f32 v4, v0  }
0x292: {  	s28 =	sadd.s32 $0x2, s9;
	s29 =	sand.u32 $0x3FFFF800, s11;
	v3 =	vsel vm5, s26, v3;
	v0 =	vsel vm2, v4, v0;
	v4 =	vld [tilespmem:s7+$0x0]  }
0x293: {  	s30 =	sadd.s32 $0x3, s9;
	s31 =	sadd.s32 s29, s12;
	v3 =	vsel vm6, s28, v3;
	vm3 =	vgt.f32 v1, v0  }
0x294: {  	s10 =	sadd.s32 $0x4, s9;
	v3 =	vsel vm1, s30, v3;
	v0 =	vsel vm3, v1, v0;
	v1 =	vld [tilespmem:s31+$0x0]  }
0x295: {  	s11 =	sadd.s32 $0x5, s9;
	v3 =	vsel vm2, s10, v3;
	vm1 =	vgt.f32 v2, v0  }
0x296: {  	s12 =	sadd.s32 $0x6, s9;
	v3 =	vsel vm3, s11, v3;
	v0 =	vsel vm1, v2, v0  }
0x297: {  	s13 =	sor.u32 $0x90, s6;
	v2 =	vsel vm1, s12, v3;
	v3 =	vlaneseq.u32;
	vm1 =	vgt.f32 v4, v0  }
0x298: {  	s14 =	sadd.s32 $0x7, s9;
	v3 =	vmul.u32 $0x40, v3;
	v0 =	vsel vm1, v4, v0;
	v4 =	vmov s13  }
0x299: {  	s15 =	sadd.s32 $0x8, s9;
	v2 =	vsel vm1, s14, v2;
	vm1 =	vgt.f32 v1, v0;
	v0 =	vshll.u32 v4, $0x6  }
0x29a: {  	v1 =	vsel vm1, s15, v2;
	v0 =	vor.u32 v3, v0  }
0x29b: {  	v0 =	vadd.s32 v0, v1;
	_ =	sdelay $0x3  }
0x29c: {  	s16 =	simm.s32 $0x0;
	s17 =	simm.s32 $0x8800;
	s19 =	simm.s32 $0x100  }
0x29d: {  	[tilespmem:s17], [sflag:$0x1] =	stream.indirect_vreg.gather [hbm4b:s4+s16], $0x80, v0, vm0, $0xb8;
	[tilespmem:$0x14000] =	vst v63  }
0x29e: {  	s18 =	simm.s32 $0x10800;
	s7 =	sand.u32 $0x3FFFF800, s19  }
0x29f: {  	[tilespmem:s18], [sflag:$0x2] =	stream.indirect_vreg.gather [hbm4b:s3+s16], $0x80, v0, vm0, $0xb8;
	[tilespmem:$0x14000] =	vst v63  }
0x2a0: {  	s21 =	simm.s32 $0x100;
	s20 =	simm.s32 $0x200;
	s7 =	sadd.s32 $0x4A0, s7;
	v0 =	vld [tilespmem:$0x420]  }
0x2a1: {  	s22 =	sand.u32 $0x7800, s20;
	s23 =	sand.u32 $0x380, s21;
	v1 =	vld [tilespmem:s7+$0x0]  }
0x2a2: {  	s25 =	simm.s32 $0x180;
	s24 =	simm.s32 $0x300;
	s7 =	sor.u32 s23, s22  }
0x2a3: {  	s8 =	simm.s32 $0x1;
	s26 =	sand.u32 $0x7800, s24;
	s28 =	sand.u32 $0x380, s25;
	v2 =	vld [tilespmem:s7+$0x420]  }
0x2a4: {  	s29 =	simm.s32 $0x400;
	s30 =	simm.s32 $0x200;
	s7 =	sor.u32 s28, s26  }
0x2a5: {  	s20 =	simm.s32 $0x300;
	s13 =	sand.u32 $0x7800, s29;
	s14 =	sand.u32 $0x380, s30;
	v3 =	vld [tilespmem:s7+$0x420]  }
0x2a6: {  	s9 =	sor.u32 s14, s13;
	s15 =	simm.s32 $0x500;
	s16 =	simm.s32 $0x280;
	vm1 =	vgt.f32 v1, v0  }
0x2a7: {  	s21 =	simm.s32 $0x380;
	s17 =	sand.u32 $0x7800, s15;
	s18 =	sand.u32 $0x380, s16;
	v0 =	vsel vm1, v1, v0;
	v1 =	vld [tilespmem:s9+$0x420]  }
0x2a8: {  	s24 =	simm.s32 $0x700;
	s19 =	simm.s32 $0x600;
	s9 =	sor.u32 s18, s17;
	vm2 =	vgt.f32 v2, v0  }
0x2a9: {  	s25 =	sand.u32 $0x7800, s24;
	s11 =	sand.u32 $0x7800, s19;
	s13 =	sand.u32 $0x380, s20;
	v0 =	vsel vm2, v2, v0;
	v2 =	vld [tilespmem:s9+$0x420]  }
0x2aa: {  	s10 =	simm.s32 $0x800;
	s31 =	simm.s32 $0x900;
	v4 =	vimm.s32 $0x0;
	s11 =	sor.u32 s13, s11;
	vm3 =	vgt.f32 v3, v0  }
0x2ab: {  	s19 =	simm.s32 $0xB00;
	s12 =	simm.s32 $0x520;
	s22 =	simm.s32 $0x2;
	v4 =	vsel vm1, s8, v4;
	v0 =	vsel vm3, v3, v0;
	v3 =	vld [tilespmem:s11+$0x420]  }
0x2ac: {  	s30 =	sand.u32 $0x3FFFF800, s31;
	s14 =	sand.u32 $0x380, s21;
	s23 =	simm.s32 $0x3;
	v4 =	vsel vm2, s22, v4;
	vm1 =	vgt.f32 v1, v0  }
0x2ad: {  	s31 =	sadd.s32 $0x4A0, s30;
	s14 =	sor.u32 s14, s25;
	s26 =	simm.s32 $0x4;
	v0 =	vsel vm1, v1, v0;
	v1 =	vsel vm3, s23, v4  }
0x2ae: {  	s20 =	simm.s32 $0x6;
	s13 =	simm.s32 $0x800;
	s28 =	sand.u32 $0x3FFFF800, s10;
	vm2 =	vgt.f32 v2, v0;
	v4 =	vsel vm1, s26, v1;
	v1 =	vld [tilespmem:s14+$0x420]  }
0x2af: {  	s15 =	simm.s32 $0x13;
	s29 =	sadd.s32 $0x420, s28;
	s17 =	simm.s32 $0x5;
	v2 =	vsel vm2, v2, v0  }
0x2b0: {  	s7 =	simm.s32 $0x420;
	s18 =	simm.s32 $0x7;
	s14 =	simm.s32 $0xA00;
	v5 =	vsel vm2, s17, v4;
	v0 =	vld [tilespmem:s29+$0x0];
	vm1 =	vgt.f32 v3, v2  }
0x2b1: {  	s9 =	simm.s32 $0xA;
	s11 =	simm.s32 $0x1200;
	s16 =	sand.u32 $0x3FFFF800, s14;
	v4 =	vsel vm1, v3, v2;
	v3 =	vsel vm1, s20, v5;
	v2 =	vld [tilespmem:s31+$0x0]  }
.LBB2_21:
0x2b2: {  	p0 =	slt.u32 s15, $0x37;
	s20 =	sadd.s32 s16, s12  }
0x2b3: {  	s21 =	sadd.s32 $0xFFFFFD80, s13;
	vm1 =	vgt.f32 v1, v4;
	s17 =	smov.u32 s11;
	s16 =	smov.u32 s12  }
0x2b4: {  	s19 =	sand.u32 $0x7800, s19;
	v5 =	vld [tilespmem:s20+$0x0];
	s20 =	sand.u32 $0x380, s21;
	v1 =	vsel vm1, v1, v4;
	v3 =	vsel vm1, s18, v3;
	s18 =	sadd.s32 $0x7, s8  }
0x2b5: {  	s21 =	sadd.s32 $0xFFFFFE00, s13;
	s19 =	sor.u32 s20, s19;
	s20 =	sadd.s32 $0xFFFFFA00, s11;
	vm1 =	vgt.f32 v0, v1  }
0x2b6: {  	s8 =	sadd.s32 $0x8, s8;
	v4 =	vld [tilespmem:s19+$0x420];
	s19 =	sand.u32 $0x7800, s20;
	s20 =	sand.u32 $0x380, s21;
	v0 =	vsel vm1, v0, v1;
	v1 =	vsel vm1, s18, v3  }
0x2b7: {  	s18 =	sor.u32 s20, s19;
	s19 =	sadd.s32 $0xFFFFFB00, s11;
	s20 =	sadd.s32 $0xFFFFFE80, s13;
	vm1 =	vgt.f32 v2, v0  }
0x2b8: {  	v3 =	vld [tilespmem:s18+$0x420];
	s18 =	sand.u32 $0x7800, s19;
	s19 =	sand.u32 $0x380, s20;
	v0 =	vsel vm1, v2, v0;
	v1 =	vsel vm1, s8, v1;
	s8 =	smov.u32 s9  }
0x2b9: {  	vm1 =	vgt.f32 v5, v0;
	s9 =	sor.u32 s19, s18;
	s18 =	sadd.s32 $0xFFFFFC00, s11;
	s19 =	sadd.s32 $0xFFFFFF00, s13  }
0x2ba: {  	s20 =	sadd.s32 $0x1, s8;
	v0 =	vsel vm1, v5, v0;
	v1 =	vsel vm1, s8, v1;
	v2 =	vld [tilespmem:s9+$0x420];
	s9 =	sand.u32 $0x7800, s18;
	s18 =	sand.u32 $0x380, s19  }
0x2bb: {  	s19 =	sadd.s32 $0xFFFFFF80, s13;
	vm1 =	vgt.f32 v4, v0;
	s9 =	sor.u32 s18, s9;
	s18 =	sadd.s32 $0xFFFFFD00, s11  }
0x2bc: {  	s19 =	sand.u32 $0x380, s19;
	v0 =	vsel vm1, v4, v0;
	v1 =	vsel vm1, s20, v1;
	v4 =	vld [tilespmem:s9+$0x420];
	s18 =	sand.u32 $0x7800, s18;
	s9 =	smov.u32 s15  }
0x2bd: {  	s20 =	sadd.s32 $0x2, s8;
	vm1 =	vgt.f32 v3, v0;
	s18 =	sor.u32 s19, s18;
	s19 =	sadd.s32 $0xFFFFFE00, s11  }
0x2be: {  	s10 =	sadd.s32 $0x900, s10;
	v0 =	vsel vm1, v3, v0;
	v1 =	vsel vm1, s20, v1;
	v3 =	vld [tilespmem:s18+$0x420];
	s18 =	sand.u32 $0x7800, s19;
	s19 =	sand.u32 $0x380, s13  }
0x2bf: {  	s7 =	sadd.s32 $0x80, s7;
	s20 =	sadd.s32 $0x3, s8;
	vm1 =	vgt.f32 v2, v0;
	s18 =	sor.u32 s19, s18  }
.Ltmp10:
0x2c0: {  	s11 =	sadd.s32 $0x900, s11;
	s19 =	sand.u32 $0x3FFFF800, s10;
	v0 =	vsel vm1, v2, v0;
	v2 =	vsel vm1, s20, v1;
	v1 =	vld [tilespmem:s18+$0x420];
	(pc) =	sbr.rel @p0 .LBB2_21-.Ltmp10, $4  }
0x2c1: {  	s13 =	sadd.s32 $0x480, s13;
	s18 =	sadd.s32 s19, s7;
	s19 =	sadd.s32 $0x4, s8;
	vm1 =	vgt.f32 v4, v0  }
0x2c2: {  	s12 =	sadd.s32 $0x80, s12;
	s14 =	sadd.s32 $0x900, s14;
	s17 =	sand.u32 $0x3FFFF800, s17;
	v4 =	vsel vm1, v4, v0;
	v2 =	vsel vm1, s19, v2;
	v0 =	vld [tilespmem:s18+$0x0]  }
0x2c3: {  	s17 =	sadd.s32 s17, s16;
	s20 =	sadd.s32 $0x5, s8;
	s18 =	sadd.s32 $0x6, s8;
	vm1 =	vgt.f32 v3, v4  }
0x2c4: {  	s16 =	sand.u32 $0x3FFFF800, s14;
	s15 =	sadd.s32 $0x9, s15;
	s19 =	sadd.s32 $0xFFFFF900, s11;
	v4 =	vsel vm1, v3, v4;
	v3 =	vsel vm1, s20, v2;
	v2 =	vld [tilespmem:s17+$0x0]  }
0x2c5: {  	s14 =	sadd.s32 s16, s12;
	s15 =	sadd.s32 $0xFFFFFD80, s13;
	vm1 =	vgt.f32 v1, v4  }
0x2c6: {  	s31 =	sand.u32 $0x7800, s19;
	v5 =	vld [tilespmem:s14+$0x0];
	s15 =	sand.u32 $0x380, s15;
	v1 =	vsel vm1, v1, v4  }
0x2c7: {  	s16 =	sadd.s32 $0xFFFFFA00, s11;
	s17 =	sadd.s32 $0xFFFFFE00, s13;
	s14 =	sor.u32 s15, s31;
	vm2 =	vgt.f32 v0, v1  }
0x2c8: {  	s19 =	sand.u32 $0x7800, s16;
	s20 =	sand.u32 $0x380, s17;
	v4 =	vld [tilespmem:s14+$0x420];
	v0 =	vsel vm2, v0, v1  }
0x2c9: {  	s21 =	sadd.s32 $0xFFFFFB00, s11;
	s22 =	sadd.s32 $0xFFFFFE80, s13;
	s14 =	sor.u32 s20, s19;
	vm3 =	vgt.f32 v2, v0  }
0x2ca: {  	s23 =	sand.u32 $0x7800, s21;
	s24 =	sand.u32 $0x380, s22;
	v1 =	vld [tilespmem:s14+$0x420];
	v0 =	vsel vm3, v2, v0  }
0x2cb: {  	s25 =	sadd.s32 $0xFFFFFC00, s11;
	s26 =	sadd.s32 $0xFFFFFF00, s13;
	s14 =	sor.u32 s24, s23;
	vm4 =	vgt.f32 v5, v0  }
0x2cc: {  	s28 =	sand.u32 $0x7800, s25;
	s29 =	sand.u32 $0x380, s26;
	v2 =	vld [tilespmem:s14+$0x420];
	v0 =	vsel vm4, v5, v0  }
0x2cd: {  	s30 =	sadd.s32 $0xFFFFFD00, s11;
	s31 =	sadd.s32 $0xFFFFFF80, s13;
	s14 =	sor.u32 s29, s28;
	vm5 =	vgt.f32 v4, v0  }
0x2ce: {  	s17 =	sand.u32 $0x7800, s30;
	s19 =	sand.u32 $0x380, s31;
	v0 =	vsel vm5, v4, v0;
	v4 =	vld [tilespmem:s14+$0x420]  }
0x2cf: {  	s20 =	sadd.s32 $0xFFFFFE00, s11;
	s14 =	sor.u32 s19, s17;
	vm6 =	vgt.f32 v1, v0  }
0x2d0: {  	v3 =	vsel vm1, s18, v3;
	s21 =	sadd.s32 $0x7, s8;
	s22 =	sand.u32 $0x7800, s20;
	s23 =	sand.u32 $0x380, s13;
	v0 =	vsel vm6, v1, v0;
	v1 =	vld [tilespmem:s14+$0x420]  }
0x2d1: {  	s10 =	sadd.s32 $0x900, s10;
	v3 =	vsel vm2, s21, v3;
	s24 =	sadd.s32 $0x8, s8;
	s13 =	sor.u32 s23, s22;
	vm1 =	vgt.f32 v2, v0  }
0x2d2: {  	s7 =	sadd.s32 $0x80, s7;
	s25 =	sand.u32 $0x3FFFF800, s10;
	v3 =	vsel vm3, s24, v3;
	v0 =	vsel vm1, v2, v0;
	v2 =	vld [tilespmem:s13+$0x420]  }
0x2d3: {  	s26 =	sadd.s32 $0x1, s9;
	s7 =	sadd.s32 s25, s7;
	v3 =	vsel vm4, s9, v3;
	vm2 =	vgt.f32 v4, v0  }
0x2d4: {  	s28 =	sadd.s32 $0x2, s9;
	s29 =	sand.u32 $0x3FFFF800, s11;
	v3 =	vsel vm5, s26, v3;
	v0 =	vsel vm2, v4, v0;
	v4 =	vld [tilespmem:s7+$0x0]  }
0x2d5: {  	s30 =	sadd.s32 $0x3, s9;
	s31 =	sadd.s32 s29, s12;
	v3 =	vsel vm6, s28, v3;
	vm3 =	vgt.f32 v1, v0  }
0x2d6: {  	s10 =	sadd.s32 $0x4, s9;
	v3 =	vsel vm1, s30, v3;
	v0 =	vsel vm3, v1, v0;
	v1 =	vld [tilespmem:s31+$0x0]  }
0x2d7: {  	s11 =	sadd.s32 $0x5, s9;
	v3 =	vsel vm2, s10, v3;
	vm1 =	vgt.f32 v2, v0  }
0x2d8: {  	s12 =	sadd.s32 $0x6, s9;
	v3 =	vsel vm3, s11, v3;
	v0 =	vsel vm1, v2, v0  }
0x2d9: {  	s13 =	sor.u32 $0xA0, s6;
	v2 =	vsel vm1, s12, v3;
	v3 =	vlaneseq.u32;
	vm1 =	vgt.f32 v4, v0  }
0x2da: {  	s14 =	sadd.s32 $0x7, s9;
	v3 =	vmul.u32 $0x40, v3;
	v0 =	vsel vm1, v4, v0;
	v4 =	vmov s13  }
0x2db: {  	s15 =	sadd.s32 $0x8, s9;
	v2 =	vsel vm1, s14, v2;
	vm1 =	vgt.f32 v1, v0;
	v0 =	vshll.u32 v4, $0x6  }
0x2dc: {  	v1 =	vsel vm1, s15, v2;
	v0 =	vor.u32 v3, v0  }
0x2dd: {  	v0 =	vadd.s32 v0, v1;
	_ =	sdelay $0x3  }
0x2de: {  	s16 =	simm.s32 $0x0;
	s17 =	simm.s32 $0x9000;
	s19 =	simm.s32 $0x100  }
0x2df: {  	[tilespmem:s17], [sflag:$0x1] =	stream.indirect_vreg.gather [hbm4b:s4+s16], $0x80, v0, vm0, $0xb8;
	[tilespmem:$0x14000] =	vst v63  }
0x2e0: {  	s18 =	simm.s32 $0x11000;
	s7 =	sand.u32 $0x3FFFF800, s19  }
0x2e1: {  	[tilespmem:s18], [sflag:$0x2] =	stream.indirect_vreg.gather [hbm4b:s3+s16], $0x80, v0, vm0, $0xb8;
	[tilespmem:$0x14000] =	vst v63  }
0x2e2: {  	s21 =	simm.s32 $0x100;
	s20 =	simm.s32 $0x200;
	s7 =	sadd.s32 $0x4B0, s7;
	v0 =	vld [tilespmem:$0x430]  }
0x2e3: {  	s22 =	sand.u32 $0x7800, s20;
	s23 =	sand.u32 $0x380, s21;
	v1 =	vld [tilespmem:s7+$0x0]  }
0x2e4: {  	s25 =	simm.s32 $0x180;
	s24 =	simm.s32 $0x300;
	s7 =	sor.u32 s23, s22  }
0x2e5: {  	s8 =	simm.s32 $0x1;
	s26 =	sand.u32 $0x7800, s24;
	s28 =	sand.u32 $0x380, s25;
	v2 =	vld [tilespmem:s7+$0x430]  }
0x2e6: {  	s29 =	simm.s32 $0x400;
	s30 =	simm.s32 $0x200;
	s7 =	sor.u32 s28, s26  }
0x2e7: {  	s20 =	simm.s32 $0x300;
	s13 =	sand.u32 $0x7800, s29;
	s14 =	sand.u32 $0x380, s30;
	v3 =	vld [tilespmem:s7+$0x430]  }
0x2e8: {  	s9 =	sor.u32 s14, s13;
	s15 =	simm.s32 $0x500;
	s16 =	simm.s32 $0x280;
	vm1 =	vgt.f32 v1, v0  }
0x2e9: {  	s21 =	simm.s32 $0x380;
	s17 =	sand.u32 $0x7800, s15;
	s18 =	sand.u32 $0x380, s16;
	v0 =	vsel vm1, v1, v0;
	v1 =	vld [tilespmem:s9+$0x430]  }
0x2ea: {  	s24 =	simm.s32 $0x700;
	s19 =	simm.s32 $0x600;
	s9 =	sor.u32 s18, s17;
	vm2 =	vgt.f32 v2, v0  }
0x2eb: {  	s25 =	sand.u32 $0x7800, s24;
	s11 =	sand.u32 $0x7800, s19;
	s13 =	sand.u32 $0x380, s20;
	v0 =	vsel vm2, v2, v0;
	v2 =	vld [tilespmem:s9+$0x430]  }
0x2ec: {  	s10 =	simm.s32 $0x800;
	s31 =	simm.s32 $0x900;
	v4 =	vimm.s32 $0x0;
	s11 =	sor.u32 s13, s11;
	vm3 =	vgt.f32 v3, v0  }
0x2ed: {  	s19 =	simm.s32 $0xB00;
	s12 =	simm.s32 $0x530;
	s22 =	simm.s32 $0x2;
	v4 =	vsel vm1, s8, v4;
	v0 =	vsel vm3, v3, v0;
	v3 =	vld [tilespmem:s11+$0x430]  }
0x2ee: {  	s30 =	sand.u32 $0x3FFFF800, s31;
	s14 =	sand.u32 $0x380, s21;
	s23 =	simm.s32 $0x3;
	v4 =	vsel vm2, s22, v4;
	vm1 =	vgt.f32 v1, v0  }
0x2ef: {  	s31 =	sadd.s32 $0x4B0, s30;
	s14 =	sor.u32 s14, s25;
	s26 =	simm.s32 $0x4;
	v0 =	vsel vm1, v1, v0;
	v1 =	vsel vm3, s23, v4  }
0x2f0: {  	s20 =	simm.s32 $0x6;
	s13 =	simm.s32 $0x800;
	s28 =	sand.u32 $0x3FFFF800, s10;
	vm2 =	vgt.f32 v2, v0;
	v4 =	vsel vm1, s26, v1;
	v1 =	vld [tilespmem:s14+$0x430]  }
0x2f1: {  	s15 =	simm.s32 $0x13;
	s29 =	sadd.s32 $0x430, s28;
	s17 =	simm.s32 $0x5;
	v2 =	vsel vm2, v2, v0  }
0x2f2: {  	s7 =	simm.s32 $0x430;
	s18 =	simm.s32 $0x7;
	s14 =	simm.s32 $0xA00;
	v5 =	vsel vm2, s17, v4;
	v0 =	vld [tilespmem:s29+$0x0];
	vm1 =	vgt.f32 v3, v2  }
0x2f3: {  	s9 =	simm.s32 $0xA;
	s11 =	simm.s32 $0x1200;
	s16 =	sand.u32 $0x3FFFF800, s14;
	v4 =	vsel vm1, v3, v2;
	v3 =	vsel vm1, s20, v5;
	v2 =	vld [tilespmem:s31+$0x0]  }
.LBB2_23:
0x2f4: {  	p0 =	slt.u32 s15, $0x37;
	s20 =	sadd.s32 s16, s12  }
0x2f5: {  	s21 =	sadd.s32 $0xFFFFFD80, s13;
	vm1 =	vgt.f32 v1, v4;
	s17 =	smov.u32 s11;
	s16 =	smov.u32 s12  }
0x2f6: {  	s19 =	sand.u32 $0x7800, s19;
	v5 =	vld [tilespmem:s20+$0x0];
	s20 =	sand.u32 $0x380, s21;
	v1 =	vsel vm1, v1, v4;
	v3 =	vsel vm1, s18, v3;
	s18 =	sadd.s32 $0x7, s8  }
0x2f7: {  	s21 =	sadd.s32 $0xFFFFFE00, s13;
	s19 =	sor.u32 s20, s19;
	s20 =	sadd.s32 $0xFFFFFA00, s11;
	vm1 =	vgt.f32 v0, v1  }
0x2f8: {  	s8 =	sadd.s32 $0x8, s8;
	v4 =	vld [tilespmem:s19+$0x430];
	s19 =	sand.u32 $0x7800, s20;
	s20 =	sand.u32 $0x380, s21;
	v0 =	vsel vm1, v0, v1;
	v1 =	vsel vm1, s18, v3  }
0x2f9: {  	s18 =	sor.u32 s20, s19;
	s19 =	sadd.s32 $0xFFFFFB00, s11;
	s20 =	sadd.s32 $0xFFFFFE80, s13;
	vm1 =	vgt.f32 v2, v0  }
0x2fa: {  	v3 =	vld [tilespmem:s18+$0x430];
	s18 =	sand.u32 $0x7800, s19;
	s19 =	sand.u32 $0x380, s20;
	v0 =	vsel vm1, v2, v0;
	v1 =	vsel vm1, s8, v1;
	s8 =	smov.u32 s9  }
0x2fb: {  	vm1 =	vgt.f32 v5, v0;
	s9 =	sor.u32 s19, s18;
	s18 =	sadd.s32 $0xFFFFFC00, s11;
	s19 =	sadd.s32 $0xFFFFFF00, s13  }
0x2fc: {  	s20 =	sadd.s32 $0x1, s8;
	v0 =	vsel vm1, v5, v0;
	v1 =	vsel vm1, s8, v1;
	v2 =	vld [tilespmem:s9+$0x430];
	s9 =	sand.u32 $0x7800, s18;
	s18 =	sand.u32 $0x380, s19  }
0x2fd: {  	s19 =	sadd.s32 $0xFFFFFF80, s13;
	vm1 =	vgt.f32 v4, v0;
	s9 =	sor.u32 s18, s9;
	s18 =	sadd.s32 $0xFFFFFD00, s11  }
0x2fe: {  	s19 =	sand.u32 $0x380, s19;
	v0 =	vsel vm1, v4, v0;
	v1 =	vsel vm1, s20, v1;
	v4 =	vld [tilespmem:s9+$0x430];
	s18 =	sand.u32 $0x7800, s18;
	s9 =	smov.u32 s15  }
0x2ff: {  	s20 =	sadd.s32 $0x2, s8;
	vm1 =	vgt.f32 v3, v0;
	s18 =	sor.u32 s19, s18;
	s19 =	sadd.s32 $0xFFFFFE00, s11  }
0x300: {  	s10 =	sadd.s32 $0x900, s10;
	v0 =	vsel vm1, v3, v0;
	v1 =	vsel vm1, s20, v1;
	v3 =	vld [tilespmem:s18+$0x430];
	s18 =	sand.u32 $0x7800, s19;
	s19 =	sand.u32 $0x380, s13  }
0x301: {  	s7 =	sadd.s32 $0x80, s7;
	s20 =	sadd.s32 $0x3, s8;
	vm1 =	vgt.f32 v2, v0;
	s18 =	sor.u32 s19, s18  }
.Ltmp11:
0x302: {  	s11 =	sadd.s32 $0x900, s11;
	s19 =	sand.u32 $0x3FFFF800, s10;
	v0 =	vsel vm1, v2, v0;
	v2 =	vsel vm1, s20, v1;
	v1 =	vld [tilespmem:s18+$0x430];
	(pc) =	sbr.rel @p0 .LBB2_23-.Ltmp11, $4  }
0x303: {  	s13 =	sadd.s32 $0x480, s13;
	s18 =	sadd.s32 s19, s7;
	s19 =	sadd.s32 $0x4, s8;
	vm1 =	vgt.f32 v4, v0  }
0x304: {  	s12 =	sadd.s32 $0x80, s12;
	s14 =	sadd.s32 $0x900, s14;
	s17 =	sand.u32 $0x3FFFF800, s17;
	v4 =	vsel vm1, v4, v0;
	v2 =	vsel vm1, s19, v2;
	v0 =	vld [tilespmem:s18+$0x0]  }
0x305: {  	s17 =	sadd.s32 s17, s16;
	s20 =	sadd.s32 $0x5, s8;
	s18 =	sadd.s32 $0x6, s8;
	vm1 =	vgt.f32 v3, v4  }
0x306: {  	s16 =	sand.u32 $0x3FFFF800, s14;
	s15 =	sadd.s32 $0x9, s15;
	s19 =	sadd.s32 $0xFFFFF900, s11;
	v4 =	vsel vm1, v3, v4;
	v3 =	vsel vm1, s20, v2;
	v2 =	vld [tilespmem:s17+$0x0]  }
0x307: {  	s14 =	sadd.s32 s16, s12;
	s15 =	sadd.s32 $0xFFFFFD80, s13;
	vm1 =	vgt.f32 v1, v4  }
0x308: {  	s31 =	sand.u32 $0x7800, s19;
	v5 =	vld [tilespmem:s14+$0x0];
	s15 =	sand.u32 $0x380, s15;
	v1 =	vsel vm1, v1, v4  }
0x309: {  	s16 =	sadd.s32 $0xFFFFFA00, s11;
	s17 =	sadd.s32 $0xFFFFFE00, s13;
	s14 =	sor.u32 s15, s31;
	vm2 =	vgt.f32 v0, v1  }
0x30a: {  	s19 =	sand.u32 $0x7800, s16;
	s20 =	sand.u32 $0x380, s17;
	v4 =	vld [tilespmem:s14+$0x430];
	v0 =	vsel vm2, v0, v1  }
0x30b: {  	s21 =	sadd.s32 $0xFFFFFB00, s11;
	s22 =	sadd.s32 $0xFFFFFE80, s13;
	s14 =	sor.u32 s20, s19;
	vm3 =	vgt.f32 v2, v0  }
0x30c: {  	s23 =	sand.u32 $0x7800, s21;
	s24 =	sand.u32 $0x380, s22;
	v1 =	vld [tilespmem:s14+$0x430];
	v0 =	vsel vm3, v2, v0  }
0x30d: {  	s25 =	sadd.s32 $0xFFFFFC00, s11;
	s26 =	sadd.s32 $0xFFFFFF00, s13;
	s14 =	sor.u32 s24, s23;
	vm4 =	vgt.f32 v5, v0  }
0x30e: {  	s28 =	sand.u32 $0x7800, s25;
	s29 =	sand.u32 $0x380, s26;
	v2 =	vld [tilespmem:s14+$0x430];
	v0 =	vsel vm4, v5, v0  }
0x30f: {  	s30 =	sadd.s32 $0xFFFFFD00, s11;
	s31 =	sadd.s32 $0xFFFFFF80, s13;
	s14 =	sor.u32 s29, s28;
	vm5 =	vgt.f32 v4, v0  }
0x310: {  	s17 =	sand.u32 $0x7800, s30;
	s19 =	sand.u32 $0x380, s31;
	v0 =	vsel vm5, v4, v0;
	v4 =	vld [tilespmem:s14+$0x430]  }
0x311: {  	s20 =	sadd.s32 $0xFFFFFE00, s11;
	s14 =	sor.u32 s19, s17;
	vm6 =	vgt.f32 v1, v0  }
0x312: {  	v3 =	vsel vm1, s18, v3;
	s21 =	sadd.s32 $0x7, s8;
	s22 =	sand.u32 $0x7800, s20;
	s23 =	sand.u32 $0x380, s13;
	v0 =	vsel vm6, v1, v0;
	v1 =	vld [tilespmem:s14+$0x430]  }
0x313: {  	s10 =	sadd.s32 $0x900, s10;
	v3 =	vsel vm2, s21, v3;
	s24 =	sadd.s32 $0x8, s8;
	s13 =	sor.u32 s23, s22;
	vm1 =	vgt.f32 v2, v0  }
0x314: {  	s7 =	sadd.s32 $0x80, s7;
	s25 =	sand.u32 $0x3FFFF800, s10;
	v3 =	vsel vm3, s24, v3;
	v0 =	vsel vm1, v2, v0;
	v2 =	vld [tilespmem:s13+$0x430]  }
0x315: {  	s26 =	sadd.s32 $0x1, s9;
	s7 =	sadd.s32 s25, s7;
	v3 =	vsel vm4, s9, v3;
	vm2 =	vgt.f32 v4, v0  }
0x316: {  	s28 =	sadd.s32 $0x2, s9;
	s29 =	sand.u32 $0x3FFFF800, s11;
	v3 =	vsel vm5, s26, v3;
	v0 =	vsel vm2, v4, v0;
	v4 =	vld [tilespmem:s7+$0x0]  }
0x317: {  	s30 =	sadd.s32 $0x3, s9;
	s31 =	sadd.s32 s29, s12;
	v3 =	vsel vm6, s28, v3;
	vm3 =	vgt.f32 v1, v0  }
0x318: {  	s10 =	sadd.s32 $0x4, s9;
	v3 =	vsel vm1, s30, v3;
	v0 =	vsel vm3, v1, v0;
	v1 =	vld [tilespmem:s31+$0x0]  }
0x319: {  	s11 =	sadd.s32 $0x5, s9;
	v3 =	vsel vm2, s10, v3;
	vm1 =	vgt.f32 v2, v0  }
0x31a: {  	s12 =	sadd.s32 $0x6, s9;
	v3 =	vsel vm3, s11, v3;
	v0 =	vsel vm1, v2, v0  }
0x31b: {  	s13 =	sor.u32 $0xB0, s6;
	v2 =	vsel vm1, s12, v3;
	v3 =	vlaneseq.u32;
	vm1 =	vgt.f32 v4, v0  }
0x31c: {  	s14 =	sadd.s32 $0x7, s9;
	v3 =	vmul.u32 $0x40, v3;
	v0 =	vsel vm1, v4, v0;
	v4 =	vmov s13  }
0x31d: {  	s15 =	sadd.s32 $0x8, s9;
	v2 =	vsel vm1, s14, v2;
	vm1 =	vgt.f32 v1, v0;
	v0 =	vshll.u32 v4, $0x6  }
0x31e: {  	v1 =	vsel vm1, s15, v2;
	v0 =	vor.u32 v3, v0  }
0x31f: {  	v0 =	vadd.s32 v0, v1;
	_ =	sdelay $0x3  }
0x320: {  	s16 =	simm.s32 $0x0;
	s17 =	simm.s32 $0x9800;
	s19 =	simm.s32 $0x100  }
0x321: {  	[tilespmem:s17], [sflag:$0x1] =	stream.indirect_vreg.gather [hbm4b:s4+s16], $0x80, v0, vm0, $0xb8;
	[tilespmem:$0x14000] =	vst v63  }
0x322: {  	s18 =	simm.s32 $0x11800;
	s7 =	sand.u32 $0x3FFFF800, s19  }
0x323: {  	[tilespmem:s18], [sflag:$0x2] =	stream.indirect_vreg.gather [hbm4b:s3+s16], $0x80, v0, vm0, $0xb8;
	[tilespmem:$0x14000] =	vst v63  }
0x324: {  	s21 =	simm.s32 $0x100;
	s20 =	simm.s32 $0x200;
	s7 =	sadd.s32 $0x4C0, s7;
	v0 =	vld [tilespmem:$0x440]  }
0x325: {  	s22 =	sand.u32 $0x7800, s20;
	s23 =	sand.u32 $0x380, s21;
	v1 =	vld [tilespmem:s7+$0x0]  }
0x326: {  	s25 =	simm.s32 $0x180;
	s24 =	simm.s32 $0x300;
	s7 =	sor.u32 s23, s22  }
0x327: {  	s8 =	simm.s32 $0x1;
	s26 =	sand.u32 $0x7800, s24;
	s28 =	sand.u32 $0x380, s25;
	v2 =	vld [tilespmem:s7+$0x440]  }
0x328: {  	s29 =	simm.s32 $0x400;
	s30 =	simm.s32 $0x200;
	s7 =	sor.u32 s28, s26  }
0x329: {  	s20 =	simm.s32 $0x300;
	s13 =	sand.u32 $0x7800, s29;
	s14 =	sand.u32 $0x380, s30;
	v3 =	vld [tilespmem:s7+$0x440]  }
0x32a: {  	s9 =	sor.u32 s14, s13;
	s15 =	simm.s32 $0x500;
	s16 =	simm.s32 $0x280;
	vm1 =	vgt.f32 v1, v0  }
0x32b: {  	s21 =	simm.s32 $0x380;
	s17 =	sand.u32 $0x7800, s15;
	s18 =	sand.u32 $0x380, s16;
	v0 =	vsel vm1, v1, v0;
	v1 =	vld [tilespmem:s9+$0x440]  }
0x32c: {  	s24 =	simm.s32 $0x700;
	s19 =	simm.s32 $0x600;
	s9 =	sor.u32 s18, s17;
	vm2 =	vgt.f32 v2, v0  }
0x32d: {  	s25 =	sand.u32 $0x7800, s24;
	s11 =	sand.u32 $0x7800, s19;
	s13 =	sand.u32 $0x380, s20;
	v0 =	vsel vm2, v2, v0;
	v2 =	vld [tilespmem:s9+$0x440]  }
0x32e: {  	s10 =	simm.s32 $0x800;
	s31 =	simm.s32 $0x900;
	v4 =	vimm.s32 $0x0;
	s11 =	sor.u32 s13, s11;
	vm3 =	vgt.f32 v3, v0  }
0x32f: {  	s19 =	simm.s32 $0xB00;
	s12 =	simm.s32 $0x540;
	s22 =	simm.s32 $0x2;
	v4 =	vsel vm1, s8, v4;
	v0 =	vsel vm3, v3, v0;
	v3 =	vld [tilespmem:s11+$0x440]  }
0x330: {  	s30 =	sand.u32 $0x3FFFF800, s31;
	s14 =	sand.u32 $0x380, s21;
	s23 =	simm.s32 $0x3;
	v4 =	vsel vm2, s22, v4;
	vm1 =	vgt.f32 v1, v0  }
0x331: {  	s31 =	sadd.s32 $0x4C0, s30;
	s14 =	sor.u32 s14, s25;
	s26 =	simm.s32 $0x4;
	v0 =	vsel vm1, v1, v0;
	v1 =	vsel vm3, s23, v4  }
0x332: {  	s20 =	simm.s32 $0x6;
	s13 =	simm.s32 $0x800;
	s28 =	sand.u32 $0x3FFFF800, s10;
	vm2 =	vgt.f32 v2, v0;
	v4 =	vsel vm1, s26, v1;
	v1 =	vld [tilespmem:s14+$0x440]  }
0x333: {  	s15 =	simm.s32 $0x13;
	s29 =	sadd.s32 $0x440, s28;
	s17 =	simm.s32 $0x5;
	v2 =	vsel vm2, v2, v0  }
0x334: {  	s7 =	simm.s32 $0x440;
	s18 =	simm.s32 $0x7;
	s14 =	simm.s32 $0xA00;
	v5 =	vsel vm2, s17, v4;
	v0 =	vld [tilespmem:s29+$0x0];
	vm1 =	vgt.f32 v3, v2  }
0x335: {  	s9 =	simm.s32 $0xA;
	s11 =	simm.s32 $0x1200;
	s16 =	sand.u32 $0x3FFFF800, s14;
	v4 =	vsel vm1, v3, v2;
	v3 =	vsel vm1, s20, v5;
	v2 =	vld [tilespmem:s31+$0x0]  }
.LBB2_25:
0x336: {  	p0 =	slt.u32 s15, $0x37;
	s20 =	sadd.s32 s16, s12  }
0x337: {  	s21 =	sadd.s32 $0xFFFFFD80, s13;
	vm1 =	vgt.f32 v1, v4;
	s17 =	smov.u32 s11;
	s16 =	smov.u32 s12  }
0x338: {  	s19 =	sand.u32 $0x7800, s19;
	v5 =	vld [tilespmem:s20+$0x0];
	s20 =	sand.u32 $0x380, s21;
	v1 =	vsel vm1, v1, v4;
	v3 =	vsel vm1, s18, v3;
	s18 =	sadd.s32 $0x7, s8  }
0x339: {  	s21 =	sadd.s32 $0xFFFFFE00, s13;
	s19 =	sor.u32 s20, s19;
	s20 =	sadd.s32 $0xFFFFFA00, s11;
	vm1 =	vgt.f32 v0, v1  }
0x33a: {  	s8 =	sadd.s32 $0x8, s8;
	v4 =	vld [tilespmem:s19+$0x440];
	s19 =	sand.u32 $0x7800, s20;
	s20 =	sand.u32 $0x380, s21;
	v0 =	vsel vm1, v0, v1;
	v1 =	vsel vm1, s18, v3  }
0x33b: {  	s18 =	sor.u32 s20, s19;
	s19 =	sadd.s32 $0xFFFFFB00, s11;
	s20 =	sadd.s32 $0xFFFFFE80, s13;
	vm1 =	vgt.f32 v2, v0  }
0x33c: {  	v3 =	vld [tilespmem:s18+$0x440];
	s18 =	sand.u32 $0x7800, s19;
	s19 =	sand.u32 $0x380, s20;
	v0 =	vsel vm1, v2, v0;
	v1 =	vsel vm1, s8, v1;
	s8 =	smov.u32 s9  }
0x33d: {  	vm1 =	vgt.f32 v5, v0;
	s9 =	sor.u32 s19, s18;
	s18 =	sadd.s32 $0xFFFFFC00, s11;
	s19 =	sadd.s32 $0xFFFFFF00, s13  }
0x33e: {  	s20 =	sadd.s32 $0x1, s8;
	v0 =	vsel vm1, v5, v0;
	v1 =	vsel vm1, s8, v1;
	v2 =	vld [tilespmem:s9+$0x440];
	s9 =	sand.u32 $0x7800, s18;
	s18 =	sand.u32 $0x380, s19  }
0x33f: {  	s19 =	sadd.s32 $0xFFFFFF80, s13;
	vm1 =	vgt.f32 v4, v0;
	s9 =	sor.u32 s18, s9;
	s18 =	sadd.s32 $0xFFFFFD00, s11  }
0x340: {  	s19 =	sand.u32 $0x380, s19;
	v0 =	vsel vm1, v4, v0;
	v1 =	vsel vm1, s20, v1;
	v4 =	vld [tilespmem:s9+$0x440];
	s18 =	sand.u32 $0x7800, s18;
	s9 =	smov.u32 s15  }
0x341: {  	s20 =	sadd.s32 $0x2, s8;
	vm1 =	vgt.f32 v3, v0;
	s18 =	sor.u32 s19, s18;
	s19 =	sadd.s32 $0xFFFFFE00, s11  }
0x342: {  	s10 =	sadd.s32 $0x900, s10;
	v0 =	vsel vm1, v3, v0;
	v1 =	vsel vm1, s20, v1;
	v3 =	vld [tilespmem:s18+$0x440];
	s18 =	sand.u32 $0x7800, s19;
	s19 =	sand.u32 $0x380, s13  }
0x343: {  	s7 =	sadd.s32 $0x80, s7;
	s20 =	sadd.s32 $0x3, s8;
	vm1 =	vgt.f32 v2, v0;
	s18 =	sor.u32 s19, s18  }
.Ltmp12:
0x344: {  	s11 =	sadd.s32 $0x900, s11;
	s19 =	sand.u32 $0x3FFFF800, s10;
	v0 =	vsel vm1, v2, v0;
	v2 =	vsel vm1, s20, v1;
	v1 =	vld [tilespmem:s18+$0x440];
	(pc) =	sbr.rel @p0 .LBB2_25-.Ltmp12, $4  }
0x345: {  	s13 =	sadd.s32 $0x480, s13;
	s18 =	sadd.s32 s19, s7;
	s19 =	sadd.s32 $0x4, s8;
	vm1 =	vgt.f32 v4, v0  }
0x346: {  	s12 =	sadd.s32 $0x80, s12;
	s14 =	sadd.s32 $0x900, s14;
	s17 =	sand.u32 $0x3FFFF800, s17;
	v4 =	vsel vm1, v4, v0;
	v2 =	vsel vm1, s19, v2;
	v0 =	vld [tilespmem:s18+$0x0]  }
0x347: {  	s17 =	sadd.s32 s17, s16;
	s20 =	sadd.s32 $0x5, s8;
	s18 =	sadd.s32 $0x6, s8;
	vm1 =	vgt.f32 v3, v4  }
0x348: {  	s16 =	sand.u32 $0x3FFFF800, s14;
	s15 =	sadd.s32 $0x9, s15;
	s19 =	sadd.s32 $0xFFFFF900, s11;
	v4 =	vsel vm1, v3, v4;
	v3 =	vsel vm1, s20, v2;
	v2 =	vld [tilespmem:s17+$0x0]  }
0x349: {  	s14 =	sadd.s32 s16, s12;
	s15 =	sadd.s32 $0xFFFFFD80, s13;
	vm1 =	vgt.f32 v1, v4  }
0x34a: {  	s31 =	sand.u32 $0x7800, s19;
	v5 =	vld [tilespmem:s14+$0x0];
	s15 =	sand.u32 $0x380, s15;
	v1 =	vsel vm1, v1, v4  }
0x34b: {  	s16 =	sadd.s32 $0xFFFFFA00, s11;
	s17 =	sadd.s32 $0xFFFFFE00, s13;
	s14 =	sor.u32 s15, s31;
	vm2 =	vgt.f32 v0, v1  }
0x34c: {  	s19 =	sand.u32 $0x7800, s16;
	s20 =	sand.u32 $0x380, s17;
	v4 =	vld [tilespmem:s14+$0x440];
	v0 =	vsel vm2, v0, v1  }
0x34d: {  	s21 =	sadd.s32 $0xFFFFFB00, s11;
	s22 =	sadd.s32 $0xFFFFFE80, s13;
	s14 =	sor.u32 s20, s19;
	vm3 =	vgt.f32 v2, v0  }
0x34e: {  	s23 =	sand.u32 $0x7800, s21;
	s24 =	sand.u32 $0x380, s22;
	v1 =	vld [tilespmem:s14+$0x440];
	v0 =	vsel vm3, v2, v0  }
0x34f: {  	s25 =	sadd.s32 $0xFFFFFC00, s11;
	s26 =	sadd.s32 $0xFFFFFF00, s13;
	s14 =	sor.u32 s24, s23;
	vm4 =	vgt.f32 v5, v0  }
0x350: {  	s28 =	sand.u32 $0x7800, s25;
	s29 =	sand.u32 $0x380, s26;
	v2 =	vld [tilespmem:s14+$0x440];
	v0 =	vsel vm4, v5, v0  }
0x351: {  	s30 =	sadd.s32 $0xFFFFFD00, s11;
	s31 =	sadd.s32 $0xFFFFFF80, s13;
	s14 =	sor.u32 s29, s28;
	vm5 =	vgt.f32 v4, v0  }
0x352: {  	s17 =	sand.u32 $0x7800, s30;
	s19 =	sand.u32 $0x380, s31;
	v0 =	vsel vm5, v4, v0;
	v4 =	vld [tilespmem:s14+$0x440]  }
0x353: {  	s20 =	sadd.s32 $0xFFFFFE00, s11;
	s14 =	sor.u32 s19, s17;
	vm6 =	vgt.f32 v1, v0  }
0x354: {  	v3 =	vsel vm1, s18, v3;
	s21 =	sadd.s32 $0x7, s8;
	s22 =	sand.u32 $0x7800, s20;
	s23 =	sand.u32 $0x380, s13;
	v0 =	vsel vm6, v1, v0;
	v1 =	vld [tilespmem:s14+$0x440]  }
0x355: {  	s10 =	sadd.s32 $0x900, s10;
	v3 =	vsel vm2, s21, v3;
	s24 =	sadd.s32 $0x8, s8;
	s13 =	sor.u32 s23, s22;
	vm1 =	vgt.f32 v2, v0  }
0x356: {  	s7 =	sadd.s32 $0x80, s7;
	s25 =	sand.u32 $0x3FFFF800, s10;
	v3 =	vsel vm3, s24, v3;
	v0 =	vsel vm1, v2, v0;
	v2 =	vld [tilespmem:s13+$0x440]  }
0x357: {  	s26 =	sadd.s32 $0x1, s9;
	s7 =	sadd.s32 s25, s7;
	v3 =	vsel vm4, s9, v3;
	vm2 =	vgt.f32 v4, v0  }
0x358: {  	s28 =	sadd.s32 $0x2, s9;
	s29 =	sand.u32 $0x3FFFF800, s11;
	v3 =	vsel vm5, s26, v3;
	v0 =	vsel vm2, v4, v0;
	v4 =	vld [tilespmem:s7+$0x0]  }
0x359: {  	s30 =	sadd.s32 $0x3, s9;
	s31 =	sadd.s32 s29, s12;
	v3 =	vsel vm6, s28, v3;
	vm3 =	vgt.f32 v1, v0  }
0x35a: {  	s10 =	sadd.s32 $0x4, s9;
	v3 =	vsel vm1, s30, v3;
	v0 =	vsel vm3, v1, v0;
	v1 =	vld [tilespmem:s31+$0x0]  }
0x35b: {  	s11 =	sadd.s32 $0x5, s9;
	v3 =	vsel vm2, s10, v3;
	vm1 =	vgt.f32 v2, v0  }
0x35c: {  	s12 =	sadd.s32 $0x6, s9;
	v3 =	vsel vm3, s11, v3;
	v0 =	vsel vm1, v2, v0  }
0x35d: {  	s13 =	sor.u32 $0xC0, s6;
	v2 =	vsel vm1, s12, v3;
	v3 =	vlaneseq.u32;
	vm1 =	vgt.f32 v4, v0  }
0x35e: {  	s14 =	sadd.s32 $0x7, s9;
	v3 =	vmul.u32 $0x40, v3;
	v0 =	vsel vm1, v4, v0;
	v4 =	vmov s13  }
0x35f: {  	s15 =	sadd.s32 $0x8, s9;
	v2 =	vsel vm1, s14, v2;
	vm1 =	vgt.f32 v1, v0;
	v0 =	vshll.u32 v4, $0x6  }
0x360: {  	v1 =	vsel vm1, s15, v2;
	v0 =	vor.u32 v3, v0  }
0x361: {  	v0 =	vadd.s32 v0, v1;
	_ =	sdelay $0x3  }
0x362: {  	s16 =	simm.s32 $0x0;
	s17 =	simm.s32 $0xA000;
	s19 =	simm.s32 $0x100  }
0x363: {  	[tilespmem:s17], [sflag:$0x1] =	stream.indirect_vreg.gather [hbm4b:s4+s16], $0x80, v0, vm0, $0xb8;
	[tilespmem:$0x14000] =	vst v63  }
0x364: {  	s18 =	simm.s32 $0x12000;
	s7 =	sand.u32 $0x3FFFF800, s19  }
0x365: {  	[tilespmem:s18], [sflag:$0x2] =	stream.indirect_vreg.gather [hbm4b:s3+s16], $0x80, v0, vm0, $0xb8;
	[tilespmem:$0x14000] =	vst v63  }
0x366: {  	s21 =	simm.s32 $0x100;
	s20 =	simm.s32 $0x200;
	s7 =	sadd.s32 $0x4D0, s7;
	v0 =	vld [tilespmem:$0x450]  }
0x367: {  	s22 =	sand.u32 $0x7800, s20;
	s23 =	sand.u32 $0x380, s21;
	v1 =	vld [tilespmem:s7+$0x0]  }
0x368: {  	s25 =	simm.s32 $0x180;
	s24 =	simm.s32 $0x300;
	s7 =	sor.u32 s23, s22  }
0x369: {  	s8 =	simm.s32 $0x1;
	s26 =	sand.u32 $0x7800, s24;
	s28 =	sand.u32 $0x380, s25;
	v2 =	vld [tilespmem:s7+$0x450]  }
0x36a: {  	s29 =	simm.s32 $0x400;
	s30 =	simm.s32 $0x200;
	s7 =	sor.u32 s28, s26  }
0x36b: {  	s20 =	simm.s32 $0x300;
	s13 =	sand.u32 $0x7800, s29;
	s14 =	sand.u32 $0x380, s30;
	v3 =	vld [tilespmem:s7+$0x450]  }
0x36c: {  	s9 =	sor.u32 s14, s13;
	s15 =	simm.s32 $0x500;
	s16 =	simm.s32 $0x280;
	vm1 =	vgt.f32 v1, v0  }
0x36d: {  	s21 =	simm.s32 $0x380;
	s17 =	sand.u32 $0x7800, s15;
	s18 =	sand.u32 $0x380, s16;
	v0 =	vsel vm1, v1, v0;
	v1 =	vld [tilespmem:s9+$0x450]  }
0x36e: {  	s24 =	simm.s32 $0x700;
	s19 =	simm.s32 $0x600;
	s9 =	sor.u32 s18, s17;
	vm2 =	vgt.f32 v2, v0  }
0x36f: {  	s25 =	sand.u32 $0x7800, s24;
	s11 =	sand.u32 $0x7800, s19;
	s13 =	sand.u32 $0x380, s20;
	v0 =	vsel vm2, v2, v0;
	v2 =	vld [tilespmem:s9+$0x450]  }
0x370: {  	s10 =	simm.s32 $0x800;
	s31 =	simm.s32 $0x900;
	v4 =	vimm.s32 $0x0;
	s11 =	sor.u32 s13, s11;
	vm3 =	vgt.f32 v3, v0  }
0x371: {  	s19 =	simm.s32 $0xB00;
	s12 =	simm.s32 $0x550;
	s22 =	simm.s32 $0x2;
	v4 =	vsel vm1, s8, v4;
	v0 =	vsel vm3, v3, v0;
	v3 =	vld [tilespmem:s11+$0x450]  }
0x372: {  	s30 =	sand.u32 $0x3FFFF800, s31;
	s14 =	sand.u32 $0x380, s21;
	s23 =	simm.s32 $0x3;
	v4 =	vsel vm2, s22, v4;
	vm1 =	vgt.f32 v1, v0  }
0x373: {  	s31 =	sadd.s32 $0x4D0, s30;
	s14 =	sor.u32 s14, s25;
	s26 =	simm.s32 $0x4;
	v0 =	vsel vm1, v1, v0;
	v1 =	vsel vm3, s23, v4  }
0x374: {  	s20 =	simm.s32 $0x6;
	s13 =	simm.s32 $0x800;
	s28 =	sand.u32 $0x3FFFF800, s10;
	vm2 =	vgt.f32 v2, v0;
	v4 =	vsel vm1, s26, v1;
	v1 =	vld [tilespmem:s14+$0x450]  }
0x375: {  	s15 =	simm.s32 $0x13;
	s29 =	sadd.s32 $0x450, s28;
	s17 =	simm.s32 $0x5;
	v2 =	vsel vm2, v2, v0  }
0x376: {  	s7 =	simm.s32 $0x450;
	s18 =	simm.s32 $0x7;
	s14 =	simm.s32 $0xA00;
	v5 =	vsel vm2, s17, v4;
	v0 =	vld [tilespmem:s29+$0x0];
	vm1 =	vgt.f32 v3, v2  }
0x377: {  	s9 =	simm.s32 $0xA;
	s11 =	simm.s32 $0x1200;
	s16 =	sand.u32 $0x3FFFF800, s14;
	v4 =	vsel vm1, v3, v2;
	v3 =	vsel vm1, s20, v5;
	v2 =	vld [tilespmem:s31+$0x0]  }
.LBB2_27:
0x378: {  	p0 =	slt.u32 s15, $0x37;
	s20 =	sadd.s32 s16, s12  }
0x379: {  	s21 =	sadd.s32 $0xFFFFFD80, s13;
	vm1 =	vgt.f32 v1, v4;
	s17 =	smov.u32 s11;
	s16 =	smov.u32 s12  }
0x37a: {  	s19 =	sand.u32 $0x7800, s19;
	v5 =	vld [tilespmem:s20+$0x0];
	s20 =	sand.u32 $0x380, s21;
	v1 =	vsel vm1, v1, v4;
	v3 =	vsel vm1, s18, v3;
	s18 =	sadd.s32 $0x7, s8  }
0x37b: {  	s21 =	sadd.s32 $0xFFFFFE00, s13;
	s19 =	sor.u32 s20, s19;
	s20 =	sadd.s32 $0xFFFFFA00, s11;
	vm1 =	vgt.f32 v0, v1  }
0x37c: {  	s8 =	sadd.s32 $0x8, s8;
	v4 =	vld [tilespmem:s19+$0x450];
	s19 =	sand.u32 $0x7800, s20;
	s20 =	sand.u32 $0x380, s21;
	v0 =	vsel vm1, v0, v1;
	v1 =	vsel vm1, s18, v3  }
0x37d: {  	s18 =	sor.u32 s20, s19;
	s19 =	sadd.s32 $0xFFFFFB00, s11;
	s20 =	sadd.s32 $0xFFFFFE80, s13;
	vm1 =	vgt.f32 v2, v0  }
0x37e: {  	v3 =	vld [tilespmem:s18+$0x450];
	s18 =	sand.u32 $0x7800, s19;
	s19 =	sand.u32 $0x380, s20;
	v0 =	vsel vm1, v2, v0;
	v1 =	vsel vm1, s8, v1;
	s8 =	smov.u32 s9  }
0x37f: {  	vm1 =	vgt.f32 v5, v0;
	s9 =	sor.u32 s19, s18;
	s18 =	sadd.s32 $0xFFFFFC00, s11;
	s19 =	sadd.s32 $0xFFFFFF00, s13  }
0x380: {  	s20 =	sadd.s32 $0x1, s8;
	v0 =	vsel vm1, v5, v0;
	v1 =	vsel vm1, s8, v1;
	v2 =	vld [tilespmem:s9+$0x450];
	s9 =	sand.u32 $0x7800, s18;
	s18 =	sand.u32 $0x380, s19  }
0x381: {  	s19 =	sadd.s32 $0xFFFFFF80, s13;
	vm1 =	vgt.f32 v4, v0;
	s9 =	sor.u32 s18, s9;
	s18 =	sadd.s32 $0xFFFFFD00, s11  }
0x382: {  	s19 =	sand.u32 $0x380, s19;
	v0 =	vsel vm1, v4, v0;
	v1 =	vsel vm1, s20, v1;
	v4 =	vld [tilespmem:s9+$0x450];
	s18 =	sand.u32 $0x7800, s18;
	s9 =	smov.u32 s15  }
0x383: {  	s20 =	sadd.s32 $0x2, s8;
	vm1 =	vgt.f32 v3, v0;
	s18 =	sor.u32 s19, s18;
	s19 =	sadd.s32 $0xFFFFFE00, s11  }
0x384: {  	s10 =	sadd.s32 $0x900, s10;
	v0 =	vsel vm1, v3, v0;
	v1 =	vsel vm1, s20, v1;
	v3 =	vld [tilespmem:s18+$0x450];
	s18 =	sand.u32 $0x7800, s19;
	s19 =	sand.u32 $0x380, s13  }
0x385: {  	s7 =	sadd.s32 $0x80, s7;
	s20 =	sadd.s32 $0x3, s8;
	vm1 =	vgt.f32 v2, v0;
	s18 =	sor.u32 s19, s18  }
.Ltmp13:
0x386: {  	s11 =	sadd.s32 $0x900, s11;
	s19 =	sand.u32 $0x3FFFF800, s10;
	v0 =	vsel vm1, v2, v0;
	v2 =	vsel vm1, s20, v1;
	v1 =	vld [tilespmem:s18+$0x450];
	(pc) =	sbr.rel @p0 .LBB2_27-.Ltmp13, $4  }
0x387: {  	s13 =	sadd.s32 $0x480, s13;
	s18 =	sadd.s32 s19, s7;
	s19 =	sadd.s32 $0x4, s8;
	vm1 =	vgt.f32 v4, v0  }
0x388: {  	s12 =	sadd.s32 $0x80, s12;
	s14 =	sadd.s32 $0x900, s14;
	s17 =	sand.u32 $0x3FFFF800, s17;
	v4 =	vsel vm1, v4, v0;
	v2 =	vsel vm1, s19, v2;
	v0 =	vld [tilespmem:s18+$0x0]  }
0x389: {  	s17 =	sadd.s32 s17, s16;
	s20 =	sadd.s32 $0x5, s8;
	s18 =	sadd.s32 $0x6, s8;
	vm1 =	vgt.f32 v3, v4  }
0x38a: {  	s16 =	sand.u32 $0x3FFFF800, s14;
	s15 =	sadd.s32 $0x9, s15;
	s19 =	sadd.s32 $0xFFFFF900, s11;
	v4 =	vsel vm1, v3, v4;
	v3 =	vsel vm1, s20, v2;
	v2 =	vld [tilespmem:s17+$0x0]  }
0x38b: {  	s14 =	sadd.s32 s16, s12;
	s15 =	sadd.s32 $0xFFFFFD80, s13;
	vm1 =	vgt.f32 v1, v4  }
0x38c: {  	s31 =	sand.u32 $0x7800, s19;
	v5 =	vld [tilespmem:s14+$0x0];
	s15 =	sand.u32 $0x380, s15;
	v1 =	vsel vm1, v1, v4  }
0x38d: {  	s16 =	sadd.s32 $0xFFFFFA00, s11;
	s17 =	sadd.s32 $0xFFFFFE00, s13;
	s14 =	sor.u32 s15, s31;
	vm2 =	vgt.f32 v0, v1  }
0x38e: {  	s19 =	sand.u32 $0x7800, s16;
	s20 =	sand.u32 $0x380, s17;
	v4 =	vld [tilespmem:s14+$0x450];
	v0 =	vsel vm2, v0, v1  }
0x38f: {  	s21 =	sadd.s32 $0xFFFFFB00, s11;
	s22 =	sadd.s32 $0xFFFFFE80, s13;
	s14 =	sor.u32 s20, s19;
	vm3 =	vgt.f32 v2, v0  }
0x390: {  	s23 =	sand.u32 $0x7800, s21;
	s24 =	sand.u32 $0x380, s22;
	v1 =	vld [tilespmem:s14+$0x450];
	v0 =	vsel vm3, v2, v0  }
0x391: {  	s25 =	sadd.s32 $0xFFFFFC00, s11;
	s26 =	sadd.s32 $0xFFFFFF00, s13;
	s14 =	sor.u32 s24, s23;
	vm4 =	vgt.f32 v5, v0  }
0x392: {  	s28 =	sand.u32 $0x7800, s25;
	s29 =	sand.u32 $0x380, s26;
	v2 =	vld [tilespmem:s14+$0x450];
	v0 =	vsel vm4, v5, v0  }
0x393: {  	s30 =	sadd.s32 $0xFFFFFD00, s11;
	s31 =	sadd.s32 $0xFFFFFF80, s13;
	s14 =	sor.u32 s29, s28;
	vm5 =	vgt.f32 v4, v0  }
0x394: {  	s17 =	sand.u32 $0x7800, s30;
	s19 =	sand.u32 $0x380, s31;
	v0 =	vsel vm5, v4, v0;
	v4 =	vld [tilespmem:s14+$0x450]  }
0x395: {  	s20 =	sadd.s32 $0xFFFFFE00, s11;
	s14 =	sor.u32 s19, s17;
	vm6 =	vgt.f32 v1, v0  }
0x396: {  	v3 =	vsel vm1, s18, v3;
	s21 =	sadd.s32 $0x7, s8;
	s22 =	sand.u32 $0x7800, s20;
	s23 =	sand.u32 $0x380, s13;
	v0 =	vsel vm6, v1, v0;
	v1 =	vld [tilespmem:s14+$0x450]  }
0x397: {  	s10 =	sadd.s32 $0x900, s10;
	v3 =	vsel vm2, s21, v3;
	s24 =	sadd.s32 $0x8, s8;
	s13 =	sor.u32 s23, s22;
	vm1 =	vgt.f32 v2, v0  }
0x398: {  	s7 =	sadd.s32 $0x80, s7;
	s25 =	sand.u32 $0x3FFFF800, s10;
	v3 =	vsel vm3, s24, v3;
	v0 =	vsel vm1, v2, v0;
	v2 =	vld [tilespmem:s13+$0x450]  }
0x399: {  	s26 =	sadd.s32 $0x1, s9;
	s7 =	sadd.s32 s25, s7;
	v3 =	vsel vm4, s9, v3;
	vm2 =	vgt.f32 v4, v0  }
0x39a: {  	s28 =	sadd.s32 $0x2, s9;
	s29 =	sand.u32 $0x3FFFF800, s11;
	v3 =	vsel vm5, s26, v3;
	v0 =	vsel vm2, v4, v0;
	v4 =	vld [tilespmem:s7+$0x0]  }
0x39b: {  	s30 =	sadd.s32 $0x3, s9;
	s31 =	sadd.s32 s29, s12;
	v3 =	vsel vm6, s28, v3;
	vm3 =	vgt.f32 v1, v0  }
0x39c: {  	s10 =	sadd.s32 $0x4, s9;
	v3 =	vsel vm1, s30, v3;
	v0 =	vsel vm3, v1, v0;
	v1 =	vld [tilespmem:s31+$0x0]  }
0x39d: {  	s11 =	sadd.s32 $0x5, s9;
	v3 =	vsel vm2, s10, v3;
	vm1 =	vgt.f32 v2, v0  }
0x39e: {  	s12 =	sadd.s32 $0x6, s9;
	v3 =	vsel vm3, s11, v3;
	v0 =	vsel vm1, v2, v0  }
0x39f: {  	s13 =	sor.u32 $0xD0, s6;
	v2 =	vsel vm1, s12, v3;
	v3 =	vlaneseq.u32;
	vm1 =	vgt.f32 v4, v0  }
0x3a0: {  	s14 =	sadd.s32 $0x7, s9;
	v3 =	vmul.u32 $0x40, v3;
	v0 =	vsel vm1, v4, v0;
	v4 =	vmov s13  }
0x3a1: {  	s15 =	sadd.s32 $0x8, s9;
	v2 =	vsel vm1, s14, v2;
	vm1 =	vgt.f32 v1, v0;
	v0 =	vshll.u32 v4, $0x6  }
0x3a2: {  	v1 =	vsel vm1, s15, v2;
	v0 =	vor.u32 v3, v0  }
0x3a3: {  	v0 =	vadd.s32 v0, v1;
	_ =	sdelay $0x3  }
0x3a4: {  	s16 =	simm.s32 $0x0;
	s17 =	simm.s32 $0xA800;
	s19 =	simm.s32 $0x100  }
0x3a5: {  	[tilespmem:s17], [sflag:$0x1] =	stream.indirect_vreg.gather [hbm4b:s4+s16], $0x80, v0, vm0, $0xb8;
	[tilespmem:$0x14000] =	vst v63  }
0x3a6: {  	s18 =	simm.s32 $0x12800;
	s7 =	sand.u32 $0x3FFFF800, s19  }
0x3a7: {  	[tilespmem:s18], [sflag:$0x2] =	stream.indirect_vreg.gather [hbm4b:s3+s16], $0x80, v0, vm0, $0xb8;
	[tilespmem:$0x14000] =	vst v63  }
0x3a8: {  	s21 =	simm.s32 $0x100;
	s20 =	simm.s32 $0x200;
	s7 =	sadd.s32 $0x4E0, s7;
	v0 =	vld [tilespmem:$0x460]  }
0x3a9: {  	s22 =	sand.u32 $0x7800, s20;
	s23 =	sand.u32 $0x380, s21;
	v1 =	vld [tilespmem:s7+$0x0]  }
0x3aa: {  	s25 =	simm.s32 $0x180;
	s24 =	simm.s32 $0x300;
	s7 =	sor.u32 s23, s22  }
0x3ab: {  	s8 =	simm.s32 $0x1;
	s26 =	sand.u32 $0x7800, s24;
	s28 =	sand.u32 $0x380, s25;
	v2 =	vld [tilespmem:s7+$0x460]  }
0x3ac: {  	s29 =	simm.s32 $0x400;
	s30 =	simm.s32 $0x200;
	s7 =	sor.u32 s28, s26  }
0x3ad: {  	s20 =	simm.s32 $0x300;
	s13 =	sand.u32 $0x7800, s29;
	s14 =	sand.u32 $0x380, s30;
	v3 =	vld [tilespmem:s7+$0x460]  }
0x3ae: {  	s9 =	sor.u32 s14, s13;
	s15 =	simm.s32 $0x500;
	s16 =	simm.s32 $0x280;
	vm1 =	vgt.f32 v1, v0  }
0x3af: {  	s21 =	simm.s32 $0x380;
	s17 =	sand.u32 $0x7800, s15;
	s18 =	sand.u32 $0x380, s16;
	v0 =	vsel vm1, v1, v0;
	v1 =	vld [tilespmem:s9+$0x460]  }
0x3b0: {  	s24 =	simm.s32 $0x700;
	s19 =	simm.s32 $0x600;
	s9 =	sor.u32 s18, s17;
	vm2 =	vgt.f32 v2, v0  }
0x3b1: {  	s25 =	sand.u32 $0x7800, s24;
	s11 =	sand.u32 $0x7800, s19;
	s13 =	sand.u32 $0x380, s20;
	v0 =	vsel vm2, v2, v0;
	v2 =	vld [tilespmem:s9+$0x460]  }
0x3b2: {  	s10 =	simm.s32 $0x800;
	s31 =	simm.s32 $0x900;
	v4 =	vimm.s32 $0x0;
	s11 =	sor.u32 s13, s11;
	vm3 =	vgt.f32 v3, v0  }
0x3b3: {  	s19 =	simm.s32 $0xB00;
	s12 =	simm.s32 $0x560;
	s22 =	simm.s32 $0x2;
	v4 =	vsel vm1, s8, v4;
	v0 =	vsel vm3, v3, v0;
	v3 =	vld [tilespmem:s11+$0x460]  }
0x3b4: {  	s30 =	sand.u32 $0x3FFFF800, s31;
	s14 =	sand.u32 $0x380, s21;
	s23 =	simm.s32 $0x3;
	v4 =	vsel vm2, s22, v4;
	vm1 =	vgt.f32 v1, v0  }
0x3b5: {  	s31 =	sadd.s32 $0x4E0, s30;
	s14 =	sor.u32 s14, s25;
	s26 =	simm.s32 $0x4;
	v0 =	vsel vm1, v1, v0;
	v1 =	vsel vm3, s23, v4  }
0x3b6: {  	s20 =	simm.s32 $0x6;
	s13 =	simm.s32 $0x800;
	s28 =	sand.u32 $0x3FFFF800, s10;
	vm2 =	vgt.f32 v2, v0;
	v4 =	vsel vm1, s26, v1;
	v1 =	vld [tilespmem:s14+$0x460]  }
0x3b7: {  	s15 =	simm.s32 $0x13;
	s29 =	sadd.s32 $0x460, s28;
	s17 =	simm.s32 $0x5;
	v2 =	vsel vm2, v2, v0  }
0x3b8: {  	s7 =	simm.s32 $0x460;
	s18 =	simm.s32 $0x7;
	s14 =	simm.s32 $0xA00;
	v5 =	vsel vm2, s17, v4;
	v0 =	vld [tilespmem:s29+$0x0];
	vm1 =	vgt.f32 v3, v2  }
0x3b9: {  	s9 =	simm.s32 $0xA;
	s11 =	simm.s32 $0x1200;
	s16 =	sand.u32 $0x3FFFF800, s14;
	v4 =	vsel vm1, v3, v2;
	v3 =	vsel vm1, s20, v5;
	v2 =	vld [tilespmem:s31+$0x0]  }
.LBB2_29:
0x3ba: {  	p0 =	slt.u32 s15, $0x37;
	s20 =	sadd.s32 s16, s12  }
0x3bb: {  	s21 =	sadd.s32 $0xFFFFFD80, s13;
	vm1 =	vgt.f32 v1, v4;
	s17 =	smov.u32 s11;
	s16 =	smov.u32 s12  }
0x3bc: {  	s19 =	sand.u32 $0x7800, s19;
	v5 =	vld [tilespmem:s20+$0x0];
	s20 =	sand.u32 $0x380, s21;
	v1 =	vsel vm1, v1, v4;
	v3 =	vsel vm1, s18, v3;
	s18 =	sadd.s32 $0x7, s8  }
0x3bd: {  	s21 =	sadd.s32 $0xFFFFFE00, s13;
	s19 =	sor.u32 s20, s19;
	s20 =	sadd.s32 $0xFFFFFA00, s11;
	vm1 =	vgt.f32 v0, v1  }
0x3be: {  	s8 =	sadd.s32 $0x8, s8;
	v4 =	vld [tilespmem:s19+$0x460];
	s19 =	sand.u32 $0x7800, s20;
	s20 =	sand.u32 $0x380, s21;
	v0 =	vsel vm1, v0, v1;
	v1 =	vsel vm1, s18, v3  }
0x3bf: {  	s18 =	sor.u32 s20, s19;
	s19 =	sadd.s32 $0xFFFFFB00, s11;
	s20 =	sadd.s32 $0xFFFFFE80, s13;
	vm1 =	vgt.f32 v2, v0  }
0x3c0: {  	v3 =	vld [tilespmem:s18+$0x460];
	s18 =	sand.u32 $0x7800, s19;
	s19 =	sand.u32 $0x380, s20;
	v0 =	vsel vm1, v2, v0;
	v1 =	vsel vm1, s8, v1;
	s8 =	smov.u32 s9  }
0x3c1: {  	vm1 =	vgt.f32 v5, v0;
	s9 =	sor.u32 s19, s18;
	s18 =	sadd.s32 $0xFFFFFC00, s11;
	s19 =	sadd.s32 $0xFFFFFF00, s13  }
0x3c2: {  	s20 =	sadd.s32 $0x1, s8;
	v0 =	vsel vm1, v5, v0;
	v1 =	vsel vm1, s8, v1;
	v2 =	vld [tilespmem:s9+$0x460];
	s9 =	sand.u32 $0x7800, s18;
	s18 =	sand.u32 $0x380, s19  }
0x3c3: {  	s19 =	sadd.s32 $0xFFFFFF80, s13;
	vm1 =	vgt.f32 v4, v0;
	s9 =	sor.u32 s18, s9;
	s18 =	sadd.s32 $0xFFFFFD00, s11  }
0x3c4: {  	s19 =	sand.u32 $0x380, s19;
	v0 =	vsel vm1, v4, v0;
	v1 =	vsel vm1, s20, v1;
	v4 =	vld [tilespmem:s9+$0x460];
	s18 =	sand.u32 $0x7800, s18;
	s9 =	smov.u32 s15  }
0x3c5: {  	s20 =	sadd.s32 $0x2, s8;
	vm1 =	vgt.f32 v3, v0;
	s18 =	sor.u32 s19, s18;
	s19 =	sadd.s32 $0xFFFFFE00, s11  }
0x3c6: {  	s10 =	sadd.s32 $0x900, s10;
	v0 =	vsel vm1, v3, v0;
	v1 =	vsel vm1, s20, v1;
	v3 =	vld [tilespmem:s18+$0x460];
	s18 =	sand.u32 $0x7800, s19;
	s19 =	sand.u32 $0x380, s13  }
0x3c7: {  	s7 =	sadd.s32 $0x80, s7;
	s20 =	sadd.s32 $0x3, s8;
	vm1 =	vgt.f32 v2, v0;
	s18 =	sor.u32 s19, s18  }
.Ltmp14:
0x3c8: {  	s11 =	sadd.s32 $0x900, s11;
	s19 =	sand.u32 $0x3FFFF800, s10;
	v0 =	vsel vm1, v2, v0;
	v2 =	vsel vm1, s20, v1;
	v1 =	vld [tilespmem:s18+$0x460];
	(pc) =	sbr.rel @p0 .LBB2_29-.Ltmp14, $4  }
0x3c9: {  	s13 =	sadd.s32 $0x480, s13;
	s18 =	sadd.s32 s19, s7;
	s19 =	sadd.s32 $0x4, s8;
	vm1 =	vgt.f32 v4, v0  }
0x3ca: {  	s12 =	sadd.s32 $0x80, s12;
	s14 =	sadd.s32 $0x900, s14;
	s17 =	sand.u32 $0x3FFFF800, s17;
	v4 =	vsel vm1, v4, v0;
	v2 =	vsel vm1, s19, v2;
	v0 =	vld [tilespmem:s18+$0x0]  }
0x3cb: {  	s17 =	sadd.s32 s17, s16;
	s20 =	sadd.s32 $0x5, s8;
	s18 =	sadd.s32 $0x6, s8;
	vm1 =	vgt.f32 v3, v4  }
0x3cc: {  	s16 =	sand.u32 $0x3FFFF800, s14;
	s15 =	sadd.s32 $0x9, s15;
	s19 =	sadd.s32 $0xFFFFF900, s11;
	v4 =	vsel vm1, v3, v4;
	v3 =	vsel vm1, s20, v2;
	v2 =	vld [tilespmem:s17+$0x0]  }
0x3cd: {  	s14 =	sadd.s32 s16, s12;
	s15 =	sadd.s32 $0xFFFFFD80, s13;
	vm1 =	vgt.f32 v1, v4  }
0x3ce: {  	s31 =	sand.u32 $0x7800, s19;
	v5 =	vld [tilespmem:s14+$0x0];
	s15 =	sand.u32 $0x380, s15;
	v1 =	vsel vm1, v1, v4  }
0x3cf: {  	s16 =	sadd.s32 $0xFFFFFA00, s11;
	s17 =	sadd.s32 $0xFFFFFE00, s13;
	s14 =	sor.u32 s15, s31;
	vm2 =	vgt.f32 v0, v1  }
0x3d0: {  	s19 =	sand.u32 $0x7800, s16;
	s20 =	sand.u32 $0x380, s17;
	v4 =	vld [tilespmem:s14+$0x460];
	v0 =	vsel vm2, v0, v1  }
0x3d1: {  	s21 =	sadd.s32 $0xFFFFFB00, s11;
	s22 =	sadd.s32 $0xFFFFFE80, s13;
	s14 =	sor.u32 s20, s19;
	vm3 =	vgt.f32 v2, v0  }
0x3d2: {  	s23 =	sand.u32 $0x7800, s21;
	s24 =	sand.u32 $0x380, s22;
	v1 =	vld [tilespmem:s14+$0x460];
	v0 =	vsel vm3, v2, v0  }
0x3d3: {  	s25 =	sadd.s32 $0xFFFFFC00, s11;
	s26 =	sadd.s32 $0xFFFFFF00, s13;
	s14 =	sor.u32 s24, s23;
	vm4 =	vgt.f32 v5, v0  }
0x3d4: {  	s28 =	sand.u32 $0x7800, s25;
	s29 =	sand.u32 $0x380, s26;
	v2 =	vld [tilespmem:s14+$0x460];
	v0 =	vsel vm4, v5, v0  }
0x3d5: {  	s30 =	sadd.s32 $0xFFFFFD00, s11;
	s31 =	sadd.s32 $0xFFFFFF80, s13;
	s14 =	sor.u32 s29, s28;
	vm5 =	vgt.f32 v4, v0  }
0x3d6: {  	s17 =	sand.u32 $0x7800, s30;
	s19 =	sand.u32 $0x380, s31;
	v0 =	vsel vm5, v4, v0;
	v4 =	vld [tilespmem:s14+$0x460]  }
0x3d7: {  	s20 =	sadd.s32 $0xFFFFFE00, s11;
	s14 =	sor.u32 s19, s17;
	vm6 =	vgt.f32 v1, v0  }
0x3d8: {  	v3 =	vsel vm1, s18, v3;
	s21 =	sadd.s32 $0x7, s8;
	s22 =	sand.u32 $0x7800, s20;
	s23 =	sand.u32 $0x380, s13;
	v0 =	vsel vm6, v1, v0;
	v1 =	vld [tilespmem:s14+$0x460]  }
0x3d9: {  	s10 =	sadd.s32 $0x900, s10;
	v3 =	vsel vm2, s21, v3;
	s24 =	sadd.s32 $0x8, s8;
	s13 =	sor.u32 s23, s22;
	vm1 =	vgt.f32 v2, v0  }
0x3da: {  	s7 =	sadd.s32 $0x80, s7;
	s25 =	sand.u32 $0x3FFFF800, s10;
	v3 =	vsel vm3, s24, v3;
	v0 =	vsel vm1, v2, v0;
	v2 =	vld [tilespmem:s13+$0x460]  }
0x3db: {  	s26 =	sadd.s32 $0x1, s9;
	s7 =	sadd.s32 s25, s7;
	v3 =	vsel vm4, s9, v3;
	vm2 =	vgt.f32 v4, v0  }
0x3dc: {  	s28 =	sadd.s32 $0x2, s9;
	s29 =	sand.u32 $0x3FFFF800, s11;
	v3 =	vsel vm5, s26, v3;
	v0 =	vsel vm2, v4, v0;
	v4 =	vld [tilespmem:s7+$0x0]  }
0x3dd: {  	s30 =	sadd.s32 $0x3, s9;
	s31 =	sadd.s32 s29, s12;
	v3 =	vsel vm6, s28, v3;
	vm3 =	vgt.f32 v1, v0  }
0x3de: {  	s10 =	sadd.s32 $0x4, s9;
	v3 =	vsel vm1, s30, v3;
	v0 =	vsel vm3, v1, v0;
	v1 =	vld [tilespmem:s31+$0x0]  }
0x3df: {  	s11 =	sadd.s32 $0x5, s9;
	v3 =	vsel vm2, s10, v3;
	vm1 =	vgt.f32 v2, v0  }
0x3e0: {  	s12 =	sadd.s32 $0x6, s9;
	v3 =	vsel vm3, s11, v3;
	v0 =	vsel vm1, v2, v0  }
0x3e1: {  	s13 =	sor.u32 $0xE0, s6;
	v2 =	vsel vm1, s12, v3;
	v3 =	vlaneseq.u32;
	vm1 =	vgt.f32 v4, v0  }
0x3e2: {  	s14 =	sadd.s32 $0x7, s9;
	v3 =	vmul.u32 $0x40, v3;
	v0 =	vsel vm1, v4, v0;
	v4 =	vmov s13  }
0x3e3: {  	s15 =	sadd.s32 $0x8, s9;
	v2 =	vsel vm1, s14, v2;
	vm1 =	vgt.f32 v1, v0;
	v0 =	vshll.u32 v4, $0x6  }
0x3e4: {  	v1 =	vsel vm1, s15, v2;
	v0 =	vor.u32 v3, v0  }
0x3e5: {  	v0 =	vadd.s32 v0, v1;
	_ =	sdelay $0x3  }
0x3e6: {  	s16 =	simm.s32 $0x0;
	s17 =	simm.s32 $0xB000;
	s19 =	simm.s32 $0x100  }
0x3e7: {  	[tilespmem:s17], [sflag:$0x1] =	stream.indirect_vreg.gather [hbm4b:s4+s16], $0x80, v0, vm0, $0xb8;
	[tilespmem:$0x14000] =	vst v63  }
0x3e8: {  	s18 =	simm.s32 $0x13000;
	s7 =	sand.u32 $0x3FFFF800, s19  }
0x3e9: {  	[tilespmem:s18], [sflag:$0x2] =	stream.indirect_vreg.gather [hbm4b:s3+s16], $0x80, v0, vm0, $0xb8;
	[tilespmem:$0x14000] =	vst v63  }
0x3ea: {  	s21 =	simm.s32 $0x100;
	s20 =	simm.s32 $0x200;
	s7 =	sadd.s32 $0x4F0, s7;
	v0 =	vld [tilespmem:$0x470]  }
0x3eb: {  	s22 =	sand.u32 $0x7800, s20;
	s23 =	sand.u32 $0x380, s21;
	v1 =	vld [tilespmem:s7+$0x0]  }
0x3ec: {  	s25 =	simm.s32 $0x180;
	s24 =	simm.s32 $0x300;
	s7 =	sor.u32 s23, s22  }
0x3ed: {  	s8 =	simm.s32 $0x1;
	s26 =	sand.u32 $0x7800, s24;
	s28 =	sand.u32 $0x380, s25;
	v2 =	vld [tilespmem:s7+$0x470]  }
0x3ee: {  	s29 =	simm.s32 $0x400;
	s30 =	simm.s32 $0x200;
	s7 =	sor.u32 s28, s26  }
0x3ef: {  	s20 =	simm.s32 $0x300;
	s13 =	sand.u32 $0x7800, s29;
	s14 =	sand.u32 $0x380, s30;
	v3 =	vld [tilespmem:s7+$0x470]  }
0x3f0: {  	s9 =	sor.u32 s14, s13;
	s15 =	simm.s32 $0x500;
	s16 =	simm.s32 $0x280;
	vm1 =	vgt.f32 v1, v0  }
0x3f1: {  	s21 =	simm.s32 $0x380;
	s17 =	sand.u32 $0x7800, s15;
	s18 =	sand.u32 $0x380, s16;
	v0 =	vsel vm1, v1, v0;
	v1 =	vld [tilespmem:s9+$0x470]  }
0x3f2: {  	s24 =	simm.s32 $0x700;
	s19 =	simm.s32 $0x600;
	s9 =	sor.u32 s18, s17;
	vm2 =	vgt.f32 v2, v0  }
0x3f3: {  	s25 =	sand.u32 $0x7800, s24;
	s11 =	sand.u32 $0x7800, s19;
	s13 =	sand.u32 $0x380, s20;
	v0 =	vsel vm2, v2, v0;
	v2 =	vld [tilespmem:s9+$0x470]  }
0x3f4: {  	s10 =	simm.s32 $0x800;
	s31 =	simm.s32 $0x900;
	v4 =	vimm.s32 $0x0;
	s11 =	sor.u32 s13, s11;
	vm3 =	vgt.f32 v3, v0  }
0x3f5: {  	s19 =	simm.s32 $0xB00;
	s12 =	simm.s32 $0x570;
	s22 =	simm.s32 $0x2;
	v4 =	vsel vm1, s8, v4;
	v0 =	vsel vm3, v3, v0;
	v3 =	vld [tilespmem:s11+$0x470]  }
0x3f6: {  	s30 =	sand.u32 $0x3FFFF800, s31;
	s14 =	sand.u32 $0x380, s21;
	s23 =	simm.s32 $0x3;
	v4 =	vsel vm2, s22, v4;
	vm1 =	vgt.f32 v1, v0  }
0x3f7: {  	s31 =	sadd.s32 $0x4F0, s30;
	s14 =	sor.u32 s14, s25;
	s26 =	simm.s32 $0x4;
	v0 =	vsel vm1, v1, v0;
	v1 =	vsel vm3, s23, v4  }
0x3f8: {  	s20 =	simm.s32 $0x6;
	s13 =	simm.s32 $0x800;
	s28 =	sand.u32 $0x3FFFF800, s10;
	vm2 =	vgt.f32 v2, v0;
	v4 =	vsel vm1, s26, v1;
	v1 =	vld [tilespmem:s14+$0x470]  }
0x3f9: {  	s15 =	simm.s32 $0x13;
	s29 =	sadd.s32 $0x470, s28;
	s17 =	simm.s32 $0x5;
	v2 =	vsel vm2, v2, v0  }
0x3fa: {  	s7 =	simm.s32 $0x470;
	s18 =	simm.s32 $0x7;
	s14 =	simm.s32 $0xA00;
	v5 =	vsel vm2, s17, v4;
	v0 =	vld [tilespmem:s29+$0x0];
	vm1 =	vgt.f32 v3, v2  }
0x3fb: {  	s9 =	simm.s32 $0xA;
	s11 =	simm.s32 $0x1200;
	s16 =	sand.u32 $0x3FFFF800, s14;
	v4 =	vsel vm1, v3, v2;
	v3 =	vsel vm1, s20, v5;
	v2 =	vld [tilespmem:s31+$0x0]  }
.LBB2_31:
0x3fc: {  	p0 =	slt.u32 s15, $0x37;
	s20 =	sadd.s32 s16, s12  }
0x3fd: {  	s21 =	sadd.s32 $0xFFFFFD80, s13;
	vm1 =	vgt.f32 v1, v4;
	s17 =	smov.u32 s11;
	s16 =	smov.u32 s12  }
0x3fe: {  	s19 =	sand.u32 $0x7800, s19;
	v5 =	vld [tilespmem:s20+$0x0];
	s20 =	sand.u32 $0x380, s21;
	v1 =	vsel vm1, v1, v4;
	v3 =	vsel vm1, s18, v3;
	s18 =	sadd.s32 $0x7, s8  }
0x3ff: {  	s21 =	sadd.s32 $0xFFFFFE00, s13;
	s19 =	sor.u32 s20, s19;
	s20 =	sadd.s32 $0xFFFFFA00, s11;
	vm1 =	vgt.f32 v0, v1  }
0x400: {  	s8 =	sadd.s32 $0x8, s8;
	v4 =	vld [tilespmem:s19+$0x470];
	s19 =	sand.u32 $0x7800, s20;
	s20 =	sand.u32 $0x380, s21;
	v0 =	vsel vm1, v0, v1;
	v1 =	vsel vm1, s18, v3  }
0x401: {  	s18 =	sor.u32 s20, s19;
	s19 =	sadd.s32 $0xFFFFFB00, s11;
	s20 =	sadd.s32 $0xFFFFFE80, s13;
	vm1 =	vgt.f32 v2, v0  }
0x402: {  	v3 =	vld [tilespmem:s18+$0x470];
	s18 =	sand.u32 $0x7800, s19;
	s19 =	sand.u32 $0x380, s20;
	v0 =	vsel vm1, v2, v0;
	v1 =	vsel vm1, s8, v1;
	s8 =	smov.u32 s9  }
0x403: {  	vm1 =	vgt.f32 v5, v0;
	s9 =	sor.u32 s19, s18;
	s18 =	sadd.s32 $0xFFFFFC00, s11;
	s19 =	sadd.s32 $0xFFFFFF00, s13  }
0x404: {  	s20 =	sadd.s32 $0x1, s8;
	v0 =	vsel vm1, v5, v0;
	v1 =	vsel vm1, s8, v1;
	v2 =	vld [tilespmem:s9+$0x470];
	s9 =	sand.u32 $0x7800, s18;
	s18 =	sand.u32 $0x380, s19  }
0x405: {  	s19 =	sadd.s32 $0xFFFFFF80, s13;
	vm1 =	vgt.f32 v4, v0;
	s9 =	sor.u32 s18, s9;
	s18 =	sadd.s32 $0xFFFFFD00, s11  }
0x406: {  	s19 =	sand.u32 $0x380, s19;
	v0 =	vsel vm1, v4, v0;
	v1 =	vsel vm1, s20, v1;
	v4 =	vld [tilespmem:s9+$0x470];
	s18 =	sand.u32 $0x7800, s18;
	s9 =	smov.u32 s15  }
0x407: {  	s20 =	sadd.s32 $0x2, s8;
	vm1 =	vgt.f32 v3, v0;
	s18 =	sor.u32 s19, s18;
	s19 =	sadd.s32 $0xFFFFFE00, s11  }
0x408: {  	s10 =	sadd.s32 $0x900, s10;
	v0 =	vsel vm1, v3, v0;
	v1 =	vsel vm1, s20, v1;
	v3 =	vld [tilespmem:s18+$0x470];
	s18 =	sand.u32 $0x7800, s19;
	s19 =	sand.u32 $0x380, s13  }
0x409: {  	s7 =	sadd.s32 $0x80, s7;
	s20 =	sadd.s32 $0x3, s8;
	vm1 =	vgt.f32 v2, v0;
	s18 =	sor.u32 s19, s18  }
.Ltmp15:
0x40a: {  	s11 =	sadd.s32 $0x900, s11;
	s19 =	sand.u32 $0x3FFFF800, s10;
	v0 =	vsel vm1, v2, v0;
	v2 =	vsel vm1, s20, v1;
	v1 =	vld [tilespmem:s18+$0x470];
	(pc) =	sbr.rel @p0 .LBB2_31-.Ltmp15, $4  }
0x40b: {  	s13 =	sadd.s32 $0x480, s13;
	s18 =	sadd.s32 s19, s7;
	s19 =	sadd.s32 $0x4, s8;
	vm1 =	vgt.f32 v4, v0  }
0x40c: {  	s12 =	sadd.s32 $0x80, s12;
	s14 =	sadd.s32 $0x900, s14;
	s17 =	sand.u32 $0x3FFFF800, s17;
	v4 =	vsel vm1, v4, v0;
	v2 =	vsel vm1, s19, v2;
	v0 =	vld [tilespmem:s18+$0x0]  }
0x40d: {  	s17 =	sadd.s32 s17, s16;
	s20 =	sadd.s32 $0x5, s8;
	s18 =	sadd.s32 $0x6, s8;
	vm1 =	vgt.f32 v3, v4  }
0x40e: {  	s16 =	sand.u32 $0x3FFFF800, s14;
	s15 =	sadd.s32 $0x9, s15;
	s19 =	sadd.s32 $0xFFFFF900, s11;
	v4 =	vsel vm1, v3, v4;
	v3 =	vsel vm1, s20, v2;
	v2 =	vld [tilespmem:s17+$0x0]  }
0x40f: {  	s14 =	sadd.s32 s16, s12;
	s15 =	sadd.s32 $0xFFFFFD80, s13;
	vm1 =	vgt.f32 v1, v4  }
0x410: {  	s20 =	sand.u32 $0x7800, s19;
	v5 =	vld [tilespmem:s14+$0x0];
	s15 =	sand.u32 $0x380, s15;
	v1 =	vsel vm1, v1, v4  }
0x411: {  	s21 =	sadd.s32 $0xFFFFFA00, s11;
	s22 =	sadd.s32 $0xFFFFFE00, s13;
	s14 =	sor.u32 s15, s20;
	vm2 =	vgt.f32 v0, v1  }
0x412: {  	s23 =	sand.u32 $0x7800, s21;
	s24 =	sand.u32 $0x380, s22;
	v52 =	vld [tilespmem:s14+$0x470];
	v0 =	vsel vm2, v0, v1  }
0x413: {  	s25 =	sadd.s32 $0xFFFFFB00, s11;
	s26 =	sadd.s32 $0xFFFFFE80, s13;
	s14 =	sor.u32 s24, s23;
	vm3 =	vgt.f32 v2, v0  }
0x414: {  	s28 =	sand.u32 $0x7800, s25;
	s29 =	sand.u32 $0x380, s26;
	v53 =	vld [tilespmem:s14+$0x470];
	v0 =	vsel vm3, v2, v0  }
0x415: {  	s30 =	sadd.s32 $0xFFFFFC00, s11;
	s31 =	sadd.s32 $0xFFFFFF00, s13;
	s14 =	sor.u32 s29, s28;
	vm4 =	vgt.f32 v5, v0  }
0x416: {  	s17 =	sand.u32 $0x7800, s30;
	s19 =	sand.u32 $0x380, s31;
	v54 =	vld [tilespmem:s14+$0x470];
	v0 =	vsel vm4, v5, v0  }
0x417: {  	s21 =	sadd.s32 $0xFFFFFF80, s13;
	s20 =	sadd.s32 $0xFFFFFD00, s11;
	s14 =	sor.u32 s19, s17;
	vm5 =	vgt.f32 v52, v0  }
0x418: {  	s22 =	sand.u32 $0x7800, s20;
	s23 =	sand.u32 $0x380, s21;
	v55 =	vld [tilespmem:s14+$0x470];
	v0 =	vsel vm5, v52, v0  }
0x419: {  	s24 =	sadd.s32 $0xFFFFFE00, s11;
	s14 =	sor.u32 s23, s22;
	vm6 =	vgt.f32 v53, v0  }
0x41a: {  	s26 =	sand.u32 $0x7800, s24;
	s28 =	sand.u32 $0x380, s13;
	v56 =	vld [tilespmem:s14+$0x470];
	v0 =	vsel vm6, v53, v0  }
0x41b: {  	s10 =	sadd.s32 $0x900, s10;
	v3 =	vsel vm1, s18, v3;
	s25 =	sadd.s32 $0x7, s8;
	s13 =	sor.u32 s28, s26;
	vm10 =	vgt.f32 v54, v0  }
0x41c: {  	s7 =	sadd.s32 $0x80, s7;
	s30 =	sand.u32 $0x3FFFF800, s10;
	v3 =	vsel vm2, s25, v3;
	s29 =	sadd.s32 $0x8, s8;
	v57 =	vld [tilespmem:s13+$0x470];
	v0 =	vsel vm10, v54, v0  }
0x41d: {  	s7 =	sadd.s32 s30, s7;
	v3 =	vsel vm3, s29, v3;
	vm11 =	vgt.f32 v55, v0  }
0x41e: {  	s31 =	sadd.s32 $0x1, s9;
	v58 =	vld [tilespmem:s7+$0x0];
	s13 =	sand.u32 $0x3FFFF800, s11;
	v3 =	vsel vm4, s9, v3;
	v0 =	vsel vm11, v55, v0  }
0x41f: {  	s10 =	sadd.s32 $0x2, s9;
	s15 =	sadd.s32 s13, s12;
	v3 =	vsel vm5, s31, v3;
	vm12 =	vgt.f32 v56, v0  }
0x420: {  	s14 =	sadd.s32 $0x3, s9;
	v59 =	vld [tilespmem:s15+$0x0];
	v3 =	vsel vm6, s10, v3;
	v0 =	vsel vm12, v56, v0  }
0x421: {  	s16 =	sadd.s32 $0x4, s9;
	v3 =	vsel vm10, s14, v3;
	vm13 =	vgt.f32 v57, v0  }
0x422: {  	s6 =	sor.u32 $0xF0, s6;
	v61 =	vlaneseq.u32;
	s17 =	sadd.s32 $0x5, s9;
	v3 =	vsel vm11, s16, v3;
	v0 =	vsel vm13, v57, v0  }
0x423: {  	s18 =	sadd.s32 $0x6, s9;
	v62 =	vmov s6;
	v3 =	vsel vm12, s17, v3;
	vm14 =	vgt.f32 v58, v0  }
0x424: {  	s19 =	sadd.s32 $0x7, s9;
	v60 =	vsel vm13, s18, v3;
	v3 =	vmul.u32 $0x40, v61;
	v0 =	vsel vm14, v58, v0  }
0x425: {  	v63 =	vshll.u32 v62, $0x6;
	s20 =	sadd.s32 $0x8, s9;
	v2 =	vsel vm14, s19, v60;
	vm15 =	vgt.f32 v59, v0  }
0x426: {  	v0 =	vor.u32 v3, v63;
	v1 =	vsel vm15, s20, v2  }
0x427: {  	v0 =	vadd.s32 v0, v1;
	_ =	sdelay $0x3  }
0x428: {  	s21 =	simm.s32 $0x0;
	s22 =	simm.s32 $0xB800  }
0x429: {  	[tilespmem:s22], [sflag:$0x1] =	stream.indirect_vreg.gather [hbm4b:s4+s21], $0x80, v0, vm0, $0xb8;
	[tilespmem:$0x14000] =	vst v63  }
0x42a: {  	s24 =	simm.s32 $0x1;
	s23 =	simm.s32 $0x13800  }
0x42b: {  	[tilespmem:s23], [sflag:$0x2] =	stream.indirect_vreg.gather [hbm4b:s3+s21], $0x80, v0, vm0, $0xb8;
	[tilespmem:$0x14000] =	vst v63  }
0x42c: {  	_ =	swait.ge [sflag:s24], $0x8000  }
0x42d: {  	[sflag:s24] =	ssyncset.done $0x0  }
0x42e: {  	s25 =	simm.s32 $0x2;
	[sflag:s24] =	ssyncadd.s32 $0xFFFF8000  }
0x42f: {  	_ =	swait.ge [sflag:s25], $0x8000  }
0x430: {  	s26 =	sshll.u32 s1, $0xC;
	[sflag:s25] =	ssyncset.done $0x0  }
0x431: {  	s28 =	simm.s32 $0x4000;
	s2 =	sadd.s32 s2, s26;
	[sflag:s25] =	ssyncadd.s32 $0xFFFF8000  }
0x432: {  	[hbm4b:s2+s21] =	stream.linear.scatter [tilespmem:s28], [sflag:$0x3], $0x8000, $0x38;
	[tilespmem:$0x14000] =	vst v63  }
0x433: {  	s30 =	simm.s32 $0xC000;
	s29 =	sadd.s32 s5, s26;
	s31 =	simm.s32 $0x3  }
0x434: {  	[hbm4b:s29+s21] =	stream.linear.scatter [tilespmem:s30], [sflag:$0x3], $0x8000, $0x38;
	[tilespmem:$0x14000] =	vst v63  }
0x435: {  	_ =	swait.ge [sflag:s31], $0x8000  }
0x436: {  	[sflag:s31] =	ssyncset.done $0x0  }
0x437: {  	[sflag:s31] =	ssyncadd.s32 $0xFFFF8000  }
0x438: {  	_ =	swait.ge [sflag:s31], $0x8000  }
0x439: {  	[sflag:s31] =	ssyncset.done $0x0  }
0x43a: {  	[sflag:s31] =	ssyncadd.s32 $0xFFFF8000  }
0x43b: {  	_ =	sfence.sel $0x180000  }
0x43c: {  	[bflag:$0x0] =	sbarrier.arrive $0xFFFF  }
0x43d: {  	p0 =	sne.s32 s1, $0x0;
	_ =	strace $0x90000047  }
0x43e: {  	s0 =	sadd.s32 @!p0 $0x100000, s0;
	[bflag:$0x2] =	sbarrier.arrive $0xFFFF  }
0x43f: {  	[sflag:s0] =	ssyncadd.tile.s32 @!p0 $0x1;
	_ =	shalt  }
.Lfunc_end2:
_tile_overlayer_lowered:
.L_overlay_start_2:
0x440: {  	(tag) =	ssettag $0x2  }
0x441: {  	s0 =	rddreg [dreg:$0x0];
	s2 =	stileid.u32  }
0x442: {  	s1 =	rddreg [dreg:$0x1];
	p0 =	sne.s32 s2, $0x0  }
0x443: {  	s3 =	rddreg [dreg:$0x2];
	[bflag:$0x3] =	sbarrier.arrive $0xFFFF;
	s2 =	simm.s32 @!p0 $0x1C04  }
0x444: {  	[timem:s3], [sflag:s2] =	dma.local @!p0 [hbm:s0], s1  }
0x445: {  	s0 =	simm.s32 @!p0 $0x4  }
0x446: {  	_ =	swait.ge @!p0 [sflag:s0], s1  }
0x447: {  	s1 =	ssub.s32 @!p0 $0x0, s1;
	[sflag:s0] =	ssyncset.done @!p0 $0x0  }
0x448: {  	[sflag:s0] =	ssyncadd.s32 @!p0 s1  }
0x449: {  	[bflag:$0x3] =	sbarrier.arrive $0xFFFF  }
0x44a: {  	_ =	shalt  }

</sc_bundles>
